<compile_context>
chip_gen: v7x
topology: tpu7x:2x2x1
jax: 0.10.2.dev20260603
libtpu: 0.0.44.dev20260713+nightly
codegen_flags: <defaults>
</compile_context>

<pallas_src>
import jax
import jax.numpy as jnp
from jax import lax
from jax.experimental import pallas as pl
from jax.experimental.pallas import tpu as pltpu, tpu_sc as plsc

L_NUM = 2048
N = L_NUM * L_NUM
ALPHA = 0.8
GAMMA = 0.8

NC, NS, LANES = 2, 16, 16
NW = NC * NS
NRG = L_NUM // 8
RGW = NRG // NW
AG = 8 * L_NUM
JB = AG // 128
QAG = AG // 4
NU = 4 * RGW


def _sc_body(a_hbm, b_hbm, p_hbm, q_hbm, out_hbm,
             a_v, b_v, p_v, q0_v, q1_v, in_sem, out_sem):
    wid = lax.axis_index("s") * NC + lax.axis_index("c")
    rg0 = wid * RGW
    q6 = q_hbm.reshape(2, NRG, 8, 4, 8, 128)
    o6 = out_hbm.reshape(2, NRG, 8, 4, 8, 128)

    def in_descs(up, bi):
        rg = rg0 + (up >> 2)
        qh = up & 3
        bo = bi * QAG
        ko = rg * AG + qh * QAG
        return [
            pltpu.make_async_copy(a_hbm.at[pl.ds(ko, QAG)],
                                  a_v.at[pl.ds(bo, QAG)], in_sem),
            pltpu.make_async_copy(b_hbm.at[pl.ds(ko, QAG)],
                                  b_v.at[pl.ds(bo, QAG)], in_sem),
            pltpu.make_async_copy(p_hbm.at[pl.ds(ko, QAG)],
                                  p_v.at[pl.ds(bo, QAG)], in_sem),
            pltpu.make_async_copy(q6.at[0, rg, :, qh, :, :],
                                  q0_v.at[bi], in_sem),
            pltpu.make_async_copy(q6.at[1, rg, :, qh, :, :],
                                  q1_v.at[bi], in_sem),
        ]

    def out_descs(up, bi):
        rg = rg0 + (up >> 2)
        qh = up & 3
        return [
            pltpu.make_async_copy(q0_v.at[bi],
                                  o6.at[0, rg, :, qh, :, :], out_sem),
            pltpu.make_async_copy(q1_v.at[bi],
                                  o6.at[1, rg, :, qh, :, :], out_sem),
        ]

    def compute_part(bi, part):
        bo = bi * QAG

        @plsc.parallel_loop(0, 16)
        def blk(u):
            uu = u + part * 16
            rr = uu >> 2
            jml = uu & 3
            kb = bo + jml * 1024 + rr * 128
            t0 = jml * 2
            for lv in range(8):
                lo = lv * LANES
                a = a_v[pl.ds(kb + lo, LANES)]
                b = b_v[pl.ds(kb + lo, LANES)]
                p = p_v[pl.ds(kb + lo, LANES)]
                q00 = q0_v[bi, rr, t0, pl.ds(lo, LANES)]
                q01 = q0_v[bi, rr, t0 + 1, pl.ds(lo, LANES)]
                q10 = q1_v[bi, rr, t0, pl.ds(lo, LANES)]
                q11 = q1_v[bi, rr, t0 + 1, pl.ds(lo, LANES)]
                ae = a == 0
                be = b == 0
                qb0 = jnp.where(be, q00, q10)
                qb1 = jnp.where(be, q01, q11)
                mx = jnp.maximum(qb0, qb1)
                old = jnp.where(ae,
                                jnp.where(be, q00, q01),
                                jnp.where(be, q10, q11))
                new = old + ALPHA * (p + GAMMA * mx - old)
                q0_v[bi, rr, t0, pl.ds(lo, LANES)] = (
                    jnp.where(ae & be, new, q00))
                q0_v[bi, rr, t0 + 1, pl.ds(lo, LANES)] = (
                    jnp.where(ae & (~be), new, q01))
                q1_v[bi, rr, t0, pl.ds(lo, LANES)] = (
                    jnp.where((~ae) & be, new, q10))
                q1_v[bi, rr, t0 + 1, pl.ds(lo, LANES)] = (
                    jnp.where((~ae) & (~be), new, q11))

    for d in in_descs(0, 0):
        d.start()
    for d in in_descs(1, 1):
        d.start()

    def unit(u, carry):
        bi = lax.rem(u, 3)
        for d in in_descs(u, bi):
            d.wait()
        compute_part(bi, 0)

        @pl.when(u + 2 < NU)
        def _():
            bi2 = lax.rem(u + 2, 3)

            @pl.when(u >= 1)
            def _():
                for d in out_descs(u - 1, bi2):
                    d.wait()

            for d in in_descs(u + 2, bi2):
                d.start()

        compute_part(bi, 1)
        for d in out_descs(u, bi):
            d.start()
        return carry

    lax.fori_loop(0, NU, unit, 0)
    for uu in range(NU - 3, NU):
        for d in out_descs(uu, uu % 3):
            d.wait()


def _to_tiled_flat(m):
    return m.reshape(NRG, 8, 16, 128).transpose(0, 2, 1, 3).reshape(N)


def kernel(type_t_matrix, type_t1_matrix, Q_tensor, profit_matrix):
    a = _to_tiled_flat(type_t_matrix)
    b = _to_tiled_flat(type_t1_matrix)
    p = _to_tiled_flat(profit_matrix)
    qp = Q_tensor.reshape(NRG * JB, 128, 2, 2).transpose(2, 0, 3, 1)
    qp = qp.reshape(4 * N // 128, 128)
    mesh = plsc.VectorSubcoreMesh(
        core_axis_name="c", subcore_axis_name="s",
        num_cores=NC, num_subcores=NS,
    )
    out = pl.kernel(
        _sc_body,
        out_type=jax.ShapeDtypeStruct((4 * N // 128, 128), jnp.float32),
        mesh=mesh,
        compiler_params=pltpu.CompilerParams(needs_layout_passes=False),
        scratch_types=[
            pltpu.VMEM((3 * QAG,), jnp.int32),
            pltpu.VMEM((3 * QAG,), jnp.int32),
            pltpu.VMEM((3 * QAG,), jnp.float32),
            pltpu.VMEM((3, 8, 8, 128), jnp.float32),
            pltpu.VMEM((3, 8, 8, 128), jnp.float32),
            pltpu.SemaphoreType.DMA,
            pltpu.SemaphoreType.DMA,
        ],
    )(a, b, p, qp)
    out = out.reshape(2, NRG * JB, 2, 128)
    return out.transpose(1, 3, 0, 2).reshape(N, 2, 2)

# --- scband reference (transcript-rebuilt; emitter-appended) ---
"""Pipeline reference for scband-spgg-qlearning-85323820302931 (READ-ONLY COPY).

The authoritative reference and input builder live on the scoring server;
editing this copy changes nothing except your own understanding.
"""

import jax, jax.numpy as jnp
import numpy as np

L_NUM = 2048
ALPHA = 0.8
GAMMA = 0.8


def setup_inputs(seed: int = 0) -> dict:
    key = jax.random.key(seed)
    k1, k2, k3, k4 = jax.random.split(key, 4)
    type_t_matrix = jax.random.randint(k1, (L_NUM, L_NUM), 0, 2, dtype=jnp.int32)
    type_t1_matrix = jax.random.randint(k2, (L_NUM, L_NUM), 0, 2, dtype=jnp.int32)
    Q_tensor = jax.random.normal(k3, (L_NUM * L_NUM, 2, 2), dtype=jnp.float32)
    profit_matrix = jax.random.normal(k4, (L_NUM, L_NUM), dtype=jnp.float32)
    return {
        "type_t_matrix": type_t_matrix,
        "type_t1_matrix": type_t1_matrix,
        "Q_tensor": Q_tensor,
        "profit_matrix": profit_matrix,
    }


def reference(type_t_matrix, type_t1_matrix, Q_tensor, profit_matrix):
    # Faithful port of SPGG_Qlearning.updateQMatrix:
    #   C_indices = arange(N); A = type_t.flatten(); B = type_t1.flatten()
    #   max_values = max over actions of Q[C, B, :]
    #   Q[C, A, B] += alpha * (profit + gamma * max_values - Q[C, A, B])
    N = Q_tensor.shape[0]
    C_indices = jnp.arange(N)
    A_indices = type_t_matrix.reshape(-1).astype(jnp.int32)
    B_indices = type_t1_matrix.reshape(-1).astype(jnp.int32)
    # torch.max(Q_tensor[C, B], dim=1) -> gather rows [N, 2], max over last axis
    gathered_rows = Q_tensor[C_indices, B_indices]            # [N, 2]
    max_values = jnp.max(gathered_rows, axis=1)               # [N]
    old_q = Q_tensor[C_indices, A_indices, B_indices]         # [N]
    update_values = old_q + ALPHA * (
        profit_matrix.reshape(-1) + GAMMA * max_values - old_q
    )
    Q_new = Q_tensor.at[C_indices, A_indices, B_indices].set(update_values)
    return Q_new

if __name__ == "__main__":
    import jax
    _d = setup_inputs()
    print(jax.jit(kernel)(*tuple(_d.values())))

</pallas_src>

<mosaic_0001>
#map = affine_map<(d0, d1) -> (0)>
#map1 = affine_map<(d0, d1) -> (0, 0)>
module attributes {stable_mosaic.version = 14 : i64} {
  func.func @_sc_body(%arg0: i32, %arg1: i32, %arg2: memref<4194304xi32, #tpu.memory_space<hbm>>, %arg3: memref<4194304xi32, #tpu.memory_space<hbm>>, %arg4: memref<4194304xf32, #tpu.memory_space<hbm>>, %arg5: memref<131072x128xf32, #tpu.memory_space<hbm>>, %arg6: memref<131072x128xf32, #tpu.memory_space<hbm>>, %arg7: memref<12288xi32, #tpu.memory_space<vmem>>, %arg8: memref<12288xi32, #tpu.memory_space<vmem>>, %arg9: memref<12288xf32, #tpu.memory_space<vmem>>, %arg10: memref<3x8x8x128xf32, #tpu.memory_space<vmem>>, %arg11: memref<3x8x8x128xf32, #tpu.memory_space<vmem>>, %arg12: memref<!tpu.dma_semaphore, #tpu.memory_space<semaphore_mem>>, %arg13: memref<!tpu.dma_semaphore, #tpu.memory_space<semaphore_mem>>) attributes {dimension_semantics = [#tpu.dimension_semantics<core_parallel>, #tpu.dimension_semantics<subcore_parallel>], iteration_bounds = array<i64: 2, 16>, scalar_prefetch = 0 : i64, scratch_operands = 7 : i64, tpu.core_type = #tpu.core_type<sc_vector_subcore>, window_params = [{transform_indices = #map}, {transform_indices = #map}, {transform_indices = #map}, {transform_indices = #map1}, {transform_indices = #map1}]} {
    %mul3A = arith.constant 2 : i32
    %mul3A_0 = arith.muli %arg1, %mul3A : i32
    %add3A = arith.addi %mul3A_0, %arg0 : i32
    %mul3A_1 = arith.constant 8 : i32
    %mul3A_2 = arith.muli %add3A, %mul3A_1 : i32
    %add3A_3 = arith.constant 0 : i32
    %add3A_4 = arith.addi %mul3A_2, %add3A_3 : i32
    %mul3A_5 = arith.constant 16384 : i32
    %mul3A_6 = arith.muli %add3A_4, %mul3A_5 : i32
    %add3A_7 = arith.constant 0 : i32
    %add3A_8 = arith.addi %mul3A_6, %add3A_7 : i32
    %dma_start3A = arith.constant 0 : i32
    %dma_start3A_9 = tpu.memref_slice %arg7[%dma_start3A] : memref<12288xi32, #tpu.memory_space<vmem>> -> memref<4096xi32, #tpu.memory_space<vmem>>
    %dma_start3A_10 = tpu.memref_slice %arg2[%add3A_8] : memref<4194304xi32, #tpu.memory_space<hbm>> -> memref<4096xi32, #tpu.memory_space<hbm>>
    %dma_start3A_11 = arith.constant 0 : i32
    %dma_start3A_12 = tpu.memref_slice %arg7[%dma_start3A_11] : memref<12288xi32, #tpu.memory_space<vmem>> -> memref<4096xi32, #tpu.memory_space<vmem>>
    %dma_start3A_13 = tpu.memref_slice %arg2[%add3A_8] : memref<4194304xi32, #tpu.memory_space<hbm>> -> memref<4096xi32, #tpu.memory_space<hbm>>
    tpu.enqueue_dma source(%dma_start3A_13 : memref<4096xi32, #tpu.memory_space<hbm>>) target(%dma_start3A_12 : memref<4096xi32, #tpu.memory_space<vmem>>) target_semaphore(%arg12 : memref<!tpu.dma_semaphore, #tpu.memory_space<semaphore_mem>>)
    %dma_start3A_14 = arith.constant 0 : i32
    %dma_start3A_15 = tpu.memref_slice %arg8[%dma_start3A_14] : memref<12288xi32, #tpu.memory_space<vmem>> -> memref<4096xi32, #tpu.memory_space<vmem>>
    %dma_start3A_16 = tpu.memref_slice %arg3[%add3A_8] : memref<4194304xi32, #tpu.memory_space<hbm>> -> memref<4096xi32, #tpu.memory_space<hbm>>
    %dma_start3A_17 = arith.constant 0 : i32
    %dma_start3A_18 = tpu.memref_slice %arg8[%dma_start3A_17] : memref<12288xi32, #tpu.memory_space<vmem>> -> memref<4096xi32, #tpu.memory_space<vmem>>
    %dma_start3A_19 = tpu.memref_slice %arg3[%add3A_8] : memref<4194304xi32, #tpu.memory_space<hbm>> -> memref<4096xi32, #tpu.memory_space<hbm>>
    tpu.enqueue_dma source(%dma_start3A_19 : memref<4096xi32, #tpu.memory_space<hbm>>) target(%dma_start3A_18 : memref<4096xi32, #tpu.memory_space<vmem>>) target_semaphore(%arg12 : memref<!tpu.dma_semaphore, #tpu.memory_space<semaphore_mem>>)
    %dma_start3A_20 = arith.constant 0 : i32
    %dma_start3A_21 = tpu.memref_slice %arg9[%dma_start3A_20] : memref<12288xf32, #tpu.memory_space<vmem>> -> memref<4096xf32, #tpu.memory_space<vmem>>
    %dma_start3A_22 = tpu.memref_slice %arg4[%add3A_8] : memref<4194304xf32, #tpu.memory_space<hbm>> -> memref<4096xf32, #tpu.memory_space<hbm>>
    %dma_start3A_23 = arith.constant 0 : i32
    %dma_start3A_24 = tpu.memref_slice %arg9[%dma_start3A_23] : memref<12288xf32, #tpu.memory_space<vmem>> -> memref<4096xf32, #tpu.memory_space<vmem>>
    %dma_start3A_25 = tpu.memref_slice %arg4[%add3A_8] : memref<4194304xf32, #tpu.memory_space<hbm>> -> memref<4096xf32, #tpu.memory_space<hbm>>
    tpu.enqueue_dma source(%dma_start3A_25 : memref<4096xf32, #tpu.memory_space<hbm>>) target(%dma_start3A_24 : memref<4096xf32, #tpu.memory_space<vmem>>) target_semaphore(%arg12 : memref<!tpu.dma_semaphore, #tpu.memory_space<semaphore_mem>>)
    %dma_start3A_26 = arith.constant 0 : i32
    %dma_start3A_27 = arith.constant 0 : i32
    %dma_start3A_28 = arith.constant 0 : i32
    %dma_start3A_29 = arith.constant 0 : i32
    %dma_start3A_30 = arith.constant 0 : i32
    %dma_start3A_31 = arith.constant 0 : i32
    %dma_start3A_32 = tpu.memref_slice %arg10[%dma_start3A_28, %dma_start3A_29, %dma_start3A_30, %dma_start3A_31] : memref<3x8x8x128xf32, #tpu.memory_space<vmem>> -> memref<1x8x8x128xf32, #tpu.memory_space<vmem>>
    %dma_start3A_33 = tpu.memref_squeeze %dma_start3A_32 : memref<1x8x8x128xf32, #tpu.memory_space<vmem>> -> memref<8x8x128xf32, #tpu.memory_space<vmem>>
    %dma_start3A_34 = tpu.memref_reshape %arg5 : memref<131072x128xf32, #tpu.memory_space<hbm>> -> memref<2x256x8x4x8x128xf32, #tpu.memory_space<hbm>>
    %dma_start3A_35 = arith.constant 0 : i32
    %dma_start3A_36 = arith.constant 0 : i32
    %dma_start3A_37 = arith.constant 0 : i32
    %dma_start3A_38 = tpu.memref_slice %dma_start3A_34[%dma_start3A_26, %add3A_4, %dma_start3A_35, %dma_start3A_27, %dma_start3A_36, %dma_start3A_37] : memref<2x256x8x4x8x128xf32, #tpu.memory_space<hbm>> -> memref<1x1x8x1x8x128xf32, #tpu.memory_space<hbm>>
    %dma_start3A_39 = tpu.memref_squeeze %dma_start3A_38 : memref<1x1x8x1x8x128xf32, #tpu.memory_space<hbm>> -> memref<8x8x128xf32, #tpu.memory_space<hbm>>
    %dma_start3A_40 = arith.constant 0 : i32
    %dma_start3A_41 = arith.constant 0 : i32
    %dma_start3A_42 = arith.constant 0 : i32
    %dma_start3A_43 = tpu.memref_slice %arg10[%dma_start3A_28, %dma_start3A_40, %dma_start3A_41, %dma_start3A_42] : memref<3x8x8x128xf32, #tpu.memory_space<vmem>> -> memref<1x8x8x128xf32, #tpu.memory_space<vmem>>
    %dma_start3A_44 = tpu.memref_squeeze %dma_start3A_43 : memref<1x8x8x128xf32, #tpu.memory_space<vmem>> -> memref<8x8x128xf32, #tpu.memory_space<vmem>>
    %dma_start3A_45 = tpu.memref_reshape %arg5 : memref<131072x128xf32, #tpu.memory_space<hbm>> -> memref<2x256x8x4x8x128xf32, #tpu.memory_space<hbm>>
    %dma_start3A_46 = arith.constant 0 : i32
    %dma_start3A_47 = arith.constant 0 : i32
    %dma_start3A_48 = arith.constant 0 : i32
    %dma_start3A_49 = tpu.memref_slice %dma_start3A_45[%dma_start3A_26, %add3A_4, %dma_start3A_46, %dma_start3A_27, %dma_start3A_47, %dma_start3A_48] : memref<2x256x8x4x8x128xf32, #tpu.memory_space<hbm>> -> memref<1x1x8x1x8x128xf32, #tpu.memory_space<hbm>>
    %dma_start3A_50 = tpu.memref_squeeze %dma_start3A_49 : memref<1x1x8x1x8x128xf32, #tpu.memory_space<hbm>> -> memref<8x8x128xf32, #tpu.memory_space<hbm>>
    tpu.enqueue_dma source(%dma_start3A_50 : memref<8x8x128xf32, #tpu.memory_space<hbm>>) target(%dma_start3A_44 : memref<8x8x128xf32, #tpu.memory_space<vmem>>) target_semaphore(%arg12 : memref<!tpu.dma_semaphore, #tpu.memory_space<semaphore_mem>>)
    %dma_start3A_51 = arith.constant 1 : i32
    %dma_start3A_52 = arith.constant 0 : i32
    %dma_start3A_53 = arith.constant 0 : i32
    %dma_start3A_54 = arith.constant 0 : i32
    %dma_start3A_55 = arith.constant 0 : i32
    %dma_start3A_56 = arith.constant 0 : i32
    %dma_start3A_57 = tpu.memref_slice %arg11[%dma_start3A_53, %dma_start3A_54, %dma_start3A_55, %dma_start3A_56] : memref<3x8x8x128xf32, #tpu.memory_space<vmem>> -> memref<1x8x8x128xf32, #tpu.memory_space<vmem>>
    %dma_start3A_58 = tpu.memref_squeeze %dma_start3A_57 : memref<1x8x8x128xf32, #tpu.memory_space<vmem>> -> memref<8x8x128xf32, #tpu.memory_space<vmem>>
    %dma_start3A_59 = tpu.memref_reshape %arg5 : memref<131072x128xf32, #tpu.memory_space<hbm>> -> memref<2x256x8x4x8x128xf32, #tpu.memory_space<hbm>>
    %dma_start3A_60 = arith.constant 0 : i32
    %dma_start3A_61 = arith.constant 0 : i32
    %dma_start3A_62 = arith.constant 0 : i32
    %dma_start3A_63 = tpu.memref_slice %dma_start3A_59[%dma_start3A_51, %add3A_4, %dma_start3A_60, %dma_start3A_52, %dma_start3A_61, %dma_start3A_62] : memref<2x256x8x4x8x128xf32, #tpu.memory_space<hbm>> -> memref<1x1x8x1x8x128xf32, #tpu.memory_space<hbm>>
    %dma_start3A_64 = tpu.memref_squeeze %dma_start3A_63 : memref<1x1x8x1x8x128xf32, #tpu.memory_space<hbm>> -> memref<8x8x128xf32, #tpu.memory_space<hbm>>
    %dma_start3A_65 = arith.constant 0 : i32
    %dma_start3A_66 = arith.constant 0 : i32
    %dma_start3A_67 = arith.constant 0 : i32
    %dma_start3A_68 = tpu.memref_slice %arg11[%dma_start3A_53, %dma_start3A_65, %dma_start3A_66, %dma_start3A_67] : memref<3x8x8x128xf32, #tpu.memory_space<vmem>> -> memref<1x8x8x128xf32, #tpu.memory_space<vmem>>
    %dma_start3A_69 = tpu.memref_squeeze %dma_start3A_68 : memref<1x8x8x128xf32, #tpu.memory_space<vmem>> -> memref<8x8x128xf32, #tpu.memory_space<vmem>>
    %dma_start3A_70 = tpu.memref_reshape %arg5 : memref<131072x128xf32, #tpu.memory_space<hbm>> -> memref<2x256x8x4x8x128xf32, #tpu.memory_space<hbm>>
    %dma_start3A_71 = arith.constant 0 : i32
    %dma_start3A_72 = arith.constant 0 : i32
    %dma_start3A_73 = arith.constant 0 : i32
    %dma_start3A_74 = tpu.memref_slice %dma_start3A_70[%dma_start3A_51, %add3A_4, %dma_start3A_71, %dma_start3A_52, %dma_start3A_72, %dma_start3A_73] : memref<2x256x8x4x8x128xf32, #tpu.memory_space<hbm>> -> memref<1x1x8x1x8x128xf32, #tpu.memory_space<hbm>>
    %dma_start3A_75 = tpu.memref_squeeze %dma_start3A_74 : memref<1x1x8x1x8x128xf32, #tpu.memory_space<hbm>> -> memref<8x8x128xf32, #tpu.memory_space<hbm>>
    tpu.enqueue_dma source(%dma_start3A_75 : memref<8x8x128xf32, #tpu.memory_space<hbm>>) target(%dma_start3A_69 : memref<8x8x128xf32, #tpu.memory_space<vmem>>) target_semaphore(%arg12 : memref<!tpu.dma_semaphore, #tpu.memory_space<semaphore_mem>>)
    %add3A_76 = arith.constant 0 : i32
    %add3A_77 = arith.addi %mul3A_2, %add3A_76 : i32
    %mul3A_78 = arith.constant 16384 : i32
    %mul3A_79 = arith.muli %add3A_77, %mul3A_78 : i32
    %add3A_80 = arith.constant 4096 : i32
    %add3A_81 = arith.addi %mul3A_79, %add3A_80 : i32
    %dma_start3A_82 = arith.constant 4096 : i32
    %dma_start3A_83 = tpu.memref_slice %arg7[%dma_start3A_82] : memref<12288xi32, #tpu.memory_space<vmem>> -> memref<4096xi32, #tpu.memory_space<vmem>>
    %dma_start3A_84 = tpu.memref_slice %arg2[%add3A_81] : memref<4194304xi32, #tpu.memory_space<hbm>> -> memref<4096xi32, #tpu.memory_space<hbm>>
    %dma_start3A_85 = arith.constant 4096 : i32
    %dma_start3A_86 = tpu.memref_slice %arg7[%dma_start3A_85] : memref<12288xi32, #tpu.memory_space<vmem>> -> memref<4096xi32, #tpu.memory_space<vmem>>
    %dma_start3A_87 = tpu.memref_slice %arg2[%add3A_81] : memref<4194304xi32, #tpu.memory_space<hbm>> -> memref<4096xi32, #tpu.memory_space<hbm>>
    tpu.enqueue_dma source(%dma_start3A_87 : memref<4096xi32, #tpu.memory_space<hbm>>) target(%dma_start3A_86 : memref<4096xi32, #tpu.memory_space<vmem>>) target_semaphore(%arg12 : memref<!tpu.dma_semaphore, #tpu.memory_space<semaphore_mem>>)
    %dma_start3A_88 = arith.constant 4096 : i32
    %dma_start3A_89 = tpu.memref_slice %arg8[%dma_start3A_88] : memref<12288xi32, #tpu.memory_space<vmem>> -> memref<4096xi32, #tpu.memory_space<vmem>>
    %dma_start3A_90 = tpu.memref_slice %arg3[%add3A_81] : memref<4194304xi32, #tpu.memory_space<hbm>> -> memref<4096xi32, #tpu.memory_space<hbm>>
    %dma_start3A_91 = arith.constant 4096 : i32
    %dma_start3A_92 = tpu.memref_slice %arg8[%dma_start3A_91] : memref<12288xi32, #tpu.memory_space<vmem>> -> memref<4096xi32, #tpu.memory_space<vmem>>
    %dma_start3A_93 = tpu.memref_slice %arg3[%add3A_81] : memref<4194304xi32, #tpu.memory_space<hbm>> -> memref<4096xi32, #tpu.memory_space<hbm>>
    tpu.enqueue_dma source(%dma_start3A_93 : memref<4096xi32, #tpu.memory_space<hbm>>) target(%dma_start3A_92 : memref<4096xi32, #tpu.memory_space<vmem>>) target_semaphore(%arg12 : memref<!tpu.dma_semaphore, #tpu.memory_space<semaphore_mem>>)
    %dma_start3A_94 = arith.constant 4096 : i32
    %dma_start3A_95 = tpu.memref_slice %arg9[%dma_start3A_94] : memref<12288xf32, #tpu.memory_space<vmem>> -> memref<4096xf32, #tpu.memory_space<vmem>>
    %dma_start3A_96 = tpu.memref_slice %arg4[%add3A_81] : memref<4194304xf32, #tpu.memory_space<hbm>> -> memref<4096xf32, #tpu.memory_space<hbm>>
    %dma_start3A_97 = arith.constant 4096 : i32
    %dma_start3A_98 = tpu.memref_slice %arg9[%dma_start3A_97] : memref<12288xf32, #tpu.memory_space<vmem>> -> memref<4096xf32, #tpu.memory_space<vmem>>
    %dma_start3A_99 = tpu.memref_slice %arg4[%add3A_81] : memref<4194304xf32, #tpu.memory_space<hbm>> -> memref<4096xf32, #tpu.memory_space<hbm>>
    tpu.enqueue_dma source(%dma_start3A_99 : memref<4096xf32, #tpu.memory_space<hbm>>) target(%dma_start3A_98 : memref<4096xf32, #tpu.memory_space<vmem>>) target_semaphore(%arg12 : memref<!tpu.dma_semaphore, #tpu.memory_space<semaphore_mem>>)
    %dma_start3A_100 = arith.constant 0 : i32
    %dma_start3A_101 = arith.constant 1 : i32
    %dma_start3A_102 = arith.constant 1 : i32
    %dma_start3A_103 = arith.constant 0 : i32
    %dma_start3A_104 = arith.constant 0 : i32
    %dma_start3A_105 = arith.constant 0 : i32
    %dma_start3A_106 = tpu.memref_slice %arg10[%dma_start3A_102, %dma_start3A_103, %dma_start3A_104, %dma_start3A_105] : memref<3x8x8x128xf32, #tpu.memory_space<vmem>> -> memref<1x8x8x128xf32, #tpu.memory_space<vmem>>
    %dma_start3A_107 = tpu.memref_squeeze %dma_start3A_106 : memref<1x8x8x128xf32, #tpu.memory_space<vmem>> -> memref<8x8x128xf32, #tpu.memory_space<vmem>>
    %dma_start3A_108 = tpu.memref_reshape %arg5 : memref<131072x128xf32, #tpu.memory_space<hbm>> -> memref<2x256x8x4x8x128xf32, #tpu.memory_space<hbm>>
    %dma_start3A_109 = arith.constant 0 : i32
    %dma_start3A_110 = arith.constant 0 : i32
    %dma_start3A_111 = arith.constant 0 : i32
    %dma_start3A_112 = tpu.memref_slice %dma_start3A_108[%dma_start3A_100, %add3A_77, %dma_start3A_109, %dma_start3A_101, %dma_start3A_110, %dma_start3A_111] : memref<2x256x8x4x8x128xf32, #tpu.memory_space<hbm>> -> memref<1x1x8x1x8x128xf32, #tpu.memory_space<hbm>>
    %dma_start3A_113 = tpu.memref_squeeze %dma_start3A_112 : memref<1x1x8x1x8x128xf32, #tpu.memory_space<hbm>> -> memref<8x8x128xf32, #tpu.memory_space<hbm>>
    %dma_start3A_114 = arith.constant 0 : i32
    %dma_start3A_115 = arith.constant 0 : i32
    %dma_start3A_116 = arith.constant 0 : i32
    %dma_start3A_117 = tpu.memref_slice %arg10[%dma_start3A_102, %dma_start3A_114, %dma_start3A_115, %dma_start3A_116] : memref<3x8x8x128xf32, #tpu.memory_space<vmem>> -> memref<1x8x8x128xf32, #tpu.memory_space<vmem>>
    %dma_start3A_118 = tpu.memref_squeeze %dma_start3A_117 : memref<1x8x8x128xf32, #tpu.memory_space<vmem>> -> memref<8x8x128xf32, #tpu.memory_space<vmem>>
    %dma_start3A_119 = tpu.memref_reshape %arg5 : memref<131072x128xf32, #tpu.memory_space<hbm>> -> memref<2x256x8x4x8x128xf32, #tpu.memory_space<hbm>>
    %dma_start3A_120 = arith.constant 0 : i32
    %dma_start3A_121 = arith.constant 0 : i32
    %dma_start3A_122 = arith.constant 0 : i32
    %dma_start3A_123 = tpu.memref_slice %dma_start3A_119[%dma_start3A_100, %add3A_77, %dma_start3A_120, %dma_start3A_101, %dma_start3A_121, %dma_start3A_122] : memref<2x256x8x4x8x128xf32, #tpu.memory_space<hbm>> -> memref<1x1x8x1x8x128xf32, #tpu.memory_space<hbm>>
    %dma_start3A_124 = tpu.memref_squeeze %dma_start3A_123 : memref<1x1x8x1x8x128xf32, #tpu.memory_space<hbm>> -> memref<8x8x128xf32, #tpu.memory_space<hbm>>
    tpu.enqueue_dma source(%dma_start3A_124 : memref<8x8x128xf32, #tpu.memory_space<hbm>>) target(%dma_start3A_118 : memref<8x8x128xf32, #tpu.memory_space<vmem>>) target_semaphore(%arg12 : memref<!tpu.dma_semaphore, #tpu.memory_space<semaphore_mem>>)
    %dma_start3A_125 = arith.constant 1 : i32
    %dma_start3A_126 = arith.constant 1 : i32
    %dma_start3A_127 = arith.constant 1 : i32
    %dma_start3A_128 = arith.constant 0 : i32
    %dma_start3A_129 = arith.constant 0 : i32
    %dma_start3A_130 = arith.constant 0 : i32
    %dma_start3A_131 = tpu.memref_slice %arg11[%dma_start3A_127, %dma_start3A_128, %dma_start3A_129, %dma_start3A_130] : memref<3x8x8x128xf32, #tpu.memory_space<vmem>> -> memref<1x8x8x128xf32, #tpu.memory_space<vmem>>
    %dma_start3A_132 = tpu.memref_squeeze %dma_start3A_131 : memref<1x8x8x128xf32, #tpu.memory_space<vmem>> -> memref<8x8x128xf32, #tpu.memory_space<vmem>>
    %dma_start3A_133 = tpu.memref_reshape %arg5 : memref<131072x128xf32, #tpu.memory_space<hbm>> -> memref<2x256x8x4x8x128xf32, #tpu.memory_space<hbm>>
    %dma_start3A_134 = arith.constant 0 : i32
    %dma_start3A_135 = arith.constant 0 : i32
    %dma_start3A_136 = arith.constant 0 : i32
    %dma_start3A_137 = tpu.memref_slice %dma_start3A_133[%dma_start3A_125, %add3A_77, %dma_start3A_134, %dma_start3A_126, %dma_start3A_135, %dma_start3A_136] : memref<2x256x8x4x8x128xf32, #tpu.memory_space<hbm>> -> memref<1x1x8x1x8x128xf32, #tpu.memory_space<hbm>>
    %dma_start3A_138 = tpu.memref_squeeze %dma_start3A_137 : memref<1x1x8x1x8x128xf32, #tpu.memory_space<hbm>> -> memref<8x8x128xf32, #tpu.memory_space<hbm>>
    %dma_start3A_139 = arith.constant 0 : i32
    %dma_start3A_140 = arith.constant 0 : i32
    %dma_start3A_141 = arith.constant 0 : i32
    %dma_start3A_142 = tpu.memref_slice %arg11[%dma_start3A_127, %dma_start3A_139, %dma_start3A_140, %dma_start3A_141] : memref<3x8x8x128xf32, #tpu.memory_space<vmem>> -> memref<1x8x8x128xf32, #tpu.memory_space<vmem>>
    %dma_start3A_143 = tpu.memref_squeeze %dma_start3A_142 : memref<1x8x8x128xf32, #tpu.memory_space<vmem>> -> memref<8x8x128xf32, #tpu.memory_space<vmem>>
    %dma_start3A_144 = tpu.memref_reshape %arg5 : memref<131072x128xf32, #tpu.memory_space<hbm>> -> memref<2x256x8x4x8x128xf32, #tpu.memory_space<hbm>>
    %dma_start3A_145 = arith.constant 0 : i32
    %dma_start3A_146 = arith.constant 0 : i32
    %dma_start3A_147 = arith.constant 0 : i32
    %dma_start3A_148 = tpu.memref_slice %dma_start3A_144[%dma_start3A_125, %add3A_77, %dma_start3A_145, %dma_start3A_126, %dma_start3A_146, %dma_start3A_147] : memref<2x256x8x4x8x128xf32, #tpu.memory_space<hbm>> -> memref<1x1x8x1x8x128xf32, #tpu.memory_space<hbm>>
    %dma_start3A_149 = tpu.memref_squeeze %dma_start3A_148 : memref<1x1x8x1x8x128xf32, #tpu.memory_space<hbm>> -> memref<8x8x128xf32, #tpu.memory_space<hbm>>
    tpu.enqueue_dma source(%dma_start3A_149 : memref<8x8x128xf32, #tpu.memory_space<hbm>>) target(%dma_start3A_143 : memref<8x8x128xf32, #tpu.memory_space<vmem>>) target_semaphore(%arg12 : memref<!tpu.dma_semaphore, #tpu.memory_space<semaphore_mem>>)
    %scan3A = arith.constant 0 : i32
    %scan3A_150 = arith.constant 0 : i32
    %scan3A_151 = arith.constant 32 : i32
    %scan3A_152 = arith.addi %scan3A_150, %scan3A_151 : i32
    %scan3A_153 = arith.constant 1 : i32
    scf.for %scan3A_310 = %scan3A_150 to %scan3A_152 step %scan3A_153  : i32 {
      %rem3A = arith.constant 3 : i32
      %rem3A_311 = arith.remsi %scan3A_310, %rem3A : i32
      %shift_right_arithmetic3A = arith.constant 2 : i32
      %shift_right_arithmetic3A_312 = arith.shrsi %scan3A_310, %shift_right_arithmetic3A : i32
      %add3A_313 = arith.addi %mul3A_2, %shift_right_arithmetic3A_312 : i32
      %and3A = arith.constant 3 : i32
      %and3A_314 = arith.andi %scan3A_310, %and3A : i32
      %mul3A_315 = arith.constant 4096 : i32
      %mul3A_316 = arith.muli %rem3A_311, %mul3A_315 : i32
      %mul3A_317 = arith.constant 16384 : i32
      %mul3A_318 = arith.muli %add3A_313, %mul3A_317 : i32
      %mul3A_319 = arith.constant 4096 : i32
      %mul3A_320 = arith.muli %and3A_314, %mul3A_319 : i32
      %add3A_321 = arith.addi %mul3A_318, %mul3A_320 : i32
      %dma_wait3A_322 = tpu.memref_slice %arg7[%mul3A_316] : memref<12288xi32, #tpu.memory_space<vmem>> -> memref<4096xi32, #tpu.memory_space<vmem>>
      %dma_wait3A_323 = tpu.memref_slice %arg2[%add3A_321] : memref<4194304xi32, #tpu.memory_space<hbm>> -> memref<4096xi32, #tpu.memory_space<hbm>>
      %dma_wait3A_324 = tpu.memref_slice %arg7[%mul3A_316] : memref<12288xi32, #tpu.memory_space<vmem>> -> memref<4096xi32, #tpu.memory_space<vmem>>
      %dma_wait3A_325 = tpu.memref_slice %arg2[%add3A_321] : memref<4194304xi32, #tpu.memory_space<hbm>> -> memref<4096xi32, #tpu.memory_space<hbm>>
      tpu.wait_dma2 semaphore(%arg12 : memref<!tpu.dma_semaphore, #tpu.memory_space<semaphore_mem>>) src(%dma_wait3A_325 : memref<4096xi32, #tpu.memory_space<hbm>>) dst(%dma_wait3A_324 : memref<4096xi32, #tpu.memory_space<vmem>>)
      %dma_wait3A_326 = tpu.memref_slice %arg8[%mul3A_316] : memref<12288xi32, #tpu.memory_space<vmem>> -> memref<4096xi32, #tpu.memory_space<vmem>>
      %dma_wait3A_327 = tpu.memref_slice %arg3[%add3A_321] : memref<4194304xi32, #tpu.memory_space<hbm>> -> memref<4096xi32, #tpu.memory_space<hbm>>
      %dma_wait3A_328 = tpu.memref_slice %arg8[%mul3A_316] : memref<12288xi32, #tpu.memory_space<vmem>> -> memref<4096xi32, #tpu.memory_space<vmem>>
      %dma_wait3A_329 = tpu.memref_slice %arg3[%add3A_321] : memref<4194304xi32, #tpu.memory_space<hbm>> -> memref<4096xi32, #tpu.memory_space<hbm>>
      tpu.wait_dma2 semaphore(%arg12 : memref<!tpu.dma_semaphore, #tpu.memory_space<semaphore_mem>>) src(%dma_wait3A_329 : memref<4096xi32, #tpu.memory_space<hbm>>) dst(%dma_wait3A_328 : memref<4096xi32, #tpu.memory_space<vmem>>)
      %dma_wait3A_330 = tpu.memref_slice %arg9[%mul3A_316] : memref<12288xf32, #tpu.memory_space<vmem>> -> memref<4096xf32, #tpu.memory_space<vmem>>
      %dma_wait3A_331 = tpu.memref_slice %arg4[%add3A_321] : memref<4194304xf32, #tpu.memory_space<hbm>> -> memref<4096xf32, #tpu.memory_space<hbm>>
      %dma_wait3A_332 = tpu.memref_slice %arg9[%mul3A_316] : memref<12288xf32, #tpu.memory_space<vmem>> -> memref<4096xf32, #tpu.memory_space<vmem>>
      %dma_wait3A_333 = tpu.memref_slice %arg4[%add3A_321] : memref<4194304xf32, #tpu.memory_space<hbm>> -> memref<4096xf32, #tpu.memory_space<hbm>>
      tpu.wait_dma2 semaphore(%arg12 : memref<!tpu.dma_semaphore, #tpu.memory_space<semaphore_mem>>) src(%dma_wait3A_333 : memref<4096xf32, #tpu.memory_space<hbm>>) dst(%dma_wait3A_332 : memref<4096xf32, #tpu.memory_space<vmem>>)
      %dma_wait3A_334 = arith.constant 0 : i32
      %dma_wait3A_335 = arith.constant 0 : i32
      %dma_wait3A_336 = arith.constant 0 : i32
      %dma_wait3A_337 = arith.constant 0 : i32
      %dma_wait3A_338 = tpu.memref_slice %arg10[%rem3A_311, %dma_wait3A_335, %dma_wait3A_336, %dma_wait3A_337] : memref<3x8x8x128xf32, #tpu.memory_space<vmem>> -> memref<1x8x8x128xf32, #tpu.memory_space<vmem>>
      %dma_wait3A_339 = tpu.memref_squeeze %dma_wait3A_338 : memref<1x8x8x128xf32, #tpu.memory_space<vmem>> -> memref<8x8x128xf32, #tpu.memory_space<vmem>>
      %dma_wait3A_340 = tpu.memref_reshape %arg5 : memref<131072x128xf32, #tpu.memory_space<hbm>> -> memref<2x256x8x4x8x128xf32, #tpu.memory_space<hbm>>
      %dma_wait3A_341 = arith.constant 0 : i32
      %dma_wait3A_342 = arith.constant 0 : i32
      %dma_wait3A_343 = arith.constant 0 : i32
      %dma_wait3A_344 = tpu.memref_slice %dma_wait3A_340[%dma_wait3A_334, %add3A_313, %dma_wait3A_341, %and3A_314, %dma_wait3A_342, %dma_wait3A_343] : memref<2x256x8x4x8x128xf32, #tpu.memory_space<hbm>> -> memref<1x1x8x1x8x128xf32, #tpu.memory_space<hbm>>
      %dma_wait3A_345 = tpu.memref_squeeze %dma_wait3A_344 : memref<1x1x8x1x8x128xf32, #tpu.memory_space<hbm>> -> memref<8x8x128xf32, #tpu.memory_space<hbm>>
      %dma_wait3A_346 = arith.constant 0 : i32
      %dma_wait3A_347 = arith.constant 0 : i32
      %dma_wait3A_348 = arith.constant 0 : i32
      %dma_wait3A_349 = tpu.memref_slice %arg10[%rem3A_311, %dma_wait3A_346, %dma_wait3A_347, %dma_wait3A_348] : memref<3x8x8x128xf32, #tpu.memory_space<vmem>> -> memref<1x8x8x128xf32, #tpu.memory_space<vmem>>
      %dma_wait3A_350 = tpu.memref_squeeze %dma_wait3A_349 : memref<1x8x8x128xf32, #tpu.memory_space<vmem>> -> memref<8x8x128xf32, #tpu.memory_space<vmem>>
      %dma_wait3A_351 = tpu.memref_reshape %arg5 : memref<131072x128xf32, #tpu.memory_space<hbm>> -> memref<2x256x8x4x8x128xf32, #tpu.memory_space<hbm>>
      %dma_wait3A_352 = arith.constant 0 : i32
      %dma_wait3A_353 = arith.constant 0 : i32
      %dma_wait3A_354 = arith.constant 0 : i32
      %dma_wait3A_355 = tpu.memref_slice %dma_wait3A_351[%dma_wait3A_334, %add3A_313, %dma_wait3A_352, %and3A_314, %dma_wait3A_353, %dma_wait3A_354] : memref<2x256x8x4x8x128xf32, #tpu.memory_space<hbm>> -> memref<1x1x8x1x8x128xf32, #tpu.memory_space<hbm>>
      %dma_wait3A_356 = tpu.memref_squeeze %dma_wait3A_355 : memref<1x1x8x1x8x128xf32, #tpu.memory_space<hbm>> -> memref<8x8x128xf32, #tpu.memory_space<hbm>>
      tpu.wait_dma2 semaphore(%arg12 : memref<!tpu.dma_semaphore, #tpu.memory_space<semaphore_mem>>) src(%dma_wait3A_356 : memref<8x8x128xf32, #tpu.memory_space<hbm>>) dst(%dma_wait3A_350 : memref<8x8x128xf32, #tpu.memory_space<vmem>>)
      %dma_wait3A_357 = arith.constant 1 : i32
      %dma_wait3A_358 = arith.constant 0 : i32
      %dma_wait3A_359 = arith.constant 0 : i32
      %dma_wait3A_360 = arith.constant 0 : i32
      %dma_wait3A_361 = tpu.memref_slice %arg11[%rem3A_311, %dma_wait3A_358, %dma_wait3A_359, %dma_wait3A_360] : memref<3x8x8x128xf32, #tpu.memory_space<vmem>> -> memref<1x8x8x128xf32, #tpu.memory_space<vmem>>
      %dma_wait3A_362 = tpu.memref_squeeze %dma_wait3A_361 : memref<1x8x8x128xf32, #tpu.memory_space<vmem>> -> memref<8x8x128xf32, #tpu.memory_space<vmem>>
      %dma_wait3A_363 = tpu.memref_reshape %arg5 : memref<131072x128xf32, #tpu.memory_space<hbm>> -> memref<2x256x8x4x8x128xf32, #tpu.memory_space<hbm>>
      %dma_wait3A_364 = arith.constant 0 : i32
      %dma_wait3A_365 = arith.constant 0 : i32
      %dma_wait3A_366 = arith.constant 0 : i32
      %dma_wait3A_367 = tpu.memref_slice %dma_wait3A_363[%dma_wait3A_357, %add3A_313, %dma_wait3A_364, %and3A_314, %dma_wait3A_365, %dma_wait3A_366] : memref<2x256x8x4x8x128xf32, #tpu.memory_space<hbm>> -> memref<1x1x8x1x8x128xf32, #tpu.memory_space<hbm>>
      %dma_wait3A_368 = tpu.memref_squeeze %dma_wait3A_367 : memref<1x1x8x1x8x128xf32, #tpu.memory_space<hbm>> -> memref<8x8x128xf32, #tpu.memory_space<hbm>>
      %dma_wait3A_369 = arith.constant 0 : i32
      %dma_wait3A_370 = arith.constant 0 : i32
      %dma_wait3A_371 = arith.constant 0 : i32
      %dma_wait3A_372 = tpu.memref_slice %arg11[%rem3A_311, %dma_wait3A_369, %dma_wait3A_370, %dma_wait3A_371] : memref<3x8x8x128xf32, #tpu.memory_space<vmem>> -> memref<1x8x8x128xf32, #tpu.memory_space<vmem>>
      %dma_wait3A_373 = tpu.memref_squeeze %dma_wait3A_372 : memref<1x8x8x128xf32, #tpu.memory_space<vmem>> -> memref<8x8x128xf32, #tpu.memory_space<vmem>>
      %dma_wait3A_374 = tpu.memref_reshape %arg5 : memref<131072x128xf32, #tpu.memory_space<hbm>> -> memref<2x256x8x4x8x128xf32, #tpu.memory_space<hbm>>
      %dma_wait3A_375 = arith.constant 0 : i32
      %dma_wait3A_376 = arith.constant 0 : i32
      %dma_wait3A_377 = arith.constant 0 : i32
      %dma_wait3A_378 = tpu.memref_slice %dma_wait3A_374[%dma_wait3A_357, %add3A_313, %dma_wait3A_375, %and3A_314, %dma_wait3A_376, %dma_wait3A_377] : memref<2x256x8x4x8x128xf32, #tpu.memory_space<hbm>> -> memref<1x1x8x1x8x128xf32, #tpu.memory_space<hbm>>
      %dma_wait3A_379 = tpu.memref_squeeze %dma_wait3A_378 : memref<1x1x8x1x8x128xf32, #tpu.memory_space<hbm>> -> memref<8x8x128xf32, #tpu.memory_space<hbm>>
      tpu.wait_dma2 semaphore(%arg12 : memref<!tpu.dma_semaphore, #tpu.memory_space<semaphore_mem>>) src(%dma_wait3A_379 : memref<8x8x128xf32, #tpu.memory_space<hbm>>) dst(%dma_wait3A_373 : memref<8x8x128xf32, #tpu.memory_space<vmem>>)
      %mul3A_380 = arith.constant 4096 : i32
      %mul3A_381 = arith.muli %rem3A_311, %mul3A_380 : i32
      %parallel_loop3A = arith.constant 0 : i32
      %parallel_loop3A_382 = arith.constant 16 : i32
      %parallel_loop3A_383 = arith.constant 1 : i32
      scf.for %parallel_loop3A_444 = %parallel_loop3A to %parallel_loop3A_382 step %parallel_loop3A_383  : i32 {
        %parallel_loop3A_445 = arith.constant 0 : i32
        %parallel_loop3A_446 = arith.addi %parallel_loop3A_444, %parallel_loop3A_445 : i32
        %parallel_loop3A_447 = arith.constant 2 : i32
        %parallel_loop3A_448 = arith.shrsi %parallel_loop3A_446, %parallel_loop3A_447 : i32
        %parallel_loop3A_449 = arith.constant 3 : i32
        %parallel_loop3A_450 = arith.andi %parallel_loop3A_446, %parallel_loop3A_449 : i32
        %parallel_loop3A_451 = arith.constant 1024 : i32
        %parallel_loop3A_452 = arith.muli %parallel_loop3A_450, %parallel_loop3A_451 : i32
        %parallel_loop3A_453 = arith.addi %mul3A_381, %parallel_loop3A_452 : i32
        %parallel_loop3A_454 = arith.constant 128 : i32
        %parallel_loop3A_455 = arith.muli %parallel_loop3A_448, %parallel_loop3A_454 : i32
        %parallel_loop3A_456 = arith.addi %parallel_loop3A_453, %parallel_loop3A_455 : i32
        %parallel_loop3A_457 = arith.constant 2 : i32
        %parallel_loop3A_458 = arith.muli %parallel_loop3A_450, %parallel_loop3A_457 : i32
        %parallel_loop3A_459 = arith.constant 0 : i32
        %parallel_loop3A_460 = arith.addi %parallel_loop3A_456, %parallel_loop3A_459 : i32
        %parallel_loop3A_461 = arith.index_cast %parallel_loop3A_460 : i32 to index
        %parallel_loop3A_462 = tpu.vector_load %arg7[%parallel_loop3A_461] {strides = array<i32>} : memref<12288xi32, #tpu.memory_space<vmem>>, vector<16xi32>,
        %parallel_loop3A_463 = arith.constant 0 : i32
        %parallel_loop3A_464 = arith.addi %parallel_loop3A_456, %parallel_loop3A_463 : i32
        %parallel_loop3A_465 = arith.index_cast %parallel_loop3A_464 : i32 to index
        %parallel_loop3A_466 = tpu.vector_load %arg8[%parallel_loop3A_465] {strides = array<i32>} : memref<12288xi32, #tpu.memory_space<vmem>>, vector<16xi32>,
        %parallel_loop3A_467 = arith.constant 0 : i32
        %parallel_loop3A_468 = arith.addi %parallel_loop3A_456, %parallel_loop3A_467 : i32
        %parallel_loop3A_469 = arith.index_cast %parallel_loop3A_468 : i32 to index
        %parallel_loop3A_470 = tpu.vector_load %arg9[%parallel_loop3A_469] {strides = array<i32>} : memref<12288xf32, #tpu.memory_space<vmem>>, vector<16xf32>,
        %parallel_loop3A_471 = arith.index_cast %rem3A_311 : i32 to index
        %parallel_loop3A_472 = arith.index_cast %parallel_loop3A_448 : i32 to index
        %parallel_loop3A_473 = arith.index_cast %parallel_loop3A_458 : i32 to index
        %parallel_loop3A_474 = arith.constant 0 : index
        %parallel_loop3A_475 = tpu.vector_load %arg10[%parallel_loop3A_471, %parallel_loop3A_472, %parallel_loop3A_473, %parallel_loop3A_474] {strides = array<i32>} : memref<3x8x8x128xf32, #tpu.memory_space<vmem>>, vector<16xf32>,
        %parallel_loop3A_476 = arith.constant 1 : i32
        %parallel_loop3A_477 = arith.addi %parallel_loop3A_458, %parallel_loop3A_476 : i32
        %parallel_loop3A_478 = arith.index_cast %rem3A_311 : i32 to index
        %parallel_loop3A_479 = arith.index_cast %parallel_loop3A_448 : i32 to index
        %parallel_loop3A_480 = arith.index_cast %parallel_loop3A_477 : i32 to index
        %parallel_loop3A_481 = arith.constant 0 : index
        %parallel_loop3A_482 = tpu.vector_load %arg10[%parallel_loop3A_478, %parallel_loop3A_479, %parallel_loop3A_480, %parallel_loop3A_481] {strides = array<i32>} : memref<3x8x8x128xf32, #tpu.memory_space<vmem>>, vector<16xf32>,
        %parallel_loop3A_483 = arith.index_cast %rem3A_311 : i32 to index
        %parallel_loop3A_484 = arith.index_cast %parallel_loop3A_448 : i32 to index
        %parallel_loop3A_485 = arith.index_cast %parallel_loop3A_458 : i32 to index
        %parallel_loop3A_486 = arith.constant 0 : index
        %parallel_loop3A_487 = tpu.vector_load %arg11[%parallel_loop3A_483, %parallel_loop3A_484, %parallel_loop3A_485, %parallel_loop3A_486] {strides = array<i32>} : memref<3x8x8x128xf32, #tpu.memory_space<vmem>>, vector<16xf32>,
        %parallel_loop3A_488 = arith.constant 1 : i32
        %parallel_loop3A_489 = arith.addi %parallel_loop3A_458, %parallel_loop3A_488 : i32
        %parallel_loop3A_490 = arith.index_cast %rem3A_311 : i32 to index
        %parallel_loop3A_491 = arith.index_cast %parallel_loop3A_448 : i32 to index
        %parallel_loop3A_492 = arith.index_cast %parallel_loop3A_489 : i32 to index
        %parallel_loop3A_493 = arith.constant 0 : index
        %parallel_loop3A_494 = tpu.vector_load %arg11[%parallel_loop3A_490, %parallel_loop3A_491, %parallel_loop3A_492, %parallel_loop3A_493] {strides = array<i32>} : memref<3x8x8x128xf32, #tpu.memory_space<vmem>>, vector<16xf32>,
        %parallel_loop3A_495 = arith.constant 0 : i32
        %parallel_loop3A_496 = vector.broadcast %parallel_loop3A_495 : i32 to vector<16xi32>
        %parallel_loop3A_497 = arith.cmpi eq, %parallel_loop3A_462, %parallel_loop3A_496 : vector<16xi32>
        %parallel_loop3A_498 = arith.constant 0 : i32
        %parallel_loop3A_499 = vector.broadcast %parallel_loop3A_498 : i32 to vector<16xi32>
        %parallel_loop3A_500 = arith.cmpi eq, %parallel_loop3A_466, %parallel_loop3A_499 : vector<16xi32>
        %parallel_loop3A_501 = arith.select %parallel_loop3A_500, %parallel_loop3A_475, %parallel_loop3A_487 : vector<16xi1>, vector<16xf32>
        %parallel_loop3A_502 = arith.select %parallel_loop3A_500, %parallel_loop3A_482, %parallel_loop3A_494 : vector<16xi1>, vector<16xf32>
        %parallel_loop3A_503 = arith.maximumf %parallel_loop3A_501, %parallel_loop3A_502 : vector<16xf32>
        %parallel_loop3A_504 = arith.select %parallel_loop3A_500, %parallel_loop3A_475, %parallel_loop3A_482 : vector<16xi1>, vector<16xf32>
        %parallel_loop3A_505 = arith.select %parallel_loop3A_500, %parallel_loop3A_487, %parallel_loop3A_494 : vector<16xi1>, vector<16xf32>
        %parallel_loop3A_506 = arith.select %parallel_loop3A_497, %parallel_loop3A_504, %parallel_loop3A_505 : vector<16xi1>, vector<16xf32>
        %parallel_loop3A_507 = arith.constant 8.000000e-01 : f32
        %parallel_loop3A_508 = vector.broadcast %parallel_loop3A_507 : f32 to vector<16xf32>
        %parallel_loop3A_509 = arith.mulf %parallel_loop3A_508, %parallel_loop3A_503 : vector<16xf32>
        %parallel_loop3A_510 = arith.addf %parallel_loop3A_470, %parallel_loop3A_509 : vector<16xf32>
        %parallel_loop3A_511 = arith.subf %parallel_loop3A_510, %parallel_loop3A_506 : vector<16xf32>
        %parallel_loop3A_512 = arith.constant 8.000000e-01 : f32
        %parallel_loop3A_513 = vector.broadcast %parallel_loop3A_512 : f32 to vector<16xf32>
        %parallel_loop3A_514 = arith.mulf %parallel_loop3A_513, %parallel_loop3A_511 : vector<16xf32>
        %parallel_loop3A_515 = arith.addf %parallel_loop3A_506, %parallel_loop3A_514 : vector<16xf32>
        %parallel_loop3A_516 = arith.andi %parallel_loop3A_497, %parallel_loop3A_500 : vector<16xi1>
        %parallel_loop3A_517 = arith.select %parallel_loop3A_516, %parallel_loop3A_515, %parallel_loop3A_475 : vector<16xi1>, vector<16xf32>
        %parallel_loop3A_518 = arith.index_cast %rem3A_311 : i32 to index
        %parallel_loop3A_519 = arith.index_cast %parallel_loop3A_448 : i32 to index
        %parallel_loop3A_520 = arith.index_cast %parallel_loop3A_458 : i32 to index
        %parallel_loop3A_521 = arith.constant 0 : index
        %parallel_loop3A_522 = tpu.vector_load %arg10[%parallel_loop3A_518, %parallel_loop3A_519, %parallel_loop3A_520, %parallel_loop3A_521] {strides = array<i32>} : memref<3x8x8x128xf32, #tpu.memory_space<vmem>>, vector<16xf32>,
        tpu.vector_store %arg10[%parallel_loop3A_518, %parallel_loop3A_519, %parallel_loop3A_520, %parallel_loop3A_521], %parallel_loop3A_517 {strides = array<i32>} : memref<3x8x8x128xf32, #tpu.memory_space<vmem>>, vector<16xf32>,
        %parallel_loop3A_523 = arith.constant dense<true> : vector<16xi1>
        %parallel_loop3A_524 = arith.xori %parallel_loop3A_500, %parallel_loop3A_523 : vector<16xi1>
        %parallel_loop3A_525 = arith.andi %parallel_loop3A_497, %parallel_loop3A_524 : vector<16xi1>
        %parallel_loop3A_526 = arith.select %parallel_loop3A_525, %parallel_loop3A_515, %parallel_loop3A_482 : vector<16xi1>, vector<16xf32>
        %parallel_loop3A_527 = arith.constant 1 : i32
        %parallel_loop3A_528 = arith.addi %parallel_loop3A_458, %parallel_loop3A_527 : i32
        %parallel_loop3A_529 = arith.index_cast %rem3A_311 : i32 to index
        %parallel_loop3A_530 = arith.index_cast %parallel_loop3A_448 : i32 to index
        %parallel_loop3A_531 = arith.index_cast %parallel_loop3A_528 : i32 to index
        %parallel_loop3A_532 = arith.constant 0 : index
        %parallel_loop3A_533 = tpu.vector_load %arg10[%parallel_loop3A_529, %parallel_loop3A_530, %parallel_loop3A_531, %parallel_loop3A_532] {strides = array<i32>} : memref<3x8x8x128xf32, #tpu.memory_space<vmem>>, vector<16xf32>,
        tpu.vector_store %arg10[%parallel_loop3A_529, %parallel_loop3A_530, %parallel_loop3A_531, %parallel_loop3A_532], %parallel_loop3A_526 {strides = array<i32>} : memref<3x8x8x128xf32, #tpu.memory_space<vmem>>, vector<16xf32>,
        %parallel_loop3A_534 = arith.constant dense<true> : vector<16xi1>
        %parallel_loop3A_535 = arith.xori %parallel_loop3A_497, %parallel_loop3A_534 : vector<16xi1>
        %parallel_loop3A_536 = arith.andi %parallel_loop3A_535, %parallel_loop3A_500 : vector<16xi1>
        %parallel_loop3A_537 = arith.select %parallel_loop3A_536, %parallel_loop3A_515, %parallel_loop3A_487 : vector<16xi1>, vector<16xf32>
        %parallel_loop3A_538 = arith.index_cast %rem3A_311 : i32 to index
        %parallel_loop3A_539 = arith.index_cast %parallel_loop3A_448 : i32 to index
        %parallel_loop3A_540 = arith.index_cast %parallel_loop3A_458 : i32 to index
        %parallel_loop3A_541 = arith.constant 0 : index
        %parallel_loop3A_542 = tpu.vector_load %arg11[%parallel_loop3A_538, %parallel_loop3A_539, %parallel_loop3A_540, %parallel_loop3A_541] {strides = array<i32>} : memref<3x8x8x128xf32, #tpu.memory_space<vmem>>, vector<16xf32>,
        tpu.vector_store %arg11[%parallel_loop3A_538, %parallel_loop3A_539, %parallel_loop3A_540, %parallel_loop3A_541], %parallel_loop3A_537 {strides = array<i32>} : memref<3x8x8x128xf32, #tpu.memory_space<vmem>>, vector<16xf32>,
        %parallel_loop3A_543 = arith.constant dense<true> : vector<16xi1>
        %parallel_loop3A_544 = arith.xori %parallel_loop3A_497, %parallel_loop3A_543 : vector<16xi1>
        %parallel_loop3A_545 = arith.constant dense<true> : vector<16xi1>
        %parallel_loop3A_546 = arith.xori %parallel_loop3A_500, %parallel_loop3A_545 : vector<16xi1>
        %parallel_loop3A_547 = arith.andi %parallel_loop3A_544, %parallel_loop3A_546 : vector<16xi1>
        %parallel_loop3A_548 = arith.select %parallel_loop3A_547, %parallel_loop3A_515, %parallel_loop3A_494 : vector<16xi1>, vector<16xf32>
        %parallel_loop3A_549 = arith.constant 1 : i32
        %parallel_loop3A_550 = arith.addi %parallel_loop3A_458, %parallel_loop3A_549 : i32
        %parallel_loop3A_551 = arith.index_cast %rem3A_311 : i32 to index
        %parallel_loop3A_552 = arith.index_cast %parallel_loop3A_448 : i32 to index
        %parallel_loop3A_553 = arith.index_cast %parallel_loop3A_550 : i32 to index
        %parallel_loop3A_554 = arith.constant 0 : index
        %parallel_loop3A_555 = tpu.vector_load %arg11[%parallel_loop3A_551, %parallel_loop3A_552, %parallel_loop3A_553, %parallel_loop3A_554] {strides = array<i32>} : memref<3x8x8x128xf32, #tpu.memory_space<vmem>>, vector<16xf32>,
        tpu.vector_store %arg11[%parallel_loop3A_551, %parallel_loop3A_552, %parallel_loop3A_553, %parallel_loop3A_554], %parallel_loop3A_548 {strides = array<i32>} : memref<3x8x8x128xf32, #tpu.memory_space<vmem>>, vector<16xf32>,
        %parallel_loop3A_556 = arith.constant 16 : i32
        %parallel_loop3A_557 = arith.addi %parallel_loop3A_456, %parallel_loop3A_556 : i32
        %parallel_loop3A_558 = arith.index_cast %parallel_loop3A_557 : i32 to index
        %parallel_loop3A_559 = tpu.vector_load %arg7[%parallel_loop3A_558] {strides = array<i32>} : memref<12288xi32, #tpu.memory_space<vmem>>, vector<16xi32>,
        %parallel_loop3A_560 = arith.constant 16 : i32
        %parallel_loop3A_561 = arith.addi %parallel_loop3A_456, %parallel_loop3A_560 : i32
        %parallel_loop3A_562 = arith.index_cast %parallel_loop3A_561 : i32 to index
        %parallel_loop3A_563 = tpu.vector_load %arg8[%parallel_loop3A_562] {strides = array<i32>} : memref<12288xi32, #tpu.memory_space<vmem>>, vector<16xi32>,
        %parallel_loop3A_564 = arith.constant 16 : i32
        %parallel_loop3A_565 = arith.addi %parallel_loop3A_456, %parallel_loop3A_564 : i32
        %parallel_loop3A_566 = arith.index_cast %parallel_loop3A_565 : i32 to index
        %parallel_loop3A_567 = tpu.vector_load %arg9[%parallel_loop3A_566] {strides = array<i32>} : memref<12288xf32, #tpu.memory_space<vmem>>, vector<16xf32>,
        %parallel_loop3A_568 = arith.index_cast %rem3A_311 : i32 to index
        %parallel_loop3A_569 = arith.index_cast %parallel_loop3A_448 : i32 to index
        %parallel_loop3A_570 = arith.index_cast %parallel_loop3A_458 : i32 to index
        %parallel_loop3A_571 = arith.constant 16 : index
        %parallel_loop3A_572 = tpu.vector_load %arg10[%parallel_loop3A_568, %parallel_loop3A_569, %parallel_loop3A_570, %parallel_loop3A_571] {strides = array<i32>} : memref<3x8x8x128xf32, #tpu.memory_space<vmem>>, vector<16xf32>,
        %parallel_loop3A_573 = arith.constant 1 : i32
        %parallel_loop3A_574 = arith.addi %parallel_loop3A_458, %parallel_loop3A_573 : i32
        %parallel_loop3A_575 = arith.index_cast %rem3A_311 : i32 to index
        %parallel_loop3A_576 = arith.index_cast %parallel_loop3A_448 : i32 to index
        %parallel_loop3A_577 = arith.index_cast %parallel_loop3A_574 : i32 to index
        %parallel_loop3A_578 = arith.constant 16 : index
        %parallel_loop3A_579 = tpu.vector_load %arg10[%parallel_loop3A_575, %parallel_loop3A_576, %parallel_loop3A_577, %parallel_loop3A_578] {strides = array<i32>} : memref<3x8x8x128xf32, #tpu.memory_space<vmem>>, vector<16xf32>,
        %parallel_loop3A_580 = arith.index_cast %rem3A_311 : i32 to index
        %parallel_loop3A_581 = arith.index_cast %parallel_loop3A_448 : i32 to index
        %parallel_loop3A_582 = arith.index_cast %parallel_loop3A_458 : i32 to index
        %parallel_loop3A_583 = arith.constant 16 : index
        %parallel_loop3A_584 = tpu.vector_load %arg11[%parallel_loop3A_580, %parallel_loop3A_581, %parallel_loop3A_582, %parallel_loop3A_583] {strides = array<i32>} : memref<3x8x8x128xf32, #tpu.memory_space<vmem>>, vector<16xf32>,
        %parallel_loop3A_585 = arith.constant 1 : i32
        %parallel_loop3A_586 = arith.addi %parallel_loop3A_458, %parallel_loop3A_585 : i32
        %parallel_loop3A_587 = arith.index_cast %rem3A_311 : i32 to index
        %parallel_loop3A_588 = arith.index_cast %parallel_loop3A_448 : i32 to index
        %parallel_loop3A_589 = arith.index_cast %parallel_loop3A_586 : i32 to index
        %parallel_loop3A_590 = arith.constant 16 : index
        %parallel_loop3A_591 = tpu.vector_load %arg11[%parallel_loop3A_587, %parallel_loop3A_588, %parallel_loop3A_589, %parallel_loop3A_590] {strides = array<i32>} : memref<3x8x8x128xf32, #tpu.memory_space<vmem>>, vector<16xf32>,
        %parallel_loop3A_592 = arith.constant 0 : i32
        %parallel_loop3A_593 = vector.broadcast %parallel_loop3A_592 : i32 to vector<16xi32>
        %parallel_loop3A_594 = arith.cmpi eq, %parallel_loop3A_559, %parallel_loop3A_593 : vector<16xi32>
        %parallel_loop3A_595 = arith.constant 0 : i32
        %parallel_loop3A_596 = vector.broadcast %parallel_loop3A_595 : i32 to vector<16xi32>
        %parallel_loop3A_597 = arith.cmpi eq, %parallel_loop3A_563, %parallel_loop3A_596 : vector<16xi32>
        %parallel_loop3A_598 = arith.select %parallel_loop3A_597, %parallel_loop3A_572, %parallel_loop3A_584 : vector<16xi1>, vector<16xf32>
        %parallel_loop3A_599 = arith.select %parallel_loop3A_597, %parallel_loop3A_579, %parallel_loop3A_591 : vector<16xi1>, vector<16xf32>
        %parallel_loop3A_600 = arith.maximumf %parallel_loop3A_598, %parallel_loop3A_599 : vector<16xf32>
        %parallel_loop3A_601 = arith.select %parallel_loop3A_597, %parallel_loop3A_572, %parallel_loop3A_579 : vector<16xi1>, vector<16xf32>
        %parallel_loop3A_602 = arith.select %parallel_loop3A_597, %parallel_loop3A_584, %parallel_loop3A_591 : vector<16xi1>, vector<16xf32>
        %parallel_loop3A_603 = arith.select %parallel_loop3A_594, %parallel_loop3A_601, %parallel_loop3A_602 : vector<16xi1>, vector<16xf32>
        %parallel_loop3A_604 = arith.constant 8.000000e-01 : f32
        %parallel_loop3A_605 = vector.broadcast %parallel_loop3A_604 : f32 to vector<16xf32>
        %parallel_loop3A_606 = arith.mulf %parallel_loop3A_605, %parallel_loop3A_600 : vector<16xf32>
        %parallel_loop3A_607 = arith.addf %parallel_loop3A_567, %parallel_loop3A_606 : vector<16xf32>
        %parallel_loop3A_608 = arith.subf %parallel_loop3A_607, %parallel_loop3A_603 : vector<16xf32>
        %parallel_loop3A_609 = arith.constant 8.000000e-01 : f32
        %parallel_loop3A_610 = vector.broadcast %parallel_loop3A_609 : f32 to vector<16xf32>
        %parallel_loop3A_611 = arith.mulf %parallel_loop3A_610, %parallel_loop3A_608 : vector<16xf32>
        %parallel_loop3A_612 = arith.addf %parallel_loop3A_603, %parallel_loop3A_611 : vector<16xf32>
        %parallel_loop3A_613 = arith.andi %parallel_loop3A_594, %parallel_loop3A_597 : vector<16xi1>
        %parallel_loop3A_614 = arith.select %parallel_loop3A_613, %parallel_loop3A_612, %parallel_loop3A_572 : vector<16xi1>, vector<16xf32>
        %parallel_loop3A_615 = arith.index_cast %rem3A_311 : i32 to index
        %parallel_loop3A_616 = arith.index_cast %parallel_loop3A_448 : i32 to index
        %parallel_loop3A_617 = arith.index_cast %parallel_loop3A_458 : i32 to index
        %parallel_loop3A_618 = arith.constant 16 : index
        %parallel_loop3A_619 = tpu.vector_load %arg10[%parallel_loop3A_615, %parallel_loop3A_616, %parallel_loop3A_617, %parallel_loop3A_618] {strides = array<i32>} : memref<3x8x8x128xf32, #tpu.memory_space<vmem>>, vector<16xf32>,
        tpu.vector_store %arg10[%parallel_loop3A_615, %parallel_loop3A_616, %parallel_loop3A_617, %parallel_loop3A_618], %parallel_loop3A_614 {strides = array<i32>} : memref<3x8x8x128xf32, #tpu.memory_space<vmem>>, vector<16xf32>,
        %parallel_loop3A_620 = arith.constant dense<true> : vector<16xi1>
        %parallel_loop3A_621 = arith.xori %parallel_loop3A_597, %parallel_loop3A_620 : vector<16xi1>
        %parallel_loop3A_622 = arith.andi %parallel_loop3A_594, %parallel_loop3A_621 : vector<16xi1>
        %parallel_loop3A_623 = arith.select %parallel_loop3A_622, %parallel_loop3A_612, %parallel_loop3A_579 : vector<16xi1>, vector<16xf32>
        %parallel_loop3A_624 = arith.constant 1 : i32
        %parallel_loop3A_625 = arith.addi %parallel_loop3A_458, %parallel_loop3A_624 : i32
        %parallel_loop3A_626 = arith.index_cast %rem3A_311 : i32 to index
        %parallel_loop3A_627 = arith.index_cast %parallel_loop3A_448 : i32 to index
        %parallel_loop3A_628 = arith.index_cast %parallel_loop3A_625 : i32 to index
        %parallel_loop3A_629 = arith.constant 16 : index
        %parallel_loop3A_630 = tpu.vector_load %arg10[%parallel_loop3A_626, %parallel_loop3A_627, %parallel_loop3A_628, %parallel_loop3A_629] {strides = array<i32>} : memref<3x8x8x128xf32, #tpu.memory_space<vmem>>, vector<16xf32>,
        tpu.vector_store %arg10[%parallel_loop3A_626, %parallel_loop3A_627, %parallel_loop3A_628, %parallel_loop3A_629], %parallel_loop3A_623 {strides = array<i32>} : memref<3x8x8x128xf32, #tpu.memory_space<vmem>>, vector<16xf32>,
        %parallel_loop3A_631 = arith.constant dense<true> : vector<16xi1>
        %parallel_loop3A_632 = arith.xori %parallel_loop3A_594, %parallel_loop3A_631 : vector<16xi1>
        %parallel_loop3A_633 = arith.andi %parallel_loop3A_632, %parallel_loop3A_597 : vector<16xi1>
        %parallel_loop3A_634 = arith.select %parallel_loop3A_633, %parallel_loop3A_612, %parallel_loop3A_584 : vector<16xi1>, vector<16xf32>
        %parallel_loop3A_635 = arith.index_cast %rem3A_311 : i32 to index
        %parallel_loop3A_636 = arith.index_cast %parallel_loop3A_448 : i32 to index
        %parallel_loop3A_637 = arith.index_cast %parallel_loop3A_458 : i32 to index
        %parallel_loop3A_638 = arith.constant 16 : index
        %parallel_loop3A_639 = tpu.vector_load %arg11[%parallel_loop3A_635, %parallel_loop3A_636, %parallel_loop3A_637, %parallel_loop3A_638] {strides = array<i32>} : memref<3x8x8x128xf32, #tpu.memory_space<vmem>>, vector<16xf32>,
        tpu.vector_store %arg11[%parallel_loop3A_635, %parallel_loop3A_636, %parallel_loop3A_637, %parallel_loop3A_638], %parallel_loop3A_634 {strides = array<i32>} : memref<3x8x8x128xf32, #tpu.memory_space<vmem>>, vector<16xf32>,
        %parallel_loop3A_640 = arith.constant dense<true> : vector<16xi1>
        %parallel_loop3A_641 = arith.xori %parallel_loop3A_594, %parallel_loop3A_640 : vector<16xi1>
        %parallel_loop3A_642 = arith.constant dense<true> : vector<16xi1>
        %parallel_loop3A_643 = arith.xori %parallel_loop3A_597, %parallel_loop3A_642 : vector<16xi1>
        %parallel_loop3A_644 = arith.andi %parallel_loop3A_641, %parallel_loop3A_643 : vector<16xi1>
        %parallel_loop3A_645 = arith.select %parallel_loop3A_644, %parallel_loop3A_612, %parallel_loop3A_591 : vector<16xi1>, vector<16xf32>
        %parallel_loop3A_646 = arith.constant 1 : i32
        %parallel_loop3A_647 = arith.addi %parallel_loop3A_458, %parallel_loop3A_646 : i32
        %parallel_loop3A_648 = arith.index_cast %rem3A_311 : i32 to index
        %parallel_loop3A_649 = arith.index_cast %parallel_loop3A_448 : i32 to index
        %parallel_loop3A_650 = arith.index_cast %parallel_loop3A_647 : i32 to index
        %parallel_loop3A_651 = arith.constant 16 : index
        %parallel_loop3A_652 = tpu.vector_load %arg11[%parallel_loop3A_648, %parallel_loop3A_649, %parallel_loop3A_650, %parallel_loop3A_651] {strides = array<i32>} : memref<3x8x8x128xf32, #tpu.memory_space<vmem>>, vector<16xf32>,
        tpu.vector_store %arg11[%parallel_loop3A_648, %parallel_loop3A_649, %parallel_loop3A_650, %parallel_loop3A_651], %parallel_loop3A_645 {strides = array<i32>} : memref<3x8x8x128xf32, #tpu.memory_space<vmem>>, vector<16xf32>,
        %parallel_loop3A_653 = arith.constant 32 : i32
        %parallel_loop3A_654 = arith.addi %parallel_loop3A_456, %parallel_loop3A_653 : i32
        %parallel_loop3A_655 = arith.index_cast %parallel_loop3A_654 : i32 to index
        %parallel_loop3A_656 = tpu.vector_load %arg7[%parallel_loop3A_655] {strides = array<i32>} : memref<12288xi32, #tpu.memory_space<vmem>>, vector<16xi32>,
        %parallel_loop3A_657 = arith.constant 32 : i32
        %parallel_loop3A_658 = arith.addi %parallel_loop3A_456, %parallel_loop3A_657 : i32
        %parallel_loop3A_659 = arith.index_cast %parallel_loop3A_658 : i32 to index
        %parallel_loop3A_660 = tpu.vector_load %arg8[%parallel_loop3A_659] {strides = array<i32>} : memref<12288xi32, #tpu.memory_space<vmem>>, vector<16xi32>,
        %parallel_loop3A_661 = arith.constant 32 : i32
        %parallel_loop3A_662 = arith.addi %parallel_loop3A_456, %parallel_loop3A_661 : i32
        %parallel_loop3A_663 = arith.index_cast %parallel_loop3A_662 : i32 to index
        %parallel_loop3A_664 = tpu.vector_load %arg9[%parallel_loop3A_663] {strides = array<i32>} : memref<12288xf32, #tpu.memory_space<vmem>>, vector<16xf32>,
        %parallel_loop3A_665 = arith.index_cast %rem3A_311 : i32 to index
        %parallel_loop3A_666 = arith.index_cast %parallel_loop3A_448 : i32 to index
        %parallel_loop3A_667 = arith.index_cast %parallel_loop3A_458 : i32 to index
        %parallel_loop3A_668 = arith.constant 32 : index
        %parallel_loop3A_669 = tpu.vector_load %arg10[%parallel_loop3A_665, %parallel_loop3A_666, %parallel_loop3A_667, %parallel_loop3A_668] {strides = array<i32>} : memref<3x8x8x128xf32, #tpu.memory_space<vmem>>, vector<16xf32>,
        %parallel_loop3A_670 = arith.constant 1 : i32
        %parallel_loop3A_671 = arith.addi %parallel_loop3A_458, %parallel_loop3A_670 : i32
        %parallel_loop3A_672 = arith.index_cast %rem3A_311 : i32 to index
        %parallel_loop3A_673 = arith.index_cast %parallel_loop3A_448 : i32 to index
        %parallel_loop3A_674 = arith.index_cast %parallel_loop3A_671 : i32 to index
        %parallel_loop3A_675 = arith.constant 32 : index
        %parallel_loop3A_676 = tpu.vector_load %arg10[%parallel_loop3A_672, %parallel_loop3A_673, %parallel_loop3A_674, %parallel_loop3A_675] {strides = array<i32>} : memref<3x8x8x128xf32, #tpu.memory_space<vmem>>, vector<16xf32>,
        %parallel_loop3A_677 = arith.index_cast %rem3A_311 : i32 to index
        %parallel_loop3A_678 = arith.index_cast %parallel_loop3A_448 : i32 to index
        %parallel_loop3A_679 = arith.index_cast %parallel_loop3A_458 : i32 to index
        %parallel_loop3A_680 = arith.constant 32 : index
        %parallel_loop3A_681 = tpu.vector_load %arg11[%parallel_loop3A_677, %parallel_loop3A_678, %parallel_loop3A_679, %parallel_loop3A_680] {strides = array<i32>} : memref<3x8x8x128xf32, #tpu.memory_space<vmem>>, vector<16xf32>,
        %parallel_loop3A_682 = arith.constant 1 : i32
        %parallel_loop3A_683 = arith.addi %parallel_loop3A_458, %parallel_loop3A_682 : i32
        %parallel_loop3A_684 = arith.index_cast %rem3A_311 : i32 to index
        %parallel_loop3A_685 = arith.index_cast %parallel_loop3A_448 : i32 to index
        %parallel_loop3A_686 = arith.index_cast %parallel_loop3A_683 : i32 to index
        %parallel_loop3A_687 = arith.constant 32 : index
        %parallel_loop3A_688 = tpu.vector_load %arg11[%parallel_loop3A_684, %parallel_loop3A_685, %parallel_loop3A_686, %parallel_loop3A_687] {strides = array<i32>} : memref<3x8x8x128xf32, #tpu.memory_space<vmem>>, vector<16xf32>,
        %parallel_loop3A_689 = arith.constant 0 : i32
        %parallel_loop3A_690 = vector.broadcast %parallel_loop3A_689 : i32 to vector<16xi32>
        %parallel_loop3A_691 = arith.cmpi eq, %parallel_loop3A_656, %parallel_loop3A_690 : vector<16xi32>
        %parallel_loop3A_692 = arith.constant 0 : i32
        %parallel_loop3A_693 = vector.broadcast %parallel_loop3A_692 : i32 to vector<16xi32>
        %parallel_loop3A_694 = arith.cmpi eq, %parallel_loop3A_660, %parallel_loop3A_693 : vector<16xi32>
        %parallel_loop3A_695 = arith.select %parallel_loop3A_694, %parallel_loop3A_669, %parallel_loop3A_681 : vector<16xi1>, vector<16xf32>
        %parallel_loop3A_696 = arith.select %parallel_loop3A_694, %parallel_loop3A_676, %parallel_loop3A_688 : vector<16xi1>, vector<16xf32>
        %parallel_loop3A_697 = arith.maximumf %parallel_loop3A_695, %parallel_loop3A_696 : vector<16xf32>
        %parallel_loop3A_698 = arith.select %parallel_loop3A_694, %parallel_loop3A_669, %parallel_loop3A_676 : vector<16xi1>, vector<16xf32>
        %parallel_loop3A_699 = arith.select %parallel_loop3A_694, %parallel_loop3A_681, %parallel_loop3A_688 : vector<16xi1>, vector<16xf32>
        %parallel_loop3A_700 = arith.select %parallel_loop3A_691, %parallel_loop3A_698, %parallel_loop3A_699 : vector<16xi1>, vector<16xf32>
        %parallel_loop3A_701 = arith.constant 8.000000e-01 : f32
        %parallel_loop3A_702 = vector.broadcast %parallel_loop3A_701 : f32 to vector<16xf32>
        %parallel_loop3A_703 = arith.mulf %parallel_loop3A_702, %parallel_loop3A_697 : vector<16xf32>
        %parallel_loop3A_704 = arith.addf %parallel_loop3A_664, %parallel_loop3A_703 : vector<16xf32>
        %parallel_loop3A_705 = arith.subf %parallel_loop3A_704, %parallel_loop3A_700 : vector<16xf32>
        %parallel_loop3A_706 = arith.constant 8.000000e-01 : f32
        %parallel_loop3A_707 = vector.broadcast %parallel_loop3A_706 : f32 to vector<16xf32>
        %parallel_loop3A_708 = arith.mulf %parallel_loop3A_707, %parallel_loop3A_705 : vector<16xf32>
        %parallel_loop3A_709 = arith.addf %parallel_loop3A_700, %parallel_loop3A_708 : vector<16xf32>
        %parallel_loop3A_710 = arith.andi %parallel_loop3A_691, %parallel_loop3A_694 : vector<16xi1>
        %parallel_loop3A_711 = arith.select %parallel_loop3A_710, %parallel_loop3A_709, %parallel_loop3A_669 : vector<16xi1>, vector<16xf32>
        %parallel_loop3A_712 = arith.index_cast %rem3A_311 : i32 to index
        %parallel_loop3A_713 = arith.index_cast %parallel_loop3A_448 : i32 to index
        %parallel_loop3A_714 = arith.index_cast %parallel_loop3A_458 : i32 to index
        %parallel_loop3A_715 = arith.constant 32 : index
        %parallel_loop3A_716 = tpu.vector_load %arg10[%parallel_loop3A_712, %parallel_loop3A_713, %parallel_loop3A_714, %parallel_loop3A_715] {strides = array<i32>} : memref<3x8x8x128xf32, #tpu.memory_space<vmem>>, vector<16xf32>,
        tpu.vector_store %arg10[%parallel_loop3A_712, %parallel_loop3A_713, %parallel_loop3A_714, %parallel_loop3A_715], %parallel_loop3A_711 {strides = array<i32>} : memref<3x8x8x128xf32, #tpu.memory_space<vmem>>, vector<16xf32>,
        %parallel_loop3A_717 = arith.constant dense<true> : vector<16xi1>
        %parallel_loop3A_718 = arith.xori %parallel_loop3A_694, %parallel_loop3A_717 : vector<16xi1>
        %parallel_loop3A_719 = arith.andi %parallel_loop3A_691, %parallel_loop3A_718 : vector<16xi1>
        %parallel_loop3A_720 = arith.select %parallel_loop3A_719, %parallel_loop3A_709, %parallel_loop3A_676 : vector<16xi1>, vector<16xf32>
        %parallel_loop3A_721 = arith.constant 1 : i32
        %parallel_loop3A_722 = arith.addi %parallel_loop3A_458, %parallel_loop3A_721 : i32
        %parallel_loop3A_723 = arith.index_cast %rem3A_311 : i32 to index
        %parallel_loop3A_724 = arith.index_cast %parallel_loop3A_448 : i32 to index
        %parallel_loop3A_725 = arith.index_cast %parallel_loop3A_722 : i32 to index
        %parallel_loop3A_726 = arith.constant 32 : index
        %parallel_loop3A_727 = tpu.vector_load %arg10[%parallel_loop3A_723, %parallel_loop3A_724, %parallel_loop3A_725, %parallel_loop3A_726] {strides = array<i32>} : memref<3x8x8x128xf32, #tpu.memory_space<vmem>>, vector<16xf32>,
        tpu.vector_store %arg10[%parallel_loop3A_723, %parallel_loop3A_724, %parallel_loop3A_725, %parallel_loop3A_726], %parallel_loop3A_720 {strides = array<i32>} : memref<3x8x8x128xf32, #tpu.memory_space<vmem>>, vector<16xf32>,
        %parallel_loop3A_728 = arith.constant dense<true> : vector<16xi1>
        %parallel_loop3A_729 = arith.xori %parallel_loop3A_691, %parallel_loop3A_728 : vector<16xi1>
        %parallel_loop3A_730 = arith.andi %parallel_loop3A_729, %parallel_loop3A_694 : vector<16xi1>
        %parallel_loop3A_731 = arith.select %parallel_loop3A_730, %parallel_loop3A_709, %parallel_loop3A_681 : vector<16xi1>, vector<16xf32>
        %parallel_loop3A_732 = arith.index_cast %rem3A_311 : i32 to index
        %parallel_loop3A_733 = arith.index_cast %parallel_loop3A_448 : i32 to index
        %parallel_loop3A_734 = arith.index_cast %parallel_loop3A_458 : i32 to index
        %parallel_loop3A_735 = arith.constant 32 : index
        %parallel_loop3A_736 = tpu.vector_load %arg11[%parallel_loop3A_732, %parallel_loop3A_733, %parallel_loop3A_734, %parallel_loop3A_735] {strides = array<i32>} : memref<3x8x8x128xf32, #tpu.memory_space<vmem>>, vector<16xf32>,
        tpu.vector_store %arg11[%parallel_loop3A_732, %parallel_loop3A_733, %parallel_loop3A_734, %parallel_loop3A_735], %parallel_loop3A_731 {strides = array<i32>} : memref<3x8x8x128xf32, #tpu.memory_space<vmem>>, vector<16xf32>,
        %parallel_loop3A_737 = arith.constant dense<true> : vector<16xi1>
        %parallel_loop3A_738 = arith.xori %parallel_loop3A_691, %parallel_loop3A_737 : vector<16xi1>
        %parallel_loop3A_739 = arith.constant dense<true> : vector<16xi1>
        %parallel_loop3A_740 = arith.xori %parallel_loop3A_694, %parallel_loop3A_739 : vector<16xi1>
        %parallel_loop3A_741 = arith.andi %parallel_loop3A_738, %parallel_loop3A_740 : vector<16xi1>
        %parallel_loop3A_742 = arith.select %parallel_loop3A_741, %parallel_loop3A_709, %parallel_loop3A_688 : vector<16xi1>, vector<16xf32>
        %parallel_loop3A_743 = arith.constant 1 : i32
        %parallel_loop3A_744 = arith.addi %parallel_loop3A_458, %parallel_loop3A_743 : i32
        %parallel_loop3A_745 = arith.index_cast %rem3A_311 : i32 to index
        %parallel_loop3A_746 = arith.index_cast %parallel_loop3A_448 : i32 to index
        %parallel_loop3A_747 = arith.index_cast %parallel_loop3A_744 : i32 to index
        %parallel_loop3A_748 = arith.constant 32 : index
        %parallel_loop3A_749 = tpu.vector_load %arg11[%parallel_loop3A_745, %parallel_loop3A_746, %parallel_loop3A_747, %parallel_loop3A_748] {strides = array<i32>} : memref<3x8x8x128xf32, #tpu.memory_space<vmem>>, vector<16xf32>,
        tpu.vector_store %arg11[%parallel_loop3A_745, %parallel_loop3A_746, %parallel_loop3A_747, %parallel_loop3A_748], %parallel_loop3A_742 {strides = array<i32>} : memref<3x8x8x128xf32, #tpu.memory_space<vmem>>, vector<16xf32>,
        %parallel_loop3A_750 = arith.constant 48 : i32
        %parallel_loop3A_751 = arith.addi %parallel_loop3A_456, %parallel_loop3A_750 : i32
        %parallel_loop3A_752 = arith.index_cast %parallel_loop3A_751 : i32 to index
        %parallel_loop3A_753 = tpu.vector_load %arg7[%parallel_loop3A_752] {strides = array<i32>} : memref<12288xi32, #tpu.memory_space<vmem>>, vector<16xi32>,
        %parallel_loop3A_754 = arith.constant 48 : i32
        %parallel_loop3A_755 = arith.addi %parallel_loop3A_456, %parallel_loop3A_754 : i32
        %parallel_loop3A_756 = arith.index_cast %parallel_loop3A_755 : i32 to index
        %parallel_loop3A_757 = tpu.vector_load %arg8[%parallel_loop3A_756] {strides = array<i32>} : memref<12288xi32, #tpu.memory_space<vmem>>, vector<16xi32>,
        %parallel_loop3A_758 = arith.constant 48 : i32
        %parallel_loop3A_759 = arith.addi %parallel_loop3A_456, %parallel_loop3A_758 : i32
        %parallel_loop3A_760 = arith.index_cast %parallel_loop3A_759 : i32 to index
        %parallel_loop3A_761 = tpu.vector_load %arg9[%parallel_loop3A_760] {strides = array<i32>} : memref<12288xf32, #tpu.memory_space<vmem>>, vector<16xf32>,
        %parallel_loop3A_762 = arith.index_cast %rem3A_311 : i32 to index
        %parallel_loop3A_763 = arith.index_cast %parallel_loop3A_448 : i32 to index
        %parallel_loop3A_764 = arith.index_cast %parallel_loop3A_458 : i32 to index
        %parallel_loop3A_765 = arith.constant 48 : index
        %parallel_loop3A_766 = tpu.vector_load %arg10[%parallel_loop3A_762, %parallel_loop3A_763, %parallel_loop3A_764, %parallel_loop3A_765] {strides = array<i32>} : memref<3x8x8x128xf32, #tpu.memory_space<vmem>>, vector<16xf32>,
        %parallel_loop3A_767 = arith.constant 1 : i32
        %parallel_loop3A_768 = arith.addi %parallel_loop3A_458, %parallel_loop3A_767 : i32
        %parallel_loop3A_769 = arith.index_cast %rem3A_311 : i32 to index
        %parallel_loop3A_770 = arith.index_cast %parallel_loop3A_448 : i32 to index
        %parallel_loop3A_771 = arith.index_cast %parallel_loop3A_768 : i32 to index
        %parallel_loop3A_772 = arith.constant 48 : index
        %parallel_loop3A_773 = tpu.vector_load %arg10[%parallel_loop3A_769, %parallel_loop3A_770, %parallel_loop3A_771, %parallel_loop3A_772] {strides = array<i32>} : memref<3x8x8x128xf32, #tpu.memory_space<vmem>>, vector<16xf32>,
        %parallel_loop3A_774 = arith.index_cast %rem3A_311 : i32 to index
        %parallel_loop3A_775 = arith.index_cast %parallel_loop3A_448 : i32 to index
        %parallel_loop3A_776 = arith.index_cast %parallel_loop3A_458 : i32 to index
        %parallel_loop3A_777 = arith.constant 48 : index
        %parallel_loop3A_778 = tpu.vector_load %arg11[%parallel_loop3A_774, %parallel_loop3A_775, %parallel_loop3A_776, %parallel_loop3A_777] {strides = array<i32>} : memref<3x8x8x128xf32, #tpu.memory_space<vmem>>, vector<16xf32>,
        %parallel_loop3A_779 = arith.constant 1 : i32
        %parallel_loop3A_780 = arith.addi %parallel_loop3A_458, %parallel_loop3A_779 : i32
        %parallel_loop3A_781 = arith.index_cast %rem3A_311 : i32 to index
        %parallel_loop3A_782 = arith.index_cast %parallel_loop3A_448 : i32 to index
        %parallel_loop3A_783 = arith.index_cast %parallel_loop3A_780 : i32 to index
        %parallel_loop3A_784 = arith.constant 48 : index
        %parallel_loop3A_785 = tpu.vector_load %arg11[%parallel_loop3A_781, %parallel_loop3A_782, %parallel_loop3A_783, %parallel_loop3A_784] {strides = array<i32>} : memref<3x8x8x128xf32, #tpu.memory_space<vmem>>, vector<16xf32>,
        %parallel_loop3A_786 = arith.constant 0 : i32
        %parallel_loop3A_787 = vector.broadcast %parallel_loop3A_786 : i32 to vector<16xi32>
        %parallel_loop3A_788 = arith.cmpi eq, %parallel_loop3A_753, %parallel_loop3A_787 : vector<16xi32>
        %parallel_loop3A_789 = arith.constant 0 : i32
        %parallel_loop3A_790 = vector.broadcast %parallel_loop3A_789 : i32 to vector<16xi32>
        %parallel_loop3A_791 = arith.cmpi eq, %parallel_loop3A_757, %parallel_loop3A_790 : vector<16xi32>
        %parallel_loop3A_792 = arith.select %parallel_loop3A_791, %parallel_loop3A_766, %parallel_loop3A_778 : vector<16xi1>, vector<16xf32>
        %parallel_loop3A_793 = arith.select %parallel_loop3A_791, %parallel_loop3A_773, %parallel_loop3A_785 : vector<16xi1>, vector<16xf32>
        %parallel_loop3A_794 = arith.maximumf %parallel_loop3A_792, %parallel_loop3A_793 : vector<16xf32>
        %parallel_loop3A_795 = arith.select %parallel_loop3A_791, %parallel_loop3A_766, %parallel_loop3A_773 : vector<16xi1>, vector<16xf32>
        %parallel_loop3A_796 = arith.select %parallel_loop3A_791, %parallel_loop3A_778, %parallel_loop3A_785 : vector<16xi1>, vector<16xf32>
        %parallel_loop3A_797 = arith.select %parallel_loop3A_788, %parallel_loop3A_795, %parallel_loop3A_796 : vector<16xi1>, vector<16xf32>
        %parallel_loop3A_798 = arith.constant 8.000000e-01 : f32
        %parallel_loop3A_799 = vector.broadcast %parallel_loop3A_798 : f32 to vector<16xf32>
        %parallel_loop3A_800 = arith.mulf %parallel_loop3A_799, %parallel_loop3A_794 : vector<16xf32>
        %parallel_loop3A_801 = arith.addf %parallel_loop3A_761, %parallel_loop3A_800 : vector<16xf32>
        %parallel_loop3A_802 = arith.subf %parallel_loop3A_801, %parallel_loop3A_797 : vector<16xf32>
        %parallel_loop3A_803 = arith.constant 8.000000e-01 : f32
        %parallel_loop3A_804 = vector.broadcast %parallel_loop3A_803 : f32 to vector<16xf32>
        %parallel_loop3A_805 = arith.mulf %parallel_loop3A_804, %parallel_loop3A_802 : vector<16xf32>
        %parallel_loop3A_806 = arith.addf %parallel_loop3A_797, %parallel_loop3A_805 : vector<16xf32>
        %parallel_loop3A_807 = arith.andi %parallel_loop3A_788, %parallel_loop3A_791 : vector<16xi1>
        %parallel_loop3A_808 = arith.select %parallel_loop3A_807, %parallel_loop3A_806, %parallel_loop3A_766 : vector<16xi1>, vector<16xf32>
        %parallel_loop3A_809 = arith.index_cast %rem3A_311 : i32 to index
        %parallel_loop3A_810 = arith.index_cast %parallel_loop3A_448 : i32 to index
        %parallel_loop3A_811 = arith.index_cast %parallel_loop3A_458 : i32 to index
        %parallel_loop3A_812 = arith.constant 48 : index
        %parallel_loop3A_813 = tpu.vector_load %arg10[%parallel_loop3A_809, %parallel_loop3A_810, %parallel_loop3A_811, %parallel_loop3A_812] {strides = array<i32>} : memref<3x8x8x128xf32, #tpu.memory_space<vmem>>, vector<16xf32>,
        tpu.vector_store %arg10[%parallel_loop3A_809, %parallel_loop3A_810, %parallel_loop3A_811, %parallel_loop3A_812], %parallel_loop3A_808 {strides = array<i32>} : memref<3x8x8x128xf32, #tpu.memory_space<vmem>>, vector<16xf32>,
        %parallel_loop3A_814 = arith.constant dense<true> : vector<16xi1>
        %parallel_loop3A_815 = arith.xori %parallel_loop3A_791, %parallel_loop3A_814 : vector<16xi1>
        %parallel_loop3A_816 = arith.andi %parallel_loop3A_788, %parallel_loop3A_815 : vector<16xi1>
        %parallel_loop3A_817 = arith.select %parallel_loop3A_816, %parallel_loop3A_806, %parallel_loop3A_773 : vector<16xi1>, vector<16xf32>
        %parallel_loop3A_818 = arith.constant 1 : i32
        %parallel_loop3A_819 = arith.addi %parallel_loop3A_458, %parallel_loop3A_818 : i32
        %parallel_loop3A_820 = arith.index_cast %rem3A_311 : i32 to index
        %parallel_loop3A_821 = arith.index_cast %parallel_loop3A_448 : i32 to index
        %parallel_loop3A_822 = arith.index_cast %parallel_loop3A_819 : i32 to index
        %parallel_loop3A_823 = arith.constant 48 : index
        %parallel_loop3A_824 = tpu.vector_load %arg10[%parallel_loop3A_820, %parallel_loop3A_821, %parallel_loop3A_822, %parallel_loop3A_823] {strides = array<i32>} : memref<3x8x8x128xf32, #tpu.memory_space<vmem>>, vector<16xf32>,
        tpu.vector_store %arg10[%parallel_loop3A_820, %parallel_loop3A_821, %parallel_loop3A_822, %parallel_loop3A_823], %parallel_loop3A_817 {strides = array<i32>} : memref<3x8x8x128xf32, #tpu.memory_space<vmem>>, vector<16xf32>,
        %parallel_loop3A_825 = arith.constant dense<true> : vector<16xi1>
        %parallel_loop3A_826 = arith.xori %parallel_loop3A_788, %parallel_loop3A_825 : vector<16xi1>
        %parallel_loop3A_827 = arith.andi %parallel_loop3A_826, %parallel_loop3A_791 : vector<16xi1>
        %parallel_loop3A_828 = arith.select %parallel_loop3A_827, %parallel_loop3A_806, %parallel_loop3A_778 : vector<16xi1>, vector<16xf32>
        %parallel_loop3A_829 = arith.index_cast %rem3A_311 : i32 to index
        %parallel_loop3A_830 = arith.index_cast %parallel_loop3A_448 : i32 to index
        %parallel_loop3A_831 = arith.index_cast %parallel_loop3A_458 : i32 to index
        %parallel_loop3A_832 = arith.constant 48 : index
        %parallel_loop3A_833 = tpu.vector_load %arg11[%parallel_loop3A_829, %parallel_loop3A_830, %parallel_loop3A_831, %parallel_loop3A_832] {strides = array<i32>} : memref<3x8x8x128xf32, #tpu.memory_space<vmem>>, vector<16xf32>,
        tpu.vector_store %arg11[%parallel_loop3A_829, %parallel_loop3A_830, %parallel_loop3A_831, %parallel_loop3A_832], %parallel_loop3A_828 {strides = array<i32>} : memref<3x8x8x128xf32, #tpu.memory_space<vmem>>, vector<16xf32>,
        %parallel_loop3A_834 = arith.constant dense<true> : vector<16xi1>
        %parallel_loop3A_835 = arith.xori %parallel_loop3A_788, %parallel_loop3A_834 : vector<16xi1>
        %parallel_loop3A_836 = arith.constant dense<true> : vector<16xi1>
        %parallel_loop3A_837 = arith.xori %parallel_loop3A_791, %parallel_loop3A_836 : vector<16xi1>
        %parallel_loop3A_838 = arith.andi %parallel_loop3A_835, %parallel_loop3A_837 : vector<16xi1>
        %parallel_loop3A_839 = arith.select %parallel_loop3A_838, %parallel_loop3A_806, %parallel_loop3A_785 : vector<16xi1>, vector<16xf32>
        %parallel_loop3A_840 = arith.constant 1 : i32
        %parallel_loop3A_841 = arith.addi %parallel_loop3A_458, %parallel_loop3A_840 : i32
        %parallel_loop3A_842 = arith.index_cast %rem3A_311 : i32 to index
        %parallel_loop3A_843 = arith.index_cast %parallel_loop3A_448 : i32 to index
        %parallel_loop3A_844 = arith.index_cast %parallel_loop3A_841 : i32 to index
        %parallel_loop3A_845 = arith.constant 48 : index
        %parallel_loop3A_846 = tpu.vector_load %arg11[%parallel_loop3A_842, %parallel_loop3A_843, %parallel_loop3A_844, %parallel_loop3A_845] {strides = array<i32>} : memref<3x8x8x128xf32, #tpu.memory_space<vmem>>, vector<16xf32>,
        tpu.vector_store %arg11[%parallel_loop3A_842, %parallel_loop3A_843, %parallel_loop3A_844, %parallel_loop3A_845], %parallel_loop3A_839 {strides = array<i32>} : memref<3x8x8x128xf32, #tpu.memory_space<vmem>>, vector<16xf32>,
        %parallel_loop3A_847 = arith.constant 64 : i32
        %parallel_loop3A_848 = arith.addi %parallel_loop3A_456, %parallel_loop3A_847 : i32
        %parallel_loop3A_849 = arith.index_cast %parallel_loop3A_848 : i32 to index
        %parallel_loop3A_850 = tpu.vector_load %arg7[%parallel_loop3A_849] {strides = array<i32>} : memref<12288xi32, #tpu.memory_space<vmem>>, vector<16xi32>,
        %parallel_loop3A_851 = arith.constant 64 : i32
        %parallel_loop3A_852 = arith.addi %parallel_loop3A_456, %parallel_loop3A_851 : i32
        %parallel_loop3A_853 = arith.index_cast %parallel_loop3A_852 : i32 to index
        %parallel_loop3A_854 = tpu.vector_load %arg8[%parallel_loop3A_853] {strides = array<i32>} : memref<12288xi32, #tpu.memory_space<vmem>>, vector<16xi32>,
        %parallel_loop3A_855 = arith.constant 64 : i32
        %parallel_loop3A_856 = arith.addi %parallel_loop3A_456, %parallel_loop3A_855 : i32
        %parallel_loop3A_857 = arith.index_cast %parallel_loop3A_856 : i32 to index
        %parallel_loop3A_858 = tpu.vector_load %arg9[%parallel_loop3A_857] {strides = array<i32>} : memref<12288xf32, #tpu.memory_space<vmem>>, vector<16xf32>,
        %parallel_loop3A_859 = arith.index_cast %rem3A_311 : i32 to index
        %parallel_loop3A_860 = arith.index_cast %parallel_loop3A_448 : i32 to index
        %parallel_loop3A_861 = arith.index_cast %parallel_loop3A_458 : i32 to index
        %parallel_loop3A_862 = arith.constant 64 : index
        %parallel_loop3A_863 = tpu.vector_load %arg10[%parallel_loop3A_859, %parallel_loop3A_860, %parallel_loop3A_861, %parallel_loop3A_862] {strides = array<i32>} : memref<3x8x8x128xf32, #tpu.memory_space<vmem>>, vector<16xf32>,
        %parallel_loop3A_864 = arith.constant 1 : i32
        %parallel_loop3A_865 = arith.addi %parallel_loop3A_458, %parallel_loop3A_864 : i32
        %parallel_loop3A_866 = arith.index_cast %rem3A_311 : i32 to index
        %parallel_loop3A_867 = arith.index_cast %parallel_loop3A_448 : i32 to index
        %parallel_loop3A_868 = arith.index_cast %parallel_loop3A_865 : i32 to index
        %parallel_loop3A_869 = arith.constant 64 : index
        %parallel_loop3A_870 = tpu.vector_load %arg10[%parallel_loop3A_866, %parallel_loop3A_867, %parallel_loop3A_868, %parallel_loop3A_869] {strides = array<i32>} : memref<3x8x8x128xf32, #tpu.memory_space<vmem>>, vector<16xf32>,
        %parallel_loop3A_871 = arith.index_cast %rem3A_311 : i32 to index
        %parallel_loop3A_872 = arith.index_cast %parallel_loop3A_448 : i32 to index
        %parallel_loop3A_873 = arith.index_cast %parallel_loop3A_458 : i32 to index
        %parallel_loop3A_874 = arith.constant 64 : index
        %parallel_loop3A_875 = tpu.vector_load %arg11[%parallel_loop3A_871, %parallel_loop3A_872, %parallel_loop3A_873, %parallel_loop3A_874] {strides = array<i32>} : memref<3x8x8x128xf32, #tpu.memory_space<vmem>>, vector<16xf32>,
        %parallel_loop3A_876 = arith.constant 1 : i32
        %parallel_loop3A_877 = arith.addi %parallel_loop3A_458, %parallel_loop3A_876 : i32
        %parallel_loop3A_878 = arith.index_cast %rem3A_311 : i32 to index
        %parallel_loop3A_879 = arith.index_cast %parallel_loop3A_448 : i32 to index
        %parallel_loop3A_880 = arith.index_cast %parallel_loop3A_877 : i32 to index
        %parallel_loop3A_881 = arith.constant 64 : index
        %parallel_loop3A_882 = tpu.vector_load %arg11[%parallel_loop3A_878, %parallel_loop3A_879, %parallel_loop3A_880, %parallel_loop3A_881] {strides = array<i32>} : memref<3x8x8x128xf32, #tpu.memory_space<vmem>>, vector<16xf32>,
        %parallel_loop3A_883 = arith.constant 0 : i32
        %parallel_loop3A_884 = vector.broadcast %parallel_loop3A_883 : i32 to vector<16xi32>
        %parallel_loop3A_885 = arith.cmpi eq, %parallel_loop3A_850, %parallel_loop3A_884 : vector<16xi32>
        %parallel_loop3A_886 = arith.constant 0 : i32
        %parallel_loop3A_887 = vector.broadcast %parallel_loop3A_886 : i32 to vector<16xi32>
        %parallel_loop3A_888 = arith.cmpi eq, %parallel_loop3A_854, %parallel_loop3A_887 : vector<16xi32>
        %parallel_loop3A_889 = arith.select %parallel_loop3A_888, %parallel_loop3A_863, %parallel_loop3A_875 : vector<16xi1>, vector<16xf32>
        %parallel_loop3A_890 = arith.select %parallel_loop3A_888, %parallel_loop3A_870, %parallel_loop3A_882 : vector<16xi1>, vector<16xf32>
        %parallel_loop3A_891 = arith.maximumf %parallel_loop3A_889, %parallel_loop3A_890 : vector<16xf32>
        %parallel_loop3A_892 = arith.select %parallel_loop3A_888, %parallel_loop3A_863, %parallel_loop3A_870 : vector<16xi1>, vector<16xf32>
        %parallel_loop3A_893 = arith.select %parallel_loop3A_888, %parallel_loop3A_875, %parallel_loop3A_882 : vector<16xi1>, vector<16xf32>
        %parallel_loop3A_894 = arith.select %parallel_loop3A_885, %parallel_loop3A_892, %parallel_loop3A_893 : vector<16xi1>, vector<16xf32>
        %parallel_loop3A_895 = arith.constant 8.000000e-01 : f32
        %parallel_loop3A_896 = vector.broadcast %parallel_loop3A_895 : f32 to vector<16xf32>
        %parallel_loop3A_897 = arith.mulf %parallel_loop3A_896, %parallel_loop3A_891 : vector<16xf32>
        %parallel_loop3A_898 = arith.addf %parallel_loop3A_858, %parallel_loop3A_897 : vector<16xf32>
        %parallel_loop3A_899 = arith.subf %parallel_loop3A_898, %parallel_loop3A_894 : vector<16xf32>
        %parallel_loop3A_900 = arith.constant 8.000000e-01 : f32
        %parallel_loop3A_901 = vector.broadcast %parallel_loop3A_900 : f32 to vector<16xf32>
        %parallel_loop3A_902 = arith.mulf %parallel_loop3A_901, %parallel_loop3A_899 : vector<16xf32>
        %parallel_loop3A_903 = arith.addf %parallel_loop3A_894, %parallel_loop3A_902 : vector<16xf32>
        %parallel_loop3A_904 = arith.andi %parallel_loop3A_885, %parallel_loop3A_888 : vector<16xi1>
        %parallel_loop3A_905 = arith.select %parallel_loop3A_904, %parallel_loop3A_903, %parallel_loop3A_863 : vector<16xi1>, vector<16xf32>
        %parallel_loop3A_906 = arith.index_cast %rem3A_311 : i32 to index
        %parallel_loop3A_907 = arith.index_cast %parallel_loop3A_448 : i32 to index
        %parallel_loop3A_908 = arith.index_cast %parallel_loop3A_458 : i32 to index
        %parallel_loop3A_909 = arith.constant 64 : index
        %parallel_loop3A_910 = tpu.vector_load %arg10[%parallel_loop3A_906, %parallel_loop3A_907, %parallel_loop3A_908, %parallel_loop3A_909] {strides = array<i32>} : memref<3x8x8x128xf32, #tpu.memory_space<vmem>>, vector<16xf32>,
        tpu.vector_store %arg10[%parallel_loop3A_906, %parallel_loop3A_907, %parallel_loop3A_908, %parallel_loop3A_909], %parallel_loop3A_905 {strides = array<i32>} : memref<3x8x8x128xf32, #tpu.memory_space<vmem>>, vector<16xf32>,
        %parallel_loop3A_911 = arith.constant dense<true> : vector<16xi1>
        %parallel_loop3A_912 = arith.xori %parallel_loop3A_888, %parallel_loop3A_911 : vector<16xi1>
        %parallel_loop3A_913 = arith.andi %parallel_loop3A_885, %parallel_loop3A_912 : vector<16xi1>
        %parallel_loop3A_914 = arith.select %parallel_loop3A_913, %parallel_loop3A_903, %parallel_loop3A_870 : vector<16xi1>, vector<16xf32>
        %parallel_loop3A_915 = arith.constant 1 : i32
        %parallel_loop3A_916 = arith.addi %parallel_loop3A_458, %parallel_loop3A_915 : i32
        %parallel_loop3A_917 = arith.index_cast %rem3A_311 : i32 to index
        %parallel_loop3A_918 = arith.index_cast %parallel_loop3A_448 : i32 to index
        %parallel_loop3A_919 = arith.index_cast %parallel_loop3A_916 : i32 to index
        %parallel_loop3A_920 = arith.constant 64 : index
        %parallel_loop3A_921 = tpu.vector_load %arg10[%parallel_loop3A_917, %parallel_loop3A_918, %parallel_loop3A_919, %parallel_loop3A_920] {strides = array<i32>} : memref<3x8x8x128xf32, #tpu.memory_space<vmem>>, vector<16xf32>,
        tpu.vector_store %arg10[%parallel_loop3A_917, %parallel_loop3A_918, %parallel_loop3A_919, %parallel_loop3A_920], %parallel_loop3A_914 {strides = array<i32>} : memref<3x8x8x128xf32, #tpu.memory_space<vmem>>, vector<16xf32>,
        %parallel_loop3A_922 = arith.constant dense<true> : vector<16xi1>
        %parallel_loop3A_923 = arith.xori %parallel_loop3A_885, %parallel_loop3A_922 : vector<16xi1>
        %parallel_loop3A_924 = arith.andi %parallel_loop3A_923, %parallel_loop3A_888 : vector<16xi1>
        %parallel_loop3A_925 = arith.select %parallel_loop3A_924, %parallel_loop3A_903, %parallel_loop3A_875 : vector<16xi1>, vector<16xf32>
        %parallel_loop3A_926 = arith.index_cast %rem3A_311 : i32 to index
        %parallel_loop3A_927 = arith.index_cast %parallel_loop3A_448 : i32 to index
        %parallel_loop3A_928 = arith.index_cast %parallel_loop3A_458 : i32 to index
        %parallel_loop3A_929 = arith.constant 64 : index
        %parallel_loop3A_930 = tpu.vector_load %arg11[%parallel_loop3A_926, %parallel_loop3A_927, %parallel_loop3A_928, %parallel_loop3A_929] {strides = array<i32>} : memref<3x8x8x128xf32, #tpu.memory_space<vmem>>, vector<16xf32>,
        tpu.vector_store %arg11[%parallel_loop3A_926, %parallel_loop3A_927, %parallel_loop3A_928, %parallel_loop3A_929], %parallel_loop3A_925 {strides = array<i32>} : memref<3x8x8x128xf32, #tpu.memory_space<vmem>>, vector<16xf32>,
        %parallel_loop3A_931 = arith.constant dense<true> : vector<16xi1>
        %parallel_loop3A_932 = arith.xori %parallel_loop3A_885, %parallel_loop3A_931 : vector<16xi1>
        %parallel_loop3A_933 = arith.constant dense<true> : vector<16xi1>
        %parallel_loop3A_934 = arith.xori %parallel_loop3A_888, %parallel_loop3A_933 : vector<16xi1>
        %parallel_loop3A_935 = arith.andi %parallel_loop3A_932, %parallel_loop3A_934 : vector<16xi1>
        %parallel_loop3A_936 = arith.select %parallel_loop3A_935, %parallel_loop3A_903, %parallel_loop3A_882 : vector<16xi1>, vector<16xf32>
        %parallel_loop3A_937 = arith.constant 1 : i32
        %parallel_loop3A_938 = arith.addi %parallel_loop3A_458, %parallel_loop3A_937 : i32
        %parallel_loop3A_939 = arith.index_cast %rem3A_311 : i32 to index
        %parallel_loop3A_940 = arith.index_cast %parallel_loop3A_448 : i32 to index
        %parallel_loop3A_941 = arith.index_cast %parallel_loop3A_938 : i32 to index
        %parallel_loop3A_942 = arith.constant 64 : index
        %parallel_loop3A_943 = tpu.vector_load %arg11[%parallel_loop3A_939, %parallel_loop3A_940, %parallel_loop3A_941, %parallel_loop3A_942] {strides = array<i32>} : memref<3x8x8x128xf32, #tpu.memory_space<vmem>>, vector<16xf32>,
        tpu.vector_store %arg11[%parallel_loop3A_939, %parallel_loop3A_940, %parallel_loop3A_941, %parallel_loop3A_942], %parallel_loop3A_936 {strides = array<i32>} : memref<3x8x8x128xf32, #tpu.memory_space<vmem>>, vector<16xf32>,
        %parallel_loop3A_944 = arith.constant 80 : i32
        %parallel_loop3A_945 = arith.addi %parallel_loop3A_456, %parallel_loop3A_944 : i32
        %parallel_loop3A_946 = arith.index_cast %parallel_loop3A_945 : i32 to index
        %parallel_loop3A_947 = tpu.vector_load %arg7[%parallel_loop3A_946] {strides = array<i32>} : memref<12288xi32, #tpu.memory_space<vmem>>, vector<16xi32>,
        %parallel_loop3A_948 = arith.constant 80 : i32
        %parallel_loop3A_949 = arith.addi %parallel_loop3A_456, %parallel_loop3A_948 : i32
        %parallel_loop3A_950 = arith.index_cast %parallel_loop3A_949 : i32 to index
        %parallel_loop3A_951 = tpu.vector_load %arg8[%parallel_loop3A_950] {strides = array<i32>} : memref<12288xi32, #tpu.memory_space<vmem>>, vector<16xi32>,
        %parallel_loop3A_952 = arith.constant 80 : i32
        %parallel_loop3A_953 = arith.addi %parallel_loop3A_456, %parallel_loop3A_952 : i32
        %parallel_loop3A_954 = arith.index_cast %parallel_loop3A_953 : i32 to index
        %parallel_loop3A_955 = tpu.vector_load %arg9[%parallel_loop3A_954] {strides = array<i32>} : memref<12288xf32, #tpu.memory_space<vmem>>, vector<16xf32>,
        %parallel_loop3A_956 = arith.index_cast %rem3A_311 : i32 to index
        %parallel_loop3A_957 = arith.index_cast %parallel_loop3A_448 : i32 to index
        %parallel_loop3A_958 = arith.index_cast %parallel_loop3A_458 : i32 to index
        %parallel_loop3A_959 = arith.constant 80 : index
        %parallel_loop3A_960 = tpu.vector_load %arg10[%parallel_loop3A_956, %parallel_loop3A_957, %parallel_loop3A_958, %parallel_loop3A_959] {strides = array<i32>} : memref<3x8x8x128xf32, #tpu.memory_space<vmem>>, vector<16xf32>,
        %parallel_loop3A_961 = arith.constant 1 : i32
        %parallel_loop3A_962 = arith.addi %parallel_loop3A_458, %parallel_loop3A_961 : i32
        %parallel_loop3A_963 = arith.index_cast %rem3A_311 : i32 to index
        %parallel_loop3A_964 = arith.index_cast %parallel_loop3A_448 : i32 to index
        %parallel_loop3A_965 = arith.index_cast %parallel_loop3A_962 : i32 to index
        %parallel_loop3A_966 = arith.constant 80 : index
        %parallel_loop3A_967 = tpu.vector_load %arg10[%parallel_loop3A_963, %parallel_loop3A_964, %parallel_loop3A_965, %parallel_loop3A_966] {strides = array<i32>} : memref<3x8x8x128xf32, #tpu.memory_space<vmem>>, vector<16xf32>,
        %parallel_loop3A_968 = arith.index_cast %rem3A_311 : i32 to index
        %parallel_loop3A_969 = arith.index_cast %parallel_loop3A_448 : i32 to index
        %parallel_loop3A_970 = arith.index_cast %parallel_loop3A_458 : i32 to index
        %parallel_loop3A_971 = arith.constant 80 : index
        %parallel_loop3A_972 = tpu.vector_load %arg11[%parallel_loop3A_968, %parallel_loop3A_969, %parallel_loop3A_970, %parallel_loop3A_971] {strides = array<i32>} : memref<3x8x8x128xf32, #tpu.memory_space<vmem>>, vector<16xf32>,
        %parallel_loop3A_973 = arith.constant 1 : i32
        %parallel_loop3A_974 = arith.addi %parallel_loop3A_458, %parallel_loop3A_973 : i32
        %parallel_loop3A_975 = arith.index_cast %rem3A_311 : i32 to index
        %parallel_loop3A_976 = arith.index_cast %parallel_loop3A_448 : i32 to index
        %parallel_loop3A_977 = arith.index_cast %parallel_loop3A_974 : i32 to index
        %parallel_loop3A_978 = arith.constant 80 : index
        %parallel_loop3A_979 = tpu.vector_load %arg11[%parallel_loop3A_975, %parallel_loop3A_976, %parallel_loop3A_977, %parallel_loop3A_978] {strides = array<i32>} : memref<3x8x8x128xf32, #tpu.memory_space<vmem>>, vector<16xf32>,
        %parallel_loop3A_980 = arith.constant 0 : i32
        %parallel_loop3A_981 = vector.broadcast %parallel_loop3A_980 : i32 to vector<16xi32>
        %parallel_loop3A_982 = arith.cmpi eq, %parallel_loop3A_947, %parallel_loop3A_981 : vector<16xi32>
        %parallel_loop3A_983 = arith.constant 0 : i32
        %parallel_loop3A_984 = vector.broadcast %parallel_loop3A_983 : i32 to vector<16xi32>
        %parallel_loop3A_985 = arith.cmpi eq, %parallel_loop3A_951, %parallel_loop3A_984 : vector<16xi32>
        %parallel_loop3A_986 = arith.select %parallel_loop3A_985, %parallel_loop3A_960, %parallel_loop3A_972 : vector<16xi1>, vector<16xf32>
        %parallel_loop3A_987 = arith.select %parallel_loop3A_985, %parallel_loop3A_967, %parallel_loop3A_979 : vector<16xi1>, vector<16xf32>
        %parallel_loop3A_988 = arith.maximumf %parallel_loop3A_986, %parallel_loop3A_987 : vector<16xf32>
        %parallel_loop3A_989 = arith.select %parallel_loop3A_985, %parallel_loop3A_960, %parallel_loop3A_967 : vector<16xi1>, vector<16xf32>
        %parallel_loop3A_990 = arith.select %parallel_loop3A_985, %parallel_loop3A_972, %parallel_loop3A_979 : vector<16xi1>, vector<16xf32>
        %parallel_loop3A_991 = arith.select %parallel_loop3A_982, %parallel_loop3A_989, %parallel_loop3A_990 : vector<16xi1>, vector<16xf32>
        %parallel_loop3A_992 = arith.constant 8.000000e-01 : f32
        %parallel_loop3A_993 = vector.broadcast %parallel_loop3A_992 : f32 to vector<16xf32>
        %parallel_loop3A_994 = arith.mulf %parallel_loop3A_993, %parallel_loop3A_988 : vector<16xf32>
        %parallel_loop3A_995 = arith.addf %parallel_loop3A_955, %parallel_loop3A_994 : vector<16xf32>
        %parallel_loop3A_996 = arith.subf %parallel_loop3A_995, %parallel_loop3A_991 : vector<16xf32>
        %parallel_loop3A_997 = arith.constant 8.000000e-01 : f32
        %parallel_loop3A_998 = vector.broadcast %parallel_loop3A_997 : f32 to vector<16xf32>
        %parallel_loop3A_999 = arith.mulf %parallel_loop3A_998, %parallel_loop3A_996 : vector<16xf32>
        %parallel_loop3A_1000 = arith.addf %parallel_loop3A_991, %parallel_loop3A_999 : vector<16xf32>
        %parallel_loop3A_1001 = arith.andi %parallel_loop3A_982, %parallel_loop3A_985 : vector<16xi1>
        %parallel_loop3A_1002 = arith.select %parallel_loop3A_1001, %parallel_loop3A_1000, %parallel_loop3A_960 : vector<16xi1>, vector<16xf32>
        %parallel_loop3A_1003 = arith.index_cast %rem3A_311 : i32 to index
        %parallel_loop3A_1004 = arith.index_cast %parallel_loop3A_448 : i32 to index
        %parallel_loop3A_1005 = arith.index_cast %parallel_loop3A_458 : i32 to index
        %parallel_loop3A_1006 = arith.constant 80 : index
        %parallel_loop3A_1007 = tpu.vector_load %arg10[%parallel_loop3A_1003, %parallel_loop3A_1004, %parallel_loop3A_1005, %parallel_loop3A_1006] {strides = array<i32>} : memref<3x8x8x128xf32, #tpu.memory_space<vmem>>, vector<16xf32>,
        tpu.vector_store %arg10[%parallel_loop3A_1003, %parallel_loop3A_1004, %parallel_loop3A_1005, %parallel_loop3A_1006], %parallel_loop3A_1002 {strides = array<i32>} : memref<3x8x8x128xf32, #tpu.memory_space<vmem>>, vector<16xf32>,
        %parallel_loop3A_1008 = arith.constant dense<true> : vector<16xi1>
        %parallel_loop3A_1009 = arith.xori %parallel_loop3A_985, %parallel_loop3A_1008 : vector<16xi1>
        %parallel_loop3A_1010 = arith.andi %parallel_loop3A_982, %parallel_loop3A_1009 : vector<16xi1>
        %parallel_loop3A_1011 = arith.select %parallel_loop3A_1010, %parallel_loop3A_1000, %parallel_loop3A_967 : vector<16xi1>, vector<16xf32>
        %parallel_loop3A_1012 = arith.constant 1 : i32
        %parallel_loop3A_1013 = arith.addi %parallel_loop3A_458, %parallel_loop3A_1012 : i32
        %parallel_loop3A_1014 = arith.index_cast %rem3A_311 : i32 to index
        %parallel_loop3A_1015 = arith.index_cast %parallel_loop3A_448 : i32 to index
        %parallel_loop3A_1016 = arith.index_cast %parallel_loop3A_1013 : i32 to index
        %parallel_loop3A_1017 = arith.constant 80 : index
        %parallel_loop3A_1018 = tpu.vector_load %arg10[%parallel_loop3A_1014, %parallel_loop3A_1015, %parallel_loop3A_1016, %parallel_loop3A_1017] {strides = array<i32>} : memref<3x8x8x128xf32, #tpu.memory_space<vmem>>, vector<16xf32>,
        tpu.vector_store %arg10[%parallel_loop3A_1014, %parallel_loop3A_1015, %parallel_loop3A_1016, %parallel_loop3A_1017], %parallel_loop3A_1011 {strides = array<i32>} : memref<3x8x8x128xf32, #tpu.memory_space<vmem>>, vector<16xf32>,
        %parallel_loop3A_1019 = arith.constant dense<true> : vector<16xi1>
        %parallel_loop3A_1020 = arith.xori %parallel_loop3A_982, %parallel_loop3A_1019 : vector<16xi1>
        %parallel_loop3A_1021 = arith.andi %parallel_loop3A_1020, %parallel_loop3A_985 : vector<16xi1>
        %parallel_loop3A_1022 = arith.select %parallel_loop3A_1021, %parallel_loop3A_1000, %parallel_loop3A_972 : vector<16xi1>, vector<16xf32>
        %parallel_loop3A_1023 = arith.index_cast %rem3A_311 : i32 to index
        %parallel_loop3A_1024 = arith.index_cast %parallel_loop3A_448 : i32 to index
        %parallel_loop3A_1025 = arith.index_cast %parallel_loop3A_458 : i32 to index
        %parallel_loop3A_1026 = arith.constant 80 : index
        %parallel_loop3A_1027 = tpu.vector_load %arg11[%parallel_loop3A_1023, %parallel_loop3A_1024, %parallel_loop3A_1025, %parallel_loop3A_1026] {strides = array<i32>} : memref<3x8x8x128xf32, #tpu.memory_space<vmem>>, vector<16xf32>,
        tpu.vector_store %arg11[%parallel_loop3A_1023, %parallel_loop3A_1024, %parallel_loop3A_1025, %parallel_loop3A_1026], %parallel_loop3A_1022 {strides = array<i32>} : memref<3x8x8x128xf32, #tpu.memory_space<vmem>>, vector<16xf32>,
        %parallel_loop3A_1028 = arith.constant dense<true> : vector<16xi1>
        %parallel_loop3A_1029 = arith.xori %parallel_loop3A_982, %parallel_loop3A_1028 : vector<16xi1>
        %parallel_loop3A_1030 = arith.constant dense<true> : vector<16xi1>
        %parallel_loop3A_1031 = arith.xori %parallel_loop3A_985, %parallel_loop3A_1030 : vector<16xi1>
        %parallel_loop3A_1032 = arith.andi %parallel_loop3A_1029, %parallel_loop3A_1031 : vector<16xi1>
        %parallel_loop3A_1033 = arith.select %parallel_loop3A_1032, %parallel_loop3A_1000, %parallel_loop3A_979 : vector<16xi1>, vector<16xf32>
        %parallel_loop3A_1034 = arith.constant 1 : i32
        %parallel_loop3A_1035 = arith.addi %parallel_loop3A_458, %parallel_loop3A_1034 : i32
        %parallel_loop3A_1036 = arith.index_cast %rem3A_311 : i32 to index
        %parallel_loop3A_1037 = arith.index_cast %parallel_loop3A_448 : i32 to index
        %parallel_loop3A_1038 = arith.index_cast %parallel_loop3A_1035 : i32 to index
        %parallel_loop3A_1039 = arith.constant 80 : index
        %parallel_loop3A_1040 = tpu.vector_load %arg11[%parallel_loop3A_1036, %parallel_loop3A_1037, %parallel_loop3A_1038, %parallel_loop3A_1039] {strides = array<i32>} : memref<3x8x8x128xf32, #tpu.memory_space<vmem>>, vector<16xf32>,
        tpu.vector_store %arg11[%parallel_loop3A_1036, %parallel_loop3A_1037, %parallel_loop3A_1038, %parallel_loop3A_1039], %parallel_loop3A_1033 {strides = array<i32>} : memref<3x8x8x128xf32, #tpu.memory_space<vmem>>, vector<16xf32>,
        %parallel_loop3A_1041 = arith.constant 96 : i32
        %parallel_loop3A_1042 = arith.addi %parallel_loop3A_456, %parallel_loop3A_1041 : i32
        %parallel_loop3A_1043 = arith.index_cast %parallel_loop3A_1042 : i32 to index
        %parallel_loop3A_1044 = tpu.vector_load %arg7[%parallel_loop3A_1043] {strides = array<i32>} : memref<12288xi32, #tpu.memory_space<vmem>>, vector<16xi32>,
        %parallel_loop3A_1045 = arith.constant 96 : i32
        %parallel_loop3A_1046 = arith.addi %parallel_loop3A_456, %parallel_loop3A_1045 : i32
        %parallel_loop3A_1047 = arith.index_cast %parallel_loop3A_1046 : i32 to index
        %parallel_loop3A_1048 = tpu.vector_load %arg8[%parallel_loop3A_1047] {strides = array<i32>} : memref<12288xi32, #tpu.memory_space<vmem>>, vector<16xi32>,
        %parallel_loop3A_1049 = arith.constant 96 : i32
        %parallel_loop3A_1050 = arith.addi %parallel_loop3A_456, %parallel_loop3A_1049 : i32
        %parallel_loop3A_1051 = arith.index_cast %parallel_loop3A_1050 : i32 to index
        %parallel_loop3A_1052 = tpu.vector_load %arg9[%parallel_loop3A_1051] {strides = array<i32>} : memref<12288xf32, #tpu.memory_space<vmem>>, vector<16xf32>,
        %parallel_loop3A_1053 = arith.index_cast %rem3A_311 : i32 to index
        %parallel_loop3A_1054 = arith.index_cast %parallel_loop3A_448 : i32 to index
        %parallel_loop3A_1055 = arith.index_cast %parallel_loop3A_458 : i32 to index
        %parallel_loop3A_1056 = arith.constant 96 : index
        %parallel_loop3A_1057 = tpu.vector_load %arg10[%parallel_loop3A_1053, %parallel_loop3A_1054, %parallel_loop3A_1055, %parallel_loop3A_1056] {strides = array<i32>} : memref<3x8x8x128xf32, #tpu.memory_space<vmem>>, vector<16xf32>,
        %parallel_loop3A_1058 = arith.constant 1 : i32
        %parallel_loop3A_1059 = arith.addi %parallel_loop3A_458, %parallel_loop3A_1058 : i32
        %parallel_loop3A_1060 = arith.index_cast %rem3A_311 : i32 to index
        %parallel_loop3A_1061 = arith.index_cast %parallel_loop3A_448 : i32 to index
        %parallel_loop3A_1062 = arith.index_cast %parallel_loop3A_1059 : i32 to index
        %parallel_loop3A_1063 = arith.constant 96 : index
        %parallel_loop3A_1064 = tpu.vector_load %arg10[%parallel_loop3A_1060, %parallel_loop3A_1061, %parallel_loop3A_1062, %parallel_loop3A_1063] {strides = array<i32>} : memref<3x8x8x128xf32, #tpu.memory_space<vmem>>, vector<16xf32>,
        %parallel_loop3A_1065 = arith.index_cast %rem3A_311 : i32 to index
        %parallel_loop3A_1066 = arith.index_cast %parallel_loop3A_448 : i32 to index
        %parallel_loop3A_1067 = arith.index_cast %parallel_loop3A_458 : i32 to index
        %parallel_loop3A_1068 = arith.constant 96 : index
        %parallel_loop3A_1069 = tpu.vector_load %arg11[%parallel_loop3A_1065, %parallel_loop3A_1066, %parallel_loop3A_1067, %parallel_loop3A_1068] {strides = array<i32>} : memref<3x8x8x128xf32, #tpu.memory_space<vmem>>, vector<16xf32>,
        %parallel_loop3A_1070 = arith.constant 1 : i32
        %parallel_loop3A_1071 = arith.addi %parallel_loop3A_458, %parallel_loop3A_1070 : i32
        %parallel_loop3A_1072 = arith.index_cast %rem3A_311 : i32 to index
        %parallel_loop3A_1073 = arith.index_cast %parallel_loop3A_448 : i32 to index
        %parallel_loop3A_1074 = arith.index_cast %parallel_loop3A_1071 : i32 to index
        %parallel_loop3A_1075 = arith.constant 96 : index
        %parallel_loop3A_1076 = tpu.vector_load %arg11[%parallel_loop3A_1072, %parallel_loop3A_1073, %parallel_loop3A_1074, %parallel_loop3A_1075] {strides = array<i32>} : memref<3x8x8x128xf32, #tpu.memory_space<vmem>>, vector<16xf32>,
        %parallel_loop3A_1077 = arith.constant 0 : i32
        %parallel_loop3A_1078 = vector.broadcast %parallel_loop3A_1077 : i32 to vector<16xi32>
        %parallel_loop3A_1079 = arith.cmpi eq, %parallel_loop3A_1044, %parallel_loop3A_1078 : vector<16xi32>
        %parallel_loop3A_1080 = arith.constant 0 : i32
        %parallel_loop3A_1081 = vector.broadcast %parallel_loop3A_1080 : i32 to vector<16xi32>
        %parallel_loop3A_1082 = arith.cmpi eq, %parallel_loop3A_1048, %parallel_loop3A_1081 : vector<16xi32>
        %parallel_loop3A_1083 = arith.select %parallel_loop3A_1082, %parallel_loop3A_1057, %parallel_loop3A_1069 : vector<16xi1>, vector<16xf32>
        %parallel_loop3A_1084 = arith.select %parallel_loop3A_1082, %parallel_loop3A_1064, %parallel_loop3A_1076 : vector<16xi1>, vector<16xf32>
        %parallel_loop3A_1085 = arith.maximumf %parallel_loop3A_1083, %parallel_loop3A_1084 : vector<16xf32>
        %parallel_loop3A_1086 = arith.select %parallel_loop3A_1082, %parallel_loop3A_1057, %parallel_loop3A_1064 : vector<16xi1>, vector<16xf32>
        %parallel_loop3A_1087 = arith.select %parallel_loop3A_1082, %parallel_loop3A_1069, %parallel_loop3A_1076 : vector<16xi1>, vector<16xf32>
        %parallel_loop3A_1088 = arith.select %parallel_loop3A_1079, %parallel_loop3A_1086, %parallel_loop3A_1087 : vector<16xi1>, vector<16xf32>
        %parallel_loop3A_1089 = arith.constant 8.000000e-01 : f32
        %parallel_loop3A_1090 = vector.broadcast %parallel_loop3A_1089 : f32 to vector<16xf32>
        %parallel_loop3A_1091 = arith.mulf %parallel_loop3A_1090, %parallel_loop3A_1085 : vector<16xf32>
        %parallel_loop3A_1092 = arith.addf %parallel_loop3A_1052, %parallel_loop3A_1091 : vector<16xf32>
        %parallel_loop3A_1093 = arith.subf %parallel_loop3A_1092, %parallel_loop3A_1088 : vector<16xf32>
        %parallel_loop3A_1094 = arith.constant 8.000000e-01 : f32
        %parallel_loop3A_1095 = vector.broadcast %parallel_loop3A_1094 : f32 to vector<16xf32>
        %parallel_loop3A_1096 = arith.mulf %parallel_loop3A_1095, %parallel_loop3A_1093 : vector<16xf32>
        %parallel_loop3A_1097 = arith.addf %parallel_loop3A_1088, %parallel_loop3A_1096 : vector<16xf32>
        %parallel_loop3A_1098 = arith.andi %parallel_loop3A_1079, %parallel_loop3A_1082 : vector<16xi1>
        %parallel_loop3A_1099 = arith.select %parallel_loop3A_1098, %parallel_loop3A_1097, %parallel_loop3A_1057 : vector<16xi1>, vector<16xf32>
        %parallel_loop3A_1100 = arith.index_cast %rem3A_311 : i32 to index
        %parallel_loop3A_1101 = arith.index_cast %parallel_loop3A_448 : i32 to index
        %parallel_loop3A_1102 = arith.index_cast %parallel_loop3A_458 : i32 to index
        %parallel_loop3A_1103 = arith.constant 96 : index
        %parallel_loop3A_1104 = tpu.vector_load %arg10[%parallel_loop3A_1100, %parallel_loop3A_1101, %parallel_loop3A_1102, %parallel_loop3A_1103] {strides = array<i32>} : memref<3x8x8x128xf32, #tpu.memory_space<vmem>>, vector<16xf32>,
        tpu.vector_store %arg10[%parallel_loop3A_1100, %parallel_loop3A_1101, %parallel_loop3A_1102, %parallel_loop3A_1103], %parallel_loop3A_1099 {strides = array<i32>} : memref<3x8x8x128xf32, #tpu.memory_space<vmem>>, vector<16xf32>,
        %parallel_loop3A_1105 = arith.constant dense<true> : vector<16xi1>
        %parallel_loop3A_1106 = arith.xori %parallel_loop3A_1082, %parallel_loop3A_1105 : vector<16xi1>
        %parallel_loop3A_1107 = arith.andi %parallel_loop3A_1079, %parallel_loop3A_1106 : vector<16xi1>
        %parallel_loop3A_1108 = arith.select %parallel_loop3A_1107, %parallel_loop3A_1097, %parallel_loop3A_1064 : vector<16xi1>, vector<16xf32>
        %parallel_loop3A_1109 = arith.constant 1 : i32
        %parallel_loop3A_1110 = arith.addi %parallel_loop3A_458, %parallel_loop3A_1109 : i32
        %parallel_loop3A_1111 = arith.index_cast %rem3A_311 : i32 to index
        %parallel_loop3A_1112 = arith.index_cast %parallel_loop3A_448 : i32 to index
        %parallel_loop3A_1113 = arith.index_cast %parallel_loop3A_1110 : i32 to index
        %parallel_loop3A_1114 = arith.constant 96 : index
        %parallel_loop3A_1115 = tpu.vector_load %arg10[%parallel_loop3A_1111, %parallel_loop3A_1112, %parallel_loop3A_1113, %parallel_loop3A_1114] {strides = array<i32>} : memref<3x8x8x128xf32, #tpu.memory_space<vmem>>, vector<16xf32>,
        tpu.vector_store %arg10[%parallel_loop3A_1111, %parallel_loop3A_1112, %parallel_loop3A_1113, %parallel_loop3A_1114], %parallel_loop3A_1108 {strides = array<i32>} : memref<3x8x8x128xf32, #tpu.memory_space<vmem>>, vector<16xf32>,
        %parallel_loop3A_1116 = arith.constant dense<true> : vector<16xi1>
        %parallel_loop3A_1117 = arith.xori %parallel_loop3A_1079, %parallel_loop3A_1116 : vector<16xi1>
        %parallel_loop3A_1118 = arith.andi %parallel_loop3A_1117, %parallel_loop3A_1082 : vector<16xi1>
        %parallel_loop3A_1119 = arith.select %parallel_loop3A_1118, %parallel_loop3A_1097, %parallel_loop3A_1069 : vector<16xi1>, vector<16xf32>
        %parallel_loop3A_1120 = arith.index_cast %rem3A_311 : i32 to index
        %parallel_loop3A_1121 = arith.index_cast %parallel_loop3A_448 : i32 to index
        %parallel_loop3A_1122 = arith.index_cast %parallel_loop3A_458 : i32 to index
        %parallel_loop3A_1123 = arith.constant 96 : index
        %parallel_loop3A_1124 = tpu.vector_load %arg11[%parallel_loop3A_1120, %parallel_loop3A_1121, %parallel_loop3A_1122, %parallel_loop3A_1123] {strides = array<i32>} : memref<3x8x8x128xf32, #tpu.memory_space<vmem>>, vector<16xf32>,
        tpu.vector_store %arg11[%parallel_loop3A_1120, %parallel_loop3A_1121, %parallel_loop3A_1122, %parallel_loop3A_1123], %parallel_loop3A_1119 {strides = array<i32>} : memref<3x8x8x128xf32, #tpu.memory_space<vmem>>, vector<16xf32>,
        %parallel_loop3A_1125 = arith.constant dense<true> : vector<16xi1>
        %parallel_loop3A_1126 = arith.xori %parallel_loop3A_1079, %parallel_loop3A_1125 : vector<16xi1>
        %parallel_loop3A_1127 = arith.constant dense<true> : vector<16xi1>
        %parallel_loop3A_1128 = arith.xori %parallel_loop3A_1082, %parallel_loop3A_1127 : vector<16xi1>
        %parallel_loop3A_1129 = arith.andi %parallel_loop3A_1126, %parallel_loop3A_1128 : vector<16xi1>
        %parallel_loop3A_1130 = arith.select %parallel_loop3A_1129, %parallel_loop3A_1097, %parallel_loop3A_1076 : vector<16xi1>, vector<16xf32>
        %parallel_loop3A_1131 = arith.constant 1 : i32
        %parallel_loop3A_1132 = arith.addi %parallel_loop3A_458, %parallel_loop3A_1131 : i32
        %parallel_loop3A_1133 = arith.index_cast %rem3A_311 : i32 to index
        %parallel_loop3A_1134 = arith.index_cast %parallel_loop3A_448 : i32 to index
        %parallel_loop3A_1135 = arith.index_cast %parallel_loop3A_1132 : i32 to index
        %parallel_loop3A_1136 = arith.constant 96 : index
        %parallel_loop3A_1137 = tpu.vector_load %arg11[%parallel_loop3A_1133, %parallel_loop3A_1134, %parallel_loop3A_1135, %parallel_loop3A_1136] {strides = array<i32>} : memref<3x8x8x128xf32, #tpu.memory_space<vmem>>, vector<16xf32>,
        tpu.vector_store %arg11[%parallel_loop3A_1133, %parallel_loop3A_1134, %parallel_loop3A_1135, %parallel_loop3A_1136], %parallel_loop3A_1130 {strides = array<i32>} : memref<3x8x8x128xf32, #tpu.memory_space<vmem>>, vector<16xf32>,
        %parallel_loop3A_1138 = arith.constant 112 : i32
        %parallel_loop3A_1139 = arith.addi %parallel_loop3A_456, %parallel_loop3A_1138 : i32
        %parallel_loop3A_1140 = arith.index_cast %parallel_loop3A_1139 : i32 to index
        %parallel_loop3A_1141 = tpu.vector_load %arg7[%parallel_loop3A_1140] {strides = array<i32>} : memref<12288xi32, #tpu.memory_space<vmem>>, vector<16xi32>,
        %parallel_loop3A_1142 = arith.constant 112 : i32
        %parallel_loop3A_1143 = arith.addi %parallel_loop3A_456, %parallel_loop3A_1142 : i32
        %parallel_loop3A_1144 = arith.index_cast %parallel_loop3A_1143 : i32 to index
        %parallel_loop3A_1145 = tpu.vector_load %arg8[%parallel_loop3A_1144] {strides = array<i32>} : memref<12288xi32, #tpu.memory_space<vmem>>, vector<16xi32>,
        %parallel_loop3A_1146 = arith.constant 112 : i32
        %parallel_loop3A_1147 = arith.addi %parallel_loop3A_456, %parallel_loop3A_1146 : i32
        %parallel_loop3A_1148 = arith.index_cast %parallel_loop3A_1147 : i32 to index
        %parallel_loop3A_1149 = tpu.vector_load %arg9[%parallel_loop3A_1148] {strides = array<i32>} : memref<12288xf32, #tpu.memory_space<vmem>>, vector<16xf32>,
        %parallel_loop3A_1150 = arith.index_cast %rem3A_311 : i32 to index
        %parallel_loop3A_1151 = arith.index_cast %parallel_loop3A_448 : i32 to index
        %parallel_loop3A_1152 = arith.index_cast %parallel_loop3A_458 : i32 to index
        %parallel_loop3A_1153 = arith.constant 112 : index
        %parallel_loop3A_1154 = tpu.vector_load %arg10[%parallel_loop3A_1150, %parallel_loop3A_1151, %parallel_loop3A_1152, %parallel_loop3A_1153] {strides = array<i32>} : memref<3x8x8x128xf32, #tpu.memory_space<vmem>>, vector<16xf32>,
        %parallel_loop3A_1155 = arith.constant 1 : i32
        %parallel_loop3A_1156 = arith.addi %parallel_loop3A_458, %parallel_loop3A_1155 : i32
        %parallel_loop3A_1157 = arith.index_cast %rem3A_311 : i32 to index
        %parallel_loop3A_1158 = arith.index_cast %parallel_loop3A_448 : i32 to index
        %parallel_loop3A_1159 = arith.index_cast %parallel_loop3A_1156 : i32 to index
        %parallel_loop3A_1160 = arith.constant 112 : index
        %parallel_loop3A_1161 = tpu.vector_load %arg10[%parallel_loop3A_1157, %parallel_loop3A_1158, %parallel_loop3A_1159, %parallel_loop3A_1160] {strides = array<i32>} : memref<3x8x8x128xf32, #tpu.memory_space<vmem>>, vector<16xf32>,
        %parallel_loop3A_1162 = arith.index_cast %rem3A_311 : i32 to index
        %parallel_loop3A_1163 = arith.index_cast %parallel_loop3A_448 : i32 to index
        %parallel_loop3A_1164 = arith.index_cast %parallel_loop3A_458 : i32 to index
        %parallel_loop3A_1165 = arith.constant 112 : index
        %parallel_loop3A_1166 = tpu.vector_load %arg11[%parallel_loop3A_1162, %parallel_loop3A_1163, %parallel_loop3A_1164, %parallel_loop3A_1165] {strides = array<i32>} : memref<3x8x8x128xf32, #tpu.memory_space<vmem>>, vector<16xf32>,
        %parallel_loop3A_1167 = arith.constant 1 : i32
        %parallel_loop3A_1168 = arith.addi %parallel_loop3A_458, %parallel_loop3A_1167 : i32
        %parallel_loop3A_1169 = arith.index_cast %rem3A_311 : i32 to index
        %parallel_loop3A_1170 = arith.index_cast %parallel_loop3A_448 : i32 to index
        %parallel_loop3A_1171 = arith.index_cast %parallel_loop3A_1168 : i32 to index
        %parallel_loop3A_1172 = arith.constant 112 : index
        %parallel_loop3A_1173 = tpu.vector_load %arg11[%parallel_loop3A_1169, %parallel_loop3A_1170, %parallel_loop3A_1171, %parallel_loop3A_1172] {strides = array<i32>} : memref<3x8x8x128xf32, #tpu.memory_space<vmem>>, vector<16xf32>,
        %parallel_loop3A_1174 = arith.constant 0 : i32
        %parallel_loop3A_1175 = vector.broadcast %parallel_loop3A_1174 : i32 to vector<16xi32>
        %parallel_loop3A_1176 = arith.cmpi eq, %parallel_loop3A_1141, %parallel_loop3A_1175 : vector<16xi32>
        %parallel_loop3A_1177 = arith.constant 0 : i32
        %parallel_loop3A_1178 = vector.broadcast %parallel_loop3A_1177 : i32 to vector<16xi32>
        %parallel_loop3A_1179 = arith.cmpi eq, %parallel_loop3A_1145, %parallel_loop3A_1178 : vector<16xi32>
        %parallel_loop3A_1180 = arith.select %parallel_loop3A_1179, %parallel_loop3A_1154, %parallel_loop3A_1166 : vector<16xi1>, vector<16xf32>
        %parallel_loop3A_1181 = arith.select %parallel_loop3A_1179, %parallel_loop3A_1161, %parallel_loop3A_1173 : vector<16xi1>, vector<16xf32>
        %parallel_loop3A_1182 = arith.maximumf %parallel_loop3A_1180, %parallel_loop3A_1181 : vector<16xf32>
        %parallel_loop3A_1183 = arith.select %parallel_loop3A_1179, %parallel_loop3A_1154, %parallel_loop3A_1161 : vector<16xi1>, vector<16xf32>
        %parallel_loop3A_1184 = arith.select %parallel_loop3A_1179, %parallel_loop3A_1166, %parallel_loop3A_1173 : vector<16xi1>, vector<16xf32>
        %parallel_loop3A_1185 = arith.select %parallel_loop3A_1176, %parallel_loop3A_1183, %parallel_loop3A_1184 : vector<16xi1>, vector<16xf32>
        %parallel_loop3A_1186 = arith.constant 8.000000e-01 : f32
        %parallel_loop3A_1187 = vector.broadcast %parallel_loop3A_1186 : f32 to vector<16xf32>
        %parallel_loop3A_1188 = arith.mulf %parallel_loop3A_1187, %parallel_loop3A_1182 : vector<16xf32>
        %parallel_loop3A_1189 = arith.addf %parallel_loop3A_1149, %parallel_loop3A_1188 : vector<16xf32>
        %parallel_loop3A_1190 = arith.subf %parallel_loop3A_1189, %parallel_loop3A_1185 : vector<16xf32>
        %parallel_loop3A_1191 = arith.constant 8.000000e-01 : f32
        %parallel_loop3A_1192 = vector.broadcast %parallel_loop3A_1191 : f32 to vector<16xf32>
        %parallel_loop3A_1193 = arith.mulf %parallel_loop3A_1192, %parallel_loop3A_1190 : vector<16xf32>
        %parallel_loop3A_1194 = arith.addf %parallel_loop3A_1185, %parallel_loop3A_1193 : vector<16xf32>
        %parallel_loop3A_1195 = arith.andi %parallel_loop3A_1176, %parallel_loop3A_1179 : vector<16xi1>
        %parallel_loop3A_1196 = arith.select %parallel_loop3A_1195, %parallel_loop3A_1194, %parallel_loop3A_1154 : vector<16xi1>, vector<16xf32>
        %parallel_loop3A_1197 = arith.index_cast %rem3A_311 : i32 to index
        %parallel_loop3A_1198 = arith.index_cast %parallel_loop3A_448 : i32 to index
        %parallel_loop3A_1199 = arith.index_cast %parallel_loop3A_458 : i32 to index
        %parallel_loop3A_1200 = arith.constant 112 : index
        %parallel_loop3A_1201 = tpu.vector_load %arg10[%parallel_loop3A_1197, %parallel_loop3A_1198, %parallel_loop3A_1199, %parallel_loop3A_1200] {strides = array<i32>} : memref<3x8x8x128xf32, #tpu.memory_space<vmem>>, vector<16xf32>,
        tpu.vector_store %arg10[%parallel_loop3A_1197, %parallel_loop3A_1198, %parallel_loop3A_1199, %parallel_loop3A_1200], %parallel_loop3A_1196 {strides = array<i32>} : memref<3x8x8x128xf32, #tpu.memory_space<vmem>>, vector<16xf32>,
        %parallel_loop3A_1202 = arith.constant dense<true> : vector<16xi1>
        %parallel_loop3A_1203 = arith.xori %parallel_loop3A_1179, %parallel_loop3A_1202 : vector<16xi1>
        %parallel_loop3A_1204 = arith.andi %parallel_loop3A_1176, %parallel_loop3A_1203 : vector<16xi1>
        %parallel_loop3A_1205 = arith.select %parallel_loop3A_1204, %parallel_loop3A_1194, %parallel_loop3A_1161 : vector<16xi1>, vector<16xf32>
        %parallel_loop3A_1206 = arith.constant 1 : i32
        %parallel_loop3A_1207 = arith.addi %parallel_loop3A_458, %parallel_loop3A_1206 : i32
        %parallel_loop3A_1208 = arith.index_cast %rem3A_311 : i32 to index
        %parallel_loop3A_1209 = arith.index_cast %parallel_loop3A_448 : i32 to index
        %parallel_loop3A_1210 = arith.index_cast %parallel_loop3A_1207 : i32 to index
        %parallel_loop3A_1211 = arith.constant 112 : index
        %parallel_loop3A_1212 = tpu.vector_load %arg10[%parallel_loop3A_1208, %parallel_loop3A_1209, %parallel_loop3A_1210, %parallel_loop3A_1211] {strides = array<i32>} : memref<3x8x8x128xf32, #tpu.memory_space<vmem>>, vector<16xf32>,
        tpu.vector_store %arg10[%parallel_loop3A_1208, %parallel_loop3A_1209, %parallel_loop3A_1210, %parallel_loop3A_1211], %parallel_loop3A_1205 {strides = array<i32>} : memref<3x8x8x128xf32, #tpu.memory_space<vmem>>, vector<16xf32>,
        %parallel_loop3A_1213 = arith.constant dense<true> : vector<16xi1>
        %parallel_loop3A_1214 = arith.xori %parallel_loop3A_1176, %parallel_loop3A_1213 : vector<16xi1>
        %parallel_loop3A_1215 = arith.andi %parallel_loop3A_1214, %parallel_loop3A_1179 : vector<16xi1>
        %parallel_loop3A_1216 = arith.select %parallel_loop3A_1215, %parallel_loop3A_1194, %parallel_loop3A_1166 : vector<16xi1>, vector<16xf32>
        %parallel_loop3A_1217 = arith.index_cast %rem3A_311 : i32 to index
        %parallel_loop3A_1218 = arith.index_cast %parallel_loop3A_448 : i32 to index
        %parallel_loop3A_1219 = arith.index_cast %parallel_loop3A_458 : i32 to index
        %parallel_loop3A_1220 = arith.constant 112 : index
        %parallel_loop3A_1221 = tpu.vector_load %arg11[%parallel_loop3A_1217, %parallel_loop3A_1218, %parallel_loop3A_1219, %parallel_loop3A_1220] {strides = array<i32>} : memref<3x8x8x128xf32, #tpu.memory_space<vmem>>, vector<16xf32>,
        tpu.vector_store %arg11[%parallel_loop3A_1217, %parallel_loop3A_1218, %parallel_loop3A_1219, %parallel_loop3A_1220], %parallel_loop3A_1216 {strides = array<i32>} : memref<3x8x8x128xf32, #tpu.memory_space<vmem>>, vector<16xf32>,
        %parallel_loop3A_1222 = arith.constant dense<true> : vector<16xi1>
        %parallel_loop3A_1223 = arith.xori %parallel_loop3A_1176, %parallel_loop3A_1222 : vector<16xi1>
        %parallel_loop3A_1224 = arith.constant dense<true> : vector<16xi1>
        %parallel_loop3A_1225 = arith.xori %parallel_loop3A_1179, %parallel_loop3A_1224 : vector<16xi1>
        %parallel_loop3A_1226 = arith.andi %parallel_loop3A_1223, %parallel_loop3A_1225 : vector<16xi1>
        %parallel_loop3A_1227 = arith.select %parallel_loop3A_1226, %parallel_loop3A_1194, %parallel_loop3A_1173 : vector<16xi1>, vector<16xf32>
        %parallel_loop3A_1228 = arith.constant 1 : i32
        %parallel_loop3A_1229 = arith.addi %parallel_loop3A_458, %parallel_loop3A_1228 : i32
        %parallel_loop3A_1230 = arith.index_cast %rem3A_311 : i32 to index
        %parallel_loop3A_1231 = arith.index_cast %parallel_loop3A_448 : i32 to index
        %parallel_loop3A_1232 = arith.index_cast %parallel_loop3A_1229 : i32 to index
        %parallel_loop3A_1233 = arith.constant 112 : index
        %parallel_loop3A_1234 = tpu.vector_load %arg11[%parallel_loop3A_1230, %parallel_loop3A_1231, %parallel_loop3A_1232, %parallel_loop3A_1233] {strides = array<i32>} : memref<3x8x8x128xf32, #tpu.memory_space<vmem>>, vector<16xf32>,
        tpu.vector_store %arg11[%parallel_loop3A_1230, %parallel_loop3A_1231, %parallel_loop3A_1232, %parallel_loop3A_1233], %parallel_loop3A_1227 {strides = array<i32>} : memref<3x8x8x128xf32, #tpu.memory_space<vmem>>, vector<16xf32>,
      } {sc.loop_unroll_factor = 1 : i64, sc.parallel_access}
      %add3A_384 = arith.constant 2 : i32
      %add3A_385 = arith.addi %scan3A_310, %add3A_384 : i32
      %lt3A = arith.constant 32 : i32
      %lt3A_386 = arith.cmpi slt, %add3A_385, %lt3A : i32
      %convert_element_type3A = arith.extui %lt3A_386 : i1 to i32
      %cond3A = arith.constant 0 : i32
      %cond3A_387 = arith.cmpi ne, %convert_element_type3A, %cond3A : i32
      scf.if %cond3A_387 {
        %add3A_444 = arith.constant 2 : i32
        %add3A_445 = arith.addi %scan3A_310, %add3A_444 : i32
        %rem3A_446 = arith.constant 3 : i32
        %rem3A_447 = arith.remsi %add3A_445, %rem3A_446 : i32
        %ge3A = arith.constant 1 : i32
        %ge3A_448 = arith.cmpi sge, %scan3A_310, %ge3A : i32
        %convert_element_type3A_449 = arith.extui %ge3A_448 : i1 to i32
        %cond3A_450 = arith.constant 0 : i32
        %cond3A_451 = arith.cmpi ne, %convert_element_type3A_449, %cond3A_450 : i32
        scf.if %cond3A_451 {
          %sub3A = arith.constant 1 : i32
          %sub3A_524 = arith.subi %scan3A_310, %sub3A : i32
          %shift_right_arithmetic3A_525 = arith.constant 2 : i32
          %shift_right_arithmetic3A_526 = arith.shrsi %sub3A_524, %shift_right_arithmetic3A_525 : i32
          %add3A_527 = arith.addi %mul3A_2, %shift_right_arithmetic3A_526 : i32
          %and3A_528 = arith.constant 3 : i32
          %and3A_529 = arith.andi %sub3A_524, %and3A_528 : i32
          %dma_wait3A_530 = arith.constant 0 : i32
          %dma_wait3A_531 = arith.constant 0 : i32
          %dma_wait3A_532 = arith.constant 0 : i32
          %dma_wait3A_533 = arith.constant 0 : i32
          %dma_wait3A_534 = tpu.memref_slice %arg10[%rem3A_447, %dma_wait3A_531, %dma_wait3A_532, %dma_wait3A_533] : memref<3x8x8x128xf32, #tpu.memory_space<vmem>> -> memref<1x8x8x128xf32, #tpu.memory_space<vmem>>
          %dma_wait3A_535 = tpu.memref_squeeze %dma_wait3A_534 : memref<1x8x8x128xf32, #tpu.memory_space<vmem>> -> memref<8x8x128xf32, #tpu.memory_space<vmem>>
          %dma_wait3A_536 = tpu.memref_reshape %arg6 : memref<131072x128xf32, #tpu.memory_space<hbm>> -> memref<2x256x8x4x8x128xf32, #tpu.memory_space<hbm>>
          %dma_wait3A_537 = arith.constant 0 : i32
          %dma_wait3A_538 = arith.constant 0 : i32
          %dma_wait3A_539 = arith.constant 0 : i32
          %dma_wait3A_540 = tpu.memref_slice %dma_wait3A_536[%dma_wait3A_530, %add3A_527, %dma_wait3A_537, %and3A_529, %dma_wait3A_538, %dma_wait3A_539] : memref<2x256x8x4x8x128xf32, #tpu.memory_space<hbm>> -> memref<1x1x8x1x8x128xf32, #tpu.memory_space<hbm>>
          %dma_wait3A_541 = tpu.memref_squeeze %dma_wait3A_540 : memref<1x1x8x1x8x128xf32, #tpu.memory_space<hbm>> -> memref<8x8x128xf32, #tpu.memory_space<hbm>>
          %dma_wait3A_542 = tpu.memref_reshape %arg6 : memref<131072x128xf32, #tpu.memory_space<hbm>> -> memref<2x256x8x4x8x128xf32, #tpu.memory_space<hbm>>
          %dma_wait3A_543 = arith.constant 0 : i32
          %dma_wait3A_544 = arith.constant 0 : i32
          %dma_wait3A_545 = arith.constant 0 : i32
          %dma_wait3A_546 = tpu.memref_slice %dma_wait3A_542[%dma_wait3A_530, %add3A_527, %dma_wait3A_543, %and3A_529, %dma_wait3A_544, %dma_wait3A_545] : memref<2x256x8x4x8x128xf32, #tpu.memory_space<hbm>> -> memref<1x1x8x1x8x128xf32, #tpu.memory_space<hbm>>
          %dma_wait3A_547 = tpu.memref_squeeze %dma_wait3A_546 : memref<1x1x8x1x8x128xf32, #tpu.memory_space<hbm>> -> memref<8x8x128xf32, #tpu.memory_space<hbm>>
          %dma_wait3A_548 = arith.constant 0 : i32
          %dma_wait3A_549 = arith.constant 0 : i32
          %dma_wait3A_550 = arith.constant 0 : i32
          %dma_wait3A_551 = tpu.memref_slice %arg10[%rem3A_447, %dma_wait3A_548, %dma_wait3A_549, %dma_wait3A_550] : memref<3x8x8x128xf32, #tpu.memory_space<vmem>> -> memref<1x8x8x128xf32, #tpu.memory_space<vmem>>
          %dma_wait3A_552 = tpu.memref_squeeze %dma_wait3A_551 : memref<1x8x8x128xf32, #tpu.memory_space<vmem>> -> memref<8x8x128xf32, #tpu.memory_space<vmem>>
          tpu.wait_dma2 semaphore(%arg13 : memref<!tpu.dma_semaphore, #tpu.memory_space<semaphore_mem>>) src(%dma_wait3A_552 : memref<8x8x128xf32, #tpu.memory_space<vmem>>) dst(%dma_wait3A_547 : memref<8x8x128xf32, #tpu.memory_space<hbm>>)
          %dma_wait3A_553 = arith.constant 1 : i32
          %dma_wait3A_554 = arith.constant 0 : i32
          %dma_wait3A_555 = arith.constant 0 : i32
          %dma_wait3A_556 = arith.constant 0 : i32
          %dma_wait3A_557 = tpu.memref_slice %arg11[%rem3A_447, %dma_wait3A_554, %dma_wait3A_555, %dma_wait3A_556] : memref<3x8x8x128xf32, #tpu.memory_space<vmem>> -> memref<1x8x8x128xf32, #tpu.memory_space<vmem>>
          %dma_wait3A_558 = tpu.memref_squeeze %dma_wait3A_557 : memref<1x8x8x128xf32, #tpu.memory_space<vmem>> -> memref<8x8x128xf32, #tpu.memory_space<vmem>>
          %dma_wait3A_559 = tpu.memref_reshape %arg6 : memref<131072x128xf32, #tpu.memory_space<hbm>> -> memref<2x256x8x4x8x128xf32, #tpu.memory_space<hbm>>
          %dma_wait3A_560 = arith.constant 0 : i32
          %dma_wait3A_561 = arith.constant 0 : i32
          %dma_wait3A_562 = arith.constant 0 : i32
          %dma_wait3A_563 = tpu.memref_slice %dma_wait3A_559[%dma_wait3A_553, %add3A_527, %dma_wait3A_560, %and3A_529, %dma_wait3A_561, %dma_wait3A_562] : memref<2x256x8x4x8x128xf32, #tpu.memory_space<hbm>> -> memref<1x1x8x1x8x128xf32, #tpu.memory_space<hbm>>
          %dma_wait3A_564 = tpu.memref_squeeze %dma_wait3A_563 : memref<1x1x8x1x8x128xf32, #tpu.memory_space<hbm>> -> memref<8x8x128xf32, #tpu.memory_space<hbm>>
          %dma_wait3A_565 = tpu.memref_reshape %arg6 : memref<131072x128xf32, #tpu.memory_space<hbm>> -> memref<2x256x8x4x8x128xf32, #tpu.memory_space<hbm>>
          %dma_wait3A_566 = arith.constant 0 : i32
          %dma_wait3A_567 = arith.constant 0 : i32
          %dma_wait3A_568 = arith.constant 0 : i32
          %dma_wait3A_569 = tpu.memref_slice %dma_wait3A_565[%dma_wait3A_553, %add3A_527, %dma_wait3A_566, %and3A_529, %dma_wait3A_567, %dma_wait3A_568] : memref<2x256x8x4x8x128xf32, #tpu.memory_space<hbm>> -> memref<1x1x8x1x8x128xf32, #tpu.memory_space<hbm>>
          %dma_wait3A_570 = tpu.memref_squeeze %dma_wait3A_569 : memref<1x1x8x1x8x128xf32, #tpu.memory_space<hbm>> -> memref<8x8x128xf32, #tpu.memory_space<hbm>>
          %dma_wait3A_571 = arith.constant 0 : i32
          %dma_wait3A_572 = arith.constant 0 : i32
          %dma_wait3A_573 = arith.constant 0 : i32
          %dma_wait3A_574 = tpu.memref_slice %arg11[%rem3A_447, %dma_wait3A_571, %dma_wait3A_572, %dma_wait3A_573] : memref<3x8x8x128xf32, #tpu.memory_space<vmem>> -> memref<1x8x8x128xf32, #tpu.memory_space<vmem>>
          %dma_wait3A_575 = tpu.memref_squeeze %dma_wait3A_574 : memref<1x8x8x128xf32, #tpu.memory_space<vmem>> -> memref<8x8x128xf32, #tpu.memory_space<vmem>>
          tpu.wait_dma2 semaphore(%arg13 : memref<!tpu.dma_semaphore, #tpu.memory_space<semaphore_mem>>) src(%dma_wait3A_575 : memref<8x8x128xf32, #tpu.memory_space<vmem>>) dst(%dma_wait3A_570 : memref<8x8x128xf32, #tpu.memory_space<hbm>>)
        } else {
        }
        %add3A_452 = arith.constant 2 : i32
        %add3A_453 = arith.addi %scan3A_310, %add3A_452 : i32
        %shift_right_arithmetic3A_454 = arith.constant 2 : i32
        %shift_right_arithmetic3A_455 = arith.shrsi %add3A_453, %shift_right_arithmetic3A_454 : i32
        %add3A_456 = arith.addi %mul3A_2, %shift_right_arithmetic3A_455 : i32
        %and3A_457 = arith.constant 3 : i32
        %and3A_458 = arith.andi %add3A_453, %and3A_457 : i32
        %mul3A_459 = arith.constant 4096 : i32
        %mul3A_460 = arith.muli %rem3A_447, %mul3A_459 : i32
        %mul3A_461 = arith.constant 16384 : i32
        %mul3A_462 = arith.muli %add3A_456, %mul3A_461 : i32
        %mul3A_463 = arith.constant 4096 : i32
        %mul3A_464 = arith.muli %and3A_458, %mul3A_463 : i32
        %add3A_465 = arith.addi %mul3A_462, %mul3A_464 : i32
        %dma_start3A_466 = tpu.memref_slice %arg7[%mul3A_460] : memref<12288xi32, #tpu.memory_space<vmem>> -> memref<4096xi32, #tpu.memory_space<vmem>>
        %dma_start3A_467 = tpu.memref_slice %arg2[%add3A_465] : memref<4194304xi32, #tpu.memory_space<hbm>> -> memref<4096xi32, #tpu.memory_space<hbm>>
        %dma_start3A_468 = tpu.memref_slice %arg7[%mul3A_460] : memref<12288xi32, #tpu.memory_space<vmem>> -> memref<4096xi32, #tpu.memory_space<vmem>>
        %dma_start3A_469 = tpu.memref_slice %arg2[%add3A_465] : memref<4194304xi32, #tpu.memory_space<hbm>> -> memref<4096xi32, #tpu.memory_space<hbm>>
        tpu.enqueue_dma source(%dma_start3A_469 : memref<4096xi32, #tpu.memory_space<hbm>>) target(%dma_start3A_468 : memref<4096xi32, #tpu.memory_space<vmem>>) target_semaphore(%arg12 : memref<!tpu.dma_semaphore, #tpu.memory_space<semaphore_mem>>)
        %dma_start3A_470 = tpu.memref_slice %arg8[%mul3A_460] : memref<12288xi32, #tpu.memory_space<vmem>> -> memref<4096xi32, #tpu.memory_space<vmem>>
        %dma_start3A_471 = tpu.memref_slice %arg3[%add3A_465] : memref<4194304xi32, #tpu.memory_space<hbm>> -> memref<4096xi32, #tpu.memory_space<hbm>>
        %dma_start3A_472 = tpu.memref_slice %arg8[%mul3A_460] : memref<12288xi32, #tpu.memory_space<vmem>> -> memref<4096xi32, #tpu.memory_space<vmem>>
        %dma_start3A_473 = tpu.memref_slice %arg3[%add3A_465] : memref<4194304xi32, #tpu.memory_space<hbm>> -> memref<4096xi32, #tpu.memory_space<hbm>>
        tpu.enqueue_dma source(%dma_start3A_473 : memref<4096xi32, #tpu.memory_space<hbm>>) target(%dma_start3A_472 : memref<4096xi32, #tpu.memory_space<vmem>>) target_semaphore(%arg12 : memref<!tpu.dma_semaphore, #tpu.memory_space<semaphore_mem>>)
        %dma_start3A_474 = tpu.memref_slice %arg9[%mul3A_460] : memref<12288xf32, #tpu.memory_space<vmem>> -> memref<4096xf32, #tpu.memory_space<vmem>>
        %dma_start3A_475 = tpu.memref_slice %arg4[%add3A_465] : memref<4194304xf32, #tpu.memory_space<hbm>> -> memref<4096xf32, #tpu.memory_space<hbm>>
        %dma_start3A_476 = tpu.memref_slice %arg9[%mul3A_460] : memref<12288xf32, #tpu.memory_space<vmem>> -> memref<4096xf32, #tpu.memory_space<vmem>>
        %dma_start3A_477 = tpu.memref_slice %arg4[%add3A_465] : memref<4194304xf32, #tpu.memory_space<hbm>> -> memref<4096xf32, #tpu.memory_space<hbm>>
        tpu.enqueue_dma source(%dma_start3A_477 : memref<4096xf32, #tpu.memory_space<hbm>>) target(%dma_start3A_476 : memref<4096xf32, #tpu.memory_space<vmem>>) target_semaphore(%arg12 : memref<!tpu.dma_semaphore, #tpu.memory_space<semaphore_mem>>)
        %dma_start3A_478 = arith.constant 0 : i32
        %dma_start3A_479 = arith.constant 0 : i32
        %dma_start3A_480 = arith.constant 0 : i32
        %dma_start3A_481 = arith.constant 0 : i32
        %dma_start3A_482 = tpu.memref_slice %arg10[%rem3A_447, %dma_start3A_479, %dma_start3A_480, %dma_start3A_481] : memref<3x8x8x128xf32, #tpu.memory_space<vmem>> -> memref<1x8x8x128xf32, #tpu.memory_space<vmem>>
        %dma_start3A_483 = tpu.memref_squeeze %dma_start3A_482 : memref<1x8x8x128xf32, #tpu.memory_space<vmem>> -> memref<8x8x128xf32, #tpu.memory_space<vmem>>
        %dma_start3A_484 = tpu.memref_reshape %arg5 : memref<131072x128xf32, #tpu.memory_space<hbm>> -> memref<2x256x8x4x8x128xf32, #tpu.memory_space<hbm>>
        %dma_start3A_485 = arith.constant 0 : i32
        %dma_start3A_486 = arith.constant 0 : i32
        %dma_start3A_487 = arith.constant 0 : i32
        %dma_start3A_488 = tpu.memref_slice %dma_start3A_484[%dma_start3A_478, %add3A_456, %dma_start3A_485, %and3A_458, %dma_start3A_486, %dma_start3A_487] : memref<2x256x8x4x8x128xf32, #tpu.memory_space<hbm>> -> memref<1x1x8x1x8x128xf32, #tpu.memory_space<hbm>>
        %dma_start3A_489 = tpu.memref_squeeze %dma_start3A_488 : memref<1x1x8x1x8x128xf32, #tpu.memory_space<hbm>> -> memref<8x8x128xf32, #tpu.memory_space<hbm>>
        %dma_start3A_490 = arith.constant 0 : i32
        %dma_start3A_491 = arith.constant 0 : i32
        %dma_start3A_492 = arith.constant 0 : i32
        %dma_start3A_493 = tpu.memref_slice %arg10[%rem3A_447, %dma_start3A_490, %dma_start3A_491, %dma_start3A_492] : memref<3x8x8x128xf32, #tpu.memory_space<vmem>> -> memref<1x8x8x128xf32, #tpu.memory_space<vmem>>
        %dma_start3A_494 = tpu.memref_squeeze %dma_start3A_493 : memref<1x8x8x128xf32, #tpu.memory_space<vmem>> -> memref<8x8x128xf32, #tpu.memory_space<vmem>>
        %dma_start3A_495 = tpu.memref_reshape %arg5 : memref<131072x128xf32, #tpu.memory_space<hbm>> -> memref<2x256x8x4x8x128xf32, #tpu.memory_space<hbm>>
        %dma_start3A_496 = arith.constant 0 : i32
        %dma_start3A_497 = arith.constant 0 : i32
        %dma_start3A_498 = arith.constant 0 : i32
        %dma_start3A_499 = tpu.memref_slice %dma_start3A_495[%dma_start3A_478, %add3A_456, %dma_start3A_496, %and3A_458, %dma_start3A_497, %dma_start3A_498] : memref<2x256x8x4x8x128xf32, #tpu.memory_space<hbm>> -> memref<1x1x8x1x8x128xf32, #tpu.memory_space<hbm>>
        %dma_start3A_500 = tpu.memref_squeeze %dma_start3A_499 : memref<1x1x8x1x8x128xf32, #tpu.memory_space<hbm>> -> memref<8x8x128xf32, #tpu.memory_space<hbm>>
        tpu.enqueue_dma source(%dma_start3A_500 : memref<8x8x128xf32, #tpu.memory_space<hbm>>) target(%dma_start3A_494 : memref<8x8x128xf32, #tpu.memory_space<vmem>>) target_semaphore(%arg12 : memref<!tpu.dma_semaphore, #tpu.memory_space<semaphore_mem>>)
        %dma_start3A_501 = arith.constant 1 : i32
        %dma_start3A_502 = arith.constant 0 : i32
        %dma_start3A_503 = arith.constant 0 : i32
        %dma_start3A_504 = arith.constant 0 : i32
        %dma_start3A_505 = tpu.memref_slice %arg11[%rem3A_447, %dma_start3A_502, %dma_start3A_503, %dma_start3A_504] : memref<3x8x8x128xf32, #tpu.memory_space<vmem>> -> memref<1x8x8x128xf32, #tpu.memory_space<vmem>>
        %dma_start3A_506 = tpu.memref_squeeze %dma_start3A_505 : memref<1x8x8x128xf32, #tpu.memory_space<vmem>> -> memref<8x8x128xf32, #tpu.memory_space<vmem>>
        %dma_start3A_507 = tpu.memref_reshape %arg5 : memref<131072x128xf32, #tpu.memory_space<hbm>> -> memref<2x256x8x4x8x128xf32, #tpu.memory_space<hbm>>
        %dma_start3A_508 = arith.constant 0 : i32
        %dma_start3A_509 = arith.constant 0 : i32
        %dma_start3A_510 = arith.constant 0 : i32
        %dma_start3A_511 = tpu.memref_slice %dma_start3A_507[%dma_start3A_501, %add3A_456, %dma_start3A_508, %and3A_458, %dma_start3A_509, %dma_start3A_510] : memref<2x256x8x4x8x128xf32, #tpu.memory_space<hbm>> -> memref<1x1x8x1x8x128xf32, #tpu.memory_space<hbm>>
        %dma_start3A_512 = tpu.memref_squeeze %dma_start3A_511 : memref<1x1x8x1x8x128xf32, #tpu.memory_space<hbm>> -> memref<8x8x128xf32, #tpu.memory_space<hbm>>
        %dma_start3A_513 = arith.constant 0 : i32
        %dma_start3A_514 = arith.constant 0 : i32
        %dma_start3A_515 = arith.constant 0 : i32
        %dma_start3A_516 = tpu.memref_slice %arg11[%rem3A_447, %dma_start3A_513, %dma_start3A_514, %dma_start3A_515] : memref<3x8x8x128xf32, #tpu.memory_space<vmem>> -> memref<1x8x8x128xf32, #tpu.memory_space<vmem>>
        %dma_start3A_517 = tpu.memref_squeeze %dma_start3A_516 : memref<1x8x8x128xf32, #tpu.memory_space<vmem>> -> memref<8x8x128xf32, #tpu.memory_space<vmem>>
        %dma_start3A_518 = tpu.memref_reshape %arg5 : memref<131072x128xf32, #tpu.memory_space<hbm>> -> memref<2x256x8x4x8x128xf32, #tpu.memory_space<hbm>>
        %dma_start3A_519 = arith.constant 0 : i32
        %dma_start3A_520 = arith.constant 0 : i32
        %dma_start3A_521 = arith.constant 0 : i32
        %dma_start3A_522 = tpu.memref_slice %dma_start3A_518[%dma_start3A_501, %add3A_456, %dma_start3A_519, %and3A_458, %dma_start3A_520, %dma_start3A_521] : memref<2x256x8x4x8x128xf32, #tpu.memory_space<hbm>> -> memref<1x1x8x1x8x128xf32, #tpu.memory_space<hbm>>
        %dma_start3A_523 = tpu.memref_squeeze %dma_start3A_522 : memref<1x1x8x1x8x128xf32, #tpu.memory_space<hbm>> -> memref<8x8x128xf32, #tpu.memory_space<hbm>>
        tpu.enqueue_dma source(%dma_start3A_523 : memref<8x8x128xf32, #tpu.memory_space<hbm>>) target(%dma_start3A_517 : memref<8x8x128xf32, #tpu.memory_space<vmem>>) target_semaphore(%arg12 : memref<!tpu.dma_semaphore, #tpu.memory_space<semaphore_mem>>)
      } else {
      }
      %mul3A_388 = arith.constant 4096 : i32
      %mul3A_389 = arith.muli %rem3A_311, %mul3A_388 : i32
      %parallel_loop3A_390 = arith.constant 0 : i32
      %parallel_loop3A_391 = arith.constant 16 : i32
      %parallel_loop3A_392 = arith.constant 1 : i32
      scf.for %parallel_loop3A_444 = %parallel_loop3A_390 to %parallel_loop3A_391 step %parallel_loop3A_392  : i32 {
        %parallel_loop3A_445 = arith.constant 16 : i32
        %parallel_loop3A_446 = arith.addi %parallel_loop3A_444, %parallel_loop3A_445 : i32
        %parallel_loop3A_447 = arith.constant 2 : i32
        %parallel_loop3A_448 = arith.shrsi %parallel_loop3A_446, %parallel_loop3A_447 : i32
        %parallel_loop3A_449 = arith.constant 3 : i32
        %parallel_loop3A_450 = arith.andi %parallel_loop3A_446, %parallel_loop3A_449 : i32
        %parallel_loop3A_451 = arith.constant 1024 : i32
        %parallel_loop3A_452 = arith.muli %parallel_loop3A_450, %parallel_loop3A_451 : i32
        %parallel_loop3A_453 = arith.addi %mul3A_389, %parallel_loop3A_452 : i32
        %parallel_loop3A_454 = arith.constant 128 : i32
        %parallel_loop3A_455 = arith.muli %parallel_loop3A_448, %parallel_loop3A_454 : i32
        %parallel_loop3A_456 = arith.addi %parallel_loop3A_453, %parallel_loop3A_455 : i32
        %parallel_loop3A_457 = arith.constant 2 : i32
        %parallel_loop3A_458 = arith.muli %parallel_loop3A_450, %parallel_loop3A_457 : i32
        %parallel_loop3A_459 = arith.constant 0 : i32
        %parallel_loop3A_460 = arith.addi %parallel_loop3A_456, %parallel_loop3A_459 : i32
        %parallel_loop3A_461 = arith.index_cast %parallel_loop3A_460 : i32 to index
        %parallel_loop3A_462 = tpu.vector_load %arg7[%parallel_loop3A_461] {strides = array<i32>} : memref<12288xi32, #tpu.memory_space<vmem>>, vector<16xi32>,
        %parallel_loop3A_463 = arith.constant 0 : i32
        %parallel_loop3A_464 = arith.addi %parallel_loop3A_456, %parallel_loop3A_463 : i32
        %parallel_loop3A_465 = arith.index_cast %parallel_loop3A_464 : i32 to index
        %parallel_loop3A_466 = tpu.vector_load %arg8[%parallel_loop3A_465] {strides = array<i32>} : memref<12288xi32, #tpu.memory_space<vmem>>, vector<16xi32>,
        %parallel_loop3A_467 = arith.constant 0 : i32
        %parallel_loop3A_468 = arith.addi %parallel_loop3A_456, %parallel_loop3A_467 : i32
        %parallel_loop3A_469 = arith.index_cast %parallel_loop3A_468 : i32 to index
        %parallel_loop3A_470 = tpu.vector_load %arg9[%parallel_loop3A_469] {strides = array<i32>} : memref<12288xf32, #tpu.memory_space<vmem>>, vector<16xf32>,
        %parallel_loop3A_471 = arith.index_cast %rem3A_311 : i32 to index
        %parallel_loop3A_472 = arith.index_cast %parallel_loop3A_448 : i32 to index
        %parallel_loop3A_473 = arith.index_cast %parallel_loop3A_458 : i32 to index
        %parallel_loop3A_474 = arith.constant 0 : index
        %parallel_loop3A_475 = tpu.vector_load %arg10[%parallel_loop3A_471, %parallel_loop3A_472, %parallel_loop3A_473, %parallel_loop3A_474] {strides = array<i32>} : memref<3x8x8x128xf32, #tpu.memory_space<vmem>>, vector<16xf32>,
        %parallel_loop3A_476 = arith.constant 1 : i32
        %parallel_loop3A_477 = arith.addi %parallel_loop3A_458, %parallel_loop3A_476 : i32
        %parallel_loop3A_478 = arith.index_cast %rem3A_311 : i32 to index
        %parallel_loop3A_479 = arith.index_cast %parallel_loop3A_448 : i32 to index
        %parallel_loop3A_480 = arith.index_cast %parallel_loop3A_477 : i32 to index
        %parallel_loop3A_481 = arith.constant 0 : index
        %parallel_loop3A_482 = tpu.vector_load %arg10[%parallel_loop3A_478, %parallel_loop3A_479, %parallel_loop3A_480, %parallel_loop3A_481] {strides = array<i32>} : memref<3x8x8x128xf32, #tpu.memory_space<vmem>>, vector<16xf32>,
        %parallel_loop3A_483 = arith.index_cast %rem3A_311 : i32 to index
        %parallel_loop3A_484 = arith.index_cast %parallel_loop3A_448 : i32 to index
        %parallel_loop3A_485 = arith.index_cast %parallel_loop3A_458 : i32 to index
        %parallel_loop3A_486 = arith.constant 0 : index
        %parallel_loop3A_487 = tpu.vector_load %arg11[%parallel_loop3A_483, %parallel_loop3A_484, %parallel_loop3A_485, %parallel_loop3A_486] {strides = array<i32>} : memref<3x8x8x128xf32, #tpu.memory_space<vmem>>, vector<16xf32>,
        %parallel_loop3A_488 = arith.constant 1 : i32
        %parallel_loop3A_489 = arith.addi %parallel_loop3A_458, %parallel_loop3A_488 : i32
        %parallel_loop3A_490 = arith.index_cast %rem3A_311 : i32 to index
        %parallel_loop3A_491 = arith.index_cast %parallel_loop3A_448 : i32 to index
        %parallel_loop3A_492 = arith.index_cast %parallel_loop3A_489 : i32 to index
        %parallel_loop3A_493 = arith.constant 0 : index
        %parallel_loop3A_494 = tpu.vector_load %arg11[%parallel_loop3A_490, %parallel_loop3A_491, %parallel_loop3A_492, %parallel_loop3A_493] {strides = array<i32>} : memref<3x8x8x128xf32, #tpu.memory_space<vmem>>, vector<16xf32>,
        %parallel_loop3A_495 = arith.constant 0 : i32
        %parallel_loop3A_496 = vector.broadcast %parallel_loop3A_495 : i32 to vector<16xi32>
        %parallel_loop3A_497 = arith.cmpi eq, %parallel_loop3A_462, %parallel_loop3A_496 : vector<16xi32>
        %parallel_loop3A_498 = arith.constant 0 : i32
        %parallel_loop3A_499 = vector.broadcast %parallel_loop3A_498 : i32 to vector<16xi32>
        %parallel_loop3A_500 = arith.cmpi eq, %parallel_loop3A_466, %parallel_loop3A_499 : vector<16xi32>
        %parallel_loop3A_501 = arith.select %parallel_loop3A_500, %parallel_loop3A_475, %parallel_loop3A_487 : vector<16xi1>, vector<16xf32>
        %parallel_loop3A_502 = arith.select %parallel_loop3A_500, %parallel_loop3A_482, %parallel_loop3A_494 : vector<16xi1>, vector<16xf32>
        %parallel_loop3A_503 = arith.maximumf %parallel_loop3A_501, %parallel_loop3A_502 : vector<16xf32>
        %parallel_loop3A_504 = arith.select %parallel_loop3A_500, %parallel_loop3A_475, %parallel_loop3A_482 : vector<16xi1>, vector<16xf32>
        %parallel_loop3A_505 = arith.select %parallel_loop3A_500, %parallel_loop3A_487, %parallel_loop3A_494 : vector<16xi1>, vector<16xf32>
        %parallel_loop3A_506 = arith.select %parallel_loop3A_497, %parallel_loop3A_504, %parallel_loop3A_505 : vector<16xi1>, vector<16xf32>
        %parallel_loop3A_507 = arith.constant 8.000000e-01 : f32
        %parallel_loop3A_508 = vector.broadcast %parallel_loop3A_507 : f32 to vector<16xf32>
        %parallel_loop3A_509 = arith.mulf %parallel_loop3A_508, %parallel_loop3A_503 : vector<16xf32>
        %parallel_loop3A_510 = arith.addf %parallel_loop3A_470, %parallel_loop3A_509 : vector<16xf32>
        %parallel_loop3A_511 = arith.subf %parallel_loop3A_510, %parallel_loop3A_506 : vector<16xf32>
        %parallel_loop3A_512 = arith.constant 8.000000e-01 : f32
        %parallel_loop3A_513 = vector.broadcast %parallel_loop3A_512 : f32 to vector<16xf32>
        %parallel_loop3A_514 = arith.mulf %parallel_loop3A_513, %parallel_loop3A_511 : vector<16xf32>
        %parallel_loop3A_515 = arith.addf %parallel_loop3A_506, %parallel_loop3A_514 : vector<16xf32>
        %parallel_loop3A_516 = arith.andi %parallel_loop3A_497, %parallel_loop3A_500 : vector<16xi1>
        %parallel_loop3A_517 = arith.select %parallel_loop3A_516, %parallel_loop3A_515, %parallel_loop3A_475 : vector<16xi1>, vector<16xf32>
        %parallel_loop3A_518 = arith.index_cast %rem3A_311 : i32 to index
        %parallel_loop3A_519 = arith.index_cast %parallel_loop3A_448 : i32 to index
        %parallel_loop3A_520 = arith.index_cast %parallel_loop3A_458 : i32 to index
        %parallel_loop3A_521 = arith.constant 0 : index
        %parallel_loop3A_522 = tpu.vector_load %arg10[%parallel_loop3A_518, %parallel_loop3A_519, %parallel_loop3A_520, %parallel_loop3A_521] {strides = array<i32>} : memref<3x8x8x128xf32, #tpu.memory_space<vmem>>, vector<16xf32>,
        tpu.vector_store %arg10[%parallel_loop3A_518, %parallel_loop3A_519, %parallel_loop3A_520, %parallel_loop3A_521], %parallel_loop3A_517 {strides = array<i32>} : memref<3x8x8x128xf32, #tpu.memory_space<vmem>>, vector<16xf32>,
        %parallel_loop3A_523 = arith.constant dense<true> : vector<16xi1>
        %parallel_loop3A_524 = arith.xori %parallel_loop3A_500, %parallel_loop3A_523 : vector<16xi1>
        %parallel_loop3A_525 = arith.andi %parallel_loop3A_497, %parallel_loop3A_524 : vector<16xi1>
        %parallel_loop3A_526 = arith.select %parallel_loop3A_525, %parallel_loop3A_515, %parallel_loop3A_482 : vector<16xi1>, vector<16xf32>
        %parallel_loop3A_527 = arith.constant 1 : i32
        %parallel_loop3A_528 = arith.addi %parallel_loop3A_458, %parallel_loop3A_527 : i32
        %parallel_loop3A_529 = arith.index_cast %rem3A_311 : i32 to index
        %parallel_loop3A_530 = arith.index_cast %parallel_loop3A_448 : i32 to index
        %parallel_loop3A_531 = arith.index_cast %parallel_loop3A_528 : i32 to index
        %parallel_loop3A_532 = arith.constant 0 : index
        %parallel_loop3A_533 = tpu.vector_load %arg10[%parallel_loop3A_529, %parallel_loop3A_530, %parallel_loop3A_531, %parallel_loop3A_532] {strides = array<i32>} : memref<3x8x8x128xf32, #tpu.memory_space<vmem>>, vector<16xf32>,
        tpu.vector_store %arg10[%parallel_loop3A_529, %parallel_loop3A_530, %parallel_loop3A_531, %parallel_loop3A_532], %parallel_loop3A_526 {strides = array<i32>} : memref<3x8x8x128xf32, #tpu.memory_space<vmem>>, vector<16xf32>,
        %parallel_loop3A_534 = arith.constant dense<true> : vector<16xi1>
        %parallel_loop3A_535 = arith.xori %parallel_loop3A_497, %parallel_loop3A_534 : vector<16xi1>
        %parallel_loop3A_536 = arith.andi %parallel_loop3A_535, %parallel_loop3A_500 : vector<16xi1>
        %parallel_loop3A_537 = arith.select %parallel_loop3A_536, %parallel_loop3A_515, %parallel_loop3A_487 : vector<16xi1>, vector<16xf32>
        %parallel_loop3A_538 = arith.index_cast %rem3A_311 : i32 to index
        %parallel_loop3A_539 = arith.index_cast %parallel_loop3A_448 : i32 to index
        %parallel_loop3A_540 = arith.index_cast %parallel_loop3A_458 : i32 to index
        %parallel_loop3A_541 = arith.constant 0 : index
        %parallel_loop3A_542 = tpu.vector_load %arg11[%parallel_loop3A_538, %parallel_loop3A_539, %parallel_loop3A_540, %parallel_loop3A_541] {strides = array<i32>} : memref<3x8x8x128xf32, #tpu.memory_space<vmem>>, vector<16xf32>,
        tpu.vector_store %arg11[%parallel_loop3A_538, %parallel_loop3A_539, %parallel_loop3A_540, %parallel_loop3A_541], %parallel_loop3A_537 {strides = array<i32>} : memref<3x8x8x128xf32, #tpu.memory_space<vmem>>, vector<16xf32>,
        %parallel_loop3A_543 = arith.constant dense<true> : vector<16xi1>
        %parallel_loop3A_544 = arith.xori %parallel_loop3A_497, %parallel_loop3A_543 : vector<16xi1>
        %parallel_loop3A_545 = arith.constant dense<true> : vector<16xi1>
        %parallel_loop3A_546 = arith.xori %parallel_loop3A_500, %parallel_loop3A_545 : vector<16xi1>
        %parallel_loop3A_547 = arith.andi %parallel_loop3A_544, %parallel_loop3A_546 : vector<16xi1>
        %parallel_loop3A_548 = arith.select %parallel_loop3A_547, %parallel_loop3A_515, %parallel_loop3A_494 : vector<16xi1>, vector<16xf32>
        %parallel_loop3A_549 = arith.constant 1 : i32
        %parallel_loop3A_550 = arith.addi %parallel_loop3A_458, %parallel_loop3A_549 : i32
        %parallel_loop3A_551 = arith.index_cast %rem3A_311 : i32 to index
        %parallel_loop3A_552 = arith.index_cast %parallel_loop3A_448 : i32 to index
        %parallel_loop3A_553 = arith.index_cast %parallel_loop3A_550 : i32 to index
        %parallel_loop3A_554 = arith.constant 0 : index
        %parallel_loop3A_555 = tpu.vector_load %arg11[%parallel_loop3A_551, %parallel_loop3A_552, %parallel_loop3A_553, %parallel_loop3A_554] {strides = array<i32>} : memref<3x8x8x128xf32, #tpu.memory_space<vmem>>, vector<16xf32>,
        tpu.vector_store %arg11[%parallel_loop3A_551, %parallel_loop3A_552, %parallel_loop3A_553, %parallel_loop3A_554], %parallel_loop3A_548 {strides = array<i32>} : memref<3x8x8x128xf32, #tpu.memory_space<vmem>>, vector<16xf32>,
        %parallel_loop3A_556 = arith.constant 16 : i32
        %parallel_loop3A_557 = arith.addi %parallel_loop3A_456, %parallel_loop3A_556 : i32
        %parallel_loop3A_558 = arith.index_cast %parallel_loop3A_557 : i32 to index
        %parallel_loop3A_559 = tpu.vector_load %arg7[%parallel_loop3A_558] {strides = array<i32>} : memref<12288xi32, #tpu.memory_space<vmem>>, vector<16xi32>,
        %parallel_loop3A_560 = arith.constant 16 : i32
        %parallel_loop3A_561 = arith.addi %parallel_loop3A_456, %parallel_loop3A_560 : i32
        %parallel_loop3A_562 = arith.index_cast %parallel_loop3A_561 : i32 to index
        %parallel_loop3A_563 = tpu.vector_load %arg8[%parallel_loop3A_562] {strides = array<i32>} : memref<12288xi32, #tpu.memory_space<vmem>>, vector<16xi32>,
        %parallel_loop3A_564 = arith.constant 16 : i32
        %parallel_loop3A_565 = arith.addi %parallel_loop3A_456, %parallel_loop3A_564 : i32
        %parallel_loop3A_566 = arith.index_cast %parallel_loop3A_565 : i32 to index
        %parallel_loop3A_567 = tpu.vector_load %arg9[%parallel_loop3A_566] {strides = array<i32>} : memref<12288xf32, #tpu.memory_space<vmem>>, vector<16xf32>,
        %parallel_loop3A_568 = arith.index_cast %rem3A_311 : i32 to index
        %parallel_loop3A_569 = arith.index_cast %parallel_loop3A_448 : i32 to index
        %parallel_loop3A_570 = arith.index_cast %parallel_loop3A_458 : i32 to index
        %parallel_loop3A_571 = arith.constant 16 : index
        %parallel_loop3A_572 = tpu.vector_load %arg10[%parallel_loop3A_568, %parallel_loop3A_569, %parallel_loop3A_570, %parallel_loop3A_571] {strides = array<i32>} : memref<3x8x8x128xf32, #tpu.memory_space<vmem>>, vector<16xf32>,
        %parallel_loop3A_573 = arith.constant 1 : i32
        %parallel_loop3A_574 = arith.addi %parallel_loop3A_458, %parallel_loop3A_573 : i32
        %parallel_loop3A_575 = arith.index_cast %rem3A_311 : i32 to index
        %parallel_loop3A_576 = arith.index_cast %parallel_loop3A_448 : i32 to index
        %parallel_loop3A_577 = arith.index_cast %parallel_loop3A_574 : i32 to index
        %parallel_loop3A_578 = arith.constant 16 : index
        %parallel_loop3A_579 = tpu.vector_load %arg10[%parallel_loop3A_575, %parallel_loop3A_576, %parallel_loop3A_577, %parallel_loop3A_578] {strides = array<i32>} : memref<3x8x8x128xf32, #tpu.memory_space<vmem>>, vector<16xf32>,
        %parallel_loop3A_580 = arith.index_cast %rem3A_311 : i32 to index
        %parallel_loop3A_581 = arith.index_cast %parallel_loop3A_448 : i32 to index
        %parallel_loop3A_582 = arith.index_cast %parallel_loop3A_458 : i32 to index
        %parallel_loop3A_583 = arith.constant 16 : index
        %parallel_loop3A_584 = tpu.vector_load %arg11[%parallel_loop3A_580, %parallel_loop3A_581, %parallel_loop3A_582, %parallel_loop3A_583] {strides = array<i32>} : memref<3x8x8x128xf32, #tpu.memory_space<vmem>>, vector<16xf32>,
        %parallel_loop3A_585 = arith.constant 1 : i32
        %parallel_loop3A_586 = arith.addi %parallel_loop3A_458, %parallel_loop3A_585 : i32
        %parallel_loop3A_587 = arith.index_cast %rem3A_311 : i32 to index
        %parallel_loop3A_588 = arith.index_cast %parallel_loop3A_448 : i32 to index
        %parallel_loop3A_589 = arith.index_cast %parallel_loop3A_586 : i32 to index
        %parallel_loop3A_590 = arith.constant 16 : index
        %parallel_loop3A_591 = tpu.vector_load %arg11[%parallel_loop3A_587, %parallel_loop3A_588, %parallel_loop3A_589, %parallel_loop3A_590] {strides = array<i32>} : memref<3x8x8x128xf32, #tpu.memory_space<vmem>>, vector<16xf32>,
        %parallel_loop3A_592 = arith.constant 0 : i32
        %parallel_loop3A_593 = vector.broadcast %parallel_loop3A_592 : i32 to vector<16xi32>
        %parallel_loop3A_594 = arith.cmpi eq, %parallel_loop3A_559, %parallel_loop3A_593 : vector<16xi32>
        %parallel_loop3A_595 = arith.constant 0 : i32
        %parallel_loop3A_596 = vector.broadcast %parallel_loop3A_595 : i32 to vector<16xi32>
        %parallel_loop3A_597 = arith.cmpi eq, %parallel_loop3A_563, %parallel_loop3A_596 : vector<16xi32>
        %parallel_loop3A_598 = arith.select %parallel_loop3A_597, %parallel_loop3A_572, %parallel_loop3A_584 : vector<16xi1>, vector<16xf32>
        %parallel_loop3A_599 = arith.select %parallel_loop3A_597, %parallel_loop3A_579, %parallel_loop3A_591 : vector<16xi1>, vector<16xf32>
        %parallel_loop3A_600 = arith.maximumf %parallel_loop3A_598, %parallel_loop3A_599 : vector<16xf32>
        %parallel_loop3A_601 = arith.select %parallel_loop3A_597, %parallel_loop3A_572, %parallel_loop3A_579 : vector<16xi1>, vector<16xf32>
        %parallel_loop3A_602 = arith.select %parallel_loop3A_597, %parallel_loop3A_584, %parallel_loop3A_591 : vector<16xi1>, vector<16xf32>
        %parallel_loop3A_603 = arith.select %parallel_loop3A_594, %parallel_loop3A_601, %parallel_loop3A_602 : vector<16xi1>, vector<16xf32>
        %parallel_loop3A_604 = arith.constant 8.000000e-01 : f32
        %parallel_loop3A_605 = vector.broadcast %parallel_loop3A_604 : f32 to vector<16xf32>
        %parallel_loop3A_606 = arith.mulf %parallel_loop3A_605, %parallel_loop3A_600 : vector<16xf32>
        %parallel_loop3A_607 = arith.addf %parallel_loop3A_567, %parallel_loop3A_606 : vector<16xf32>
        %parallel_loop3A_608 = arith.subf %parallel_loop3A_607, %parallel_loop3A_603 : vector<16xf32>
        %parallel_loop3A_609 = arith.constant 8.000000e-01 : f32
        %parallel_loop3A_610 = vector.broadcast %parallel_loop3A_609 : f32 to vector<16xf32>
        %parallel_loop3A_611 = arith.mulf %parallel_loop3A_610, %parallel_loop3A_608 : vector<16xf32>
        %parallel_loop3A_612 = arith.addf %parallel_loop3A_603, %parallel_loop3A_611 : vector<16xf32>
        %parallel_loop3A_613 = arith.andi %parallel_loop3A_594, %parallel_loop3A_597 : vector<16xi1>
        %parallel_loop3A_614 = arith.select %parallel_loop3A_613, %parallel_loop3A_612, %parallel_loop3A_572 : vector<16xi1>, vector<16xf32>
        %parallel_loop3A_615 = arith.index_cast %rem3A_311 : i32 to index
        %parallel_loop3A_616 = arith.index_cast %parallel_loop3A_448 : i32 to index
        %parallel_loop3A_617 = arith.index_cast %parallel_loop3A_458 : i32 to index
        %parallel_loop3A_618 = arith.constant 16 : index
        %parallel_loop3A_619 = tpu.vector_load %arg10[%parallel_loop3A_615, %parallel_loop3A_616, %parallel_loop3A_617, %parallel_loop3A_618] {strides = array<i32>} : memref<3x8x8x128xf32, #tpu.memory_space<vmem>>, vector<16xf32>,
        tpu.vector_store %arg10[%parallel_loop3A_615, %parallel_loop3A_616, %parallel_loop3A_617, %parallel_loop3A_618], %parallel_loop3A_614 {strides = array<i32>} : memref<3x8x8x128xf32, #tpu.memory_space<vmem>>, vector<16xf32>,
        %parallel_loop3A_620 = arith.constant dense<true> : vector<16xi1>
        %parallel_loop3A_621 = arith.xori %parallel_loop3A_597, %parallel_loop3A_620 : vector<16xi1>
        %parallel_loop3A_622 = arith.andi %parallel_loop3A_594, %parallel_loop3A_621 : vector<16xi1>
        %parallel_loop3A_623 = arith.select %parallel_loop3A_622, %parallel_loop3A_612, %parallel_loop3A_579 : vector<16xi1>, vector<16xf32>
        %parallel_loop3A_624 = arith.constant 1 : i32
        %parallel_loop3A_625 = arith.addi %parallel_loop3A_458, %parallel_loop3A_624 : i32
        %parallel_loop3A_626 = arith.index_cast %rem3A_311 : i32 to index
        %parallel_loop3A_627 = arith.index_cast %parallel_loop3A_448 : i32 to index
        %parallel_loop3A_628 = arith.index_cast %parallel_loop3A_625 : i32 to index
        %parallel_loop3A_629 = arith.constant 16 : index
        %parallel_loop3A_630 = tpu.vector_load %arg10[%parallel_loop3A_626, %parallel_loop3A_627, %parallel_loop3A_628, %parallel_loop3A_629] {strides = array<i32>} : memref<3x8x8x128xf32, #tpu.memory_space<vmem>>, vector<16xf32>,
        tpu.vector_store %arg10[%parallel_loop3A_626, %parallel_loop3A_627, %parallel_loop3A_628, %parallel_loop3A_629], %parallel_loop3A_623 {strides = array<i32>} : memref<3x8x8x128xf32, #tpu.memory_space<vmem>>, vector<16xf32>,
        %parallel_loop3A_631 = arith.constant dense<true> : vector<16xi1>
        %parallel_loop3A_632 = arith.xori %parallel_loop3A_594, %parallel_loop3A_631 : vector<16xi1>
        %parallel_loop3A_633 = arith.andi %parallel_loop3A_632, %parallel_loop3A_597 : vector<16xi1>
        %parallel_loop3A_634 = arith.select %parallel_loop3A_633, %parallel_loop3A_612, %parallel_loop3A_584 : vector<16xi1>, vector<16xf32>
        %parallel_loop3A_635 = arith.index_cast %rem3A_311 : i32 to index
        %parallel_loop3A_636 = arith.index_cast %parallel_loop3A_448 : i32 to index
        %parallel_loop3A_637 = arith.index_cast %parallel_loop3A_458 : i32 to index
        %parallel_loop3A_638 = arith.constant 16 : index
        %parallel_loop3A_639 = tpu.vector_load %arg11[%parallel_loop3A_635, %parallel_loop3A_636, %parallel_loop3A_637, %parallel_loop3A_638] {strides = array<i32>} : memref<3x8x8x128xf32, #tpu.memory_space<vmem>>, vector<16xf32>,
        tpu.vector_store %arg11[%parallel_loop3A_635, %parallel_loop3A_636, %parallel_loop3A_637, %parallel_loop3A_638], %parallel_loop3A_634 {strides = array<i32>} : memref<3x8x8x128xf32, #tpu.memory_space<vmem>>, vector<16xf32>,
        %parallel_loop3A_640 = arith.constant dense<true> : vector<16xi1>
        %parallel_loop3A_641 = arith.xori %parallel_loop3A_594, %parallel_loop3A_640 : vector<16xi1>
        %parallel_loop3A_642 = arith.constant dense<true> : vector<16xi1>
        %parallel_loop3A_643 = arith.xori %parallel_loop3A_597, %parallel_loop3A_642 : vector<16xi1>
        %parallel_loop3A_644 = arith.andi %parallel_loop3A_641, %parallel_loop3A_643 : vector<16xi1>
        %parallel_loop3A_645 = arith.select %parallel_loop3A_644, %parallel_loop3A_612, %parallel_loop3A_591 : vector<16xi1>, vector<16xf32>
        %parallel_loop3A_646 = arith.constant 1 : i32
        %parallel_loop3A_647 = arith.addi %parallel_loop3A_458, %parallel_loop3A_646 : i32
        %parallel_loop3A_648 = arith.index_cast %rem3A_311 : i32 to index
        %parallel_loop3A_649 = arith.index_cast %parallel_loop3A_448 : i32 to index
        %parallel_loop3A_650 = arith.index_cast %parallel_loop3A_647 : i32 to index
        %parallel_loop3A_651 = arith.constant 16 : index
        %parallel_loop3A_652 = tpu.vector_load %arg11[%parallel_loop3A_648, %parallel_loop3A_649, %parallel_loop3A_650, %parallel_loop3A_651] {strides = array<i32>} : memref<3x8x8x128xf32, #tpu.memory_space<vmem>>, vector<16xf32>,
        tpu.vector_store %arg11[%parallel_loop3A_648, %parallel_loop3A_649, %parallel_loop3A_650, %parallel_loop3A_651], %parallel_loop3A_645 {strides = array<i32>} : memref<3x8x8x128xf32, #tpu.memory_space<vmem>>, vector<16xf32>,
        %parallel_loop3A_653 = arith.constant 32 : i32
        %parallel_loop3A_654 = arith.addi %parallel_loop3A_456, %parallel_loop3A_653 : i32
        %parallel_loop3A_655 = arith.index_cast %parallel_loop3A_654 : i32 to index
        %parallel_loop3A_656 = tpu.vector_load %arg7[%parallel_loop3A_655] {strides = array<i32>} : memref<12288xi32, #tpu.memory_space<vmem>>, vector<16xi32>,
        %parallel_loop3A_657 = arith.constant 32 : i32
        %parallel_loop3A_658 = arith.addi %parallel_loop3A_456, %parallel_loop3A_657 : i32
        %parallel_loop3A_659 = arith.index_cast %parallel_loop3A_658 : i32 to index
        %parallel_loop3A_660 = tpu.vector_load %arg8[%parallel_loop3A_659] {strides = array<i32>} : memref<12288xi32, #tpu.memory_space<vmem>>, vector<16xi32>,
        %parallel_loop3A_661 = arith.constant 32 : i32
        %parallel_loop3A_662 = arith.addi %parallel_loop3A_456, %parallel_loop3A_661 : i32
        %parallel_loop3A_663 = arith.index_cast %parallel_loop3A_662 : i32 to index
        %parallel_loop3A_664 = tpu.vector_load %arg9[%parallel_loop3A_663] {strides = array<i32>} : memref<12288xf32, #tpu.memory_space<vmem>>, vector<16xf32>,
        %parallel_loop3A_665 = arith.index_cast %rem3A_311 : i32 to index
        %parallel_loop3A_666 = arith.index_cast %parallel_loop3A_448 : i32 to index
        %parallel_loop3A_667 = arith.index_cast %parallel_loop3A_458 : i32 to index
        %parallel_loop3A_668 = arith.constant 32 : index
        %parallel_loop3A_669 = tpu.vector_load %arg10[%parallel_loop3A_665, %parallel_loop3A_666, %parallel_loop3A_667, %parallel_loop3A_668] {strides = array<i32>} : memref<3x8x8x128xf32, #tpu.memory_space<vmem>>, vector<16xf32>,
        %parallel_loop3A_670 = arith.constant 1 : i32
        %parallel_loop3A_671 = arith.addi %parallel_loop3A_458, %parallel_loop3A_670 : i32
        %parallel_loop3A_672 = arith.index_cast %rem3A_311 : i32 to index
        %parallel_loop3A_673 = arith.index_cast %parallel_loop3A_448 : i32 to index
        %parallel_loop3A_674 = arith.index_cast %parallel_loop3A_671 : i32 to index
        %parallel_loop3A_675 = arith.constant 32 : index
        %parallel_loop3A_676 = tpu.vector_load %arg10[%parallel_loop3A_672, %parallel_loop3A_673, %parallel_loop3A_674, %parallel_loop3A_675] {strides = array<i32>} : memref<3x8x8x128xf32, #tpu.memory_space<vmem>>, vector<16xf32>,
        %parallel_loop3A_677 = arith.index_cast %rem3A_311 : i32 to index
        %parallel_loop3A_678 = arith.index_cast %parallel_loop3A_448 : i32 to index
        %parallel_loop3A_679 = arith.index_cast %parallel_loop3A_458 : i32 to index
        %parallel_loop3A_680 = arith.constant 32 : index
        %parallel_loop3A_681 = tpu.vector_load %arg11[%parallel_loop3A_677, %parallel_loop3A_678, %parallel_loop3A_679, %parallel_loop3A_680] {strides = array<i32>} : memref<3x8x8x128xf32, #tpu.memory_space<vmem>>, vector<16xf32>,
        %parallel_loop3A_682 = arith.constant 1 : i32
        %parallel_loop3A_683 = arith.addi %parallel_loop3A_458, %parallel_loop3A_682 : i32
        %parallel_loop3A_684 = arith.index_cast %rem3A_311 : i32 to index
        %parallel_loop3A_685 = arith.index_cast %parallel_loop3A_448 : i32 to index
        %parallel_loop3A_686 = arith.index_cast %parallel_loop3A_683 : i32 to index
        %parallel_loop3A_687 = arith.constant 32 : index
        %parallel_loop3A_688 = tpu.vector_load %arg11[%parallel_loop3A_684, %parallel_loop3A_685, %parallel_loop3A_686, %parallel_loop3A_687] {strides = array<i32>} : memref<3x8x8x128xf32, #tpu.memory_space<vmem>>, vector<16xf32>,
        %parallel_loop3A_689 = arith.constant 0 : i32
        %parallel_loop3A_690 = vector.broadcast %parallel_loop3A_689 : i32 to vector<16xi32>
        %parallel_loop3A_691 = arith.cmpi eq, %parallel_loop3A_656, %parallel_loop3A_690 : vector<16xi32>
        %parallel_loop3A_692 = arith.constant 0 : i32
        %parallel_loop3A_693 = vector.broadcast %parallel_loop3A_692 : i32 to vector<16xi32>
        %parallel_loop3A_694 = arith.cmpi eq, %parallel_loop3A_660, %parallel_loop3A_693 : vector<16xi32>
        %parallel_loop3A_695 = arith.select %parallel_loop3A_694, %parallel_loop3A_669, %parallel_loop3A_681 : vector<16xi1>, vector<16xf32>
        %parallel_loop3A_696 = arith.select %parallel_loop3A_694, %parallel_loop3A_676, %parallel_loop3A_688 : vector<16xi1>, vector<16xf32>
        %parallel_loop3A_697 = arith.maximumf %parallel_loop3A_695, %parallel_loop3A_696 : vector<16xf32>
        %parallel_loop3A_698 = arith.select %parallel_loop3A_694, %parallel_loop3A_669, %parallel_loop3A_676 : vector<16xi1>, vector<16xf32>
        %parallel_loop3A_699 = arith.select %parallel_loop3A_694, %parallel_loop3A_681, %parallel_loop3A_688 : vector<16xi1>, vector<16xf32>
        %parallel_loop3A_700 = arith.select %parallel_loop3A_691, %parallel_loop3A_698, %parallel_loop3A_699 : vector<16xi1>, vector<16xf32>
        %parallel_loop3A_701 = arith.constant 8.000000e-01 : f32
        %parallel_loop3A_702 = vector.broadcast %parallel_loop3A_701 : f32 to vector<16xf32>
        %parallel_loop3A_703 = arith.mulf %parallel_loop3A_702, %parallel_loop3A_697 : vector<16xf32>
        %parallel_loop3A_704 = arith.addf %parallel_loop3A_664, %parallel_loop3A_703 : vector<16xf32>
        %parallel_loop3A_705 = arith.subf %parallel_loop3A_704, %parallel_loop3A_700 : vector<16xf32>
        %parallel_loop3A_706 = arith.constant 8.000000e-01 : f32
        %parallel_loop3A_707 = vector.broadcast %parallel_loop3A_706 : f32 to vector<16xf32>
        %parallel_loop3A_708 = arith.mulf %parallel_loop3A_707, %parallel_loop3A_705 : vector<16xf32>
        %parallel_loop3A_709 = arith.addf %parallel_loop3A_700, %parallel_loop3A_708 : vector<16xf32>
        %parallel_loop3A_710 = arith.andi %parallel_loop3A_691, %parallel_loop3A_694 : vector<16xi1>
        %parallel_loop3A_711 = arith.select %parallel_loop3A_710, %parallel_loop3A_709, %parallel_loop3A_669 : vector<16xi1>, vector<16xf32>
        %parallel_loop3A_712 = arith.index_cast %rem3A_311 : i32 to index
        %parallel_loop3A_713 = arith.index_cast %parallel_loop3A_448 : i32 to index
        %parallel_loop3A_714 = arith.index_cast %parallel_loop3A_458 : i32 to index
        %parallel_loop3A_715 = arith.constant 32 : index
        %parallel_loop3A_716 = tpu.vector_load %arg10[%parallel_loop3A_712, %parallel_loop3A_713, %parallel_loop3A_714, %parallel_loop3A_715] {strides = array<i32>} : memref<3x8x8x128xf32, #tpu.memory_space<vmem>>, vector<16xf32>,
        tpu.vector_store %arg10[%parallel_loop3A_712, %parallel_loop3A_713, %parallel_loop3A_714, %parallel_loop3A_715], %parallel_loop3A_711 {strides = array<i32>} : memref<3x8x8x128xf32, #tpu.memory_space<vmem>>, vector<16xf32>,
        %parallel_loop3A_717 = arith.constant dense<true> : vector<16xi1>
        %parallel_loop3A_718 = arith.xori %parallel_loop3A_694, %parallel_loop3A_717 : vector<16xi1>
        %parallel_loop3A_719 = arith.andi %parallel_loop3A_691, %parallel_loop3A_718 : vector<16xi1>
        %parallel_loop3A_720 = arith.select %parallel_loop3A_719, %parallel_loop3A_709, %parallel_loop3A_676 : vector<16xi1>, vector<16xf32>
        %parallel_loop3A_721 = arith.constant 1 : i32
        %parallel_loop3A_722 = arith.addi %parallel_loop3A_458, %parallel_loop3A_721 : i32
        %parallel_loop3A_723 = arith.index_cast %rem3A_311 : i32 to index
        %parallel_loop3A_724 = arith.index_cast %parallel_loop3A_448 : i32 to index
        %parallel_loop3A_725 = arith.index_cast %parallel_loop3A_722 : i32 to index
        %parallel_loop3A_726 = arith.constant 32 : index
        %parallel_loop3A_727 = tpu.vector_load %arg10[%parallel_loop3A_723, %parallel_loop3A_724, %parallel_loop3A_725, %parallel_loop3A_726] {strides = array<i32>} : memref<3x8x8x128xf32, #tpu.memory_space<vmem>>, vector<16xf32>,
        tpu.vector_store %arg10[%parallel_loop3A_723, %parallel_loop3A_724, %parallel_loop3A_725, %parallel_loop3A_726], %parallel_loop3A_720 {strides = array<i32>} : memref<3x8x8x128xf32, #tpu.memory_space<vmem>>, vector<16xf32>,
        %parallel_loop3A_728 = arith.constant dense<true> : vector<16xi1>
        %parallel_loop3A_729 = arith.xori %parallel_loop3A_691, %parallel_loop3A_728 : vector<16xi1>
        %parallel_loop3A_730 = arith.andi %parallel_loop3A_729, %parallel_loop3A_694 : vector<16xi1>
        %parallel_loop3A_731 = arith.select %parallel_loop3A_730, %parallel_loop3A_709, %parallel_loop3A_681 : vector<16xi1>, vector<16xf32>
        %parallel_loop3A_732 = arith.index_cast %rem3A_311 : i32 to index
        %parallel_loop3A_733 = arith.index_cast %parallel_loop3A_448 : i32 to index
        %parallel_loop3A_734 = arith.index_cast %parallel_loop3A_458 : i32 to index
        %parallel_loop3A_735 = arith.constant 32 : index
        %parallel_loop3A_736 = tpu.vector_load %arg11[%parallel_loop3A_732, %parallel_loop3A_733, %parallel_loop3A_734, %parallel_loop3A_735] {strides = array<i32>} : memref<3x8x8x128xf32, #tpu.memory_space<vmem>>, vector<16xf32>,
        tpu.vector_store %arg11[%parallel_loop3A_732, %parallel_loop3A_733, %parallel_loop3A_734, %parallel_loop3A_735], %parallel_loop3A_731 {strides = array<i32>} : memref<3x8x8x128xf32, #tpu.memory_space<vmem>>, vector<16xf32>,
        %parallel_loop3A_737 = arith.constant dense<true> : vector<16xi1>
        %parallel_loop3A_738 = arith.xori %parallel_loop3A_691, %parallel_loop3A_737 : vector<16xi1>
        %parallel_loop3A_739 = arith.constant dense<true> : vector<16xi1>
        %parallel_loop3A_740 = arith.xori %parallel_loop3A_694, %parallel_loop3A_739 : vector<16xi1>
        %parallel_loop3A_741 = arith.andi %parallel_loop3A_738, %parallel_loop3A_740 : vector<16xi1>
        %parallel_loop3A_742 = arith.select %parallel_loop3A_741, %parallel_loop3A_709, %parallel_loop3A_688 : vector<16xi1>, vector<16xf32>
        %parallel_loop3A_743 = arith.constant 1 : i32
        %parallel_loop3A_744 = arith.addi %parallel_loop3A_458, %parallel_loop3A_743 : i32
        %parallel_loop3A_745 = arith.index_cast %rem3A_311 : i32 to index
        %parallel_loop3A_746 = arith.index_cast %parallel_loop3A_448 : i32 to index
        %parallel_loop3A_747 = arith.index_cast %parallel_loop3A_744 : i32 to index
        %parallel_loop3A_748 = arith.constant 32 : index
        %parallel_loop3A_749 = tpu.vector_load %arg11[%parallel_loop3A_745, %parallel_loop3A_746, %parallel_loop3A_747, %parallel_loop3A_748] {strides = array<i32>} : memref<3x8x8x128xf32, #tpu.memory_space<vmem>>, vector<16xf32>,
        tpu.vector_store %arg11[%parallel_loop3A_745, %parallel_loop3A_746, %parallel_loop3A_747, %parallel_loop3A_748], %parallel_loop3A_742 {strides = array<i32>} : memref<3x8x8x128xf32, #tpu.memory_space<vmem>>, vector<16xf32>,
        %parallel_loop3A_750 = arith.constant 48 : i32
        %parallel_loop3A_751 = arith.addi %parallel_loop3A_456, %parallel_loop3A_750 : i32
        %parallel_loop3A_752 = arith.index_cast %parallel_loop3A_751 : i32 to index
        %parallel_loop3A_753 = tpu.vector_load %arg7[%parallel_loop3A_752] {strides = array<i32>} : memref<12288xi32, #tpu.memory_space<vmem>>, vector<16xi32>,
        %parallel_loop3A_754 = arith.constant 48 : i32
        %parallel_loop3A_755 = arith.addi %parallel_loop3A_456, %parallel_loop3A_754 : i32
        %parallel_loop3A_756 = arith.index_cast %parallel_loop3A_755 : i32 to index
        %parallel_loop3A_757 = tpu.vector_load %arg8[%parallel_loop3A_756] {strides = array<i32>} : memref<12288xi32, #tpu.memory_space<vmem>>, vector<16xi32>,
        %parallel_loop3A_758 = arith.constant 48 : i32
        %parallel_loop3A_759 = arith.addi %parallel_loop3A_456, %parallel_loop3A_758 : i32
        %parallel_loop3A_760 = arith.index_cast %parallel_loop3A_759 : i32 to index
        %parallel_loop3A_761 = tpu.vector_load %arg9[%parallel_loop3A_760] {strides = array<i32>} : memref<12288xf32, #tpu.memory_space<vmem>>, vector<16xf32>,
        %parallel_loop3A_762 = arith.index_cast %rem3A_311 : i32 to index
        %parallel_loop3A_763 = arith.index_cast %parallel_loop3A_448 : i32 to index
        %parallel_loop3A_764 = arith.index_cast %parallel_loop3A_458 : i32 to index
        %parallel_loop3A_765 = arith.constant 48 : index
        %parallel_loop3A_766 = tpu.vector_load %arg10[%parallel_loop3A_762, %parallel_loop3A_763, %parallel_loop3A_764, %parallel_loop3A_765] {strides = array<i32>} : memref<3x8x8x128xf32, #tpu.memory_space<vmem>>, vector<16xf32>,
        %parallel_loop3A_767 = arith.constant 1 : i32
        %parallel_loop3A_768 = arith.addi %parallel_loop3A_458, %parallel_loop3A_767 : i32
        %parallel_loop3A_769 = arith.index_cast %rem3A_311 : i32 to index
        %parallel_loop3A_770 = arith.index_cast %parallel_loop3A_448 : i32 to index
        %parallel_loop3A_771 = arith.index_cast %parallel_loop3A_768 : i32 to index
        %parallel_loop3A_772 = arith.constant 48 : index
        %parallel_loop3A_773 = tpu.vector_load %arg10[%parallel_loop3A_769, %parallel_loop3A_770, %parallel_loop3A_771, %parallel_loop3A_772] {strides = array<i32>} : memref<3x8x8x128xf32, #tpu.memory_space<vmem>>, vector<16xf32>,
        %parallel_loop3A_774 = arith.index_cast %rem3A_311 : i32 to index
        %parallel_loop3A_775 = arith.index_cast %parallel_loop3A_448 : i32 to index
        %parallel_loop3A_776 = arith.index_cast %parallel_loop3A_458 : i32 to index
        %parallel_loop3A_777 = arith.constant 48 : index
        %parallel_loop3A_778 = tpu.vector_load %arg11[%parallel_loop3A_774, %parallel_loop3A_775, %parallel_loop3A_776, %parallel_loop3A_777] {strides = array<i32>} : memref<3x8x8x128xf32, #tpu.memory_space<vmem>>, vector<16xf32>,
        %parallel_loop3A_779 = arith.constant 1 : i32
        %parallel_loop3A_780 = arith.addi %parallel_loop3A_458, %parallel_loop3A_779 : i32
        %parallel_loop3A_781 = arith.index_cast %rem3A_311 : i32 to index
        %parallel_loop3A_782 = arith.index_cast %parallel_loop3A_448 : i32 to index
        %parallel_loop3A_783 = arith.index_cast %parallel_loop3A_780 : i32 to index
        %parallel_loop3A_784 = arith.constant 48 : index
        %parallel_loop3A_785 = tpu.vector_load %arg11[%parallel_loop3A_781, %parallel_loop3A_782, %parallel_loop3A_783, %parallel_loop3A_784] {strides = array<i32>} : memref<3x8x8x128xf32, #tpu.memory_space<vmem>>, vector<16xf32>,
        %parallel_loop3A_786 = arith.constant 0 : i32
        %parallel_loop3A_787 = vector.broadcast %parallel_loop3A_786 : i32 to vector<16xi32>
        %parallel_loop3A_788 = arith.cmpi eq, %parallel_loop3A_753, %parallel_loop3A_787 : vector<16xi32>
        %parallel_loop3A_789 = arith.constant 0 : i32
        %parallel_loop3A_790 = vector.broadcast %parallel_loop3A_789 : i32 to vector<16xi32>
        %parallel_loop3A_791 = arith.cmpi eq, %parallel_loop3A_757, %parallel_loop3A_790 : vector<16xi32>
        %parallel_loop3A_792 = arith.select %parallel_loop3A_791, %parallel_loop3A_766, %parallel_loop3A_778 : vector<16xi1>, vector<16xf32>
        %parallel_loop3A_793 = arith.select %parallel_loop3A_791, %parallel_loop3A_773, %parallel_loop3A_785 : vector<16xi1>, vector<16xf32>
        %parallel_loop3A_794 = arith.maximumf %parallel_loop3A_792, %parallel_loop3A_793 : vector<16xf32>
        %parallel_loop3A_795 = arith.select %parallel_loop3A_791, %parallel_loop3A_766, %parallel_loop3A_773 : vector<16xi1>, vector<16xf32>
        %parallel_loop3A_796 = arith.select %parallel_loop3A_791, %parallel_loop3A_778, %parallel_loop3A_785 : vector<16xi1>, vector<16xf32>
        %parallel_loop3A_797 = arith.select %parallel_loop3A_788, %parallel_loop3A_795, %parallel_loop3A_796 : vector<16xi1>, vector<16xf32>
        %parallel_loop3A_798 = arith.constant 8.000000e-01 : f32
        %parallel_loop3A_799 = vector.broadcast %parallel_loop3A_798 : f32 to vector<16xf32>
        %parallel_loop3A_800 = arith.mulf %parallel_loop3A_799, %parallel_loop3A_794 : vector<16xf32>
        %parallel_loop3A_801 = arith.addf %parallel_loop3A_761, %parallel_loop3A_800 : vector<16xf32>
        %parallel_loop3A_802 = arith.subf %parallel_loop3A_801, %parallel_loop3A_797 : vector<16xf32>
        %parallel_loop3A_803 = arith.constant 8.000000e-01 : f32
        %parallel_loop3A_804 = vector.broadcast %parallel_loop3A_803 : f32 to vector<16xf32>
        %parallel_loop3A_805 = arith.mulf %parallel_loop3A_804, %parallel_loop3A_802 : vector<16xf32>
        %parallel_loop3A_806 = arith.addf %parallel_loop3A_797, %parallel_loop3A_805 : vector<16xf32>
        %parallel_loop3A_807 = arith.andi %parallel_loop3A_788, %parallel_loop3A_791 : vector<16xi1>
        %parallel_loop3A_808 = arith.select %parallel_loop3A_807, %parallel_loop3A_806, %parallel_loop3A_766 : vector<16xi1>, vector<16xf32>
        %parallel_loop3A_809 = arith.index_cast %rem3A_311 : i32 to index
        %parallel_loop3A_810 = arith.index_cast %parallel_loop3A_448 : i32 to index
        %parallel_loop3A_811 = arith.index_cast %parallel_loop3A_458 : i32 to index
        %parallel_loop3A_812 = arith.constant 48 : index
        %parallel_loop3A_813 = tpu.vector_load %arg10[%parallel_loop3A_809, %parallel_loop3A_810, %parallel_loop3A_811, %parallel_loop3A_812] {strides = array<i32>} : memref<3x8x8x128xf32, #tpu.memory_space<vmem>>, vector<16xf32>,
        tpu.vector_store %arg10[%parallel_loop3A_809, %parallel_loop3A_810, %parallel_loop3A_811, %parallel_loop3A_812], %parallel_loop3A_808 {strides = array<i32>} : memref<3x8x8x128xf32, #tpu.memory_space<vmem>>, vector<16xf32>,
        %parallel_loop3A_814 = arith.constant dense<true> : vector<16xi1>
        %parallel_loop3A_815 = arith.xori %parallel_loop3A_791, %parallel_loop3A_814 : vector<16xi1>
        %parallel_loop3A_816 = arith.andi %parallel_loop3A_788, %parallel_loop3A_815 : vector<16xi1>
        %parallel_loop3A_817 = arith.select %parallel_loop3A_816, %parallel_loop3A_806, %parallel_loop3A_773 : vector<16xi1>, vector<16xf32>
        %parallel_loop3A_818 = arith.constant 1 : i32
        %parallel_loop3A_819 = arith.addi %parallel_loop3A_458, %parallel_loop3A_818 : i32
        %parallel_loop3A_820 = arith.index_cast %rem3A_311 : i32 to index
        %parallel_loop3A_821 = arith.index_cast %parallel_loop3A_448 : i32 to index
        %parallel_loop3A_822 = arith.index_cast %parallel_loop3A_819 : i32 to index
        %parallel_loop3A_823 = arith.constant 48 : index
        %parallel_loop3A_824 = tpu.vector_load %arg10[%parallel_loop3A_820, %parallel_loop3A_821, %parallel_loop3A_822, %parallel_loop3A_823] {strides = array<i32>} : memref<3x8x8x128xf32, #tpu.memory_space<vmem>>, vector<16xf32>,
        tpu.vector_store %arg10[%parallel_loop3A_820, %parallel_loop3A_821, %parallel_loop3A_822, %parallel_loop3A_823], %parallel_loop3A_817 {strides = array<i32>} : memref<3x8x8x128xf32, #tpu.memory_space<vmem>>, vector<16xf32>,
        %parallel_loop3A_825 = arith.constant dense<true> : vector<16xi1>
        %parallel_loop3A_826 = arith.xori %parallel_loop3A_788, %parallel_loop3A_825 : vector<16xi1>
        %parallel_loop3A_827 = arith.andi %parallel_loop3A_826, %parallel_loop3A_791 : vector<16xi1>
        %parallel_loop3A_828 = arith.select %parallel_loop3A_827, %parallel_loop3A_806, %parallel_loop3A_778 : vector<16xi1>, vector<16xf32>
        %parallel_loop3A_829 = arith.index_cast %rem3A_311 : i32 to index
        %parallel_loop3A_830 = arith.index_cast %parallel_loop3A_448 : i32 to index
        %parallel_loop3A_831 = arith.index_cast %parallel_loop3A_458 : i32 to index
        %parallel_loop3A_832 = arith.constant 48 : index
        %parallel_loop3A_833 = tpu.vector_load %arg11[%parallel_loop3A_829, %parallel_loop3A_830, %parallel_loop3A_831, %parallel_loop3A_832] {strides = array<i32>} : memref<3x8x8x128xf32, #tpu.memory_space<vmem>>, vector<16xf32>,
        tpu.vector_store %arg11[%parallel_loop3A_829, %parallel_loop3A_830, %parallel_loop3A_831, %parallel_loop3A_832], %parallel_loop3A_828 {strides = array<i32>} : memref<3x8x8x128xf32, #tpu.memory_space<vmem>>, vector<16xf32>,
        %parallel_loop3A_834 = arith.constant dense<true> : vector<16xi1>
        %parallel_loop3A_835 = arith.xori %parallel_loop3A_788, %parallel_loop3A_834 : vector<16xi1>
        %parallel_loop3A_836 = arith.constant dense<true> : vector<16xi1>
        %parallel_loop3A_837 = arith.xori %parallel_loop3A_791, %parallel_loop3A_836 : vector<16xi1>
        %parallel_loop3A_838 = arith.andi %parallel_loop3A_835, %parallel_loop3A_837 : vector<16xi1>
        %parallel_loop3A_839 = arith.select %parallel_loop3A_838, %parallel_loop3A_806, %parallel_loop3A_785 : vector<16xi1>, vector<16xf32>
        %parallel_loop3A_840 = arith.constant 1 : i32
        %parallel_loop3A_841 = arith.addi %parallel_loop3A_458, %parallel_loop3A_840 : i32
        %parallel_loop3A_842 = arith.index_cast %rem3A_311 : i32 to index
        %parallel_loop3A_843 = arith.index_cast %parallel_loop3A_448 : i32 to index
        %parallel_loop3A_844 = arith.index_cast %parallel_loop3A_841 : i32 to index
        %parallel_loop3A_845 = arith.constant 48 : index
        %parallel_loop3A_846 = tpu.vector_load %arg11[%parallel_loop3A_842, %parallel_loop3A_843, %parallel_loop3A_844, %parallel_loop3A_845] {strides = array<i32>} : memref<3x8x8x128xf32, #tpu.memory_space<vmem>>, vector<16xf32>,
        tpu.vector_store %arg11[%parallel_loop3A_842, %parallel_loop3A_843, %parallel_loop3A_844, %parallel_loop3A_845], %parallel_loop3A_839 {strides = array<i32>} : memref<3x8x8x128xf32, #tpu.memory_space<vmem>>, vector<16xf32>,
        %parallel_loop3A_847 = arith.constant 64 : i32
        %parallel_loop3A_848 = arith.addi %parallel_loop3A_456, %parallel_loop3A_847 : i32
        %parallel_loop3A_849 = arith.index_cast %parallel_loop3A_848 : i32 to index
        %parallel_loop3A_850 = tpu.vector_load %arg7[%parallel_loop3A_849] {strides = array<i32>} : memref<12288xi32, #tpu.memory_space<vmem>>, vector<16xi32>,
        %parallel_loop3A_851 = arith.constant 64 : i32
        %parallel_loop3A_852 = arith.addi %parallel_loop3A_456, %parallel_loop3A_851 : i32
        %parallel_loop3A_853 = arith.index_cast %parallel_loop3A_852 : i32 to index
        %parallel_loop3A_854 = tpu.vector_load %arg8[%parallel_loop3A_853] {strides = array<i32>} : memref<12288xi32, #tpu.memory_space<vmem>>, vector<16xi32>,
        %parallel_loop3A_855 = arith.constant 64 : i32
        %parallel_loop3A_856 = arith.addi %parallel_loop3A_456, %parallel_loop3A_855 : i32
        %parallel_loop3A_857 = arith.index_cast %parallel_loop3A_856 : i32 to index
        %parallel_loop3A_858 = tpu.vector_load %arg9[%parallel_loop3A_857] {strides = array<i32>} : memref<12288xf32, #tpu.memory_space<vmem>>, vector<16xf32>,
        %parallel_loop3A_859 = arith.index_cast %rem3A_311 : i32 to index
        %parallel_loop3A_860 = arith.index_cast %parallel_loop3A_448 : i32 to index
        %parallel_loop3A_861 = arith.index_cast %parallel_loop3A_458 : i32 to index
        %parallel_loop3A_862 = arith.constant 64 : index
        %parallel_loop3A_863 = tpu.vector_load %arg10[%parallel_loop3A_859, %parallel_loop3A_860, %parallel_loop3A_861, %parallel_loop3A_862] {strides = array<i32>} : memref<3x8x8x128xf32, #tpu.memory_space<vmem>>, vector<16xf32>,
        %parallel_loop3A_864 = arith.constant 1 : i32
        %parallel_loop3A_865 = arith.addi %parallel_loop3A_458, %parallel_loop3A_864 : i32
        %parallel_loop3A_866 = arith.index_cast %rem3A_311 : i32 to index
        %parallel_loop3A_867 = arith.index_cast %parallel_loop3A_448 : i32 to index
        %parallel_loop3A_868 = arith.index_cast %parallel_loop3A_865 : i32 to index
        %parallel_loop3A_869 = arith.constant 64 : index
        %parallel_loop3A_870 = tpu.vector_load %arg10[%parallel_loop3A_866, %parallel_loop3A_867, %parallel_loop3A_868, %parallel_loop3A_869] {strides = array<i32>} : memref<3x8x8x128xf32, #tpu.memory_space<vmem>>, vector<16xf32>,
        %parallel_loop3A_871 = arith.index_cast %rem3A_311 : i32 to index
        %parallel_loop3A_872 = arith.index_cast %parallel_loop3A_448 : i32 to index
        %parallel_loop3A_873 = arith.index_cast %parallel_loop3A_458 : i32 to index
        %parallel_loop3A_874 = arith.constant 64 : index
        %parallel_loop3A_875 = tpu.vector_load %arg11[%parallel_loop3A_871, %parallel_loop3A_872, %parallel_loop3A_873, %parallel_loop3A_874] {strides = array<i32>} : memref<3x8x8x128xf32, #tpu.memory_space<vmem>>, vector<16xf32>,
        %parallel_loop3A_876 = arith.constant 1 : i32
        %parallel_loop3A_877 = arith.addi %parallel_loop3A_458, %parallel_loop3A_876 : i32
        %parallel_loop3A_878 = arith.index_cast %rem3A_311 : i32 to index
        %parallel_loop3A_879 = arith.index_cast %parallel_loop3A_448 : i32 to index
        %parallel_loop3A_880 = arith.index_cast %parallel_loop3A_877 : i32 to index
        %parallel_loop3A_881 = arith.constant 64 : index
        %parallel_loop3A_882 = tpu.vector_load %arg11[%parallel_loop3A_878, %parallel_loop3A_879, %parallel_loop3A_880, %parallel_loop3A_881] {strides = array<i32>} : memref<3x8x8x128xf32, #tpu.memory_space<vmem>>, vector<16xf32>,
        %parallel_loop3A_883 = arith.constant 0 : i32
        %parallel_loop3A_884 = vector.broadcast %parallel_loop3A_883 : i32 to vector<16xi32>
        %parallel_loop3A_885 = arith.cmpi eq, %parallel_loop3A_850, %parallel_loop3A_884 : vector<16xi32>
        %parallel_loop3A_886 = arith.constant 0 : i32
        %parallel_loop3A_887 = vector.broadcast %parallel_loop3A_886 : i32 to vector<16xi32>
        %parallel_loop3A_888 = arith.cmpi eq, %parallel_loop3A_854, %parallel_loop3A_887 : vector<16xi32>
        %parallel_loop3A_889 = arith.select %parallel_loop3A_888, %parallel_loop3A_863, %parallel_loop3A_875 : vector<16xi1>, vector<16xf32>
        %parallel_loop3A_890 = arith.select %parallel_loop3A_888, %parallel_loop3A_870, %parallel_loop3A_882 : vector<16xi1>, vector<16xf32>
        %parallel_loop3A_891 = arith.maximumf %parallel_loop3A_889, %parallel_loop3A_890 : vector<16xf32>
        %parallel_loop3A_892 = arith.select %parallel_loop3A_888, %parallel_loop3A_863, %parallel_loop3A_870 : vector<16xi1>, vector<16xf32>
        %parallel_loop3A_893 = arith.select %parallel_loop3A_888, %parallel_loop3A_875, %parallel_loop3A_882 : vector<16xi1>, vector<16xf32>
        %parallel_loop3A_894 = arith.select %parallel_loop3A_885, %parallel_loop3A_892, %parallel_loop3A_893 : vector<16xi1>, vector<16xf32>
        %parallel_loop3A_895 = arith.constant 8.000000e-01 : f32
        %parallel_loop3A_896 = vector.broadcast %parallel_loop3A_895 : f32 to vector<16xf32>
        %parallel_loop3A_897 = arith.mulf %parallel_loop3A_896, %parallel_loop3A_891 : vector<16xf32>
        %parallel_loop3A_898 = arith.addf %parallel_loop3A_858, %parallel_loop3A_897 : vector<16xf32>
        %parallel_loop3A_899 = arith.subf %parallel_loop3A_898, %parallel_loop3A_894 : vector<16xf32>
        %parallel_loop3A_900 = arith.constant 8.000000e-01 : f32
        %parallel_loop3A_901 = vector.broadcast %parallel_loop3A_900 : f32 to vector<16xf32>
        %parallel_loop3A_902 = arith.mulf %parallel_loop3A_901, %parallel_loop3A_899 : vector<16xf32>
        %parallel_loop3A_903 = arith.addf %parallel_loop3A_894, %parallel_loop3A_902 : vector<16xf32>
        %parallel_loop3A_904 = arith.andi %parallel_loop3A_885, %parallel_loop3A_888 : vector<16xi1>
        %parallel_loop3A_905 = arith.select %parallel_loop3A_904, %parallel_loop3A_903, %parallel_loop3A_863 : vector<16xi1>, vector<16xf32>
        %parallel_loop3A_906 = arith.index_cast %rem3A_311 : i32 to index
        %parallel_loop3A_907 = arith.index_cast %parallel_loop3A_448 : i32 to index
        %parallel_loop3A_908 = arith.index_cast %parallel_loop3A_458 : i32 to index
        %parallel_loop3A_909 = arith.constant 64 : index
        %parallel_loop3A_910 = tpu.vector_load %arg10[%parallel_loop3A_906, %parallel_loop3A_907, %parallel_loop3A_908, %parallel_loop3A_909] {strides = array<i32>} : memref<3x8x8x128xf32, #tpu.memory_space<vmem>>, vector<16xf32>,
        tpu.vector_store %arg10[%parallel_loop3A_906, %parallel_loop3A_907, %parallel_loop3A_908, %parallel_loop3A_909], %parallel_loop3A_905 {strides = array<i32>} : memref<3x8x8x128xf32, #tpu.memory_space<vmem>>, vector<16xf32>,
        %parallel_loop3A_911 = arith.constant dense<true> : vector<16xi1>
        %parallel_loop3A_912 = arith.xori %parallel_loop3A_888, %parallel_loop3A_911 : vector<16xi1>
        %parallel_loop3A_913 = arith.andi %parallel_loop3A_885, %parallel_loop3A_912 : vector<16xi1>
        %parallel_loop3A_914 = arith.select %parallel_loop3A_913, %parallel_loop3A_903, %parallel_loop3A_870 : vector<16xi1>, vector<16xf32>
        %parallel_loop3A_915 = arith.constant 1 : i32
        %parallel_loop3A_916 = arith.addi %parallel_loop3A_458, %parallel_loop3A_915 : i32
        %parallel_loop3A_917 = arith.index_cast %rem3A_311 : i32 to index
        %parallel_loop3A_918 = arith.index_cast %parallel_loop3A_448 : i32 to index
        %parallel_loop3A_919 = arith.index_cast %parallel_loop3A_916 : i32 to index
        %parallel_loop3A_920 = arith.constant 64 : index
        %parallel_loop3A_921 = tpu.vector_load %arg10[%parallel_loop3A_917, %parallel_loop3A_918, %parallel_loop3A_919, %parallel_loop3A_920] {strides = array<i32>} : memref<3x8x8x128xf32, #tpu.memory_space<vmem>>, vector<16xf32>,
        tpu.vector_store %arg10[%parallel_loop3A_917, %parallel_loop3A_918, %parallel_loop3A_919, %parallel_loop3A_920], %parallel_loop3A_914 {strides = array<i32>} : memref<3x8x8x128xf32, #tpu.memory_space<vmem>>, vector<16xf32>,
        %parallel_loop3A_922 = arith.constant dense<true> : vector<16xi1>
        %parallel_loop3A_923 = arith.xori %parallel_loop3A_885, %parallel_loop3A_922 : vector<16xi1>
        %parallel_loop3A_924 = arith.andi %parallel_loop3A_923, %parallel_loop3A_888 : vector<16xi1>
        %parallel_loop3A_925 = arith.select %parallel_loop3A_924, %parallel_loop3A_903, %parallel_loop3A_875 : vector<16xi1>, vector<16xf32>
        %parallel_loop3A_926 = arith.index_cast %rem3A_311 : i32 to index
        %parallel_loop3A_927 = arith.index_cast %parallel_loop3A_448 : i32 to index
        %parallel_loop3A_928 = arith.index_cast %parallel_loop3A_458 : i32 to index
        %parallel_loop3A_929 = arith.constant 64 : index
        %parallel_loop3A_930 = tpu.vector_load %arg11[%parallel_loop3A_926, %parallel_loop3A_927, %parallel_loop3A_928, %parallel_loop3A_929] {strides = array<i32>} : memref<3x8x8x128xf32, #tpu.memory_space<vmem>>, vector<16xf32>,
        tpu.vector_store %arg11[%parallel_loop3A_926, %parallel_loop3A_927, %parallel_loop3A_928, %parallel_loop3A_929], %parallel_loop3A_925 {strides = array<i32>} : memref<3x8x8x128xf32, #tpu.memory_space<vmem>>, vector<16xf32>,
        %parallel_loop3A_931 = arith.constant dense<true> : vector<16xi1>
        %parallel_loop3A_932 = arith.xori %parallel_loop3A_885, %parallel_loop3A_931 : vector<16xi1>
        %parallel_loop3A_933 = arith.constant dense<true> : vector<16xi1>
        %parallel_loop3A_934 = arith.xori %parallel_loop3A_888, %parallel_loop3A_933 : vector<16xi1>
        %parallel_loop3A_935 = arith.andi %parallel_loop3A_932, %parallel_loop3A_934 : vector<16xi1>
        %parallel_loop3A_936 = arith.select %parallel_loop3A_935, %parallel_loop3A_903, %parallel_loop3A_882 : vector<16xi1>, vector<16xf32>
        %parallel_loop3A_937 = arith.constant 1 : i32
        %parallel_loop3A_938 = arith.addi %parallel_loop3A_458, %parallel_loop3A_937 : i32
        %parallel_loop3A_939 = arith.index_cast %rem3A_311 : i32 to index
        %parallel_loop3A_940 = arith.index_cast %parallel_loop3A_448 : i32 to index
        %parallel_loop3A_941 = arith.index_cast %parallel_loop3A_938 : i32 to index
        %parallel_loop3A_942 = arith.constant 64 : index
        %parallel_loop3A_943 = tpu.vector_load %arg11[%parallel_loop3A_939, %parallel_loop3A_940, %parallel_loop3A_941, %parallel_loop3A_942] {strides = array<i32>} : memref<3x8x8x128xf32, #tpu.memory_space<vmem>>, vector<16xf32>,
        tpu.vector_store %arg11[%parallel_loop3A_939, %parallel_loop3A_940, %parallel_loop3A_941, %parallel_loop3A_942], %parallel_loop3A_936 {strides = array<i32>} : memref<3x8x8x128xf32, #tpu.memory_space<vmem>>, vector<16xf32>,
        %parallel_loop3A_944 = arith.constant 80 : i32
        %parallel_loop3A_945 = arith.addi %parallel_loop3A_456, %parallel_loop3A_944 : i32
        %parallel_loop3A_946 = arith.index_cast %parallel_loop3A_945 : i32 to index
        %parallel_loop3A_947 = tpu.vector_load %arg7[%parallel_loop3A_946] {strides = array<i32>} : memref<12288xi32, #tpu.memory_space<vmem>>, vector<16xi32>,
        %parallel_loop3A_948 = arith.constant 80 : i32
        %parallel_loop3A_949 = arith.addi %parallel_loop3A_456, %parallel_loop3A_948 : i32
        %parallel_loop3A_950 = arith.index_cast %parallel_loop3A_949 : i32 to index
        %parallel_loop3A_951 = tpu.vector_load %arg8[%parallel_loop3A_950] {strides = array<i32>} : memref<12288xi32, #tpu.memory_space<vmem>>, vector<16xi32>,
        %parallel_loop3A_952 = arith.constant 80 : i32
        %parallel_loop3A_953 = arith.addi %parallel_loop3A_456, %parallel_loop3A_952 : i32
        %parallel_loop3A_954 = arith.index_cast %parallel_loop3A_953 : i32 to index
        %parallel_loop3A_955 = tpu.vector_load %arg9[%parallel_loop3A_954] {strides = array<i32>} : memref<12288xf32, #tpu.memory_space<vmem>>, vector<16xf32>,
        %parallel_loop3A_956 = arith.index_cast %rem3A_311 : i32 to index
        %parallel_loop3A_957 = arith.index_cast %parallel_loop3A_448 : i32 to index
        %parallel_loop3A_958 = arith.index_cast %parallel_loop3A_458 : i32 to index
        %parallel_loop3A_959 = arith.constant 80 : index
        %parallel_loop3A_960 = tpu.vector_load %arg10[%parallel_loop3A_956, %parallel_loop3A_957, %parallel_loop3A_958, %parallel_loop3A_959] {strides = array<i32>} : memref<3x8x8x128xf32, #tpu.memory_space<vmem>>, vector<16xf32>,
        %parallel_loop3A_961 = arith.constant 1 : i32
        %parallel_loop3A_962 = arith.addi %parallel_loop3A_458, %parallel_loop3A_961 : i32
        %parallel_loop3A_963 = arith.index_cast %rem3A_311 : i32 to index
        %parallel_loop3A_964 = arith.index_cast %parallel_loop3A_448 : i32 to index
        %parallel_loop3A_965 = arith.index_cast %parallel_loop3A_962 : i32 to index
        %parallel_loop3A_966 = arith.constant 80 : index
        %parallel_loop3A_967 = tpu.vector_load %arg10[%parallel_loop3A_963, %parallel_loop3A_964, %parallel_loop3A_965, %parallel_loop3A_966] {strides = array<i32>} : memref<3x8x8x128xf32, #tpu.memory_space<vmem>>, vector<16xf32>,
        %parallel_loop3A_968 = arith.index_cast %rem3A_311 : i32 to index
        %parallel_loop3A_969 = arith.index_cast %parallel_loop3A_448 : i32 to index
        %parallel_loop3A_970 = arith.index_cast %parallel_loop3A_458 : i32 to index
        %parallel_loop3A_971 = arith.constant 80 : index
        %parallel_loop3A_972 = tpu.vector_load %arg11[%parallel_loop3A_968, %parallel_loop3A_969, %parallel_loop3A_970, %parallel_loop3A_971] {strides = array<i32>} : memref<3x8x8x128xf32, #tpu.memory_space<vmem>>, vector<16xf32>,
        %parallel_loop3A_973 = arith.constant 1 : i32
        %parallel_loop3A_974 = arith.addi %parallel_loop3A_458, %parallel_loop3A_973 : i32
        %parallel_loop3A_975 = arith.index_cast %rem3A_311 : i32 to index
        %parallel_loop3A_976 = arith.index_cast %parallel_loop3A_448 : i32 to index
        %parallel_loop3A_977 = arith.index_cast %parallel_loop3A_974 : i32 to index
        %parallel_loop3A_978 = arith.constant 80 : index
        %parallel_loop3A_979 = tpu.vector_load %arg11[%parallel_loop3A_975, %parallel_loop3A_976, %parallel_loop3A_977, %parallel_loop3A_978] {strides = array<i32>} : memref<3x8x8x128xf32, #tpu.memory_space<vmem>>, vector<16xf32>,
        %parallel_loop3A_980 = arith.constant 0 : i32
        %parallel_loop3A_981 = vector.broadcast %parallel_loop3A_980 : i32 to vector<16xi32>
        %parallel_loop3A_982 = arith.cmpi eq, %parallel_loop3A_947, %parallel_loop3A_981 : vector<16xi32>
        %parallel_loop3A_983 = arith.constant 0 : i32
        %parallel_loop3A_984 = vector.broadcast %parallel_loop3A_983 : i32 to vector<16xi32>
        %parallel_loop3A_985 = arith.cmpi eq, %parallel_loop3A_951, %parallel_loop3A_984 : vector<16xi32>
        %parallel_loop3A_986 = arith.select %parallel_loop3A_985, %parallel_loop3A_960, %parallel_loop3A_972 : vector<16xi1>, vector<16xf32>
        %parallel_loop3A_987 = arith.select %parallel_loop3A_985, %parallel_loop3A_967, %parallel_loop3A_979 : vector<16xi1>, vector<16xf32>
        %parallel_loop3A_988 = arith.maximumf %parallel_loop3A_986, %parallel_loop3A_987 : vector<16xf32>
        %parallel_loop3A_989 = arith.select %parallel_loop3A_985, %parallel_loop3A_960, %parallel_loop3A_967 : vector<16xi1>, vector<16xf32>
        %parallel_loop3A_990 = arith.select %parallel_loop3A_985, %parallel_loop3A_972, %parallel_loop3A_979 : vector<16xi1>, vector<16xf32>
        %parallel_loop3A_991 = arith.select %parallel_loop3A_982, %parallel_loop3A_989, %parallel_loop3A_990 : vector<16xi1>, vector<16xf32>
        %parallel_loop3A_992 = arith.constant 8.000000e-01 : f32
        %parallel_loop3A_993 = vector.broadcast %parallel_loop3A_992 : f32 to vector<16xf32>
        %parallel_loop3A_994 = arith.mulf %parallel_loop3A_993, %parallel_loop3A_988 : vector<16xf32>
        %parallel_loop3A_995 = arith.addf %parallel_loop3A_955, %parallel_loop3A_994 : vector<16xf32>
        %parallel_loop3A_996 = arith.subf %parallel_loop3A_995, %parallel_loop3A_991 : vector<16xf32>
        %parallel_loop3A_997 = arith.constant 8.000000e-01 : f32
        %parallel_loop3A_998 = vector.broadcast %parallel_loop3A_997 : f32 to vector<16xf32>
        %parallel_loop3A_999 = arith.mulf %parallel_loop3A_998, %parallel_loop3A_996 : vector<16xf32>
        %parallel_loop3A_1000 = arith.addf %parallel_loop3A_991, %parallel_loop3A_999 : vector<16xf32>
        %parallel_loop3A_1001 = arith.andi %parallel_loop3A_982, %parallel_loop3A_985 : vector<16xi1>
        %parallel_loop3A_1002 = arith.select %parallel_loop3A_1001, %parallel_loop3A_1000, %parallel_loop3A_960 : vector<16xi1>, vector<16xf32>
        %parallel_loop3A_1003 = arith.index_cast %rem3A_311 : i32 to index
        %parallel_loop3A_1004 = arith.index_cast %parallel_loop3A_448 : i32 to index
        %parallel_loop3A_1005 = arith.index_cast %parallel_loop3A_458 : i32 to index
        %parallel_loop3A_1006 = arith.constant 80 : index
        %parallel_loop3A_1007 = tpu.vector_load %arg10[%parallel_loop3A_1003, %parallel_loop3A_1004, %parallel_loop3A_1005, %parallel_loop3A_1006] {strides = array<i32>} : memref<3x8x8x128xf32, #tpu.memory_space<vmem>>, vector<16xf32>,
        tpu.vector_store %arg10[%parallel_loop3A_1003, %parallel_loop3A_1004, %parallel_loop3A_1005, %parallel_loop3A_1006], %parallel_loop3A_1002 {strides = array<i32>} : memref<3x8x8x128xf32, #tpu.memory_space<vmem>>, vector<16xf32>,
        %parallel_loop3A_1008 = arith.constant dense<true> : vector<16xi1>
        %parallel_loop3A_1009 = arith.xori %parallel_loop3A_985, %parallel_loop3A_1008 : vector<16xi1>
        %parallel_loop3A_1010 = arith.andi %parallel_loop3A_982, %parallel_loop3A_1009 : vector<16xi1>
        %parallel_loop3A_1011 = arith.select %parallel_loop3A_1010, %parallel_loop3A_1000, %parallel_loop3A_967 : vector<16xi1>, vector<16xf32>
        %parallel_loop3A_1012 = arith.constant 1 : i32
        %parallel_loop3A_1013 = arith.addi %parallel_loop3A_458, %parallel_loop3A_1012 : i32
        %parallel_loop3A_1014 = arith.index_cast %rem3A_311 : i32 to index
        %parallel_loop3A_1015 = arith.index_cast %parallel_loop3A_448 : i32 to index
        %parallel_loop3A_1016 = arith.index_cast %parallel_loop3A_1013 : i32 to index
        %parallel_loop3A_1017 = arith.constant 80 : index
        %parallel_loop3A_1018 = tpu.vector_load %arg10[%parallel_loop3A_1014, %parallel_loop3A_1015, %parallel_loop3A_1016, %parallel_loop3A_1017] {strides = array<i32>} : memref<3x8x8x128xf32, #tpu.memory_space<vmem>>, vector<16xf32>,
        tpu.vector_store %arg10[%parallel_loop3A_1014, %parallel_loop3A_1015, %parallel_loop3A_1016, %parallel_loop3A_1017], %parallel_loop3A_1011 {strides = array<i32>} : memref<3x8x8x128xf32, #tpu.memory_space<vmem>>, vector<16xf32>,
        %parallel_loop3A_1019 = arith.constant dense<true> : vector<16xi1>
        %parallel_loop3A_1020 = arith.xori %parallel_loop3A_982, %parallel_loop3A_1019 : vector<16xi1>
        %parallel_loop3A_1021 = arith.andi %parallel_loop3A_1020, %parallel_loop3A_985 : vector<16xi1>
        %parallel_loop3A_1022 = arith.select %parallel_loop3A_1021, %parallel_loop3A_1000, %parallel_loop3A_972 : vector<16xi1>, vector<16xf32>
        %parallel_loop3A_1023 = arith.index_cast %rem3A_311 : i32 to index
        %parallel_loop3A_1024 = arith.index_cast %parallel_loop3A_448 : i32 to index
        %parallel_loop3A_1025 = arith.index_cast %parallel_loop3A_458 : i32 to index
        %parallel_loop3A_1026 = arith.constant 80 : index
        %parallel_loop3A_1027 = tpu.vector_load %arg11[%parallel_loop3A_1023, %parallel_loop3A_1024, %parallel_loop3A_1025, %parallel_loop3A_1026] {strides = array<i32>} : memref<3x8x8x128xf32, #tpu.memory_space<vmem>>, vector<16xf32>,
        tpu.vector_store %arg11[%parallel_loop3A_1023, %parallel_loop3A_1024, %parallel_loop3A_1025, %parallel_loop3A_1026], %parallel_loop3A_1022 {strides = array<i32>} : memref<3x8x8x128xf32, #tpu.memory_space<vmem>>, vector<16xf32>,
        %parallel_loop3A_1028 = arith.constant dense<true> : vector<16xi1>
        %parallel_loop3A_1029 = arith.xori %parallel_loop3A_982, %parallel_loop3A_1028 : vector<16xi1>
        %parallel_loop3A_1030 = arith.constant dense<true> : vector<16xi1>
        %parallel_loop3A_1031 = arith.xori %parallel_loop3A_985, %parallel_loop3A_1030 : vector<16xi1>
        %parallel_loop3A_1032 = arith.andi %parallel_loop3A_1029, %parallel_loop3A_1031 : vector<16xi1>
        %parallel_loop3A_1033 = arith.select %parallel_loop3A_1032, %parallel_loop3A_1000, %parallel_loop3A_979 : vector<16xi1>, vector<16xf32>
        %parallel_loop3A_1034 = arith.constant 1 : i32
        %parallel_loop3A_1035 = arith.addi %parallel_loop3A_458, %parallel_loop3A_1034 : i32
        %parallel_loop3A_1036 = arith.index_cast %rem3A_311 : i32 to index
        %parallel_loop3A_1037 = arith.index_cast %parallel_loop3A_448 : i32 to index
        %parallel_loop3A_1038 = arith.index_cast %parallel_loop3A_1035 : i32 to index
        %parallel_loop3A_1039 = arith.constant 80 : index
        %parallel_loop3A_1040 = tpu.vector_load %arg11[%parallel_loop3A_1036, %parallel_loop3A_1037, %parallel_loop3A_1038, %parallel_loop3A_1039] {strides = array<i32>} : memref<3x8x8x128xf32, #tpu.memory_space<vmem>>, vector<16xf32>,
        tpu.vector_store %arg11[%parallel_loop3A_1036, %parallel_loop3A_1037, %parallel_loop3A_1038, %parallel_loop3A_1039], %parallel_loop3A_1033 {strides = array<i32>} : memref<3x8x8x128xf32, #tpu.memory_space<vmem>>, vector<16xf32>,
        %parallel_loop3A_1041 = arith.constant 96 : i32
        %parallel_loop3A_1042 = arith.addi %parallel_loop3A_456, %parallel_loop3A_1041 : i32
        %parallel_loop3A_1043 = arith.index_cast %parallel_loop3A_1042 : i32 to index
        %parallel_loop3A_1044 = tpu.vector_load %arg7[%parallel_loop3A_1043] {strides = array<i32>} : memref<12288xi32, #tpu.memory_space<vmem>>, vector<16xi32>,
        %parallel_loop3A_1045 = arith.constant 96 : i32
        %parallel_loop3A_1046 = arith.addi %parallel_loop3A_456, %parallel_loop3A_1045 : i32
        %parallel_loop3A_1047 = arith.index_cast %parallel_loop3A_1046 : i32 to index
        %parallel_loop3A_1048 = tpu.vector_load %arg8[%parallel_loop3A_1047] {strides = array<i32>} : memref<12288xi32, #tpu.memory_space<vmem>>, vector<16xi32>,
        %parallel_loop3A_1049 = arith.constant 96 : i32
        %parallel_loop3A_1050 = arith.addi %parallel_loop3A_456, %parallel_loop3A_1049 : i32
        %parallel_loop3A_1051 = arith.index_cast %parallel_loop3A_1050 : i32 to index
        %parallel_loop3A_1052 = tpu.vector_load %arg9[%parallel_loop3A_1051] {strides = array<i32>} : memref<12288xf32, #tpu.memory_space<vmem>>, vector<16xf32>,
        %parallel_loop3A_1053 = arith.index_cast %rem3A_311 : i32 to index
        %parallel_loop3A_1054 = arith.index_cast %parallel_loop3A_448 : i32 to index
        %parallel_loop3A_1055 = arith.index_cast %parallel_loop3A_458 : i32 to index
        %parallel_loop3A_1056 = arith.constant 96 : index
        %parallel_loop3A_1057 = tpu.vector_load %arg10[%parallel_loop3A_1053, %parallel_loop3A_1054, %parallel_loop3A_1055, %parallel_loop3A_1056] {strides = array<i32>} : memref<3x8x8x128xf32, #tpu.memory_space<vmem>>, vector<16xf32>,
        %parallel_loop3A_1058 = arith.constant 1 : i32
        %parallel_loop3A_1059 = arith.addi %parallel_loop3A_458, %parallel_loop3A_1058 : i32
        %parallel_loop3A_1060 = arith.index_cast %rem3A_311 : i32 to index
        %parallel_loop3A_1061 = arith.index_cast %parallel_loop3A_448 : i32 to index
        %parallel_loop3A_1062 = arith.index_cast %parallel_loop3A_1059 : i32 to index
        %parallel_loop3A_1063 = arith.constant 96 : index
        %parallel_loop3A_1064 = tpu.vector_load %arg10[%parallel_loop3A_1060, %parallel_loop3A_1061, %parallel_loop3A_1062, %parallel_loop3A_1063] {strides = array<i32>} : memref<3x8x8x128xf32, #tpu.memory_space<vmem>>, vector<16xf32>,
        %parallel_loop3A_1065 = arith.index_cast %rem3A_311 : i32 to index
        %parallel_loop3A_1066 = arith.index_cast %parallel_loop3A_448 : i32 to index
        %parallel_loop3A_1067 = arith.index_cast %parallel_loop3A_458 : i32 to index
        %parallel_loop3A_1068 = arith.constant 96 : index
        %parallel_loop3A_1069 = tpu.vector_load %arg11[%parallel_loop3A_1065, %parallel_loop3A_1066, %parallel_loop3A_1067, %parallel_loop3A_1068] {strides = array<i32>} : memref<3x8x8x128xf32, #tpu.memory_space<vmem>>, vector<16xf32>,
        %parallel_loop3A_1070 = arith.constant 1 : i32
        %parallel_loop3A_1071 = arith.addi %parallel_loop3A_458, %parallel_loop3A_1070 : i32
        %parallel_loop3A_1072 = arith.index_cast %rem3A_311 : i32 to index
        %parallel_loop3A_1073 = arith.index_cast %parallel_loop3A_448 : i32 to index
        %parallel_loop3A_1074 = arith.index_cast %parallel_loop3A_1071 : i32 to index
        %parallel_loop3A_1075 = arith.constant 96 : index
        %parallel_loop3A_1076 = tpu.vector_load %arg11[%parallel_loop3A_1072, %parallel_loop3A_1073, %parallel_loop3A_1074, %parallel_loop3A_1075] {strides = array<i32>} : memref<3x8x8x128xf32, #tpu.memory_space<vmem>>, vector<16xf32>,
        %parallel_loop3A_1077 = arith.constant 0 : i32
        %parallel_loop3A_1078 = vector.broadcast %parallel_loop3A_1077 : i32 to vector<16xi32>
        %parallel_loop3A_1079 = arith.cmpi eq, %parallel_loop3A_1044, %parallel_loop3A_1078 : vector<16xi32>
        %parallel_loop3A_1080 = arith.constant 0 : i32
        %parallel_loop3A_1081 = vector.broadcast %parallel_loop3A_1080 : i32 to vector<16xi32>
        %parallel_loop3A_1082 = arith.cmpi eq, %parallel_loop3A_1048, %parallel_loop3A_1081 : vector<16xi32>
        %parallel_loop3A_1083 = arith.select %parallel_loop3A_1082, %parallel_loop3A_1057, %parallel_loop3A_1069 : vector<16xi1>, vector<16xf32>
        %parallel_loop3A_1084 = arith.select %parallel_loop3A_1082, %parallel_loop3A_1064, %parallel_loop3A_1076 : vector<16xi1>, vector<16xf32>
        %parallel_loop3A_1085 = arith.maximumf %parallel_loop3A_1083, %parallel_loop3A_1084 : vector<16xf32>
        %parallel_loop3A_1086 = arith.select %parallel_loop3A_1082, %parallel_loop3A_1057, %parallel_loop3A_1064 : vector<16xi1>, vector<16xf32>
        %parallel_loop3A_1087 = arith.select %parallel_loop3A_1082, %parallel_loop3A_1069, %parallel_loop3A_1076 : vector<16xi1>, vector<16xf32>
        %parallel_loop3A_1088 = arith.select %parallel_loop3A_1079, %parallel_loop3A_1086, %parallel_loop3A_1087 : vector<16xi1>, vector<16xf32>
        %parallel_loop3A_1089 = arith.constant 8.000000e-01 : f32
        %parallel_loop3A_1090 = vector.broadcast %parallel_loop3A_1089 : f32 to vector<16xf32>
        %parallel_loop3A_1091 = arith.mulf %parallel_loop3A_1090, %parallel_loop3A_1085 : vector<16xf32>
        %parallel_loop3A_1092 = arith.addf %parallel_loop3A_1052, %parallel_loop3A_1091 : vector<16xf32>
        %parallel_loop3A_1093 = arith.subf %parallel_loop3A_1092, %parallel_loop3A_1088 : vector<16xf32>
        %parallel_loop3A_1094 = arith.constant 8.000000e-01 : f32
        %parallel_loop3A_1095 = vector.broadcast %parallel_loop3A_1094 : f32 to vector<16xf32>
        %parallel_loop3A_1096 = arith.mulf %parallel_loop3A_1095, %parallel_loop3A_1093 : vector<16xf32>
        %parallel_loop3A_1097 = arith.addf %parallel_loop3A_1088, %parallel_loop3A_1096 : vector<16xf32>
        %parallel_loop3A_1098 = arith.andi %parallel_loop3A_1079, %parallel_loop3A_1082 : vector<16xi1>
        %parallel_loop3A_1099 = arith.select %parallel_loop3A_1098, %parallel_loop3A_1097, %parallel_loop3A_1057 : vector<16xi1>, vector<16xf32>
        %parallel_loop3A_1100 = arith.index_cast %rem3A_311 : i32 to index
        %parallel_loop3A_1101 = arith.index_cast %parallel_loop3A_448 : i32 to index
        %parallel_loop3A_1102 = arith.index_cast %parallel_loop3A_458 : i32 to index
        %parallel_loop3A_1103 = arith.constant 96 : index
        %parallel_loop3A_1104 = tpu.vector_load %arg10[%parallel_loop3A_1100, %parallel_loop3A_1101, %parallel_loop3A_1102, %parallel_loop3A_1103] {strides = array<i32>} : memref<3x8x8x128xf32, #tpu.memory_space<vmem>>, vector<16xf32>,
        tpu.vector_store %arg10[%parallel_loop3A_1100, %parallel_loop3A_1101, %parallel_loop3A_1102, %parallel_loop3A_1103], %parallel_loop3A_1099 {strides = array<i32>} : memref<3x8x8x128xf32, #tpu.memory_space<vmem>>, vector<16xf32>,
        %parallel_loop3A_1105 = arith.constant dense<true> : vector<16xi1>
        %parallel_loop3A_1106 = arith.xori %parallel_loop3A_1082, %parallel_loop3A_1105 : vector<16xi1>
        %parallel_loop3A_1107 = arith.andi %parallel_loop3A_1079, %parallel_loop3A_1106 : vector<16xi1>
        %parallel_loop3A_1108 = arith.select %parallel_loop3A_1107, %parallel_loop3A_1097, %parallel_loop3A_1064 : vector<16xi1>, vector<16xf32>
        %parallel_loop3A_1109 = arith.constant 1 : i32
        %parallel_loop3A_1110 = arith.addi %parallel_loop3A_458, %parallel_loop3A_1109 : i32
        %parallel_loop3A_1111 = arith.index_cast %rem3A_311 : i32 to index
        %parallel_loop3A_1112 = arith.index_cast %parallel_loop3A_448 : i32 to index
        %parallel_loop3A_1113 = arith.index_cast %parallel_loop3A_1110 : i32 to index
        %parallel_loop3A_1114 = arith.constant 96 : index
        %parallel_loop3A_1115 = tpu.vector_load %arg10[%parallel_loop3A_1111, %parallel_loop3A_1112, %parallel_loop3A_1113, %parallel_loop3A_1114] {strides = array<i32>} : memref<3x8x8x128xf32, #tpu.memory_space<vmem>>, vector<16xf32>,
        tpu.vector_store %arg10[%parallel_loop3A_1111, %parallel_loop3A_1112, %parallel_loop3A_1113, %parallel_loop3A_1114], %parallel_loop3A_1108 {strides = array<i32>} : memref<3x8x8x128xf32, #tpu.memory_space<vmem>>, vector<16xf32>,
        %parallel_loop3A_1116 = arith.constant dense<true> : vector<16xi1>
        %parallel_loop3A_1117 = arith.xori %parallel_loop3A_1079, %parallel_loop3A_1116 : vector<16xi1>
        %parallel_loop3A_1118 = arith.andi %parallel_loop3A_1117, %parallel_loop3A_1082 : vector<16xi1>
        %parallel_loop3A_1119 = arith.select %parallel_loop3A_1118, %parallel_loop3A_1097, %parallel_loop3A_1069 : vector<16xi1>, vector<16xf32>
        %parallel_loop3A_1120 = arith.index_cast %rem3A_311 : i32 to index
        %parallel_loop3A_1121 = arith.index_cast %parallel_loop3A_448 : i32 to index
        %parallel_loop3A_1122 = arith.index_cast %parallel_loop3A_458 : i32 to index
        %parallel_loop3A_1123 = arith.constant 96 : index
        %parallel_loop3A_1124 = tpu.vector_load %arg11[%parallel_loop3A_1120, %parallel_loop3A_1121, %parallel_loop3A_1122, %parallel_loop3A_1123] {strides = array<i32>} : memref<3x8x8x128xf32, #tpu.memory_space<vmem>>, vector<16xf32>,
        tpu.vector_store %arg11[%parallel_loop3A_1120, %parallel_loop3A_1121, %parallel_loop3A_1122, %parallel_loop3A_1123], %parallel_loop3A_1119 {strides = array<i32>} : memref<3x8x8x128xf32, #tpu.memory_space<vmem>>, vector<16xf32>,
        %parallel_loop3A_1125 = arith.constant dense<true> : vector<16xi1>
        %parallel_loop3A_1126 = arith.xori %parallel_loop3A_1079, %parallel_loop3A_1125 : vector<16xi1>
        %parallel_loop3A_1127 = arith.constant dense<true> : vector<16xi1>
        %parallel_loop3A_1128 = arith.xori %parallel_loop3A_1082, %parallel_loop3A_1127 : vector<16xi1>
        %parallel_loop3A_1129 = arith.andi %parallel_loop3A_1126, %parallel_loop3A_1128 : vector<16xi1>
        %parallel_loop3A_1130 = arith.select %parallel_loop3A_1129, %parallel_loop3A_1097, %parallel_loop3A_1076 : vector<16xi1>, vector<16xf32>
        %parallel_loop3A_1131 = arith.constant 1 : i32
        %parallel_loop3A_1132 = arith.addi %parallel_loop3A_458, %parallel_loop3A_1131 : i32
        %parallel_loop3A_1133 = arith.index_cast %rem3A_311 : i32 to index
        %parallel_loop3A_1134 = arith.index_cast %parallel_loop3A_448 : i32 to index
        %parallel_loop3A_1135 = arith.index_cast %parallel_loop3A_1132 : i32 to index
        %parallel_loop3A_1136 = arith.constant 96 : index
        %parallel_loop3A_1137 = tpu.vector_load %arg11[%parallel_loop3A_1133, %parallel_loop3A_1134, %parallel_loop3A_1135, %parallel_loop3A_1136] {strides = array<i32>} : memref<3x8x8x128xf32, #tpu.memory_space<vmem>>, vector<16xf32>,
        tpu.vector_store %arg11[%parallel_loop3A_1133, %parallel_loop3A_1134, %parallel_loop3A_1135, %parallel_loop3A_1136], %parallel_loop3A_1130 {strides = array<i32>} : memref<3x8x8x128xf32, #tpu.memory_space<vmem>>, vector<16xf32>,
        %parallel_loop3A_1138 = arith.constant 112 : i32
        %parallel_loop3A_1139 = arith.addi %parallel_loop3A_456, %parallel_loop3A_1138 : i32
        %parallel_loop3A_1140 = arith.index_cast %parallel_loop3A_1139 : i32 to index
        %parallel_loop3A_1141 = tpu.vector_load %arg7[%parallel_loop3A_1140] {strides = array<i32>} : memref<12288xi32, #tpu.memory_space<vmem>>, vector<16xi32>,
        %parallel_loop3A_1142 = arith.constant 112 : i32
        %parallel_loop3A_1143 = arith.addi %parallel_loop3A_456, %parallel_loop3A_1142 : i32
        %parallel_loop3A_1144 = arith.index_cast %parallel_loop3A_1143 : i32 to index
        %parallel_loop3A_1145 = tpu.vector_load %arg8[%parallel_loop3A_1144] {strides = array<i32>} : memref<12288xi32, #tpu.memory_space<vmem>>, vector<16xi32>,
        %parallel_loop3A_1146 = arith.constant 112 : i32
        %parallel_loop3A_1147 = arith.addi %parallel_loop3A_456, %parallel_loop3A_1146 : i32
        %parallel_loop3A_1148 = arith.index_cast %parallel_loop3A_1147 : i32 to index
        %parallel_loop3A_1149 = tpu.vector_load %arg9[%parallel_loop3A_1148] {strides = array<i32>} : memref<12288xf32, #tpu.memory_space<vmem>>, vector<16xf32>,
        %parallel_loop3A_1150 = arith.index_cast %rem3A_311 : i32 to index
        %parallel_loop3A_1151 = arith.index_cast %parallel_loop3A_448 : i32 to index
        %parallel_loop3A_1152 = arith.index_cast %parallel_loop3A_458 : i32 to index
        %parallel_loop3A_1153 = arith.constant 112 : index
        %parallel_loop3A_1154 = tpu.vector_load %arg10[%parallel_loop3A_1150, %parallel_loop3A_1151, %parallel_loop3A_1152, %parallel_loop3A_1153] {strides = array<i32>} : memref<3x8x8x128xf32, #tpu.memory_space<vmem>>, vector<16xf32>,
        %parallel_loop3A_1155 = arith.constant 1 : i32
        %parallel_loop3A_1156 = arith.addi %parallel_loop3A_458, %parallel_loop3A_1155 : i32
        %parallel_loop3A_1157 = arith.index_cast %rem3A_311 : i32 to index
        %parallel_loop3A_1158 = arith.index_cast %parallel_loop3A_448 : i32 to index
        %parallel_loop3A_1159 = arith.index_cast %parallel_loop3A_1156 : i32 to index
        %parallel_loop3A_1160 = arith.constant 112 : index
        %parallel_loop3A_1161 = tpu.vector_load %arg10[%parallel_loop3A_1157, %parallel_loop3A_1158, %parallel_loop3A_1159, %parallel_loop3A_1160] {strides = array<i32>} : memref<3x8x8x128xf32, #tpu.memory_space<vmem>>, vector<16xf32>,
        %parallel_loop3A_1162 = arith.index_cast %rem3A_311 : i32 to index
        %parallel_loop3A_1163 = arith.index_cast %parallel_loop3A_448 : i32 to index
        %parallel_loop3A_1164 = arith.index_cast %parallel_loop3A_458 : i32 to index
        %parallel_loop3A_1165 = arith.constant 112 : index
        %parallel_loop3A_1166 = tpu.vector_load %arg11[%parallel_loop3A_1162, %parallel_loop3A_1163, %parallel_loop3A_1164, %parallel_loop3A_1165] {strides = array<i32>} : memref<3x8x8x128xf32, #tpu.memory_space<vmem>>, vector<16xf32>,
        %parallel_loop3A_1167 = arith.constant 1 : i32
        %parallel_loop3A_1168 = arith.addi %parallel_loop3A_458, %parallel_loop3A_1167 : i32
        %parallel_loop3A_1169 = arith.index_cast %rem3A_311 : i32 to index
        %parallel_loop3A_1170 = arith.index_cast %parallel_loop3A_448 : i32 to index
        %parallel_loop3A_1171 = arith.index_cast %parallel_loop3A_1168 : i32 to index
        %parallel_loop3A_1172 = arith.constant 112 : index
        %parallel_loop3A_1173 = tpu.vector_load %arg11[%parallel_loop3A_1169, %parallel_loop3A_1170, %parallel_loop3A_1171, %parallel_loop3A_1172] {strides = array<i32>} : memref<3x8x8x128xf32, #tpu.memory_space<vmem>>, vector<16xf32>,
        %parallel_loop3A_1174 = arith.constant 0 : i32
        %parallel_loop3A_1175 = vector.broadcast %parallel_loop3A_1174 : i32 to vector<16xi32>
        %parallel_loop3A_1176 = arith.cmpi eq, %parallel_loop3A_1141, %parallel_loop3A_1175 : vector<16xi32>
        %parallel_loop3A_1177 = arith.constant 0 : i32
        %parallel_loop3A_1178 = vector.broadcast %parallel_loop3A_1177 : i32 to vector<16xi32>
        %parallel_loop3A_1179 = arith.cmpi eq, %parallel_loop3A_1145, %parallel_loop3A_1178 : vector<16xi32>
        %parallel_loop3A_1180 = arith.select %parallel_loop3A_1179, %parallel_loop3A_1154, %parallel_loop3A_1166 : vector<16xi1>, vector<16xf32>
        %parallel_loop3A_1181 = arith.select %parallel_loop3A_1179, %parallel_loop3A_1161, %parallel_loop3A_1173 : vector<16xi1>, vector<16xf32>
        %parallel_loop3A_1182 = arith.maximumf %parallel_loop3A_1180, %parallel_loop3A_1181 : vector<16xf32>
        %parallel_loop3A_1183 = arith.select %parallel_loop3A_1179, %parallel_loop3A_1154, %parallel_loop3A_1161 : vector<16xi1>, vector<16xf32>
        %parallel_loop3A_1184 = arith.select %parallel_loop3A_1179, %parallel_loop3A_1166, %parallel_loop3A_1173 : vector<16xi1>, vector<16xf32>
        %parallel_loop3A_1185 = arith.select %parallel_loop3A_1176, %parallel_loop3A_1183, %parallel_loop3A_1184 : vector<16xi1>, vector<16xf32>
        %parallel_loop3A_1186 = arith.constant 8.000000e-01 : f32
        %parallel_loop3A_1187 = vector.broadcast %parallel_loop3A_1186 : f32 to vector<16xf32>
        %parallel_loop3A_1188 = arith.mulf %parallel_loop3A_1187, %parallel_loop3A_1182 : vector<16xf32>
        %parallel_loop3A_1189 = arith.addf %parallel_loop3A_1149, %parallel_loop3A_1188 : vector<16xf32>
        %parallel_loop3A_1190 = arith.subf %parallel_loop3A_1189, %parallel_loop3A_1185 : vector<16xf32>
        %parallel_loop3A_1191 = arith.constant 8.000000e-01 : f32
        %parallel_loop3A_1192 = vector.broadcast %parallel_loop3A_1191 : f32 to vector<16xf32>
        %parallel_loop3A_1193 = arith.mulf %parallel_loop3A_1192, %parallel_loop3A_1190 : vector<16xf32>
        %parallel_loop3A_1194 = arith.addf %parallel_loop3A_1185, %parallel_loop3A_1193 : vector<16xf32>
        %parallel_loop3A_1195 = arith.andi %parallel_loop3A_1176, %parallel_loop3A_1179 : vector<16xi1>
        %parallel_loop3A_1196 = arith.select %parallel_loop3A_1195, %parallel_loop3A_1194, %parallel_loop3A_1154 : vector<16xi1>, vector<16xf32>
        %parallel_loop3A_1197 = arith.index_cast %rem3A_311 : i32 to index
        %parallel_loop3A_1198 = arith.index_cast %parallel_loop3A_448 : i32 to index
        %parallel_loop3A_1199 = arith.index_cast %parallel_loop3A_458 : i32 to index
        %parallel_loop3A_1200 = arith.constant 112 : index
        %parallel_loop3A_1201 = tpu.vector_load %arg10[%parallel_loop3A_1197, %parallel_loop3A_1198, %parallel_loop3A_1199, %parallel_loop3A_1200] {strides = array<i32>} : memref<3x8x8x128xf32, #tpu.memory_space<vmem>>, vector<16xf32>,
        tpu.vector_store %arg10[%parallel_loop3A_1197, %parallel_loop3A_1198, %parallel_loop3A_1199, %parallel_loop3A_1200], %parallel_loop3A_1196 {strides = array<i32>} : memref<3x8x8x128xf32, #tpu.memory_space<vmem>>, vector<16xf32>,
        %parallel_loop3A_1202 = arith.constant dense<true> : vector<16xi1>
        %parallel_loop3A_1203 = arith.xori %parallel_loop3A_1179, %parallel_loop3A_1202 : vector<16xi1>
        %parallel_loop3A_1204 = arith.andi %parallel_loop3A_1176, %parallel_loop3A_1203 : vector<16xi1>
        %parallel_loop3A_1205 = arith.select %parallel_loop3A_1204, %parallel_loop3A_1194, %parallel_loop3A_1161 : vector<16xi1>, vector<16xf32>
        %parallel_loop3A_1206 = arith.constant 1 : i32
        %parallel_loop3A_1207 = arith.addi %parallel_loop3A_458, %parallel_loop3A_1206 : i32
        %parallel_loop3A_1208 = arith.index_cast %rem3A_311 : i32 to index
        %parallel_loop3A_1209 = arith.index_cast %parallel_loop3A_448 : i32 to index
        %parallel_loop3A_1210 = arith.index_cast %parallel_loop3A_1207 : i32 to index
        %parallel_loop3A_1211 = arith.constant 112 : index
        %parallel_loop3A_1212 = tpu.vector_load %arg10[%parallel_loop3A_1208, %parallel_loop3A_1209, %parallel_loop3A_1210, %parallel_loop3A_1211] {strides = array<i32>} : memref<3x8x8x128xf32, #tpu.memory_space<vmem>>, vector<16xf32>,
        tpu.vector_store %arg10[%parallel_loop3A_1208, %parallel_loop3A_1209, %parallel_loop3A_1210, %parallel_loop3A_1211], %parallel_loop3A_1205 {strides = array<i32>} : memref<3x8x8x128xf32, #tpu.memory_space<vmem>>, vector<16xf32>,
        %parallel_loop3A_1213 = arith.constant dense<true> : vector<16xi1>
        %parallel_loop3A_1214 = arith.xori %parallel_loop3A_1176, %parallel_loop3A_1213 : vector<16xi1>
        %parallel_loop3A_1215 = arith.andi %parallel_loop3A_1214, %parallel_loop3A_1179 : vector<16xi1>
        %parallel_loop3A_1216 = arith.select %parallel_loop3A_1215, %parallel_loop3A_1194, %parallel_loop3A_1166 : vector<16xi1>, vector<16xf32>
        %parallel_loop3A_1217 = arith.index_cast %rem3A_311 : i32 to index
        %parallel_loop3A_1218 = arith.index_cast %parallel_loop3A_448 : i32 to index
        %parallel_loop3A_1219 = arith.index_cast %parallel_loop3A_458 : i32 to index
        %parallel_loop3A_1220 = arith.constant 112 : index
        %parallel_loop3A_1221 = tpu.vector_load %arg11[%parallel_loop3A_1217, %parallel_loop3A_1218, %parallel_loop3A_1219, %parallel_loop3A_1220] {strides = array<i32>} : memref<3x8x8x128xf32, #tpu.memory_space<vmem>>, vector<16xf32>,
        tpu.vector_store %arg11[%parallel_loop3A_1217, %parallel_loop3A_1218, %parallel_loop3A_1219, %parallel_loop3A_1220], %parallel_loop3A_1216 {strides = array<i32>} : memref<3x8x8x128xf32, #tpu.memory_space<vmem>>, vector<16xf32>,
        %parallel_loop3A_1222 = arith.constant dense<true> : vector<16xi1>
        %parallel_loop3A_1223 = arith.xori %parallel_loop3A_1176, %parallel_loop3A_1222 : vector<16xi1>
        %parallel_loop3A_1224 = arith.constant dense<true> : vector<16xi1>
        %parallel_loop3A_1225 = arith.xori %parallel_loop3A_1179, %parallel_loop3A_1224 : vector<16xi1>
        %parallel_loop3A_1226 = arith.andi %parallel_loop3A_1223, %parallel_loop3A_1225 : vector<16xi1>
        %parallel_loop3A_1227 = arith.select %parallel_loop3A_1226, %parallel_loop3A_1194, %parallel_loop3A_1173 : vector<16xi1>, vector<16xf32>
        %parallel_loop3A_1228 = arith.constant 1 : i32
        %parallel_loop3A_1229 = arith.addi %parallel_loop3A_458, %parallel_loop3A_1228 : i32
        %parallel_loop3A_1230 = arith.index_cast %rem3A_311 : i32 to index
        %parallel_loop3A_1231 = arith.index_cast %parallel_loop3A_448 : i32 to index
        %parallel_loop3A_1232 = arith.index_cast %parallel_loop3A_1229 : i32 to index
        %parallel_loop3A_1233 = arith.constant 112 : index
        %parallel_loop3A_1234 = tpu.vector_load %arg11[%parallel_loop3A_1230, %parallel_loop3A_1231, %parallel_loop3A_1232, %parallel_loop3A_1233] {strides = array<i32>} : memref<3x8x8x128xf32, #tpu.memory_space<vmem>>, vector<16xf32>,
        tpu.vector_store %arg11[%parallel_loop3A_1230, %parallel_loop3A_1231, %parallel_loop3A_1232, %parallel_loop3A_1233], %parallel_loop3A_1227 {strides = array<i32>} : memref<3x8x8x128xf32, #tpu.memory_space<vmem>>, vector<16xf32>,
      } {sc.loop_unroll_factor = 1 : i64, sc.parallel_access}
      %shift_right_arithmetic3A_393 = arith.constant 2 : i32
      %shift_right_arithmetic3A_394 = arith.shrsi %scan3A_310, %shift_right_arithmetic3A_393 : i32
      %add3A_395 = arith.addi %mul3A_2, %shift_right_arithmetic3A_394 : i32
      %and3A_396 = arith.constant 3 : i32
      %and3A_397 = arith.andi %scan3A_310, %and3A_396 : i32
      %dma_start3A_398 = arith.constant 0 : i32
      %dma_start3A_399 = arith.constant 0 : i32
      %dma_start3A_400 = arith.constant 0 : i32
      %dma_start3A_401 = arith.constant 0 : i32
      %dma_start3A_402 = tpu.memref_slice %arg10[%rem3A_311, %dma_start3A_399, %dma_start3A_400, %dma_start3A_401] : memref<3x8x8x128xf32, #tpu.memory_space<vmem>> -> memref<1x8x8x128xf32, #tpu.memory_space<vmem>>
      %dma_start3A_403 = tpu.memref_squeeze %dma_start3A_402 : memref<1x8x8x128xf32, #tpu.memory_space<vmem>> -> memref<8x8x128xf32, #tpu.memory_space<vmem>>
      %dma_start3A_404 = tpu.memref_reshape %arg6 : memref<131072x128xf32, #tpu.memory_space<hbm>> -> memref<2x256x8x4x8x128xf32, #tpu.memory_space<hbm>>
      %dma_start3A_405 = arith.constant 0 : i32
      %dma_start3A_406 = arith.constant 0 : i32
      %dma_start3A_407 = arith.constant 0 : i32
      %dma_start3A_408 = tpu.memref_slice %dma_start3A_404[%dma_start3A_398, %add3A_395, %dma_start3A_405, %and3A_397, %dma_start3A_406, %dma_start3A_407] : memref<2x256x8x4x8x128xf32, #tpu.memory_space<hbm>> -> memref<1x1x8x1x8x128xf32, #tpu.memory_space<hbm>>
      %dma_start3A_409 = tpu.memref_squeeze %dma_start3A_408 : memref<1x1x8x1x8x128xf32, #tpu.memory_space<hbm>> -> memref<8x8x128xf32, #tpu.memory_space<hbm>>
      %dma_start3A_410 = tpu.memref_reshape %arg6 : memref<131072x128xf32, #tpu.memory_space<hbm>> -> memref<2x256x8x4x8x128xf32, #tpu.memory_space<hbm>>
      %dma_start3A_411 = arith.constant 0 : i32
      %dma_start3A_412 = arith.constant 0 : i32
      %dma_start3A_413 = arith.constant 0 : i32
      %dma_start3A_414 = tpu.memref_slice %dma_start3A_410[%dma_start3A_398, %add3A_395, %dma_start3A_411, %and3A_397, %dma_start3A_412, %dma_start3A_413] : memref<2x256x8x4x8x128xf32, #tpu.memory_space<hbm>> -> memref<1x1x8x1x8x128xf32, #tpu.memory_space<hbm>>
      %dma_start3A_415 = tpu.memref_squeeze %dma_start3A_414 : memref<1x1x8x1x8x128xf32, #tpu.memory_space<hbm>> -> memref<8x8x128xf32, #tpu.memory_space<hbm>>
      %dma_start3A_416 = arith.constant 0 : i32
      %dma_start3A_417 = arith.constant 0 : i32
      %dma_start3A_418 = arith.constant 0 : i32
      %dma_start3A_419 = tpu.memref_slice %arg10[%rem3A_311, %dma_start3A_416, %dma_start3A_417, %dma_start3A_418] : memref<3x8x8x128xf32, #tpu.memory_space<vmem>> -> memref<1x8x8x128xf32, #tpu.memory_space<vmem>>
      %dma_start3A_420 = tpu.memref_squeeze %dma_start3A_419 : memref<1x8x8x128xf32, #tpu.memory_space<vmem>> -> memref<8x8x128xf32, #tpu.memory_space<vmem>>
      tpu.enqueue_dma source(%dma_start3A_420 : memref<8x8x128xf32, #tpu.memory_space<vmem>>) target(%dma_start3A_415 : memref<8x8x128xf32, #tpu.memory_space<hbm>>) target_semaphore(%arg13 : memref<!tpu.dma_semaphore, #tpu.memory_space<semaphore_mem>>)
      %dma_start3A_421 = arith.constant 1 : i32
      %dma_start3A_422 = arith.constant 0 : i32
      %dma_start3A_423 = arith.constant 0 : i32
      %dma_start3A_424 = arith.constant 0 : i32
      %dma_start3A_425 = tpu.memref_slice %arg11[%rem3A_311, %dma_start3A_422, %dma_start3A_423, %dma_start3A_424] : memref<3x8x8x128xf32, #tpu.memory_space<vmem>> -> memref<1x8x8x128xf32, #tpu.memory_space<vmem>>
      %dma_start3A_426 = tpu.memref_squeeze %dma_start3A_425 : memref<1x8x8x128xf32, #tpu.memory_space<vmem>> -> memref<8x8x128xf32, #tpu.memory_space<vmem>>
      %dma_start3A_427 = tpu.memref_reshape %arg6 : memref<131072x128xf32, #tpu.memory_space<hbm>> -> memref<2x256x8x4x8x128xf32, #tpu.memory_space<hbm>>
      %dma_start3A_428 = arith.constant 0 : i32
      %dma_start3A_429 = arith.constant 0 : i32
      %dma_start3A_430 = arith.constant 0 : i32
      %dma_start3A_431 = tpu.memref_slice %dma_start3A_427[%dma_start3A_421, %add3A_395, %dma_start3A_428, %and3A_397, %dma_start3A_429, %dma_start3A_430] : memref<2x256x8x4x8x128xf32, #tpu.memory_space<hbm>> -> memref<1x1x8x1x8x128xf32, #tpu.memory_space<hbm>>
      %dma_start3A_432 = tpu.memref_squeeze %dma_start3A_431 : memref<1x1x8x1x8x128xf32, #tpu.memory_space<hbm>> -> memref<8x8x128xf32, #tpu.memory_space<hbm>>
      %dma_start3A_433 = tpu.memref_reshape %arg6 : memref<131072x128xf32, #tpu.memory_space<hbm>> -> memref<2x256x8x4x8x128xf32, #tpu.memory_space<hbm>>
      %dma_start3A_434 = arith.constant 0 : i32
      %dma_start3A_435 = arith.constant 0 : i32
      %dma_start3A_436 = arith.constant 0 : i32
      %dma_start3A_437 = tpu.memref_slice %dma_start3A_433[%dma_start3A_421, %add3A_395, %dma_start3A_434, %and3A_397, %dma_start3A_435, %dma_start3A_436] : memref<2x256x8x4x8x128xf32, #tpu.memory_space<hbm>> -> memref<1x1x8x1x8x128xf32, #tpu.memory_space<hbm>>
      %dma_start3A_438 = tpu.memref_squeeze %dma_start3A_437 : memref<1x1x8x1x8x128xf32, #tpu.memory_space<hbm>> -> memref<8x8x128xf32, #tpu.memory_space<hbm>>
      %dma_start3A_439 = arith.constant 0 : i32
      %dma_start3A_440 = arith.constant 0 : i32
      %dma_start3A_441 = arith.constant 0 : i32
      %dma_start3A_442 = tpu.memref_slice %arg11[%rem3A_311, %dma_start3A_439, %dma_start3A_440, %dma_start3A_441] : memref<3x8x8x128xf32, #tpu.memory_space<vmem>> -> memref<1x8x8x128xf32, #tpu.memory_space<vmem>>
      %dma_start3A_443 = tpu.memref_squeeze %dma_start3A_442 : memref<1x8x8x128xf32, #tpu.memory_space<vmem>> -> memref<8x8x128xf32, #tpu.memory_space<vmem>>
      tpu.enqueue_dma source(%dma_start3A_443 : memref<8x8x128xf32, #tpu.memory_space<vmem>>) target(%dma_start3A_438 : memref<8x8x128xf32, #tpu.memory_space<hbm>>) target_semaphore(%arg13 : memref<!tpu.dma_semaphore, #tpu.memory_space<semaphore_mem>>)
    }
    %scan3A_154 = arith.constant 32 : i32
    %add3A_155 = arith.constant 7 : i32
    %add3A_156 = arith.addi %mul3A_2, %add3A_155 : i32
    %dma_wait3A = arith.constant 2 : i32
    %dma_wait3A_157 = arith.constant 0 : i32
    %dma_wait3A_158 = arith.constant 1 : i32
    %dma_wait3A_159 = arith.constant 0 : i32
    %dma_wait3A_160 = arith.constant 0 : i32
    %dma_wait3A_161 = arith.constant 0 : i32
    %dma_wait3A_162 = tpu.memref_slice %arg10[%dma_wait3A, %dma_wait3A_159, %dma_wait3A_160, %dma_wait3A_161] : memref<3x8x8x128xf32, #tpu.memory_space<vmem>> -> memref<1x8x8x128xf32, #tpu.memory_space<vmem>>
    %dma_wait3A_163 = tpu.memref_squeeze %dma_wait3A_162 : memref<1x8x8x128xf32, #tpu.memory_space<vmem>> -> memref<8x8x128xf32, #tpu.memory_space<vmem>>
    %dma_wait3A_164 = tpu.memref_reshape %arg6 : memref<131072x128xf32, #tpu.memory_space<hbm>> -> memref<2x256x8x4x8x128xf32, #tpu.memory_space<hbm>>
    %dma_wait3A_165 = arith.constant 0 : i32
    %dma_wait3A_166 = arith.constant 0 : i32
    %dma_wait3A_167 = arith.constant 0 : i32
    %dma_wait3A_168 = tpu.memref_slice %dma_wait3A_164[%dma_wait3A_157, %add3A_156, %dma_wait3A_165, %dma_wait3A_158, %dma_wait3A_166, %dma_wait3A_167] : memref<2x256x8x4x8x128xf32, #tpu.memory_space<hbm>> -> memref<1x1x8x1x8x128xf32, #tpu.memory_space<hbm>>
    %dma_wait3A_169 = tpu.memref_squeeze %dma_wait3A_168 : memref<1x1x8x1x8x128xf32, #tpu.memory_space<hbm>> -> memref<8x8x128xf32, #tpu.memory_space<hbm>>
    %dma_wait3A_170 = tpu.memref_reshape %arg6 : memref<131072x128xf32, #tpu.memory_space<hbm>> -> memref<2x256x8x4x8x128xf32, #tpu.memory_space<hbm>>
    %dma_wait3A_171 = arith.constant 0 : i32
    %dma_wait3A_172 = arith.constant 0 : i32
    %dma_wait3A_173 = arith.constant 0 : i32
    %dma_wait3A_174 = tpu.memref_slice %dma_wait3A_170[%dma_wait3A_157, %add3A_156, %dma_wait3A_171, %dma_wait3A_158, %dma_wait3A_172, %dma_wait3A_173] : memref<2x256x8x4x8x128xf32, #tpu.memory_space<hbm>> -> memref<1x1x8x1x8x128xf32, #tpu.memory_space<hbm>>
    %dma_wait3A_175 = tpu.memref_squeeze %dma_wait3A_174 : memref<1x1x8x1x8x128xf32, #tpu.memory_space<hbm>> -> memref<8x8x128xf32, #tpu.memory_space<hbm>>
    %dma_wait3A_176 = arith.constant 0 : i32
    %dma_wait3A_177 = arith.constant 0 : i32
    %dma_wait3A_178 = arith.constant 0 : i32
    %dma_wait3A_179 = tpu.memref_slice %arg10[%dma_wait3A, %dma_wait3A_176, %dma_wait3A_177, %dma_wait3A_178] : memref<3x8x8x128xf32, #tpu.memory_space<vmem>> -> memref<1x8x8x128xf32, #tpu.memory_space<vmem>>
    %dma_wait3A_180 = tpu.memref_squeeze %dma_wait3A_179 : memref<1x8x8x128xf32, #tpu.memory_space<vmem>> -> memref<8x8x128xf32, #tpu.memory_space<vmem>>
    tpu.wait_dma2 semaphore(%arg13 : memref<!tpu.dma_semaphore, #tpu.memory_space<semaphore_mem>>) src(%dma_wait3A_180 : memref<8x8x128xf32, #tpu.memory_space<vmem>>) dst(%dma_wait3A_175 : memref<8x8x128xf32, #tpu.memory_space<hbm>>)
    %dma_wait3A_181 = arith.constant 2 : i32
    %dma_wait3A_182 = arith.constant 1 : i32
    %dma_wait3A_183 = arith.constant 1 : i32
    %dma_wait3A_184 = arith.constant 0 : i32
    %dma_wait3A_185 = arith.constant 0 : i32
    %dma_wait3A_186 = arith.constant 0 : i32
    %dma_wait3A_187 = tpu.memref_slice %arg11[%dma_wait3A_181, %dma_wait3A_184, %dma_wait3A_185, %dma_wait3A_186] : memref<3x8x8x128xf32, #tpu.memory_space<vmem>> -> memref<1x8x8x128xf32, #tpu.memory_space<vmem>>
    %dma_wait3A_188 = tpu.memref_squeeze %dma_wait3A_187 : memref<1x8x8x128xf32, #tpu.memory_space<vmem>> -> memref<8x8x128xf32, #tpu.memory_space<vmem>>
    %dma_wait3A_189 = tpu.memref_reshape %arg6 : memref<131072x128xf32, #tpu.memory_space<hbm>> -> memref<2x256x8x4x8x128xf32, #tpu.memory_space<hbm>>
    %dma_wait3A_190 = arith.constant 0 : i32
    %dma_wait3A_191 = arith.constant 0 : i32
    %dma_wait3A_192 = arith.constant 0 : i32
    %dma_wait3A_193 = tpu.memref_slice %dma_wait3A_189[%dma_wait3A_182, %add3A_156, %dma_wait3A_190, %dma_wait3A_183, %dma_wait3A_191, %dma_wait3A_192] : memref<2x256x8x4x8x128xf32, #tpu.memory_space<hbm>> -> memref<1x1x8x1x8x128xf32, #tpu.memory_space<hbm>>
    %dma_wait3A_194 = tpu.memref_squeeze %dma_wait3A_193 : memref<1x1x8x1x8x128xf32, #tpu.memory_space<hbm>> -> memref<8x8x128xf32, #tpu.memory_space<hbm>>
    %dma_wait3A_195 = tpu.memref_reshape %arg6 : memref<131072x128xf32, #tpu.memory_space<hbm>> -> memref<2x256x8x4x8x128xf32, #tpu.memory_space<hbm>>
    %dma_wait3A_196 = arith.constant 0 : i32
    %dma_wait3A_197 = arith.constant 0 : i32
    %dma_wait3A_198 = arith.constant 0 : i32
    %dma_wait3A_199 = tpu.memref_slice %dma_wait3A_195[%dma_wait3A_182, %add3A_156, %dma_wait3A_196, %dma_wait3A_183, %dma_wait3A_197, %dma_wait3A_198] : memref<2x256x8x4x8x128xf32, #tpu.memory_space<hbm>> -> memref<1x1x8x1x8x128xf32, #tpu.memory_space<hbm>>
    %dma_wait3A_200 = tpu.memref_squeeze %dma_wait3A_199 : memref<1x1x8x1x8x128xf32, #tpu.memory_space<hbm>> -> memref<8x8x128xf32, #tpu.memory_space<hbm>>
    %dma_wait3A_201 = arith.constant 0 : i32
    %dma_wait3A_202 = arith.constant 0 : i32
    %dma_wait3A_203 = arith.constant 0 : i32
    %dma_wait3A_204 = tpu.memref_slice %arg11[%dma_wait3A_181, %dma_wait3A_201, %dma_wait3A_202, %dma_wait3A_203] : memref<3x8x8x128xf32, #tpu.memory_space<vmem>> -> memref<1x8x8x128xf32, #tpu.memory_space<vmem>>
    %dma_wait3A_205 = tpu.memref_squeeze %dma_wait3A_204 : memref<1x8x8x128xf32, #tpu.memory_space<vmem>> -> memref<8x8x128xf32, #tpu.memory_space<vmem>>
    tpu.wait_dma2 semaphore(%arg13 : memref<!tpu.dma_semaphore, #tpu.memory_space<semaphore_mem>>) src(%dma_wait3A_205 : memref<8x8x128xf32, #tpu.memory_space<vmem>>) dst(%dma_wait3A_200 : memref<8x8x128xf32, #tpu.memory_space<hbm>>)
    %add3A_206 = arith.constant 7 : i32
    %add3A_207 = arith.addi %mul3A_2, %add3A_206 : i32
    %dma_wait3A_208 = arith.constant 0 : i32
    %dma_wait3A_209 = arith.constant 0 : i32
    %dma_wait3A_210 = arith.constant 2 : i32
    %dma_wait3A_211 = arith.constant 0 : i32
    %dma_wait3A_212 = arith.constant 0 : i32
    %dma_wait3A_213 = arith.constant 0 : i32
    %dma_wait3A_214 = tpu.memref_slice %arg10[%dma_wait3A_208, %dma_wait3A_211, %dma_wait3A_212, %dma_wait3A_213] : memref<3x8x8x128xf32, #tpu.memory_space<vmem>> -> memref<1x8x8x128xf32, #tpu.memory_space<vmem>>
    %dma_wait3A_215 = tpu.memref_squeeze %dma_wait3A_214 : memref<1x8x8x128xf32, #tpu.memory_space<vmem>> -> memref<8x8x128xf32, #tpu.memory_space<vmem>>
    %dma_wait3A_216 = tpu.memref_reshape %arg6 : memref<131072x128xf32, #tpu.memory_space<hbm>> -> memref<2x256x8x4x8x128xf32, #tpu.memory_space<hbm>>
    %dma_wait3A_217 = arith.constant 0 : i32
    %dma_wait3A_218 = arith.constant 0 : i32
    %dma_wait3A_219 = arith.constant 0 : i32
    %dma_wait3A_220 = tpu.memref_slice %dma_wait3A_216[%dma_wait3A_209, %add3A_207, %dma_wait3A_217, %dma_wait3A_210, %dma_wait3A_218, %dma_wait3A_219] : memref<2x256x8x4x8x128xf32, #tpu.memory_space<hbm>> -> memref<1x1x8x1x8x128xf32, #tpu.memory_space<hbm>>
    %dma_wait3A_221 = tpu.memref_squeeze %dma_wait3A_220 : memref<1x1x8x1x8x128xf32, #tpu.memory_space<hbm>> -> memref<8x8x128xf32, #tpu.memory_space<hbm>>
    %dma_wait3A_222 = tpu.memref_reshape %arg6 : memref<131072x128xf32, #tpu.memory_space<hbm>> -> memref<2x256x8x4x8x128xf32, #tpu.memory_space<hbm>>
    %dma_wait3A_223 = arith.constant 0 : i32
    %dma_wait3A_224 = arith.constant 0 : i32
    %dma_wait3A_225 = arith.constant 0 : i32
    %dma_wait3A_226 = tpu.memref_slice %dma_wait3A_222[%dma_wait3A_209, %add3A_207, %dma_wait3A_223, %dma_wait3A_210, %dma_wait3A_224, %dma_wait3A_225] : memref<2x256x8x4x8x128xf32, #tpu.memory_space<hbm>> -> memref<1x1x8x1x8x128xf32, #tpu.memory_space<hbm>>
    %dma_wait3A_227 = tpu.memref_squeeze %dma_wait3A_226 : memref<1x1x8x1x8x128xf32, #tpu.memory_space<hbm>> -> memref<8x8x128xf32, #tpu.memory_space<hbm>>
    %dma_wait3A_228 = arith.constant 0 : i32
    %dma_wait3A_229 = arith.constant 0 : i32
    %dma_wait3A_230 = arith.constant 0 : i32
    %dma_wait3A_231 = tpu.memref_slice %arg10[%dma_wait3A_208, %dma_wait3A_228, %dma_wait3A_229, %dma_wait3A_230] : memref<3x8x8x128xf32, #tpu.memory_space<vmem>> -> memref<1x8x8x128xf32, #tpu.memory_space<vmem>>
    %dma_wait3A_232 = tpu.memref_squeeze %dma_wait3A_231 : memref<1x8x8x128xf32, #tpu.memory_space<vmem>> -> memref<8x8x128xf32, #tpu.memory_space<vmem>>
    tpu.wait_dma2 semaphore(%arg13 : memref<!tpu.dma_semaphore, #tpu.memory_space<semaphore_mem>>) src(%dma_wait3A_232 : memref<8x8x128xf32, #tpu.memory_space<vmem>>) dst(%dma_wait3A_227 : memref<8x8x128xf32, #tpu.memory_space<hbm>>)
    %dma_wait3A_233 = arith.constant 0 : i32
    %dma_wait3A_234 = arith.constant 1 : i32
    %dma_wait3A_235 = arith.constant 2 : i32
    %dma_wait3A_236 = arith.constant 0 : i32
    %dma_wait3A_237 = arith.constant 0 : i32
    %dma_wait3A_238 = arith.constant 0 : i32
    %dma_wait3A_239 = tpu.memref_slice %arg11[%dma_wait3A_233, %dma_wait3A_236, %dma_wait3A_237, %dma_wait3A_238] : memref<3x8x8x128xf32, #tpu.memory_space<vmem>> -> memref<1x8x8x128xf32, #tpu.memory_space<vmem>>
    %dma_wait3A_240 = tpu.memref_squeeze %dma_wait3A_239 : memref<1x8x8x128xf32, #tpu.memory_space<vmem>> -> memref<8x8x128xf32, #tpu.memory_space<vmem>>
    %dma_wait3A_241 = tpu.memref_reshape %arg6 : memref<131072x128xf32, #tpu.memory_space<hbm>> -> memref<2x256x8x4x8x128xf32, #tpu.memory_space<hbm>>
    %dma_wait3A_242 = arith.constant 0 : i32
    %dma_wait3A_243 = arith.constant 0 : i32
    %dma_wait3A_244 = arith.constant 0 : i32
    %dma_wait3A_245 = tpu.memref_slice %dma_wait3A_241[%dma_wait3A_234, %add3A_207, %dma_wait3A_242, %dma_wait3A_235, %dma_wait3A_243, %dma_wait3A_244] : memref<2x256x8x4x8x128xf32, #tpu.memory_space<hbm>> -> memref<1x1x8x1x8x128xf32, #tpu.memory_space<hbm>>
    %dma_wait3A_246 = tpu.memref_squeeze %dma_wait3A_245 : memref<1x1x8x1x8x128xf32, #tpu.memory_space<hbm>> -> memref<8x8x128xf32, #tpu.memory_space<hbm>>
    %dma_wait3A_247 = tpu.memref_reshape %arg6 : memref<131072x128xf32, #tpu.memory_space<hbm>> -> memref<2x256x8x4x8x128xf32, #tpu.memory_space<hbm>>
    %dma_wait3A_248 = arith.constant 0 : i32
    %dma_wait3A_249 = arith.constant 0 : i32
    %dma_wait3A_250 = arith.constant 0 : i32
    %dma_wait3A_251 = tpu.memref_slice %dma_wait3A_247[%dma_wait3A_234, %add3A_207, %dma_wait3A_248, %dma_wait3A_235, %dma_wait3A_249, %dma_wait3A_250] : memref<2x256x8x4x8x128xf32, #tpu.memory_space<hbm>> -> memref<1x1x8x1x8x128xf32, #tpu.memory_space<hbm>>
    %dma_wait3A_252 = tpu.memref_squeeze %dma_wait3A_251 : memref<1x1x8x1x8x128xf32, #tpu.memory_space<hbm>> -> memref<8x8x128xf32, #tpu.memory_space<hbm>>
    %dma_wait3A_253 = arith.constant 0 : i32
    %dma_wait3A_254 = arith.constant 0 : i32
    %dma_wait3A_255 = arith.constant 0 : i32
    %dma_wait3A_256 = tpu.memref_slice %arg11[%dma_wait3A_233, %dma_wait3A_253, %dma_wait3A_254, %dma_wait3A_255] : memref<3x8x8x128xf32, #tpu.memory_space<vmem>> -> memref<1x8x8x128xf32, #tpu.memory_space<vmem>>
    %dma_wait3A_257 = tpu.memref_squeeze %dma_wait3A_256 : memref<1x8x8x128xf32, #tpu.memory_space<vmem>> -> memref<8x8x128xf32, #tpu.memory_space<vmem>>
    tpu.wait_dma2 semaphore(%arg13 : memref<!tpu.dma_semaphore, #tpu.memory_space<semaphore_mem>>) src(%dma_wait3A_257 : memref<8x8x128xf32, #tpu.memory_space<vmem>>) dst(%dma_wait3A_252 : memref<8x8x128xf32, #tpu.memory_space<hbm>>)
    %add3A_258 = arith.constant 7 : i32
    %add3A_259 = arith.addi %mul3A_2, %add3A_258 : i32
    %dma_wait3A_260 = arith.constant 1 : i32
    %dma_wait3A_261 = arith.constant 0 : i32
    %dma_wait3A_262 = arith.constant 3 : i32
    %dma_wait3A_263 = arith.constant 0 : i32
    %dma_wait3A_264 = arith.constant 0 : i32
    %dma_wait3A_265 = arith.constant 0 : i32
    %dma_wait3A_266 = tpu.memref_slice %arg10[%dma_wait3A_260, %dma_wait3A_263, %dma_wait3A_264, %dma_wait3A_265] : memref<3x8x8x128xf32, #tpu.memory_space<vmem>> -> memref<1x8x8x128xf32, #tpu.memory_space<vmem>>
    %dma_wait3A_267 = tpu.memref_squeeze %dma_wait3A_266 : memref<1x8x8x128xf32, #tpu.memory_space<vmem>> -> memref<8x8x128xf32, #tpu.memory_space<vmem>>
    %dma_wait3A_268 = tpu.memref_reshape %arg6 : memref<131072x128xf32, #tpu.memory_space<hbm>> -> memref<2x256x8x4x8x128xf32, #tpu.memory_space<hbm>>
    %dma_wait3A_269 = arith.constant 0 : i32
    %dma_wait3A_270 = arith.constant 0 : i32
    %dma_wait3A_271 = arith.constant 0 : i32
    %dma_wait3A_272 = tpu.memref_slice %dma_wait3A_268[%dma_wait3A_261, %add3A_259, %dma_wait3A_269, %dma_wait3A_262, %dma_wait3A_270, %dma_wait3A_271] : memref<2x256x8x4x8x128xf32, #tpu.memory_space<hbm>> -> memref<1x1x8x1x8x128xf32, #tpu.memory_space<hbm>>
    %dma_wait3A_273 = tpu.memref_squeeze %dma_wait3A_272 : memref<1x1x8x1x8x128xf32, #tpu.memory_space<hbm>> -> memref<8x8x128xf32, #tpu.memory_space<hbm>>
    %dma_wait3A_274 = tpu.memref_reshape %arg6 : memref<131072x128xf32, #tpu.memory_space<hbm>> -> memref<2x256x8x4x8x128xf32, #tpu.memory_space<hbm>>
    %dma_wait3A_275 = arith.constant 0 : i32
    %dma_wait3A_276 = arith.constant 0 : i32
    %dma_wait3A_277 = arith.constant 0 : i32
    %dma_wait3A_278 = tpu.memref_slice %dma_wait3A_274[%dma_wait3A_261, %add3A_259, %dma_wait3A_275, %dma_wait3A_262, %dma_wait3A_276, %dma_wait3A_277] : memref<2x256x8x4x8x128xf32, #tpu.memory_space<hbm>> -> memref<1x1x8x1x8x128xf32, #tpu.memory_space<hbm>>
    %dma_wait3A_279 = tpu.memref_squeeze %dma_wait3A_278 : memref<1x1x8x1x8x128xf32, #tpu.memory_space<hbm>> -> memref<8x8x128xf32, #tpu.memory_space<hbm>>
    %dma_wait3A_280 = arith.constant 0 : i32
    %dma_wait3A_281 = arith.constant 0 : i32
    %dma_wait3A_282 = arith.constant 0 : i32
    %dma_wait3A_283 = tpu.memref_slice %arg10[%dma_wait3A_260, %dma_wait3A_280, %dma_wait3A_281, %dma_wait3A_282] : memref<3x8x8x128xf32, #tpu.memory_space<vmem>> -> memref<1x8x8x128xf32, #tpu.memory_space<vmem>>
    %dma_wait3A_284 = tpu.memref_squeeze %dma_wait3A_283 : memref<1x8x8x128xf32, #tpu.memory_space<vmem>> -> memref<8x8x128xf32, #tpu.memory_space<vmem>>
    tpu.wait_dma2 semaphore(%arg13 : memref<!tpu.dma_semaphore, #tpu.memory_space<semaphore_mem>>) src(%dma_wait3A_284 : memref<8x8x128xf32, #tpu.memory_space<vmem>>) dst(%dma_wait3A_279 : memref<8x8x128xf32, #tpu.memory_space<hbm>>)
    %dma_wait3A_285 = arith.constant 1 : i32
    %dma_wait3A_286 = arith.constant 1 : i32
    %dma_wait3A_287 = arith.constant 3 : i32
    %dma_wait3A_288 = arith.constant 0 : i32
    %dma_wait3A_289 = arith.constant 0 : i32
    %dma_wait3A_290 = arith.constant 0 : i32
    %dma_wait3A_291 = tpu.memref_slice %arg11[%dma_wait3A_285, %dma_wait3A_288, %dma_wait3A_289, %dma_wait3A_290] : memref<3x8x8x128xf32, #tpu.memory_space<vmem>> -> memref<1x8x8x128xf32, #tpu.memory_space<vmem>>
    %dma_wait3A_292 = tpu.memref_squeeze %dma_wait3A_291 : memref<1x8x8x128xf32, #tpu.memory_space<vmem>> -> memref<8x8x128xf32, #tpu.memory_space<vmem>>
    %dma_wait3A_293 = tpu.memref_reshape %arg6 : memref<131072x128xf32, #tpu.memory_space<hbm>> -> memref<2x256x8x4x8x128xf32, #tpu.memory_space<hbm>>
    %dma_wait3A_294 = arith.constant 0 : i32
    %dma_wait3A_295 = arith.constant 0 : i32
    %dma_wait3A_296 = arith.constant 0 : i32
    %dma_wait3A_297 = tpu.memref_slice %dma_wait3A_293[%dma_wait3A_286, %add3A_259, %dma_wait3A_294, %dma_wait3A_287, %dma_wait3A_295, %dma_wait3A_296] : memref<2x256x8x4x8x128xf32, #tpu.memory_space<hbm>> -> memref<1x1x8x1x8x128xf32, #tpu.memory_space<hbm>>
    %dma_wait3A_298 = tpu.memref_squeeze %dma_wait3A_297 : memref<1x1x8x1x8x128xf32, #tpu.memory_space<hbm>> -> memref<8x8x128xf32, #tpu.memory_space<hbm>>
    %dma_wait3A_299 = tpu.memref_reshape %arg6 : memref<131072x128xf32, #tpu.memory_space<hbm>> -> memref<2x256x8x4x8x128xf32, #tpu.memory_space<hbm>>
    %dma_wait3A_300 = arith.constant 0 : i32
    %dma_wait3A_301 = arith.constant 0 : i32
    %dma_wait3A_302 = arith.constant 0 : i32
    %dma_wait3A_303 = tpu.memref_slice %dma_wait3A_299[%dma_wait3A_286, %add3A_259, %dma_wait3A_300, %dma_wait3A_287, %dma_wait3A_301, %dma_wait3A_302] : memref<2x256x8x4x8x128xf32, #tpu.memory_space<hbm>> -> memref<1x1x8x1x8x128xf32, #tpu.memory_space<hbm>>
    %dma_wait3A_304 = tpu.memref_squeeze %dma_wait3A_303 : memref<1x1x8x1x8x128xf32, #tpu.memory_space<hbm>> -> memref<8x8x128xf32, #tpu.memory_space<hbm>>
    %dma_wait3A_305 = arith.constant 0 : i32
    %dma_wait3A_306 = arith.constant 0 : i32
    %dma_wait3A_307 = arith.constant 0 : i32
    %dma_wait3A_308 = tpu.memref_slice %arg11[%dma_wait3A_285, %dma_wait3A_305, %dma_wait3A_306, %dma_wait3A_307] : memref<3x8x8x128xf32, #tpu.memory_space<vmem>> -> memref<1x8x8x128xf32, #tpu.memory_space<vmem>>
    %dma_wait3A_309 = tpu.memref_squeeze %dma_wait3A_308 : memref<1x8x8x128xf32, #tpu.memory_space<vmem>> -> memref<8x8x128xf32, #tpu.memory_space<vmem>>
    tpu.wait_dma2 semaphore(%arg13 : memref<!tpu.dma_semaphore, #tpu.memory_space<semaphore_mem>>) src(%dma_wait3A_309 : memref<8x8x128xf32, #tpu.memory_space<vmem>>) dst(%dma_wait3A_304 : memref<8x8x128xf32, #tpu.memory_space<hbm>>)
    return
  }
}

</mosaic_0001>

<sc_bundles>
// kernel: kernel.3.cloned.1.call-start
scs
__scs_entry_jumppad:
0x0: {  	(pc) =	sbr.rel $0x88, $3  }
0x1: {  	(tag) =	ssettag $0x0;
	lr =	simm.s32 $0x1  }
0x2: {  	[smem:$0x3F9D] =	sst lr;
	_ =	strace $0xD0000000  }
0x3: {  	_ = 	snop  }
0x4: {  	_ = 	snop  }
0x5: {  	_ = 	snop  }
0x6: {  	_ = 	snop  }
0x7: {  	_ = 	snop  }
__scs_overlays_trampoline_lowered:
0x8: {  	[smem:$0x3FAC] =	sst s0  }
0x9: {  	[smem:$0x3FAD] =	sst s1  }
0xa: {  	[smem:$0x3FAE] =	sst s2  }
0xb: {  	[smem:$0x3FAF] =	sst s3  }
0xc: {  	[smem:$0x3FB0] =	sst s4  }
0xd: {  	[smem:$0x3FB1] =	sst s5  }
0xe: {  	[smem:$0x3FB2] =	sst s6  }
0xf: {  	[smem:$0x3FB3] =	sst s7  }
0x10: {  	[smem:$0x3FB4] =	sst s8  }
0x11: {  	[smem:$0x3FB5] =	sst s9;
	s0 =	simm.s32 @!p0 $0x0  }
0x12: {  	s1 =	sld [smem:$0x3F9B];
	s0 =	simm.s32 @p0 $0x1  }
0x13: {  	[smem:$0x3FB6] =	sst s0;
	s0 =	simm.s32 @!p1 $0x0  }
0x14: {  	s2 =	sld [smem:$0x3F9A];
	s0 =	simm.s32 @p1 $0x1  }
0x15: {  	[smem:$0x3FB7] =	sst s0;
	s0 =	simm.s32 @!p2 $0x0  }
0x16: {  	s3 =	sld [smem:$0x3FDB];
	s0 =	simm.s32 @p2 $0x1  }
0x17: {  	s4 =	simm.s32 $0x1BF5;
	[smem:$0x3FB9] =	sst s0  }
0x18: {  	s0 =	sld [smem:$0x3F9C];
	_ =	swait.ge [sflag:s4], $0x0  }
0x19: {  	s7 =	sld [smem:$0x3F9D]  }
0x1a: {  	s8 =	sadd.s32 $0xFFFFE003, lr  }
0x1b: {  	s9 =	sadd.s32 $0xFFFFFEF7, lr;
	s5 =	simm.s32 $0xFFFFFFFF;
	p2 =	slt.u32 s8, $0xFFFFF086  }
0x1c: {  	p1 =	slt.u32 s9, $0xF7A;
	s5 =	simm.s32 @!p2 $0x0  }
0x1d: {  	s5 =	simm.s32 @p1 $0x1;
	p0 =	seq.s32 s7, s2  }
0x1e: {  	s7 =	smul.u32 @!p0 $0xF7A, s2;
	p2 =	seq.s32 @!p0 s5, $0x0  }
0x1f: {  	s9 =	smul.u32 $0xF7A, s1;
	s8 =	simm.s32 @!p0 $0x1BF5;
	p2 =	por !p2, p0  }
0x20: {  	[sflag:s8] =	ssyncset.s32 @!p0 $0xFFFFF086;
	s6 =	sadd.s32 @!p0 s3, s7;
	s7 =	simm.s32 @!p0 $0x108  }
0x21: {  	s3 =	sadd.s32 s3, s9;
	s6 =	sadd.s32 @!p0 $0x88, s6;
	s7 =	simm.s32 @p2 $0x1082  }
0x22: {  	[simem:s7], [sflag:s8] =	dma.local @!p0 [hbm:s6], $0xF7A  }
0x23: {  	s9 =	sor.u32 $0xD0000000, s2;
	s6 =	simm.s32 $0x108;
	_ =	swait.ge @!p0 [sflag:s8], $0x0  }
0x24: {  	s3 =	sadd.s32 $0x88, s3;
	s6 =	simm.s32 @!p1 $0x1082;
	[sflag:s4] =	ssyncset.s32 $0xFFFFF086  }
0x25: {  	[simem:s6], [sflag:s4] =	dma.local [hbm:s3], $0xF7A  }
0x26: {  	[smem:$0x3F9D] =	sst s1;
	(tag) =	ssettag s2;
	_ =	strace s9  }
0x27: {  	s1 =	sld [smem:$0x3FAD]  }
0x28: {  	s2 =	sld [smem:$0x3FAE]  }
0x29: {  	s4 =	sld [smem:$0x3FB0]  }
0x2a: {  	p0 =	seq.s32 s5, $0x0;
	s5 =	sld [smem:$0x3FB1]  }
0x2b: {  	s6 =	sld [smem:$0x3FB2]  }
0x2c: {  	s7 =	sld [smem:$0x3FB3]  }
0x2d: {  	s3 =	simm.s32 $0x108;
	s8 =	sld [smem:$0x3FB4]  }
0x2e: {  	s3 =	simm.s32 @!p0 $0x1082;
	s9 =	sld [smem:$0x3FB5]  }
0x2f: {  	lr =	sadd.s32 s0, s3;
	s0 =	sld [smem:$0x3FAC]  }
0x30: {  	s3 =	sld [smem:$0x3FAF]  }
0x31: {  	[smem:$0x3FB8] =	sst s10  }
0x32: {  	s10 =	sld [smem:$0x3FB6];
	_ =	sdelay $0x3  }
0x33: {  	p0 =	seq.s32 s10, $0x1;
	s10 =	sld [smem:$0x3FB8];
	_ =	sdelay $0x3  }
0x34: {  	[smem:$0x3FB8] =	sst s10  }
0x35: {  	s10 =	sld [smem:$0x3FB7];
	_ =	sdelay $0x3  }
0x36: {  	p1 =	seq.s32 s10, $0x1;
	s10 =	sld [smem:$0x3FB8];
	_ =	sdelay $0x3  }
0x37: {  	[smem:$0x3FB8] =	sst s10  }
0x38: {  	s10 =	sld [smem:$0x3FB9]  }
0x39: {  	_ = 	snop;
	(pc) =	sbr.ind lr, $3  }
0x3a: {  	_ = 	snop  }
0x3b: {  	_ = 	snop  }
0x3c: {  	p2 =	seq.s32 s10, $0x1;
	s10 =	sld [smem:$0x3FB8]  }
0x3d: {  	_ =	shalt  }
0x3e: {  	_ =	shalt  }
0x3f: {  	_ =	shalt  }
0x40: {  	_ =	shalt  }
0x41: {  	_ =	shalt  }
0x42: {  	_ =	shalt  }
0x43: {  	_ =	shalt  }
0x44: {  	_ =	shalt  }
0x45: {  	_ =	shalt  }
0x46: {  	_ =	shalt  }
0x47: {  	_ =	shalt  }
0x48: {  	_ =	shalt  }
0x49: {  	_ =	shalt  }
0x4a: {  	_ =	shalt  }
0x4b: {  	_ =	shalt  }
0x4c: {  	_ =	shalt  }
0x4d: {  	_ =	shalt  }
0x4e: {  	_ =	shalt  }
0x4f: {  	_ =	shalt  }
0x50: {  	_ =	shalt  }
0x51: {  	_ =	shalt  }
0x52: {  	_ =	shalt  }
0x53: {  	_ =	shalt  }
0x54: {  	_ =	shalt  }
0x55: {  	_ =	shalt  }
0x56: {  	_ =	shalt  }
0x57: {  	_ =	shalt  }
0x58: {  	_ =	shalt  }
0x59: {  	_ =	shalt  }
0x5a: {  	_ =	shalt  }
0x5b: {  	_ =	shalt  }
0x5c: {  	_ =	shalt  }
0x5d: {  	_ =	shalt  }
0x5e: {  	_ =	shalt  }
0x5f: {  	_ =	shalt  }
0x60: {  	_ =	shalt  }
0x61: {  	_ =	shalt  }
0x62: {  	_ =	shalt  }
0x63: {  	_ =	shalt  }
0x64: {  	_ =	shalt  }
0x65: {  	_ =	shalt  }
0x66: {  	_ =	shalt  }
0x67: {  	_ =	shalt  }
0x68: {  	_ =	shalt  }
0x69: {  	_ =	shalt  }
0x6a: {  	_ =	shalt  }
0x6b: {  	_ =	shalt  }
0x6c: {  	_ =	shalt  }
0x6d: {  	_ =	shalt  }
0x6e: {  	_ =	shalt  }
0x6f: {  	_ =	shalt  }
0x70: {  	_ =	shalt  }
0x71: {  	_ =	shalt  }
0x72: {  	_ =	shalt  }
0x73: {  	_ =	shalt  }
0x74: {  	_ =	shalt  }
0x75: {  	_ =	shalt  }
0x76: {  	_ =	shalt  }
0x77: {  	_ =	shalt  }
0x78: {  	_ =	shalt  }
0x79: {  	_ =	shalt  }
0x7a: {  	_ =	shalt  }
0x7b: {  	_ =	shalt  }
0x7c: {  	_ =	shalt  }
0x7d: {  	_ =	shalt  }
0x7e: {  	_ =	shalt  }
0x7f: {  	_ =	shalt  }
0x80: {  	_ =	shalt  }
0x81: {  	_ =	shalt  }
0x82: {  	_ =	shalt  }
0x83: {  	_ =	shalt  }
0x84: {  	_ =	shalt  }
0x85: {  	_ =	shalt  }
0x86: {  	_ =	shalt  }
0x87: {  	_ =	shalt  }
.Lfunc_end0:
.L_simem_size_0:
called_computation_lowered:
.L_overlay_start_0:
0x88: {  	s2 =	sld [smem:$0x3FD9]  }
0x89: {  	s3 =	sld [smem:$0x3FFE];
	_ =	sdelay $0x1  }
0x8a: {  	s1 =	srdreg.scid  }
0x8b: {  	s0 =	sand.u32 $0x1, s1  }
0x8c: {  	s18 =	sshll.u32 s0, $0xA;
	s2 =	sadd.s32 s3, s2  }
0x8d: {  	s2 =	sadd.s32 s2, s18  }
0x8e: {  	[smem:$0x3FC4] =	sst s2  }
0x8f: {  	_ = 	snop  }
0x90: {  	s2 =	sld [smem:$0x3FC9]  }
0x91: {  	s19 =	sld [smem:$0x3FC8]  }
0x92: {  	s4 =	sld [smem:$0x3FC7]  }
0x93: {  	s5 =	sld [smem:$0x3FC6]  }
0x94: {  	s6 =	sld [smem:$0x3FD0];
	(tm) =	ssettm $0x1  }
0x95: {  	s7 =	sld [smem:$0x3FFB];
	_ =	sdelay $0x3  }
0x96: {  	_ =	strace s7  }
0x97: {  	s7 =	sld [smem:$0x3FFC];
	_ =	sdelay $0x3  }
0x98: {  	_ =	strace s7  }
0x99: {  	s7 =	sld [smem:$0x3FFD];
	_ =	sdelay $0x3  }
0x9a: {  	_ =	strace s7  }
0x9b: {  	_ =	strace $0x8FFFFFFF  }
0x9c: {  	s20 =	sld [smem:$0x3FDB];
	_ =	sdelay $0x1  }
0x9d: {  	s8 =	simm.s32 $_scs_section_size  }
0x9e: {  	s9 =	simm.s32 $_size__tile_overlayer_lowered;
	s10 =	simm.s32 $_tile_overlayer_lowered  }
0x9f: {  	s23 =	simm.s32 $0x1BFF;
	s22 =	sshll.u32 s10, $0x1;
	s7 =	sadd.s32 s8, s20  }
0xa0: {  	s11 =	simm.s32 $0x0;
	s21 =	sshll.u32 s9, $0x1;
	s9 =	sadd.s32 s22, s7  }
0xa1: {  	[timem:s11], [sflag:s23] =	dma.local [hbm:s9], s21  }
0xa2: {  	_ =	swait.ge [sflag:s23], s21  }
0xa3: {  	s8 =	ssub.s32 $0x0, s21;
	[sflag:s23] =	ssyncset.done $0x0  }
0xa4: {  	[sflag:s23] =	ssyncadd.s32 s8;
	_ =	sdelay $0x1  }
0xa5: {  	s24 =	simm.s32 $0x1B8B  }
0xa6: {  	_ =	swait.ge [sflag:s24], $0x1  }
0xa7: {  	[sflag:s24] =	ssyncset.done $0x0  }
0xa8: {  	s25 =	simm.s32 $0x1B8E;
	[sflag:s24] =	ssyncadd.s32 $0xFFFFFFFF  }
0xa9: {  	s26 =	simm.s32 $execute0_lowered;
	[smem:$0x3FD2] =	sst s25  }
0xaa: {  	s8 =	sshll.u32 s26, $0x1;
	_ =	strace $0x80000046;
	[dreg:$0x1] =	wrdreg $0xFFFFFFFF  }
0xab: {  	s28 =	simm.s32 $_size_execute0_lowered;
	s7 =	sadd.s32 s7, s8;
	[dreg:$0x0] =	wrdreg $0x0  }
0xac: {  	s8 =	sshll.u32 s28, $0x1;
	[dreg:$0x2] =	wrdreg s7  }
0xad: {  	[dreg:$0x3] =	wrdreg s8  }
0xae: {  	[dreg:$0x4] =	wrdreg $0xC0  }
0xaf: {  	_ =	task [dreg:s11], $0x5FFFF  }
0xb0: {  	[dreg:$0x1] =	wrdreg $0xFFFFFFFF  }
0xb1: {  	[dreg:$0x0] =	wrdreg $0x60  }
0xb2: {  	[dreg:$0x2] =	wrdreg s2  }
0xb3: {  	[dreg:$0x3] =	wrdreg s19  }
0xb4: {  	[dreg:$0x4] =	wrdreg s5  }
0xb5: {  	[dreg:$0x5] =	wrdreg s4  }
0xb6: {  	[dreg:$0x6] =	wrdreg s6  }
0xb7: {  	[dreg:$0x7] =	wrdreg $0x9  }
0xb8: {  	_ =	task.clear_ibuf [dreg:s11], $0x8FFFF;
	_ =	strace $0x90000046  }
0xb9: {  	s29 =	simm.s32 $0x9;
	_ =	strace $0x80000048  }
0xba: {  	_ =	swait.ge [sflag:s29], $0x1  }
0xbb: {  	[sflag:s29] =	ssyncadd.s32 $0xFFFFFFFF  }
0xbc: {  	_ =	strace $0x90000048  }
0xbd: {  	_ =	sfence  }
0xbe: {  	s30 =	sld [smem:$0x0];
	_ =	sdelay $0x2  }
0xbf: {  	s31 =	sshll.u32 s1, $0xD;
	s1 =	sshrl.u32 s1, $0x2  }
0xc0: {  	s3 =	sand.u32 $0x4000, s31;
	s1 =	sadd.s32 s1, s30  }
0xc1: {  	s0 =	sor.u32 s3, s0;
	s1 =	sshll.u32 s1, $0x11  }
0xc2: {  	s0 =	sor.u32 s1, s0  }
0xc3: {  	s0 =	sadd.s32 $0x8F2B, s0  }
0xc4: {  	[sflag:s0] =	ssyncadd.remote.s32 $0x1  }
0xc5: {  	_ =	sfence.sel $0xFFFF  }
0xc6: {  	[dreg:$0x0] =	wrdreg $0xFFFFFFFF;
	(pc) =	sbr.abs _section_cstart, $3  }
0xc7: {  	[dreg:$0x1] =	wrdreg $0xFFFFFFFF  }
0xc8: {  	_ =	task.clear_ibuf [dreg:s11], $0x2FFFF;
	_ =	strace $0x9FFFFFFF  }
0xc9: {  	(tm) =	ssettm $0x7FFFFFFF  }
tec
execute0_lowered:
.L_overlay_start_1:
0x0: {  	(tag) =	ssettag $0x1  }
0x1: {  	s1 =	rddreg [dreg:$0x0]  }
0x2: {  	s2 =	rddreg [dreg:$0x1]  }
0x3: {  	s3 =	rddreg [dreg:$0x2]  }
0x4: {  	s0 =	srdreg.scid;
	s7 =	stileid.u32  }
0x5: {  	s5 =	rddreg [dreg:$0x3];
	s0 =	sand.u32 $0x1, s0;
	s8 =	sshll.u32 s7, $0x1  }
0x6: {  	s9 =	simm.s32 $0x0;
	s4 =	ssub.s32 $0x2, s0;
	s0 =	sor.u32 s0, s8  }
0x7: {  	[smem:$0x7FF] =	sst s9;
	s19 =	sshll.u32 s0, $0xE  }
0x8: {  	s6 =	rddreg [dreg:$0x4];
	_ =	strace $0x80000047;
	s20 =	sadd.s32 s1, s19  }
0x9: {  	s8 =	sshll.u32 s0, $0x3;
	s21 =	sadd.s32 s2, s19;
	[dreg:$0x6] =	wrdreg s20  }
0xa: {  	s0 =	sshll.u32 s0, $0xF;
	s9 =	sadd.s32 s3, s19;
	[dreg:$0x7] =	wrdreg s21  }
0xb: {  	s22 =	sadd.s32 s5, s0;
	[dreg:$0x9] =	wrdreg s9  }
0xc: {  	s23 =	sor.u32 $0x200, s19;
	s24 =	sadd.s32 $0x100000, s22;
	[dreg:$0x8] =	wrdreg s22  }
0xd: {  	s25 =	sadd.s32 s1, s23;
	[dreg:$0xa] =	wrdreg s24  }
0xe: {  	s31 =	simm.s32 $0x1;
	s26 =	sadd.s32 s2, s23;
	[dreg:$0xb] =	wrdreg s25  }
0xf: {  	s18 =	sshrl.u32 s4, $0x1;
	s0 =	sadd.s32 s3, s23;
	[dreg:$0xc] =	wrdreg s26  }
0x10: {  	s4 =	ssub.s32 s4, s18;
	s28 =	sadd.s32 $0x80, s22;
	[dreg:$0xd] =	wrdreg s0  }
0x11: {  	s29 =	sadd.s32 $0x100080, s22;
	s30 =	smax.u32 s4, $0x1;
	[dreg:$0xe] =	wrdreg s28  }
0x12: {  	s22 =	simm.s32 $0x400;
	s23 =	simm.s32 $0x1000;
	[dreg:$0xf] =	wrdreg s29  }
0x13: {  	s4 =	simm.s32 $0x0;
	[dreg:$0x10] =	wrdreg s30;
	s0 =	simm.s32 $0x2  }
.LBB2_1:
0x14: {  	s7 =	simm.s32 $0x0;
	s9 =	rddreg [dreg:$0x6]  }
0x15: {  	[tilespmem:s7], [sflag:$0x1] =	stream.linear.gather [hbm4b:s9+s7], $0x1000, $0x38;
	[tilespmem:$0x15000] =	vst v63  }
0x16: {  	s12 =	rddreg [dreg:$0x7];
	s10 =	simm.s32 $0x3000  }
0x17: {  	[tilespmem:s10], [sflag:$0x1] =	stream.linear.gather [hbm4b:s12+s7], $0x1000, $0x38;
	[tilespmem:$0x15000] =	vst v63  }
0x18: {  	s13 =	rddreg [dreg:$0x9];
	s14 =	simm.s32 $0x6000  }
0x19: {  	[tilespmem:s14], [sflag:$0x1] =	stream.linear.gather [hbm4b:s13+s7], $0x1000, $0x38;
	[tilespmem:$0x15000] =	vst v63  }
0x1a: {  	s15 =	rddreg [dreg:$0x8];
	s16 =	simm.s32 $0x9000  }
0x1b: {  	[tilespmem:s16], [sflag:$0x1] =	stream.strided.gather [hbm4b:s15+s22], $0x2000, s23, s22, $0x38;
	[tilespmem:$0x15000] =	vst v63  }
0x1c: {  	s17 =	rddreg [dreg:$0xa];
	s18 =	simm.s32 $0xF000  }
0x1d: {  	[tilespmem:s18], [sflag:$0x1] =	stream.strided.gather [hbm4b:s17+s22], $0x2000, s23, s22, $0x38;
	[tilespmem:$0x15000] =	vst v63  }
0x1e: {  	s19 =	rddreg [dreg:$0xb]  }
0x1f: {  	[tilespmem:s23], [sflag:$0x1] =	stream.linear.gather [hbm4b:s19+s7], $0x1000, $0x38;
	[tilespmem:$0x15000] =	vst v63  }
0x20: {  	s20 =	rddreg [dreg:$0xc];
	s21 =	simm.s32 $0x4000  }
0x21: {  	[tilespmem:s21], [sflag:$0x1] =	stream.linear.gather [hbm4b:s20+s7], $0x1000, $0x38;
	[tilespmem:$0x15000] =	vst v63  }
0x22: {  	s24 =	rddreg [dreg:$0xd];
	s25 =	simm.s32 $0x7000  }
0x23: {  	[tilespmem:s25], [sflag:$0x1] =	stream.linear.gather [hbm4b:s24+s7], $0x1000, $0x38;
	[tilespmem:$0x15000] =	vst v63  }
0x24: {  	s26 =	rddreg [dreg:$0xe];
	s28 =	simm.s32 $0xB000  }
0x25: {  	[tilespmem:s28], [sflag:$0x1] =	stream.strided.gather [hbm4b:s26+s22], $0x2000, s23, s22, $0x38;
	[tilespmem:$0x15000] =	vst v63  }
0x26: {  	s29 =	rddreg [dreg:$0xf];
	s30 =	simm.s32 $0x11000;
	s20 =	simm.s32 $0x0  }
0x27: {  	[tilespmem:s30], [sflag:$0x1] =	stream.strided.gather [hbm4b:s29+s22], $0x2000, s23, s22, $0x38;
	[tilespmem:$0x15000] =	vst v63  }
.LBB2_2:
0x28: {  	_ =	swait.ge [sflag:s31], $0x1000  }
0x29: {  	s9 =	smul.u32 $0xAB, s20;
	[sflag:s31] =	ssyncset.done $0x0  }
0x2a: {  	[sflag:s31] =	ssyncadd.s32 $0xFFFFF000  }
0x2b: {  	s9 =	sshrl.u32 s9, $0x9;
	_ =	swait.ge [sflag:s31], $0x1000  }
0x2c: {  	s9 =	sand.u32 $0x7F, s9;
	[sflag:s31] =	ssyncset.done $0x0  }
0x2d: {  	s9 =	smul.u32 $0x3, s9;
	[sflag:s31] =	ssyncadd.s32 $0xFFFFF000  }
0x2e: {  	_ =	swait.ge [sflag:s31], $0x1000  }
0x2f: {  	s9 =	ssub.s32 s20, s9;
	[sflag:s31] =	ssyncset.done $0x0  }
0x30: {  	s9 =	sand.u32 $0xFF, s9;
	[sflag:s31] =	ssyncadd.s32 $0xFFFFF000  }
0x31: {  	s21 =	sshll.u32 s9, $0xC;
	_ =	swait.ge [sflag:s31], $0x2000  }
0x32: {  	s10 =	simm.s32 $0x0;
	v0 =	vmov s21;
	[sflag:s31] =	ssyncset.done $0x0  }
0x33: {  	s10 =	sand.u32 $0x3, s10;
	[sflag:s31] =	ssyncadd.s32 $0xFFFFE000  }
0x34: {  	s14 =	sshll.u32 s10, $0xA;
	_ =	swait.ge [sflag:s31], $0x2000  }
0x35: {  	s15 =	sshll.u32 s10, $0x8;
	s24 =	sshll.u32 s9, $0xD;
	[sflag:s31] =	ssyncset.done $0x0  }
0x36: {  	s26 =	sadd.s32 $0x0, s14;
	s16 =	sadd.s32 $0x0, s24;
	[sflag:s31] =	ssyncadd.s32 $0xFFFFE000  }
0x37: {  	s25 =	sor.u32 s15, s16;
	v1 =	vld.idx.msk [tilespmem:v0+s26+$0x3000 ss:$0x1], $0xffff  }
0x38: {  	v2 =	vld [tilespmem:s25+$0x9000]  }
0x39: {  	v3 =	vld [tilespmem:s25+$0x9080]  }
0x3a: {  	v4 =	vld [tilespmem:s25+$0xF000]  }
0x3b: {  	v5 =	vld [tilespmem:s25+$0xF080];
	_ =	sdelay $0x2  }
0x3c: {  	v6 =	vld.idx.msk [tilespmem:v0+s26+$0x0 ss:$0x1], $0xffff  }
0x3d: {  	v7 =	vld.idx.msk [tilespmem:v0+s26+$0x6000 ss:$0x1], $0xffff;
	vm0 =	veq.s32 v1, $0x0  }
0x3e: {  	v8 =	vsel vm0, v2, v4;
	v9 =	vsel vm0, v3, v5  }
0x3f: {  	v8 =	vmax.f32 v8, v9  }
0x40: {  	v8 =	vmul.f32 $8.000000110e-01, v8  }
0x41: {  	vm1 =	vne.s32 v6, $0x0  }
0x42: {  	v10 =	vsel vm0, v4, v5;
	v9 =	vsel vm0, v2, v3;
	v7 =	vadd.f32 v8, v7  }
0x43: {  	v8 =	vsel vm1, v10, v9  }
0x44: {  	v7 =	vsub.f32 v7, v8;
	_ =	sdelay $0x1  }
0x45: {  	v7 =	vmul.f32 $8.000000110e-01, v7;
	_ =	sdelay $0x1  }
0x46: {  	v6 =	vor.u32 v6, v1;
	v7 =	vadd.f32 v7, v8  }
0x47: {  	vm2 =	veq.s32 v6, $0x0  }
0x48: {  	vm3 =	vmor vm1, vm0;
	vm0 =	vmand vm1, vm0;
	v2 =	vsel vm2, v7, v2  }
0x49: {  	vm2 =	vne.s32 v1, $0x0;
	v1 =	vsel vm0, v7, v4;
	[tilespmem:s25+$0x9000] =	vst v2  }
0x4a: {  	v4 =	vld [tilespmem:s25+$0xF010];
	v2 =	vsel vm3, v3, v7;
	vm0 =	vmand vm1, vm2;
	[tilespmem:s25+$0xF000] =	vst v1  }
0x4b: {  	[tilespmem:s25+$0x9080] =	vst v2;
	v1 =	vsel vm0, v7, v5;
	v2 =	vld [tilespmem:s25+$0x9010]  }
0x4c: {  	v5 =	vld [tilespmem:s25+$0xF090];
	[tilespmem:s25+$0xF080] =	vst v1  }
0x4d: {  	v3 =	vld.idx.msk [tilespmem:v0+s26+$0x3010 ss:$0x1], $0xffff  }
0x4e: {  	v1 =	vld [tilespmem:s25+$0x9090]  }
0x4f: {  	s29 =	sadd.s32 s21, s26  }
0x50: {  	s17 =	sor.u32 $0x10, s29  }
0x51: {  	v6 =	vld [tilespmem:s17+$0x0]  }
0x52: {  	v7 =	vld.idx.msk [tilespmem:v0+s26+$0x6010 ss:$0x1], $0xffff;
	vm0 =	veq.s32 v3, $0x0  }
0x53: {  	v8 =	vsel vm0, v2, v4;
	v9 =	vsel vm0, v1, v5  }
0x54: {  	v8 =	vmax.f32 v8, v9  }
0x55: {  	v8 =	vmul.f32 $8.000000110e-01, v8  }
0x56: {  	vm1 =	vne.s32 v6, $0x0  }
0x57: {  	v10 =	vsel vm0, v4, v5;
	v9 =	vsel vm0, v2, v1;
	v7 =	vadd.f32 v8, v7  }
0x58: {  	v8 =	vsel vm1, v10, v9  }
0x59: {  	v7 =	vsub.f32 v7, v8;
	_ =	sdelay $0x1  }
0x5a: {  	v7 =	vmul.f32 $8.000000110e-01, v7;
	_ =	sdelay $0x1  }
0x5b: {  	v6 =	vor.u32 v6, v3;
	v7 =	vadd.f32 v7, v8  }
0x5c: {  	vm2 =	veq.s32 v6, $0x0  }
0x5d: {  	vm3 =	vmor vm1, vm0;
	v2 =	vsel vm2, v7, v2  }
0x5e: {  	vm0 =	vmand vm1, vm0;
	v1 =	vsel vm3, v1, v7;
	vm2 =	vne.s32 v3, $0x0;
	[tilespmem:s25+$0x9010] =	vst v2  }
0x5f: {  	[tilespmem:s25+$0x9090] =	vst v1;
	v1 =	vsel vm0, v7, v4;
	vm0 =	vmand vm1, vm2;
	v2 =	vld [tilespmem:s25+$0x9020]  }
0x60: {  	v4 =	vld [tilespmem:s25+$0xF020];
	[tilespmem:s25+$0xF010] =	vst v1;
	v1 =	vsel vm0, v7, v5  }
0x61: {  	v5 =	vld [tilespmem:s25+$0xF0A0];
	[tilespmem:s25+$0xF090] =	vst v1  }
0x62: {  	v3 =	vld.idx.msk [tilespmem:v0+s26+$0x3020 ss:$0x1], $0xffff  }
0x63: {  	v1 =	vld [tilespmem:s25+$0x90A0];
	_ =	sdelay $0x1  }
0x64: {  	s18 =	sor.u32 $0x20, s29  }
0x65: {  	v6 =	vld [tilespmem:s18+$0x0]  }
0x66: {  	v7 =	vld.idx.msk [tilespmem:v0+s26+$0x6020 ss:$0x1], $0xffff;
	vm0 =	veq.s32 v3, $0x0  }
0x67: {  	v8 =	vsel vm0, v2, v4;
	v9 =	vsel vm0, v1, v5  }
0x68: {  	v8 =	vmax.f32 v8, v9  }
0x69: {  	s19 =	simm.s32 $0x1;
	v8 =	vmul.f32 $8.000000110e-01, v8  }
0x6a: {  	s9 =	sand.u32 $0x3, s19;
	vm1 =	vne.s32 v6, $0x0  }
0x6b: {  	s7 =	sshll.u32 s9, $0xA;
	s9 =	sshll.u32 s9, $0x8;
	s11 =	sadd.s32 $0x0, s24;
	v10 =	vsel vm0, v4, v5;
	v9 =	vsel vm0, v2, v1;
	v7 =	vadd.f32 v8, v7  }
0x6c: {  	s28 =	sor.u32 s9, s11;
	v8 =	vsel vm1, v10, v9  }
0x6d: {  	v11 =	vld [tilespmem:s28+$0x9080];
	v6 =	vor.u32 v6, v3;
	v7 =	vsub.f32 v7, v8  }
0x6e: {  	s30 =	sadd.s32 $0x0, s7;
	vm2 =	veq.s32 v6, $0x0;
	v6 =	vld [tilespmem:s28+$0xF080]  }
0x6f: {  	v9 =	vld.idx.msk [tilespmem:v0+s30+$0x3000 ss:$0x1], $0xffff;
	v7 =	vmul.f32 $8.000000110e-01, v7  }
0x70: {  	v10 =	vld [tilespmem:s28+$0x9000]  }
0x71: {  	v7 =	vadd.f32 v7, v8;
	v8 =	vld [tilespmem:s28+$0xF000];
	_ =	sdelay $0x1  }
0x72: {  	v2 =	vsel vm2, v7, v2;
	vm2 =	vmor vm1, vm0  }
0x73: {  	vm0 =	vmand vm1, vm0;
	[tilespmem:s25+$0x9020] =	vst v2;
	v1 =	vsel vm2, v1, v7;
	v2 =	vld.idx.msk [tilespmem:v0+s30+$0x0 ss:$0x1], $0xffff;
	vm2 =	vne.s32 v3, $0x0  }
0x74: {  	v3 =	vld.idx.msk [tilespmem:v0+s30+$0x6000 ss:$0x1], $0xffff;
	[tilespmem:s25+$0x90A0] =	vst v1;
	v1 =	vsel vm0, v7, v4;
	vm0 =	vmand vm1, vm2;
	vm1 =	veq.s32 v9, $0x0  }
0x75: {  	v12 =	vld [tilespmem:s25+$0xF030];
	[tilespmem:s25+$0xF020] =	vst v1;
	v1 =	vsel vm0, v7, v5;
	v5 =	vsel vm1, v10, v8;
	v7 =	vsel vm1, v11, v6  }
0x76: {  	v4 =	vld [tilespmem:s25+$0x9030];
	[tilespmem:s25+$0xF0A0] =	vst v1;
	v1 =	vmax.f32 v5, v7  }
0x77: {  	v5 =	vld [tilespmem:s25+$0x90B0];
	v1 =	vmul.f32 $8.000000110e-01, v1  }
0x78: {  	v13 =	vsel vm1, v10, v11;
	v7 =	vld.idx.msk [tilespmem:v0+s26+$0x3030 ss:$0x1], $0xffff  }
0x79: {  	v14 =	vsel vm1, v8, v6;
	vm3 =	vne.s32 v2, $0x0;
	v1 =	vadd.f32 v1, v3;
	v3 =	vld [tilespmem:s25+$0xF0B0]  }
0x7a: {  	v13 =	vsel vm3, v14, v13  }
0x7b: {  	v1 =	vsub.f32 v1, v13  }
0x7c: {  	s12 =	sor.u32 $0x30, s29;
	v15 =	vld.idx.msk [tilespmem:v0+s26+$0x6030 ss:$0x1], $0xffff  }
0x7d: {  	v14 =	vld [tilespmem:s12+$0x0];
	vm0 =	veq.s32 v7, $0x0;
	v1 =	vmul.f32 $8.000000110e-01, v1  }
0x7e: {  	v16 =	vsel vm0, v4, v12;
	v17 =	vsel vm0, v5, v3  }
0x7f: {  	v2 =	vor.u32 v2, v9;
	v1 =	vadd.f32 v1, v13;
	v13 =	vmax.f32 v16, v17  }
0x80: {  	vm2 =	veq.s32 v2, $0x0;
	v2 =	vmul.f32 $8.000000110e-01, v13  }
0x81: {  	vm4 =	vmor vm3, vm1;
	v16 =	vsel vm0, v12, v3;
	v13 =	vsel vm0, v4, v5  }
0x82: {  	v10 =	vsel vm2, v1, v10;
	vm2 =	vne.s32 v14, $0x0;
	v2 =	vadd.f32 v2, v15  }
0x83: {  	[tilespmem:s28+$0x9000] =	vst v10;
	v10 =	vsel vm4, v11, v1;
	v11 =	vsel vm2, v16, v13  }
0x84: {  	vm1 =	vmand vm3, vm1;
	vm4 =	vne.s32 v9, $0x0;
	v2 =	vsub.f32 v2, v11  }
0x85: {  	v8 =	vsel vm1, v1, v8;
	[tilespmem:s28+$0x9080] =	vst v10;
	vm1 =	vmand vm3, vm4;
	v10 =	vld [tilespmem:s28+$0xF090]  }
0x86: {  	[tilespmem:s28+$0xF000] =	vst v8;
	v8 =	vor.u32 v14, v7;
	v1 =	vsel vm1, v1, v6;
	v6 =	vld [tilespmem:s28+$0x9010];
	v2 =	vmul.f32 $8.000000110e-01, v2  }
0x87: {  	vm1 =	veq.s32 v8, $0x0;
	v8 =	vld [tilespmem:s28+$0xF010];
	[tilespmem:s28+$0xF080] =	vst v1  }
0x88: {  	v9 =	vld.idx.msk [tilespmem:v0+s30+$0x3010 ss:$0x1], $0xffff;
	v2 =	vadd.f32 v2, v11  }
0x89: {  	v1 =	vld [tilespmem:s28+$0x9090]  }
0x8a: {  	s9 =	sadd.s32 s21, s30;
	v13 =	vld [tilespmem:s25+$0xF0C0];
	v4 =	vsel vm1, v2, v4;
	vm1 =	vmor vm2, vm0  }
0x8b: {  	s13 =	sor.u32 $0x10, s9;
	vm0 =	vmand vm2, vm0;
	[tilespmem:s25+$0x9030] =	vst v4;
	v4 =	vsel vm1, v5, v2;
	vm1 =	vne.s32 v7, $0x0;
	v5 =	vld [tilespmem:s25+$0x9040]  }
0x8c: {  	v7 =	vld [tilespmem:s13+$0x0];
	[tilespmem:s25+$0x90B0] =	vst v4;
	v4 =	vsel vm0, v2, v12;
	vm0 =	vmand vm2, vm1  }
0x8d: {  	vm2 =	veq.s32 v9, $0x0;
	[tilespmem:s25+$0xF030] =	vst v4;
	v2 =	vsel vm0, v2, v3;
	v3 =	vld.idx.msk [tilespmem:v0+s30+$0x6010 ss:$0x1], $0xffff  }
0x8e: {  	v4 =	vld [tilespmem:s25+$0x90C0];
	v11 =	vsel vm2, v1, v10;
	[tilespmem:s25+$0xF0B0] =	vst v2;
	v2 =	vsel vm2, v6, v8  }
0x8f: {  	v12 =	vld.idx.msk [tilespmem:v0+s26+$0x3040 ss:$0x1], $0xffff;
	v2 =	vmax.f32 v2, v11  }
0x90: {  	v11 =	vld [tilespmem:s25+$0xF040];
	v2 =	vmul.f32 $8.000000110e-01, v2  }
0x91: {  	v14 =	vsel vm2, v6, v1  }
0x92: {  	s14 =	sor.u32 $0x40, s29;
	v15 =	vsel vm2, v8, v10;
	vm3 =	vne.s32 v7, $0x0;
	v2 =	vadd.f32 v2, v3  }
0x93: {  	v3 =	vsel vm3, v15, v14;
	v14 =	vld [tilespmem:s14+$0x0]  }
0x94: {  	v15 =	vld.idx.msk [tilespmem:v0+s26+$0x6040 ss:$0x1], $0xffff;
	v2 =	vsub.f32 v2, v3;
	vm0 =	veq.s32 v12, $0x0  }
0x95: {  	v16 =	vsel vm0, v5, v11;
	v17 =	vsel vm0, v4, v13  }
0x96: {  	v7 =	vor.u32 v7, v9;
	v2 =	vmul.f32 $8.000000110e-01, v2;
	v16 =	vmax.f32 v16, v17  }
0x97: {  	vm4 =	veq.s32 v7, $0x0;
	v7 =	vmul.f32 $8.000000110e-01, v16  }
0x98: {  	vm5 =	vmor vm3, vm2;
	vm1 =	vne.s32 v14, $0x0;
	v2 =	vadd.f32 v2, v3  }
0x99: {  	v16 =	vsel vm0, v11, v13;
	v3 =	vsel vm0, v5, v4;
	v7 =	vadd.f32 v7, v15  }
0x9a: {  	vm2 =	vmand vm3, vm2;
	v3 =	vsel vm1, v16, v3;
	v6 =	vsel vm4, v2, v6  }
0x9b: {  	v1 =	vsel vm5, v1, v2;
	vm4 =	vne.s32 v9, $0x0;
	[tilespmem:s28+$0x9010] =	vst v6;
	v6 =	vsub.f32 v7, v3  }
0x9c: {  	[tilespmem:s28+$0x9090] =	vst v1;
	v1 =	vsel vm2, v2, v8;
	vm2 =	vmand vm3, vm4;
	v8 =	vld [tilespmem:s28+$0xF0A0]  }
0x9d: {  	[tilespmem:s28+$0xF010] =	vst v1;
	v2 =	vsel vm2, v2, v10;
	v1 =	vmul.f32 $8.000000110e-01, v6;
	v6 =	vld [tilespmem:s28+$0x9020]  }
0x9e: {  	[tilespmem:s28+$0xF090] =	vst v2;
	v2 =	vld [tilespmem:s28+$0x90A0]  }
0x9f: {  	v7 =	vld.idx.msk [tilespmem:v0+s30+$0x3020 ss:$0x1], $0xffff;
	v1 =	vadd.f32 v1, v3;
	v3 =	vor.u32 v14, v12  }
0xa0: {  	vm2 =	veq.s32 v3, $0x0;
	v3 =	vld [tilespmem:s28+$0xF020]  }
0xa1: {  	v15 =	vld [tilespmem:s25+$0xF050];
	v5 =	vsel vm2, v1, v5;
	vm2 =	vmor vm1, vm0  }
0xa2: {  	s15 =	sor.u32 $0x20, s9;
	v16 =	vld [tilespmem:s25+$0xF0D0];
	vm3 =	vne.s32 v12, $0x0;
	vm0 =	vmand vm1, vm0;
	[tilespmem:s25+$0x9040] =	vst v5;
	v4 =	vsel vm2, v4, v1  }
0xa3: {  	v9 =	vld [tilespmem:s15+$0x0];
	[tilespmem:s25+$0x90C0] =	vst v4;
	v4 =	vsel vm0, v1, v11;
	vm0 =	vmand vm1, vm3  }
0xa4: {  	vm2 =	veq.s32 v7, $0x0;
	[tilespmem:s25+$0xF040] =	vst v4;
	v1 =	vsel vm0, v1, v13;
	v4 =	vld.idx.msk [tilespmem:v0+s30+$0x6020 ss:$0x1], $0xffff  }
0xa5: {  	v5 =	vld [tilespmem:s25+$0x9050];
	v11 =	vsel vm2, v2, v8;
	[tilespmem:s25+$0xF0C0] =	vst v1;
	v10 =	vsel vm2, v6, v3  }
0xa6: {  	v14 =	vld.idx.msk [tilespmem:v0+s26+$0x3050 ss:$0x1], $0xffff;
	v10 =	vmax.f32 v10, v11  }
0xa7: {  	v1 =	vld [tilespmem:s25+$0x90D0];
	v10 =	vmul.f32 $8.000000110e-01, v10  }
0xa8: {  	s16 =	simm.s32 $0x2;
	vm3 =	vne.s32 v9, $0x0  }
0xa9: {  	s10 =	sand.u32 $0x3, s16;
	s13 =	sor.u32 $0x50, s29;
	v12 =	vsel vm2, v3, v8;
	v11 =	vsel vm2, v6, v2;
	v4 =	vadd.f32 v10, v4  }
0xaa: {  	s17 =	sadd.s32 $0x0, s24;
	s12 =	sshll.u32 s10, $0xA;
	s10 =	sshll.u32 s10, $0x8;
	v10 =	vsel vm3, v12, v11;
	v11 =	vld [tilespmem:s13+$0x0]  }
0xab: {  	s10 =	sor.u32 s10, s17;
	v12 =	vld.idx.msk [tilespmem:v0+s26+$0x6050 ss:$0x1], $0xffff;
	v4 =	vsub.f32 v4, v10;
	vm0 =	veq.s32 v14, $0x0  }
0xac: {  	v19 =	vld [tilespmem:s10+$0x9000];
	v13 =	vsel vm0, v5, v15;
	v18 =	vsel vm0, v1, v16  }
0xad: {  	s12 =	sadd.s32 $0x0, s12;
	v21 =	vld [tilespmem:s10+$0xF000];
	v4 =	vmul.f32 $8.000000110e-01, v4;
	v13 =	vmax.f32 v13, v18  }
0xae: {  	v17 =	vld.idx.msk [tilespmem:v0+s12+$0x3000 ss:$0x1], $0xffff;
	v9 =	vor.u32 v9, v7;
	v20 =	vmul.f32 $8.000000110e-01, v13  }
0xaf: {  	vm4 =	veq.s32 v9, $0x0;
	v9 =	vsel vm0, v5, v1;
	v18 =	vld [tilespmem:s10+$0x9080];
	v4 =	vadd.f32 v4, v10  }
0xb0: {  	vm1 =	vne.s32 v11, $0x0;
	v13 =	vld [tilespmem:s10+$0xF080];
	v10 =	vsel vm0, v15, v16;
	v12 =	vadd.f32 v20, v12  }
0xb1: {  	v6 =	vsel vm4, v4, v6;
	vm4 =	vmor vm3, vm2;
	vm2 =	vmand vm3, vm2  }
0xb2: {  	[tilespmem:s28+$0x9020] =	vst v6;
	v2 =	vsel vm4, v2, v4;
	vm4 =	vne.s32 v7, $0x0;
	v7 =	vsel vm1, v10, v9  }
0xb3: {  	v6 =	vld.idx.msk [tilespmem:v0+s12+$0x0 ss:$0x1], $0xffff;
	[tilespmem:s28+$0x90A0] =	vst v2;
	v2 =	vsel vm2, v4, v3;
	v9 =	vsub.f32 v12, v7;
	vm3 =	vmand vm3, vm4  }
0xb4: {  	v3 =	vld.idx.msk [tilespmem:v0+s12+$0x6000 ss:$0x1], $0xffff;
	vm2 =	veq.s32 v17, $0x0;
	[tilespmem:s28+$0xF020] =	vst v2;
	v2 =	vsel vm3, v4, v8  }
0xb5: {  	v8 =	vld [tilespmem:s28+$0x9030];
	v4 =	vsel vm2, v19, v21;
	v10 =	vsel vm2, v18, v13;
	v9 =	vmul.f32 $8.000000110e-01, v9  }
0xb6: {  	vm5 =	vne.s32 v14, $0x0;
	[tilespmem:s28+$0xF0A0] =	vst v2;
	v2 =	vmax.f32 v4, v10;
	v10 =	vld [tilespmem:s28+$0x90B0]  }
0xb7: {  	v2 =	vmul.f32 $8.000000110e-01, v2;
	v12 =	vld.idx.msk [tilespmem:v0+s30+$0x3030 ss:$0x1], $0xffff;
	v4 =	vadd.f32 v9, v7;
	v7 =	vor.u32 v11, v14  }
0xb8: {  	v20 =	vsel vm2, v19, v18;
	vm3 =	vne.s32 v6, $0x0;
	v11 =	vld [tilespmem:s28+$0xF030];
	vm4 =	veq.s32 v7, $0x0  }
0xb9: {  	v9 =	vld [tilespmem:s28+$0xF0B0];
	v2 =	vadd.f32 v2, v3;
	v3 =	vsel vm4, v4, v5;
	vm4 =	vmor vm1, vm0  }
0xba: {  	s18 =	sor.u32 $0x30, s9;
	v7 =	vsel vm2, v21, v13;
	vm0 =	vmand vm1, vm0;
	[tilespmem:s25+$0x9050] =	vst v3;
	v3 =	vsel vm4, v1, v4  }
0xbb: {  	v14 =	vld [tilespmem:s18+$0x0];
	v7 =	vsel vm3, v7, v20;
	[tilespmem:s25+$0x90D0] =	vst v3;
	v3 =	vsel vm0, v4, v15;
	vm0 =	vmand vm1, vm5  }
0xbc: {  	v20 =	vld.idx.msk [tilespmem:v0+s30+$0x6030 ss:$0x1], $0xffff;
	v2 =	vsub.f32 v2, v7;
	[tilespmem:s25+$0xF050] =	vst v3;
	v3 =	vsel vm0, v4, v16  }
0xbd: {  	v1 =	vld [tilespmem:s25+$0x9060];
	vm1 =	veq.s32 v12, $0x0;
	[tilespmem:s25+$0xF0D0] =	vst v3  }
0xbe: {  	v2 =	vmul.f32 $8.000000110e-01, v2;
	v4 =	vsel vm1, v10, v9;
	v3 =	vsel vm1, v8, v11;
	v5 =	vld.idx.msk [tilespmem:v0+s26+$0x3060 ss:$0x1], $0xffff  }
0xbf: {  	v3 =	vmax.f32 v3, v4;
	v4 =	vld [tilespmem:s25+$0x90E0]  }
0xc0: {  	v15 =	vadd.f32 v2, v7;
	v2 =	vor.u32 v6, v17;
	v6 =	vmul.f32 $8.000000110e-01, v3;
	v3 =	vld [tilespmem:s25+$0xF060]  }
0xc1: {  	vm5 =	vmor vm3, vm2;
	vm0 =	vne.s32 v17, $0x0;
	vm4 =	veq.s32 v2, $0x0;
	v2 =	vld [tilespmem:s25+$0xF0E0]  }
0xc2: {  	v16 =	vsel vm1, v8, v10;
	v17 =	vsel vm1, v11, v9;
	v7 =	vsel vm4, v15, v19  }
0xc3: {  	s19 =	sor.u32 $0x60, s29;
	vm4 =	vmand vm3, vm2;
	vm2 =	vne.s32 v14, $0x0;
	v19 =	vadd.f32 v6, v20  }
0xc4: {  	v18 =	vsel vm5, v18, v15;
	vm3 =	vmand vm3, vm0;
	v6 =	vld [tilespmem:s19+$0x0];
	[tilespmem:s10+$0x9000] =	vst v7;
	v16 =	vsel vm2, v17, v16  }
0xc5: {  	s13 =	simm.s32 $0x3;
	v7 =	vld.idx.msk [tilespmem:v0+s26+$0x6060 ss:$0x1], $0xffff;
	[tilespmem:s10+$0x9080] =	vst v18;
	v18 =	vsel vm4, v15, v21;
	v17 =	vsub.f32 v19, v16;
	vm0 =	veq.s32 v5, $0x0  }
.LBB2_3:
0xc6: {  	p0 =	sne.s32 s13, $0xF;
	[tilespmem:s10+$0xF000] =	vst v18;
	v13 =	vsel vm3, v15, v13;
	v15 =	vld [tilespmem:s10+$0x9010];
	v18 =	vsel vm0, v1, v3;
	v19 =	vsel vm0, v4, v2  }
0xc7: {  	[tilespmem:s10+$0xF080] =	vst v13;
	v13 =	vld [tilespmem:s10+$0x9090];
	v17 =	vmul.f32 $8.000000110e-01, v17;
	v18 =	vmax.f32 v18, v19  }
0xc8: {  	s15 =	sadd.s32 s21, s12;
	vm4 =	vne.s32 v12, $0x0;
	v12 =	vor.u32 v14, v12;
	v19 =	vld.idx.msk [tilespmem:v0+s12+$0x3010 ss:$0x1], $0xffff;
	v14 =	vmul.f32 $8.000000110e-01, v18  }
0xc9: {  	s14 =	sor.u32 $0x10, s15;
	vm5 =	veq.s32 v12, $0x0;
	vm3 =	vne.s32 v6, $0x0;
	v18 =	vld [tilespmem:s10+$0xF010];
	v16 =	vadd.f32 v17, v16  }
0xca: {  	v20 =	vsel vm0, v3, v2;
	v17 =	vsel vm0, v1, v4;
	v12 =	vld [tilespmem:s14+$0x0];
	v7 =	vadd.f32 v14, v7  }
0xcb: {  	v17 =	vsel vm3, v20, v17;
	v14 =	vld [tilespmem:s10+$0xF090];
	v8 =	vsel vm5, v16, v8;
	vm5 =	vmor vm2, vm1  }
0xcc: {  	vm1 =	vmand vm2, vm1;
	[tilespmem:s28+$0x9030] =	vst v8;
	v8 =	vsel vm5, v10, v16;
	v10 =	vsub.f32 v7, v17  }
0xcd: {  	vm2 =	vmand vm2, vm4;
	[tilespmem:s28+$0x90B0] =	vst v8;
	v8 =	vsel vm1, v16, v11;
	v7 =	vld [tilespmem:s28+$0x9040]  }
0xce: {  	vm1 =	veq.s32 v19, $0x0;
	v11 =	vld.idx.msk [tilespmem:v0+s12+$0x6010 ss:$0x1], $0xffff;
	[tilespmem:s28+$0xF030] =	vst v8;
	v8 =	vsel vm2, v16, v9;
	v9 =	vmul.f32 $8.000000110e-01, v10  }
0xcf: {  	v10 =	vsel vm1, v15, v18;
	v16 =	vsel vm1, v15, v13;
	vm2 =	vne.s32 v12, $0x0;
	[tilespmem:s28+$0xF0B0] =	vst v8;
	v8 =	vld [tilespmem:s28+$0x90C0]  }
0xd0: {  	v6 =	vor.u32 v6, v5;
	v20 =	vsel vm1, v13, v14;
	v21 =	vld.idx.msk [tilespmem:v0+s30+$0x3040 ss:$0x1], $0xffff;
	v9 =	vadd.f32 v9, v17  }
0xd1: {  	vm4 =	veq.s32 v6, $0x0;
	v17 =	vsel vm1, v18, v14;
	v10 =	vmax.f32 v10, v20;
	v20 =	vld [tilespmem:s28+$0xF040]  }
0xd2: {  	v6 =	vmul.f32 $8.000000110e-01, v10;
	v10 =	vld [tilespmem:s28+$0xF0C0];
	v1 =	vsel vm4, v9, v1;
	vm4 =	vmor vm3, vm0  }
0xd3: {  	s14 =	sor.u32 $0x40, s9;
	vm5 =	vne.s32 v5, $0x0;
	vm0 =	vmand vm3, vm0;
	[tilespmem:s25+$0x9060] =	vst v1;
	v4 =	vsel vm4, v4, v9;
	v1 =	vld [tilespmem:s25+$0x9070]  }
0xd4: {  	v3 =	vsel vm0, v9, v3;
	vm0 =	vmand vm3, vm5;
	v5 =	vadd.f32 v6, v11;
	v6 =	vld [tilespmem:s14+$0x0];
	[tilespmem:s25+$0x90E0] =	vst v4  }
0xd5: {  	v4 =	vsel vm2, v17, v16;
	v2 =	vsel vm0, v9, v2;
	v11 =	vld.idx.msk [tilespmem:v0+s30+$0x6040 ss:$0x1], $0xffff;
	[tilespmem:s25+$0xF060] =	vst v3  }
0xd6: {  	vm0 =	veq.s32 v21, $0x0;
	v3 =	vsub.f32 v5, v4;
	[tilespmem:s25+$0xF0E0] =	vst v2;
	v5 =	vld [tilespmem:s25+$0x90F0]  }
0xd7: {  	v2 =	vsel vm0, v7, v20;
	v9 =	vsel vm0, v8, v10;
	v16 =	vld.idx.msk [tilespmem:v0+s26+$0x3070 ss:$0x1], $0xffff  }
0xd8: {  	v12 =	vor.u32 v12, v19;
	v3 =	vmul.f32 $8.000000110e-01, v3;
	v2 =	vmax.f32 v2, v9;
	v9 =	vld [tilespmem:s25+$0xF070]  }
0xd9: {  	vm4 =	vne.s32 v19, $0x0;
	vm5 =	veq.s32 v12, $0x0;
	v2 =	vmul.f32 $8.000000110e-01, v2;
	v12 =	vld [tilespmem:s25+$0xF0F0]  }
0xda: {  	s16 =	sshrl.u32 s13, $0x2;
	s17 =	sor.u32 $0x70, s29;
	vm6 =	vmor vm2, vm1;
	s14 =	sand.u32 $0x3, s13;
	vm3 =	vne.s32 v6, $0x0;
	v4 =	vadd.f32 v3, v4  }
0xdb: {  	s29 =	smov.u32 s9;
	s19 =	sshll.u32 s16, $0x7;
	s18 =	sshll.u32 s14, $0xA;
	v17 =	vsel vm0, v20, v10;
	v3 =	vsel vm0, v7, v8;
	v11 =	vadd.f32 v2, v11;
	v19 =	vld [tilespmem:s17+$0x0]  }
0xdc: {  	s9 =	smov.u32 s15;
	vm7 =	vmand vm2, vm1;
	vm2 =	vmand vm2, vm4;
	s17 =	sadd.s32 s19, s18;
	v17 =	vsel vm3, v17, v3;
	v22 =	vld.idx.msk [tilespmem:v0+s26+$0x6070 ss:$0x1], $0xffff;
	s26 =	smov.u32 s30  }
0xdd: {  	v3 =	vsel vm5, v4, v15;
	vm1 =	veq.s32 v16, $0x0;
	s30 =	smov.u32 s12;
	s12 =	smov.u32 s17;
	v2 =	vld.idx.msk [tilespmem:v0+s17+$0x0 ss:$0x1], $0xffff;
	v11 =	vsub.f32 v11, v17  }
0xde: {  	v13 =	vsel vm6, v13, v4;
	v15 =	vsel vm1, v1, v9;
	[tilespmem:s10+$0x9010] =	vst v3;
	v23 =	vsel vm1, v5, v12  }
0xdf: {  	v3 =	vld.idx.msk [tilespmem:v0+s12+$0x3000 ss:$0x1], $0xffff;
	[tilespmem:s10+$0x9090] =	vst v13;
	v13 =	vsel vm7, v4, v18;
	v11 =	vmul.f32 $8.000000110e-01, v11;
	v15 =	vmax.f32 v15, v23  }
0xe0: {  	v4 =	vsel vm2, v4, v14;
	[tilespmem:s10+$0xF010] =	vst v13;
	v14 =	vld [tilespmem:s10+$0x9020];
	v13 =	vmul.f32 $8.000000110e-01, v15;
	v15 =	vor.u32 v19, v16  }
0xe1: {  	v6 =	vor.u32 v6, v21;
	vm2 =	vne.s32 v19, $0x0;
	[tilespmem:s10+$0xF090] =	vst v4;
	v4 =	vld [tilespmem:s10+$0x90A0];
	v11 =	vadd.f32 v11, v17  }
0xe2: {  	v18 =	vsel vm1, v1, v5;
	v19 =	vsel vm1, v9, v12;
	v17 =	vld.idx.msk [tilespmem:v0+s30+$0x3020 ss:$0x1], $0xffff;
	v13 =	vadd.f32 v13, v22  }
0xe3: {  	vm5 =	veq.s32 v6, $0x0;
	v6 =	vsel vm2, v19, v18;
	vm4 =	veq.s32 v15, $0x0;
	v22 =	vld [tilespmem:s10+$0xF020]  }
0xe4: {  	v7 =	vsel vm5, v11, v7;
	vm5 =	vmor vm3, vm0;
	v15 =	vld [tilespmem:s10+$0xF0A0];
	v13 =	vsub.f32 v13, v6  }
0xe5: {  	s15 =	sor.u32 $0x20, s9;
	vm6 =	vne.s32 v21, $0x0;
	vm0 =	vmand vm3, vm0;
	[tilespmem:s28+$0x9040] =	vst v7;
	v7 =	vsel vm5, v8, v11;
	v18 =	vld [tilespmem:s28+$0x9050]  }
0xe6: {  	v8 =	vld [tilespmem:s15+$0x0];
	[tilespmem:s28+$0x90C0] =	vst v7;
	v7 =	vsel vm0, v11, v20;
	vm0 =	vmand vm3, vm6;
	v13 =	vmul.f32 $8.000000110e-01, v13  }
0xe7: {  	vm3 =	vmand vm2, vm1;
	v19 =	vld.idx.msk [tilespmem:v0+s30+$0x6020 ss:$0x1], $0xffff;
	[tilespmem:s28+$0xF040] =	vst v7;
	v7 =	vsel vm0, v11, v10;
	vm0 =	vmor vm2, vm1  }
0xe8: {  	vm5 =	vne.s32 v16, $0x0;
	vm1 =	veq.s32 v17, $0x0;
	[tilespmem:s28+$0xF0C0] =	vst v7;
	v7 =	vld [tilespmem:s28+$0x90D0];
	v6 =	vadd.f32 v13, v6  }
0xe9: {  	vm2 =	vmand vm2, vm5;
	v10 =	vsel vm1, v14, v22;
	v11 =	vsel vm1, v4, v15;
	v16 =	vld.idx.msk [tilespmem:v0+s26+$0x3050 ss:$0x1], $0xffff  }
0xea: {  	v10 =	vmax.f32 v10, v11;
	v20 =	vld [tilespmem:s28+$0xF050];
	v1 =	vsel vm4, v6, v1;
	v11 =	vsel vm2, v6, v12  }
0xeb: {  	v5 =	vsel vm0, v5, v6;
	v6 =	vsel vm3, v6, v9;
	v10 =	vmul.f32 $8.000000110e-01, v10;
	v21 =	vld [tilespmem:s28+$0xF0D0];
	[tilespmem:s25+$0xF0F0] =	vst v11  }
0xec: {  	s15 =	sor.u32 $0x50, s29;
	vm4 =	vne.s32 v8, $0x0;
	[tilespmem:s25+$0x9070] =	vst v1  }
0xed: {  	s16 =	sshll.u32 s16, $0xA;
	v9 =	vsel vm1, v22, v15;
	v1 =	vsel vm1, v14, v4;
	v10 =	vadd.f32 v10, v19;
	v11 =	vld [tilespmem:s15+$0x0];
	[tilespmem:s25+$0x90F0] =	vst v5  }
0xee: {  	s14 =	sshll.u32 s14, $0x8;
	s15 =	sadd.s32 s24, s16;
	v1 =	vsel vm4, v9, v1;
	v5 =	vld.idx.msk [tilespmem:v0+s26+$0x6050 ss:$0x1], $0xffff;
	[tilespmem:s25+$0xF070] =	vst v6;
	s25 =	smov.u32 s28  }
0xef: {  	vm3 =	veq.s32 v16, $0x0;
	s28 =	smov.u32 s10;
	s10 =	sor.u32 s14, s15;
	v6 =	vsub.f32 v10, v1  }
0xf0: {  	vm0 =	vne.s32 v2, $0x0;
	v9 =	vsel vm3, v18, v20;
	v19 =	vld [tilespmem:s10+$0x9000];
	v10 =	vsel vm3, v7, v21  }
0xf1: {  	vm2 =	veq.s32 v3, $0x0;
	v23 =	vld [tilespmem:s10+$0x9080];
	v6 =	vmul.f32 $8.000000110e-01, v6;
	v9 =	vmax.f32 v9, v10  }
0xf2: {  	vm6 =	vne.s32 v17, $0x0;
	v8 =	vor.u32 v8, v17;
	v24 =	vld [tilespmem:s10+$0xF000];
	v9 =	vmul.f32 $8.000000110e-01, v9  }
0xf3: {  	vm7 =	veq.s32 v8, $0x0;
	vm5 =	vne.s32 v11, $0x0;
	v13 =	vld [tilespmem:s10+$0xF080];
	v1 =	vadd.f32 v6, v1  }
0xf4: {  	v8 =	vsel vm3, v20, v21;
	v6 =	vsel vm3, v18, v7;
	v5 =	vadd.f32 v9, v5  }
0xf5: {  	v6 =	vsel vm5, v8, v6;
	v9 =	vsel vm7, v1, v14;
	vm7 =	vmor vm4, vm1  }
0xf6: {  	vm1 =	vmand vm4, vm1;
	v14 =	vld.idx.msk [tilespmem:v0+s12+$0x6000 ss:$0x1], $0xffff;
	[tilespmem:s28+$0x9020] =	vst v9;
	v4 =	vsel vm7, v4, v1;
	v5 =	vsub.f32 v5, v6  }
0xf7: {  	v9 =	vsel vm2, v19, v24;
	[tilespmem:s28+$0x90A0] =	vst v4;
	v4 =	vsel vm1, v1, v22;
	vm1 =	vmand vm4, vm6  }
0xf8: {  	v10 =	vsel vm2, v23, v13;
	[tilespmem:s28+$0xF020] =	vst v4;
	v1 =	vsel vm1, v1, v15;
	v8 =	vld [tilespmem:s28+$0x9030];
	v4 =	vmul.f32 $8.000000110e-01, v5  }
0xf9: {  	v15 =	vsel vm2, v24, v13;
	v5 =	vmax.f32 v9, v10;
	v9 =	vsel vm2, v19, v23;
	[tilespmem:s28+$0xF0A0] =	vst v1;
	v10 =	vld [tilespmem:s28+$0x90B0]  }
0xfa: {  	v1 =	vmul.f32 $8.000000110e-01, v5;
	v12 =	vld.idx.msk [tilespmem:v0+s30+$0x3030 ss:$0x1], $0xffff;
	v4 =	vadd.f32 v4, v6;
	v5 =	vor.u32 v11, v16  }
0xfb: {  	v6 =	vsel vm0, v15, v9;
	v11 =	vld [tilespmem:s28+$0xF030];
	vm1 =	veq.s32 v5, $0x0  }
0xfc: {  	v5 =	vadd.f32 v1, v14;
	v9 =	vld [tilespmem:s28+$0xF0B0];
	v1 =	vsel vm1, v4, v18;
	vm1 =	vmor vm5, vm3  }
0xfd: {  	s14 =	sor.u32 $0x30, s9;
	vm4 =	vne.s32 v16, $0x0;
	[tilespmem:s25+$0x9050] =	vst v1;
	v7 =	vsel vm1, v7, v4;
	vm1 =	vmand vm5, vm3;
	v1 =	vld [tilespmem:s25+$0x9060]  }
0xfe: {  	v5 =	vsub.f32 v5, v6;
	v14 =	vld [tilespmem:s14+$0x0];
	[tilespmem:s25+$0x90D0] =	vst v7;
	v7 =	vsel vm1, v4, v20;
	vm1 =	vmand vm5, vm4  }
0xff: {  	v16 =	vld.idx.msk [tilespmem:v0+s30+$0x6030 ss:$0x1], $0xffff;
	[tilespmem:s25+$0xF050] =	vst v7;
	v4 =	vsel vm1, v4, v21  }
0x100: {  	vm1 =	veq.s32 v12, $0x0;
	v7 =	vmul.f32 $8.000000110e-01, v5;
	[tilespmem:s25+$0xF0D0] =	vst v4;
	v4 =	vld [tilespmem:s25+$0x90E0]  }
0x101: {  	vm3 =	vne.s32 v3, $0x0;
	v17 =	vsel vm1, v8, v11;
	v18 =	vsel vm1, v10, v9;
	v5 =	vld.idx.msk [tilespmem:v0+s26+$0x3060 ss:$0x1], $0xffff  }
0x102: {  	v2 =	vor.u32 v2, v3;
	v15 =	vadd.f32 v7, v6;
	v6 =	vmax.f32 v17, v18;
	v3 =	vld [tilespmem:s25+$0xF060]  }
.Ltmp0:
0x103: {  	vm4 =	veq.s32 v2, $0x0;
	vm5 =	vmor vm0, vm2;
	v6 =	vmul.f32 $8.000000110e-01, v6;
	v2 =	vld [tilespmem:s25+$0xF0E0];
	(pc) =	sbr.rel @p0 .LBB2_3-.Ltmp0, $4  }
0x104: {  	s14 =	sor.u32 $0x60, s29;
	v7 =	vsel vm4, v15, v19;
	vm4 =	vmand vm0, vm2;
	vm2 =	vne.s32 v14, $0x0  }
0x105: {  	v17 =	vsel vm1, v8, v10;
	v18 =	vsel vm1, v11, v9;
	v19 =	vadd.f32 v6, v16;
	v6 =	vld [tilespmem:s14+$0x0]  }
0x106: {  	vm3 =	vmand vm0, vm3;
	v20 =	vsel vm5, v23, v15;
	v16 =	vsel vm2, v18, v17;
	[tilespmem:s10+$0x9000] =	vst v7;
	v7 =	vld.idx.msk [tilespmem:v0+s26+$0x6060 ss:$0x1], $0xffff  }
0x107: {  	s13 =	sadd.s32 $0x1, s13;
	v18 =	vsel vm4, v15, v24;
	vm0 =	veq.s32 v5, $0x0;
	[tilespmem:s10+$0x9080] =	vst v20;
	v17 =	vsub.f32 v19, v16  }
0x108: {  	_ = 	snop  }
0x109: {  	v13 =	vsel vm3, v15, v13;
	v15 =	vld [tilespmem:s10+$0x9010]  }
0x10a: {  	[tilespmem:s10+$0xF000] =	vst v18;
	v19 =	vld [tilespmem:s10+$0xF010]  }
0x10b: {  	v20 =	vld [tilespmem:s10+$0xF090];
	[tilespmem:s10+$0xF080] =	vst v13  }
0x10c: {  	v18 =	vld.idx.msk [tilespmem:v0+s12+$0x3010 ss:$0x1], $0xffff  }
0x10d: {  	v13 =	vld [tilespmem:s10+$0x9090]  }
0x10e: {  	s13 =	sadd.s32 s21, s12  }
0x10f: {  	s14 =	sor.u32 $0x10, s13  }
0x110: {  	v21 =	vld [tilespmem:s14+$0x0]  }
0x111: {  	v22 =	vld.idx.msk [tilespmem:v0+s12+$0x6010 ss:$0x1], $0xffff;
	vm3 =	veq.s32 v18, $0x0  }
0x112: {  	v23 =	vsel vm3, v15, v19;
	v24 =	vsel vm3, v13, v20  }
0x113: {  	v23 =	vmax.f32 v23, v24  }
0x114: {  	v23 =	vmul.f32 $8.000000110e-01, v23  }
0x115: {  	vm4 =	vne.s32 v21, $0x0  }
0x116: {  	v31 =	vsel vm3, v15, v13;
	v25 =	vsel vm3, v19, v20;
	v22 =	vadd.f32 v23, v22  }
0x117: {  	v32 =	vsel vm4, v25, v31  }
0x118: {  	v22 =	vsub.f32 v22, v32;
	_ =	sdelay $0x1  }
0x119: {  	v22 =	vmul.f32 $8.000000110e-01, v22;
	_ =	sdelay $0x1  }
0x11a: {  	v21 =	vor.u32 v21, v18;
	v22 =	vadd.f32 v22, v32  }
0x11b: {  	vm5 =	veq.s32 v21, $0x0  }
0x11c: {  	vm6 =	vmor vm4, vm3;
	v15 =	vsel vm5, v22, v15  }
0x11d: {  	vm3 =	vmand vm4, vm3;
	v13 =	vsel vm6, v13, v22;
	vm5 =	vne.s32 v18, $0x0;
	[tilespmem:s10+$0x9010] =	vst v15  }
0x11e: {  	[tilespmem:s10+$0x9090] =	vst v13;
	v13 =	vsel vm3, v22, v19;
	vm3 =	vmand vm4, vm5;
	v15 =	vld [tilespmem:s10+$0x9020]  }
0x11f: {  	v19 =	vld [tilespmem:s10+$0xF020];
	[tilespmem:s10+$0xF010] =	vst v13;
	v13 =	vsel vm3, v22, v20  }
0x120: {  	v20 =	vld [tilespmem:s10+$0xF0A0];
	[tilespmem:s10+$0xF090] =	vst v13  }
0x121: {  	v18 =	vld.idx.msk [tilespmem:v0+s12+$0x3020 ss:$0x1], $0xffff  }
0x122: {  	v13 =	vld [tilespmem:s10+$0x90A0];
	_ =	sdelay $0x1  }
0x123: {  	s18 =	sor.u32 $0x20, s13  }
0x124: {  	v33 =	vld [tilespmem:s18+$0x0]  }
0x125: {  	v34 =	vld.idx.msk [tilespmem:v0+s12+$0x6020 ss:$0x1], $0xffff;
	vm3 =	veq.s32 v18, $0x0  }
0x126: {  	v35 =	vsel vm3, v15, v19;
	v36 =	vsel vm3, v13, v20  }
0x127: {  	v23 =	vmax.f32 v35, v36  }
0x128: {  	v23 =	vmul.f32 $8.000000110e-01, v23  }
0x129: {  	vm4 =	vne.s32 v33, $0x0  }
0x12a: {  	v37 =	vsel vm3, v15, v13;
	v38 =	vsel vm3, v19, v20;
	v22 =	vadd.f32 v23, v34  }
0x12b: {  	v39 =	vsel vm4, v38, v37  }
0x12c: {  	v22 =	vsub.f32 v22, v39;
	_ =	sdelay $0x1  }
0x12d: {  	v22 =	vmul.f32 $8.000000110e-01, v22;
	_ =	sdelay $0x1  }
0x12e: {  	v21 =	vor.u32 v33, v18;
	v22 =	vadd.f32 v22, v39  }
0x12f: {  	vm5 =	veq.s32 v21, $0x0  }
0x130: {  	v15 =	vsel vm5, v22, v15;
	vm5 =	vmor vm4, vm3  }
0x131: {  	vm3 =	vmand vm4, vm3;
	[tilespmem:s10+$0x9020] =	vst v15;
	v13 =	vsel vm5, v13, v22;
	vm5 =	vne.s32 v18, $0x0  }
0x132: {  	v15 =	vld [tilespmem:s10+$0x9030];
	[tilespmem:s10+$0x90A0] =	vst v13;
	v13 =	vsel vm3, v22, v19;
	vm3 =	vmand vm4, vm5  }
0x133: {  	v19 =	vld [tilespmem:s10+$0xF030];
	[tilespmem:s10+$0xF020] =	vst v13;
	v13 =	vsel vm3, v22, v20  }
0x134: {  	v20 =	vld [tilespmem:s10+$0xF0B0];
	[tilespmem:s10+$0xF0A0] =	vst v13  }
0x135: {  	v18 =	vld.idx.msk [tilespmem:v0+s12+$0x3030 ss:$0x1], $0xffff  }
0x136: {  	v13 =	vld [tilespmem:s10+$0x90B0];
	_ =	sdelay $0x1  }
0x137: {  	v17 =	vmul.f32 $8.000000110e-01, v17;
	s19 =	sor.u32 $0x30, s13  }
0x138: {  	vm4 =	vne.s32 v12, $0x0;
	v40 =	vld [tilespmem:s19+$0x0]  }
0x139: {  	v12 =	vor.u32 v14, v12;
	v14 =	vadd.f32 v17, v16;
	v16 =	vld.idx.msk [tilespmem:v0+s12+$0x6030 ss:$0x1], $0xffff;
	vm3 =	veq.s32 v18, $0x0  }
0x13a: {  	vm5 =	veq.s32 v12, $0x0;
	v12 =	vsel vm3, v15, v19;
	v17 =	vsel vm3, v13, v20  }
0x13b: {  	v8 =	vsel vm5, v14, v8;
	vm5 =	vmor vm2, vm1;
	v12 =	vmax.f32 v12, v17  }
0x13c: {  	vm1 =	vmand vm2, vm1;
	[tilespmem:s28+$0x9030] =	vst v8;
	v8 =	vsel vm5, v10, v14;
	v10 =	vmul.f32 $8.000000110e-01, v12  }
0x13d: {  	[tilespmem:s28+$0x90B0] =	vst v8;
	v8 =	vsel vm1, v14, v11;
	vm1 =	vmand vm2, vm4;
	vm2 =	vne.s32 v40, $0x0  }
0x13e: {  	v17 =	vsel vm3, v19, v20;
	v12 =	vsel vm3, v15, v13;
	v10 =	vadd.f32 v10, v16  }
0x13f: {  	v11 =	vld [tilespmem:s28+$0x9040];
	[tilespmem:s28+$0xF030] =	vst v8;
	v8 =	vsel vm1, v14, v9;
	v9 =	vsel vm2, v17, v12  }
0x140: {  	v14 =	vld [tilespmem:s28+$0xF040];
	[tilespmem:s28+$0xF0B0] =	vst v8;
	v8 =	vsub.f32 v10, v9  }
0x141: {  	v12 =	vld.idx.msk [tilespmem:v0+s30+$0x3040 ss:$0x1], $0xffff  }
0x142: {  	v16 =	vld [tilespmem:s28+$0xF0C0];
	v8 =	vmul.f32 $8.000000110e-01, v8  }
0x143: {  	v10 =	vld [tilespmem:s28+$0x90C0]  }
0x144: {  	v17 =	vor.u32 v40, v18;
	v8 =	vadd.f32 v8, v9  }
0x145: {  	s7 =	sor.u32 $0x40, s9;
	vm1 =	veq.s32 v17, $0x0  }
0x146: {  	vm4 =	vmor vm2, vm3;
	v9 =	vsel vm1, v8, v15;
	v15 =	vld [tilespmem:s7+$0x0]  }
0x147: {  	vm1 =	veq.s32 v12, $0x0;
	[tilespmem:s10+$0x9030] =	vst v9;
	v9 =	vsel vm4, v13, v8;
	v13 =	vld.idx.msk [tilespmem:v0+s30+$0x6040 ss:$0x1], $0xffff  }
0x148: {  	v17 =	vsel vm1, v11, v14;
	[tilespmem:s10+$0x90B0] =	vst v9;
	v9 =	vsel vm1, v10, v16  }
0x149: {  	vm3 =	vmand vm2, vm3;
	vm4 =	vne.s32 v18, $0x0;
	v9 =	vmax.f32 v17, v9  }
0x14a: {  	v18 =	vsel vm3, v8, v19;
	v19 =	vld [tilespmem:s10+$0x9040];
	vm2 =	vmand vm2, vm4;
	v9 =	vmul.f32 $8.000000110e-01, v9  }
0x14b: {  	[tilespmem:s10+$0xF030] =	vst v18;
	v18 =	vsel vm1, v14, v16;
	v8 =	vsel vm2, v8, v20;
	v20 =	vld [tilespmem:s10+$0xF0C0]  }
0x14c: {  	v17 =	vsel vm1, v11, v10;
	[tilespmem:s10+$0xF0B0] =	vst v8;
	v8 =	vld [tilespmem:s10+$0x90C0];
	vm3 =	vne.s32 v15, $0x0;
	v9 =	vadd.f32 v9, v13  }
0x14d: {  	v13 =	vld.idx.msk [tilespmem:v0+s12+$0x3040 ss:$0x1], $0xffff;
	v17 =	vsel vm3, v18, v17  }
0x14e: {  	v18 =	vld [tilespmem:s10+$0xF040];
	v9 =	vsub.f32 v9, v17;
	_ =	sdelay $0x1  }
0x14f: {  	s11 =	sor.u32 $0x40, s13;
	v9 =	vmul.f32 $8.000000110e-01, v9  }
0x150: {  	v41 =	vld [tilespmem:s11+$0x0]  }
0x151: {  	vm2 =	veq.s32 v13, $0x0;
	v9 =	vadd.f32 v9, v17;
	v17 =	vld.idx.msk [tilespmem:v0+s12+$0x6040 ss:$0x1], $0xffff  }
0x152: {  	v15 =	vor.u32 v15, v12;
	v42 =	vsel vm2, v19, v18;
	v43 =	vsel vm2, v8, v20  }
0x153: {  	vm4 =	veq.s32 v15, $0x0;
	v15 =	vmax.f32 v42, v43  }
0x154: {  	vm13 =	vne.s32 v12, $0x0;
	v15 =	vmul.f32 $8.000000110e-01, v15  }
0x155: {  	vm5 =	vmor vm3, vm1;
	v12 =	vsel vm2, v18, v20;
	v11 =	vsel vm4, v9, v11  }
0x156: {  	vm4 =	vne.s32 v41, $0x0;
	[tilespmem:s28+$0x9040] =	vst v11;
	v11 =	vsel vm2, v19, v8;
	v15 =	vadd.f32 v15, v17  }
0x157: {  	vm1 =	vmand vm3, vm1;
	v10 =	vsel vm5, v10, v9;
	v11 =	vsel vm4, v12, v11  }
0x158: {  	[tilespmem:s28+$0x90C0] =	vst v10;
	v10 =	vsel vm1, v9, v14;
	vm1 =	vmand vm3, vm13;
	v12 =	vsub.f32 v15, v11  }
0x159: {  	v14 =	vld [tilespmem:s28+$0xF050];
	[tilespmem:s28+$0xF040] =	vst v10;
	v9 =	vsel vm1, v9, v16  }
0x15a: {  	v10 =	vld [tilespmem:s28+$0x90D0];
	[tilespmem:s28+$0xF0C0] =	vst v9;
	v9 =	vmul.f32 $8.000000110e-01, v12  }
0x15b: {  	v17 =	vld [tilespmem:s28+$0x9050]  }
0x15c: {  	v12 =	vld.idx.msk [tilespmem:v0+s30+$0x3050 ss:$0x1], $0xffff;
	v9 =	vadd.f32 v9, v11;
	v11 =	vor.u32 v41, v13  }
0x15d: {  	vm1 =	veq.s32 v11, $0x0;
	v11 =	vld [tilespmem:s28+$0xF0D0];
	_ =	sdelay $0x1  }
0x15e: {  	v15 =	vsel vm1, v9, v19;
	vm1 =	vmor vm4, vm2  }
0x15f: {  	s15 =	sor.u32 $0x50, s9;
	vm3 =	vne.s32 v13, $0x0;
	v16 =	vld.idx.msk [tilespmem:v0+s30+$0x6050 ss:$0x1], $0xffff;
	[tilespmem:s10+$0x9040] =	vst v15;
	v8 =	vsel vm1, v8, v9;
	vm1 =	vmand vm4, vm2  }
0x160: {  	v15 =	vld [tilespmem:s15+$0x0];
	vm2 =	vmand vm4, vm3;
	[tilespmem:s10+$0x90C0] =	vst v8;
	v8 =	vsel vm1, v9, v18;
	vm1 =	veq.s32 v12, $0x0  }
0x161: {  	v13 =	vld [tilespmem:s10+$0x9050];
	[tilespmem:s10+$0xF040] =	vst v8;
	v8 =	vsel vm2, v9, v20;
	v9 =	vsel vm1, v17, v14;
	v18 =	vsel vm1, v10, v11  }
0x162: {  	v19 =	vld [tilespmem:s10+$0xF050];
	[tilespmem:s10+$0xF0C0] =	vst v8;
	v8 =	vmax.f32 v9, v18  }
0x163: {  	v9 =	vld [tilespmem:s10+$0x90D0];
	v8 =	vmul.f32 $8.000000110e-01, v8  }
0x164: {  	v20 =	vsel vm1, v17, v10;
	v18 =	vld.idx.msk [tilespmem:v0+s12+$0x3050 ss:$0x1], $0xffff  }
0x165: {  	v44 =	vsel vm1, v14, v11;
	vm4 =	vne.s32 v15, $0x0;
	v8 =	vadd.f32 v8, v16;
	v16 =	vld [tilespmem:s10+$0xF0D0]  }
0x166: {  	v20 =	vsel vm4, v44, v20  }
0x167: {  	s16 =	sor.u32 $0x50, s13;
	v8 =	vsub.f32 v8, v20  }
0x168: {  	v45 =	vld [tilespmem:s16+$0x0]  }
0x169: {  	v46 =	vld.idx.msk [tilespmem:v0+s12+$0x6050 ss:$0x1], $0xffff;
	vm2 =	veq.s32 v18, $0x0;
	v8 =	vmul.f32 $8.000000110e-01, v8  }
0x16a: {  	v47 =	vsel vm2, v13, v19;
	v48 =	vsel vm2, v9, v16  }
0x16b: {  	v15 =	vor.u32 v15, v12;
	v8 =	vadd.f32 v8, v20;
	v20 =	vmax.f32 v47, v48  }
0x16c: {  	vm14 =	vne.s32 v12, $0x0;
	vm3 =	veq.s32 v15, $0x0;
	v15 =	vmul.f32 $8.000000110e-01, v20  }
0x16d: {  	vm5 =	vmor vm4, vm1;
	v49 =	vsel vm2, v19, v16;
	v20 =	vsel vm2, v13, v9  }
0x16e: {  	v17 =	vsel vm3, v8, v17;
	vm3 =	vne.s32 v45, $0x0;
	v15 =	vadd.f32 v15, v46  }
0x16f: {  	vm1 =	vmand vm4, vm1;
	v10 =	vsel vm5, v10, v8;
	[tilespmem:s28+$0x9050] =	vst v17;
	v12 =	vsel vm3, v49, v20  }
0x170: {  	[tilespmem:s28+$0x90D0] =	vst v10;
	v10 =	vsel vm1, v8, v14;
	vm1 =	vmand vm4, vm14;
	v15 =	vsub.f32 v15, v12  }
0x171: {  	v14 =	vsel vm0, v4, v2;
	[tilespmem:s28+$0xF050] =	vst v10;
	v8 =	vsel vm1, v8, v11;
	v11 =	vsel vm0, v1, v3  }
0x172: {  	v17 =	vld [tilespmem:s28+$0x9060];
	[tilespmem:s28+$0xF0D0] =	vst v8;
	v8 =	vmax.f32 v11, v14;
	v10 =	vmul.f32 $8.000000110e-01, v15  }
0x173: {  	vm5 =	vne.s32 v18, $0x0;
	v11 =	vld [tilespmem:s28+$0x90E0];
	v8 =	vmul.f32 $8.000000110e-01, v8  }
0x174: {  	v20 =	vsel vm0, v3, v2;
	v14 =	vld.idx.msk [tilespmem:v0+s30+$0x3060 ss:$0x1], $0xffff;
	v10 =	vadd.f32 v10, v12;
	v12 =	vor.u32 v45, v18  }
0x175: {  	vm1 =	vne.s32 v6, $0x0;
	v15 =	vld [tilespmem:s28+$0xF060];
	v7 =	vadd.f32 v8, v7;
	vm4 =	veq.s32 v12, $0x0  }
0x176: {  	s17 =	sor.u32 $0x60, s9;
	v8 =	vld [tilespmem:s28+$0xF0E0];
	v12 =	vsel vm0, v1, v4;
	v13 =	vsel vm4, v10, v13;
	vm4 =	vmor vm3, vm2  }
0x177: {  	v18 =	vld [tilespmem:s17+$0x0];
	vm2 =	vmand vm3, vm2;
	v12 =	vsel vm1, v20, v12;
	[tilespmem:s10+$0x9050] =	vst v13;
	v9 =	vsel vm4, v9, v10  }
0x178: {  	v13 =	vld [tilespmem:s10+$0x9060];
	v7 =	vsub.f32 v7, v12;
	[tilespmem:s10+$0x90D0] =	vst v9;
	v9 =	vsel vm2, v10, v19;
	vm2 =	vmand vm3, vm5  }
0x179: {  	[tilespmem:s10+$0xF050] =	vst v9;
	v9 =	vsel vm2, v10, v16;
	v10 =	vld.idx.msk [tilespmem:v0+s30+$0x6060 ss:$0x1], $0xffff  }
0x17a: {  	v7 =	vmul.f32 $8.000000110e-01, v7;
	vm2 =	veq.s32 v14, $0x0;
	[tilespmem:s10+$0xF0D0] =	vst v9;
	v9 =	vld [tilespmem:s10+$0x90E0]  }
0x17b: {  	v16 =	vsel vm2, v17, v15;
	v19 =	vsel vm2, v11, v8;
	v20 =	vld.idx.msk [tilespmem:v0+s12+$0x3060 ss:$0x1], $0xffff  }
0x17c: {  	v6 =	vor.u32 v6, v5;
	v7 =	vadd.f32 v7, v12;
	v12 =	vmax.f32 v16, v19;
	v16 =	vld [tilespmem:s10+$0xF060]  }
0x17d: {  	vm4 =	vmor vm1, vm0;
	vm3 =	veq.s32 v6, $0x0;
	v6 =	vmul.f32 $8.000000110e-01, v12;
	v12 =	vld [tilespmem:s10+$0xF0E0]  }
0x17e: {  	vm5 =	vne.s32 v5, $0x0;
	v50 =	vsel vm2, v15, v8;
	v19 =	vsel vm2, v17, v11  }
0x17f: {  	s18 =	sor.u32 $0x60, s13;
	v1 =	vsel vm3, v7, v1;
	vm3 =	vne.s32 v18, $0x0;
	v6 =	vadd.f32 v6, v10  }
0x180: {  	v4 =	vsel vm4, v4, v7;
	vm4 =	vmand vm1, vm0;
	v5 =	vsel vm3, v50, v19;
	v10 =	vld [tilespmem:s18+$0x0]  }
0x181: {  	vm1 =	vmand vm1, vm5;
	[tilespmem:s25+$0x9060] =	vst v1;
	v1 =	vsub.f32 v6, v5;
	v6 =	vld.idx.msk [tilespmem:v0+s12+$0x6060 ss:$0x1], $0xffff;
	vm0 =	veq.s32 v20, $0x0  }
0x182: {  	vm5 =	vne.s32 v14, $0x0;
	v51 =	vsel vm0, v13, v16;
	v52 =	vsel vm0, v9, v12  }
0x183: {  	v3 =	vsel vm4, v7, v3;
	[tilespmem:s25+$0x90E0] =	vst v4;
	v2 =	vsel vm1, v7, v2;
	v4 =	vmax.f32 v51, v52  }
0x184: {  	v19 =	vld [tilespmem:s25+$0x9070];
	[tilespmem:s25+$0xF060] =	vst v3;
	v3 =	vor.u32 v18, v14;
	v1 =	vmul.f32 $8.000000110e-01, v1;
	v4 =	vmul.f32 $8.000000110e-01, v4  }
0x185: {  	[tilespmem:s25+$0xF0E0] =	vst v2;
	v2 =	vld [tilespmem:s25+$0x90F0];
	vm4 =	veq.s32 v3, $0x0;
	v3 =	vsel vm0, v13, v9;
	vm1 =	vne.s32 v10, $0x0  }
0x186: {  	v14 =	vld [tilespmem:s25+$0xF0F0];
	v1 =	vadd.f32 v1, v5;
	v5 =	vsel vm0, v16, v12;
	v4 =	vadd.f32 v4, v6  }
0x187: {  	v6 =	vld.idx.msk [tilespmem:v0+s26+$0x3070 ss:$0x1], $0xffff;
	v3 =	vsel vm1, v5, v3  }
0x188: {  	v5 =	vld [tilespmem:s25+$0xF070];
	v7 =	vsel vm4, v1, v17;
	vm4 =	vmor vm3, vm2;
	v4 =	vsub.f32 v4, v3  }
0x189: {  	s19 =	sor.u32 $0x70, s29;
	vm2 =	vmand vm3, vm2;
	[tilespmem:s28+$0x9060] =	vst v7;
	v7 =	vsel vm4, v11, v1;
	v11 =	vld [tilespmem:s28+$0x9070]  }
0x18a: {  	[tilespmem:s28+$0x90E0] =	vst v7;
	v7 =	vsel vm2, v1, v15;
	vm2 =	vmand vm3, vm5;
	v15 =	vld [tilespmem:s19+$0x0];
	v4 =	vmul.f32 $8.000000110e-01, v4  }
0x18b: {  	[tilespmem:s28+$0xF060] =	vst v7;
	v1 =	vsel vm2, v1, v8;
	v7 =	vld.idx.msk [tilespmem:v0+s26+$0x6070 ss:$0x1], $0xffff  }
0x18c: {  	[tilespmem:s28+$0xF0E0] =	vst v1;
	v1 =	vadd.f32 v4, v3;
	v3 =	vor.u32 v10, v20;
	v4 =	vld [tilespmem:s28+$0x90F0]  }
0x18d: {  	s7 =	sor.u32 $0x70, s9;
	v10 =	vld [tilespmem:s28+$0xF070];
	vm2 =	veq.s32 v3, $0x0  }
0x18e: {  	v18 =	vld [tilespmem:s7+$0x0];
	v8 =	vsel vm2, v1, v13;
	vm2 =	vmor vm1, vm0  }
0x18f: {  	v3 =	vld.idx.msk [tilespmem:v0+s30+$0x3070 ss:$0x1], $0xffff;
	vm0 =	vmand vm1, vm0;
	[tilespmem:s10+$0x9060] =	vst v8;
	v8 =	vsel vm2, v9, v1  }
0x190: {  	vm3 =	vne.s32 v20, $0x0;
	v13 =	vld [tilespmem:s28+$0xF0F0];
	vm2 =	veq.s32 v6, $0x0;
	[tilespmem:s10+$0x90E0] =	vst v8;
	v8 =	vsel vm0, v1, v16  }
0x191: {  	v9 =	vld [tilespmem:s10+$0x9070];
	vm0 =	vmand vm1, vm3;
	v16 =	vsel vm2, v19, v5;
	v17 =	vsel vm2, v2, v14  }
0x192: {  	vm4 =	vne.s32 v15, $0x0;
	[tilespmem:s10+$0xF060] =	vst v8;
	v1 =	vsel vm0, v1, v12;
	v8 =	vmax.f32 v16, v17;
	v12 =	vld.idx.msk [tilespmem:v0+s30+$0x6070 ss:$0x1], $0xffff  }
0x193: {  	v20 =	vsel vm2, v5, v14;
	v17 =	vsel vm2, v19, v2;
	[tilespmem:s10+$0xF0E0] =	vst v1;
	v1 =	vmul.f32 $8.000000110e-01, v8;
	v8 =	vld [tilespmem:s10+$0x90F0]  }
0x194: {  	v17 =	vsel vm4, v20, v17;
	v20 =	vld [tilespmem:s10+$0xF0F0]  }
0x195: {  	v15 =	vor.u32 v15, v6;
	vm1 =	veq.s32 v3, $0x0;
	v16 =	vld.idx.msk [tilespmem:v0+s12+$0x3070 ss:$0x1], $0xffff  }
0x196: {  	v53 =	vsel vm1, v11, v10;
	v54 =	vsel vm1, v4, v13;
	v1 =	vadd.f32 v1, v7;
	v7 =	vld [tilespmem:s10+$0xF070]  }
0x197: {  	vm7 =	vne.s32 v6, $0x0;
	vm5 =	veq.s32 v15, $0x0;
	v15 =	vmax.f32 v53, v54  }
0x198: {  	s11 =	sor.u32 $0x70, s13;
	vm15 =	vmor vm4, vm2;
	v15 =	vmul.f32 $8.000000110e-01, v15;
	v1 =	vsub.f32 v1, v17  }
0x199: {  	vm8 =	vmand vm4, vm2;
	vm3 =	vne.s32 v18, $0x0;
	v55 =	vsel vm1, v11, v4;
	v57 =	vld [tilespmem:s11+$0x0]  }
0x19a: {  	v12 =	vadd.f32 v15, v12;
	v15 =	vld.idx.msk [tilespmem:v0+s12+$0x6070 ss:$0x1], $0xffff;
	v1 =	vmul.f32 $8.000000110e-01, v1;
	vm0 =	veq.s32 v16, $0x0  }
0x19b: {  	v56 =	vsel vm1, v10, v13;
	v58 =	vsel vm0, v9, v7;
	v59 =	vsel vm0, v8, v20  }
0x19c: {  	v1 =	vadd.f32 v1, v17;
	v17 =	vsel vm3, v56, v55;
	v60 =	vmax.f32 v58, v59  }
0x19d: {  	vm2 =	vmand vm4, vm7;
	v6 =	vsub.f32 v12, v17;
	v12 =	vmul.f32 $8.000000110e-01, v60  }
0x19e: {  	v61 =	vsel vm0, v9, v8;
	v14 =	vsel vm2, v1, v14;
	vm2 =	vne.s32 v57, $0x0  }
0x19f: {  	v6 =	vmul.f32 $8.000000110e-01, v6;
	v12 =	vadd.f32 v12, v15;
	v15 =	vsel vm0, v7, v20  }
0x1a0: {  	vm4 =	vne.s32 v3, $0x0;
	v2 =	vsel vm15, v2, v1;
	[tilespmem:s25+$0xF0F0] =	vst v14;
	v15 =	vsel vm2, v15, v61  }
0x1a1: {  	v14 =	vsel vm5, v1, v19;
	[tilespmem:s25+$0x90F0] =	vst v2;
	v6 =	vadd.f32 v6, v17;
	v12 =	vsub.f32 v12, v15  }
0x1a2: {  	vm4 =	vmand vm3, vm4;
	v1 =	vsel vm8, v1, v5;
	v2 =	vor.u32 v18, v3;
	[tilespmem:s25+$0x9070] =	vst v14  }
0x1a3: {  	[tilespmem:s25+$0xF070] =	vst v1;
	vm5 =	veq.s32 v2, $0x0;
	v1 =	vsel vm4, v6, v13;
	v2 =	vmul.f32 $8.000000110e-01, v12  }
0x1a4: {  	vm4 =	vmor vm3, vm1;
	vm1 =	vmand vm3, vm1;
	v3 =	vsel vm5, v6, v11;
	[tilespmem:s28+$0xF0F0] =	vst v1  }
0x1a5: {  	vm3 =	vne.s32 v16, $0x0;
	v1 =	vsel vm4, v4, v6;
	[tilespmem:s28+$0x9070] =	vst v3;
	v2 =	vadd.f32 v2, v15  }
0x1a6: {  	v3 =	vsel vm1, v6, v10;
	vm1 =	vmand vm2, vm3;
	[tilespmem:s28+$0x90F0] =	vst v1;
	v1 =	vor.u32 v57, v16  }
0x1a7: {  	p0 =	sgt.u32 s20, $0x1D;
	s9 =	sadd.s32 $0x2, s20;
	[tilespmem:s28+$0xF070] =	vst v3;
	vm3 =	veq.s32 v1, $0x0;
	v1 =	vsel vm1, v2, v20  }
0x1a8: {  	s12 =	smul.u32 @!p0 $0xAB, s9;
	vm1 =	vmor vm2, vm0;
	v3 =	vsel vm3, v2, v9;
	[tilespmem:s10+$0xF0F0] =	vst v1  }
0x1a9: {  	p1 =	seq.s32 @!p0 s20, $0x0;
	vm0 =	vmand vm2, vm0;
	v1 =	vsel vm1, v8, v2;
	[tilespmem:s10+$0x9070] =	vst v3  }
0x1aa: {  	p1 =	por p1, p0;
	s12 =	sshrl.u32 @!p0 s12, $0x9;
	v2 =	vsel vm0, v2, v7;
	[tilespmem:s10+$0x90F0] =	vst v1  }
0x1ab: {  	[tilespmem:s10+$0xF070] =	vst v2;
	s10 =	sand.u32 @!p0 $0x7F, s12;
	s12 =	simm.s32 @!p1 $0x2  }
0x1ac: {  	_ =	swait.ge @!p1 [sflag:s12], $0x2000  }
0x1ad: {  	s13 =	sshrl.u32 @!p0 s9, $0x2;
	s10 =	smul.u32 @!p0 $0x3, s10;
	[sflag:s12] =	ssyncset.done @!p1 $0x0  }
0x1ae: {  	s13 =	sadd.s32 @!p0 s8, s13;
	[sflag:s12] =	ssyncadd.s32 @!p1 $0xFFFFE000  }
0x1af: {  	s10 =	ssub.s32 @!p0 s9, s10;
	s9 =	sand.u32 @!p0 $0x3, s9;
	_ =	swait.ge @!p1 [sflag:s12], $0x2000  }
0x1b0: {  	s14 =	sshll.u32 @!p0 s13, $0xB;
	s15 =	sshll.u32 @!p0 s9, $0x9;
	[sflag:s12] =	ssyncset.done @!p1 $0x0  }
0x1b1: {  	s10 =	sand.u32 @!p0 $0xFF, s10;
	[sflag:s12] =	ssyncadd.s32 @!p1 $0xFFFFE000;
	s12 =	sor.u32 @!p0 s15, s14  }
0x1b2: {  	s16 =	simm.s32 @!p0 $0x0;
	s14 =	sshll.u32 @!p0 s10, $0xC;
	s15 =	sadd.s32 @!p0 s1, s12  }
0x1b3: {  	[tilespmem:s14], [sflag:$0x1] =	stream.linear.gather @!p0 [hbm4b:s15+s16], $0x1000, $0x38;
	[tilespmem:$0x15000] =	vst v63  }
0x1b4: {  	s17 =	sadd.s32 @!p0 s2, s12;
	s15 =	sadd.s32 @!p0 $0x3000, s14  }
0x1b5: {  	[tilespmem:s15], [sflag:$0x1] =	stream.linear.gather @!p0 [hbm4b:s17+s16], $0x1000, $0x38;
	[tilespmem:$0x15000] =	vst v63  }
0x1b6: {  	s12 =	sadd.s32 @!p0 s3, s12;
	s14 =	sadd.s32 @!p0 $0x6000, s14  }
0x1b7: {  	[tilespmem:s14], [sflag:$0x1] =	stream.linear.gather @!p0 [hbm4b:s12+s16], $0x1000, $0x38;
	[tilespmem:$0x15000] =	vst v63  }
0x1b8: {  	s9 =	sshll.u32 @!p0 s9, $0xA;
	s12 =	sshll.u32 @!p0 s13, $0xF  }
0x1b9: {  	s9 =	sor.u32 @!p0 s9, s12  }
0x1ba: {  	s10 =	sshll.u32 @!p0 s10, $0xD;
	s13 =	simm.s32 @!p0 $0x400;
	s9 =	sshrl.u32 @!p0 s9, $0x3  }
0x1bb: {  	s14 =	simm.s32 @!p0 $0x1000;
	s12 =	sadd.s32 @!p0 $0x9000, s10;
	s9 =	sadd.s32 @!p0 s5, s9  }
0x1bc: {  	[tilespmem:s12], [sflag:$0x1] =	stream.strided.gather @!p0 [hbm4b:s9+s13], $0x2000, s14, s13, $0x38;
	[tilespmem:$0x15000] =	vst v63  }
0x1bd: {  	s10 =	sadd.s32 @!p0 $0xF000, s10;
	s9 =	sadd.s32 @!p0 $0x100000, s9  }
0x1be: {  	[tilespmem:s10], [sflag:$0x1] =	stream.strided.gather @!p0 [hbm4b:s9+s13], $0x2000, s14, s13, $0x38;
	[tilespmem:$0x15000] =	vst v63  }
0x1bf: {  	s12 =	simm.s32 $0x0;
	s13 =	simm.s32 $0x0  }
0x1c0: {  	s9 =	sand.u32 $0x3, s12;
	s10 =	sor.u32 $0x4, s13  }
0x1c1: {  	s14 =	sshll.u32 s9, $0xA;
	s15 =	sshll.u32 s10, $0x7;
	s10 =	sshll.u32 s10, $0xA  }
0x1c2: {  	s9 =	sshll.u32 s9, $0x8;
	s26 =	sadd.s32 s14, s15;
	s10 =	sadd.s32 s24, s10  }
0x1c3: {  	v1 =	vld.idx.msk [tilespmem:v0+s26+$0x3000 ss:$0x1], $0xffff;
	s25 =	sor.u32 s9, s10  }
0x1c4: {  	v2 =	vld [tilespmem:s25+$0x9000]  }
0x1c5: {  	v3 =	vld [tilespmem:s25+$0x9080]  }
0x1c6: {  	v4 =	vld [tilespmem:s25+$0xF000]  }
0x1c7: {  	v5 =	vld [tilespmem:s25+$0xF080];
	_ =	sdelay $0x2  }
0x1c8: {  	v6 =	vld.idx.msk [tilespmem:v0+s26+$0x0 ss:$0x1], $0xffff  }
0x1c9: {  	v7 =	vld.idx.msk [tilespmem:v0+s26+$0x6000 ss:$0x1], $0xffff;
	vm0 =	veq.s32 v1, $0x0  }
0x1ca: {  	v8 =	vsel vm0, v2, v4;
	v9 =	vsel vm0, v3, v5  }
0x1cb: {  	v8 =	vmax.f32 v8, v9  }
0x1cc: {  	v8 =	vmul.f32 $8.000000110e-01, v8  }
0x1cd: {  	vm1 =	vne.s32 v6, $0x0  }
0x1ce: {  	v10 =	vsel vm0, v4, v5;
	v9 =	vsel vm0, v2, v3;
	v7 =	vadd.f32 v8, v7  }
0x1cf: {  	v8 =	vsel vm1, v10, v9  }
0x1d0: {  	v7 =	vsub.f32 v7, v8;
	_ =	sdelay $0x1  }
0x1d1: {  	v7 =	vmul.f32 $8.000000110e-01, v7;
	_ =	sdelay $0x1  }
0x1d2: {  	v6 =	vor.u32 v6, v1;
	v7 =	vadd.f32 v7, v8  }
0x1d3: {  	vm2 =	veq.s32 v6, $0x0  }
0x1d4: {  	vm3 =	vmor vm1, vm0;
	vm0 =	vmand vm1, vm0;
	v2 =	vsel vm2, v7, v2  }
0x1d5: {  	vm2 =	vne.s32 v1, $0x0;
	v1 =	vsel vm0, v7, v4;
	[tilespmem:s25+$0x9000] =	vst v2  }
0x1d6: {  	v4 =	vld [tilespmem:s25+$0xF010];
	v2 =	vsel vm3, v3, v7;
	vm0 =	vmand vm1, vm2;
	[tilespmem:s25+$0xF000] =	vst v1  }
0x1d7: {  	[tilespmem:s25+$0x9080] =	vst v2;
	v1 =	vsel vm0, v7, v5;
	v2 =	vld [tilespmem:s25+$0x9010]  }
0x1d8: {  	v5 =	vld [tilespmem:s25+$0xF090];
	[tilespmem:s25+$0xF080] =	vst v1  }
0x1d9: {  	v3 =	vld.idx.msk [tilespmem:v0+s26+$0x3010 ss:$0x1], $0xffff  }
0x1da: {  	v1 =	vld [tilespmem:s25+$0x9090]  }
0x1db: {  	s29 =	sadd.s32 s21, s26  }
0x1dc: {  	s16 =	sor.u32 $0x10, s29  }
0x1dd: {  	v6 =	vld [tilespmem:s16+$0x0]  }
0x1de: {  	v7 =	vld.idx.msk [tilespmem:v0+s26+$0x6010 ss:$0x1], $0xffff;
	vm0 =	veq.s32 v3, $0x0  }
0x1df: {  	v8 =	vsel vm0, v2, v4;
	v9 =	vsel vm0, v1, v5  }
0x1e0: {  	v8 =	vmax.f32 v8, v9  }
0x1e1: {  	v8 =	vmul.f32 $8.000000110e-01, v8  }
0x1e2: {  	vm1 =	vne.s32 v6, $0x0  }
0x1e3: {  	v10 =	vsel vm0, v4, v5;
	v9 =	vsel vm0, v2, v1;
	v7 =	vadd.f32 v8, v7  }
0x1e4: {  	v8 =	vsel vm1, v10, v9  }
0x1e5: {  	v7 =	vsub.f32 v7, v8;
	_ =	sdelay $0x1  }
0x1e6: {  	v7 =	vmul.f32 $8.000000110e-01, v7;
	_ =	sdelay $0x1  }
0x1e7: {  	v6 =	vor.u32 v6, v3;
	v7 =	vadd.f32 v7, v8  }
0x1e8: {  	vm2 =	veq.s32 v6, $0x0  }
0x1e9: {  	vm3 =	vmor vm1, vm0;
	v2 =	vsel vm2, v7, v2  }
0x1ea: {  	vm0 =	vmand vm1, vm0;
	v1 =	vsel vm3, v1, v7;
	vm2 =	vne.s32 v3, $0x0;
	[tilespmem:s25+$0x9010] =	vst v2  }
0x1eb: {  	[tilespmem:s25+$0x9090] =	vst v1;
	v1 =	vsel vm0, v7, v4;
	vm0 =	vmand vm1, vm2;
	v2 =	vld [tilespmem:s25+$0x9020]  }
0x1ec: {  	v4 =	vld [tilespmem:s25+$0xF020];
	[tilespmem:s25+$0xF010] =	vst v1;
	v1 =	vsel vm0, v7, v5  }
0x1ed: {  	v5 =	vld [tilespmem:s25+$0xF0A0];
	[tilespmem:s25+$0xF090] =	vst v1  }
0x1ee: {  	v3 =	vld.idx.msk [tilespmem:v0+s26+$0x3020 ss:$0x1], $0xffff  }
0x1ef: {  	v1 =	vld [tilespmem:s25+$0x90A0];
	_ =	sdelay $0x1  }
0x1f0: {  	s17 =	sor.u32 $0x20, s29  }
0x1f1: {  	v6 =	vld [tilespmem:s17+$0x0]  }
0x1f2: {  	v7 =	vld.idx.msk [tilespmem:v0+s26+$0x6020 ss:$0x1], $0xffff;
	vm1 =	veq.s32 v3, $0x0  }
0x1f3: {  	v8 =	vsel vm1, v2, v4;
	v9 =	vsel vm1, v1, v5  }
0x1f4: {  	s19 =	simm.s32 $0x0;
	v8 =	vmax.f32 v8, v9  }
0x1f5: {  	s18 =	simm.s32 $0x1;
	s10 =	sor.u32 $0x4, s19;
	v8 =	vmul.f32 $8.000000110e-01, v8  }
0x1f6: {  	s9 =	sand.u32 $0x3, s18;
	s11 =	sshll.u32 s10, $0x7;
	s10 =	sshll.u32 s10, $0xA;
	vm0 =	vne.s32 v6, $0x0  }
0x1f7: {  	s7 =	sshll.u32 s9, $0xA;
	s9 =	sshll.u32 s9, $0x8;
	s10 =	sadd.s32 s24, s10;
	v10 =	vsel vm1, v4, v5;
	v9 =	vsel vm1, v2, v1;
	v7 =	vadd.f32 v8, v7  }
0x1f8: {  	s28 =	sor.u32 s9, s10;
	v8 =	vsel vm0, v10, v9  }
0x1f9: {  	v11 =	vld [tilespmem:s28+$0x9080];
	v6 =	vor.u32 v6, v3;
	v7 =	vsub.f32 v7, v8  }
0x1fa: {  	s30 =	sadd.s32 s7, s11;
	vm2 =	veq.s32 v6, $0x0;
	v6 =	vld [tilespmem:s28+$0xF080]  }
0x1fb: {  	v9 =	vld.idx.msk [tilespmem:v0+s30+$0x3000 ss:$0x1], $0xffff;
	v7 =	vmul.f32 $8.000000110e-01, v7  }
0x1fc: {  	v10 =	vld [tilespmem:s28+$0x9000]  }
0x1fd: {  	v7 =	vadd.f32 v7, v8;
	v8 =	vld [tilespmem:s28+$0xF000];
	_ =	sdelay $0x1  }
0x1fe: {  	v2 =	vsel vm2, v7, v2;
	vm2 =	vmor vm0, vm1  }
0x1ff: {  	vm1 =	vmand vm0, vm1;
	[tilespmem:s25+$0x9020] =	vst v2;
	v1 =	vsel vm2, v1, v7;
	v2 =	vld.idx.msk [tilespmem:v0+s30+$0x0 ss:$0x1], $0xffff;
	vm2 =	vne.s32 v3, $0x0  }
0x200: {  	v3 =	vld.idx.msk [tilespmem:v0+s30+$0x6000 ss:$0x1], $0xffff;
	[tilespmem:s25+$0x90A0] =	vst v1;
	v1 =	vsel vm1, v7, v4;
	vm0 =	vmand vm0, vm2;
	vm1 =	veq.s32 v9, $0x0  }
0x201: {  	v12 =	vld [tilespmem:s25+$0xF030];
	[tilespmem:s25+$0xF020] =	vst v1;
	v1 =	vsel vm0, v7, v5;
	v5 =	vsel vm1, v10, v8;
	v7 =	vsel vm1, v11, v6  }
0x202: {  	v4 =	vld [tilespmem:s25+$0x9030];
	[tilespmem:s25+$0xF0A0] =	vst v1;
	v1 =	vmax.f32 v5, v7  }
0x203: {  	v5 =	vld [tilespmem:s25+$0x90B0];
	v1 =	vmul.f32 $8.000000110e-01, v1  }
0x204: {  	v13 =	vsel vm1, v10, v11;
	v7 =	vld.idx.msk [tilespmem:v0+s26+$0x3030 ss:$0x1], $0xffff  }
0x205: {  	v14 =	vsel vm1, v8, v6;
	vm3 =	vne.s32 v2, $0x0;
	v1 =	vadd.f32 v1, v3;
	v3 =	vld [tilespmem:s25+$0xF0B0]  }
0x206: {  	v13 =	vsel vm3, v14, v13  }
0x207: {  	v1 =	vsub.f32 v1, v13  }
0x208: {  	s12 =	sor.u32 $0x30, s29;
	v15 =	vld.idx.msk [tilespmem:v0+s26+$0x6030 ss:$0x1], $0xffff  }
0x209: {  	v14 =	vld [tilespmem:s12+$0x0];
	vm0 =	veq.s32 v7, $0x0;
	v1 =	vmul.f32 $8.000000110e-01, v1  }
0x20a: {  	v16 =	vsel vm0, v4, v12;
	v17 =	vsel vm0, v5, v3  }
0x20b: {  	v2 =	vor.u32 v2, v9;
	v1 =	vadd.f32 v1, v13;
	v13 =	vmax.f32 v16, v17  }
0x20c: {  	vm2 =	veq.s32 v2, $0x0;
	v2 =	vmul.f32 $8.000000110e-01, v13  }
0x20d: {  	vm4 =	vmor vm3, vm1;
	v16 =	vsel vm0, v12, v3;
	v13 =	vsel vm0, v4, v5  }
0x20e: {  	v10 =	vsel vm2, v1, v10;
	vm2 =	vne.s32 v14, $0x0;
	v2 =	vadd.f32 v2, v15  }
0x20f: {  	[tilespmem:s28+$0x9000] =	vst v10;
	v10 =	vsel vm4, v11, v1;
	v11 =	vsel vm2, v16, v13  }
0x210: {  	vm1 =	vmand vm3, vm1;
	vm4 =	vne.s32 v9, $0x0;
	v2 =	vsub.f32 v2, v11  }
0x211: {  	v8 =	vsel vm1, v1, v8;
	[tilespmem:s28+$0x9080] =	vst v10;
	vm1 =	vmand vm3, vm4;
	v10 =	vld [tilespmem:s28+$0xF090]  }
0x212: {  	[tilespmem:s28+$0xF000] =	vst v8;
	v8 =	vor.u32 v14, v7;
	v1 =	vsel vm1, v1, v6;
	v6 =	vld [tilespmem:s28+$0x9010];
	v2 =	vmul.f32 $8.000000110e-01, v2  }
0x213: {  	vm1 =	veq.s32 v8, $0x0;
	v8 =	vld [tilespmem:s28+$0xF010];
	[tilespmem:s28+$0xF080] =	vst v1  }
0x214: {  	v9 =	vld.idx.msk [tilespmem:v0+s30+$0x3010 ss:$0x1], $0xffff;
	v2 =	vadd.f32 v2, v11  }
0x215: {  	v1 =	vld [tilespmem:s28+$0x9090]  }
0x216: {  	s9 =	sadd.s32 s21, s30;
	v13 =	vld [tilespmem:s25+$0xF0C0];
	v4 =	vsel vm1, v2, v4;
	vm1 =	vmor vm2, vm0  }
0x217: {  	s13 =	sor.u32 $0x10, s9;
	vm0 =	vmand vm2, vm0;
	[tilespmem:s25+$0x9030] =	vst v4;
	v4 =	vsel vm1, v5, v2;
	vm1 =	vne.s32 v7, $0x0;
	v5 =	vld [tilespmem:s25+$0x9040]  }
0x218: {  	v7 =	vld [tilespmem:s13+$0x0];
	[tilespmem:s25+$0x90B0] =	vst v4;
	v4 =	vsel vm0, v2, v12;
	vm0 =	vmand vm2, vm1  }
0x219: {  	vm2 =	veq.s32 v9, $0x0;
	[tilespmem:s25+$0xF030] =	vst v4;
	v2 =	vsel vm0, v2, v3;
	v3 =	vld.idx.msk [tilespmem:v0+s30+$0x6010 ss:$0x1], $0xffff  }
0x21a: {  	v4 =	vld [tilespmem:s25+$0x90C0];
	v11 =	vsel vm2, v1, v10;
	[tilespmem:s25+$0xF0B0] =	vst v2;
	v2 =	vsel vm2, v6, v8  }
0x21b: {  	v12 =	vld.idx.msk [tilespmem:v0+s26+$0x3040 ss:$0x1], $0xffff;
	v2 =	vmax.f32 v2, v11  }
0x21c: {  	v11 =	vld [tilespmem:s25+$0xF040];
	v2 =	vmul.f32 $8.000000110e-01, v2  }
0x21d: {  	v14 =	vsel vm2, v6, v1  }
0x21e: {  	s14 =	sor.u32 $0x40, s29;
	v15 =	vsel vm2, v8, v10;
	vm3 =	vne.s32 v7, $0x0;
	v2 =	vadd.f32 v2, v3  }
0x21f: {  	v3 =	vsel vm3, v15, v14;
	v14 =	vld [tilespmem:s14+$0x0]  }
0x220: {  	v15 =	vld.idx.msk [tilespmem:v0+s26+$0x6040 ss:$0x1], $0xffff;
	v2 =	vsub.f32 v2, v3;
	vm0 =	veq.s32 v12, $0x0  }
0x221: {  	v16 =	vsel vm0, v5, v11;
	v17 =	vsel vm0, v4, v13  }
0x222: {  	v7 =	vor.u32 v7, v9;
	v2 =	vmul.f32 $8.000000110e-01, v2;
	v16 =	vmax.f32 v16, v17  }
0x223: {  	vm4 =	veq.s32 v7, $0x0;
	v7 =	vmul.f32 $8.000000110e-01, v16  }
0x224: {  	vm5 =	vmor vm3, vm2;
	vm1 =	vne.s32 v14, $0x0;
	v2 =	vadd.f32 v2, v3  }
0x225: {  	v16 =	vsel vm0, v11, v13;
	v3 =	vsel vm0, v5, v4;
	v7 =	vadd.f32 v7, v15  }
0x226: {  	vm2 =	vmand vm3, vm2;
	v3 =	vsel vm1, v16, v3;
	v6 =	vsel vm4, v2, v6  }
0x227: {  	v1 =	vsel vm5, v1, v2;
	vm4 =	vne.s32 v9, $0x0;
	[tilespmem:s28+$0x9010] =	vst v6;
	v6 =	vsub.f32 v7, v3  }
0x228: {  	[tilespmem:s28+$0x9090] =	vst v1;
	v1 =	vsel vm2, v2, v8;
	vm2 =	vmand vm3, vm4;
	v8 =	vld [tilespmem:s28+$0xF0A0]  }
0x229: {  	[tilespmem:s28+$0xF010] =	vst v1;
	v2 =	vsel vm2, v2, v10;
	v1 =	vmul.f32 $8.000000110e-01, v6;
	v6 =	vld [tilespmem:s28+$0x9020]  }
0x22a: {  	[tilespmem:s28+$0xF090] =	vst v2;
	v2 =	vld [tilespmem:s28+$0x90A0]  }
0x22b: {  	v7 =	vld.idx.msk [tilespmem:v0+s30+$0x3020 ss:$0x1], $0xffff;
	v1 =	vadd.f32 v1, v3;
	v3 =	vor.u32 v14, v12  }
0x22c: {  	vm2 =	veq.s32 v3, $0x0;
	v3 =	vld [tilespmem:s28+$0xF020]  }
0x22d: {  	v17 =	vld [tilespmem:s25+$0xF0D0];
	v5 =	vsel vm2, v1, v5;
	vm2 =	vmor vm1, vm0  }
0x22e: {  	s15 =	sor.u32 $0x20, s9;
	v16 =	vld [tilespmem:s25+$0xF050];
	vm3 =	vne.s32 v12, $0x0;
	vm0 =	vmand vm1, vm0;
	[tilespmem:s25+$0x9040] =	vst v5;
	v4 =	vsel vm2, v4, v1  }
0x22f: {  	v9 =	vld [tilespmem:s15+$0x0];
	[tilespmem:s25+$0x90C0] =	vst v4;
	v4 =	vsel vm0, v1, v11;
	vm0 =	vmand vm1, vm3  }
0x230: {  	vm1 =	veq.s32 v7, $0x0;
	[tilespmem:s25+$0xF040] =	vst v4;
	v1 =	vsel vm0, v1, v13;
	v4 =	vld.idx.msk [tilespmem:v0+s30+$0x6020 ss:$0x1], $0xffff  }
0x231: {  	v5 =	vld [tilespmem:s25+$0x9050];
	v11 =	vsel vm1, v2, v8;
	[tilespmem:s25+$0xF0C0] =	vst v1;
	v10 =	vsel vm1, v6, v3  }
0x232: {  	v15 =	vld.idx.msk [tilespmem:v0+s26+$0x3050 ss:$0x1], $0xffff;
	v10 =	vmax.f32 v10, v11  }
0x233: {  	v1 =	vld [tilespmem:s25+$0x90D0];
	v10 =	vmul.f32 $8.000000110e-01, v10  }
0x234: {  	s16 =	simm.s32 $0x2;
	s17 =	simm.s32 $0x0;
	vm2 =	vne.s32 v9, $0x0  }
0x235: {  	s18 =	sor.u32 $0x50, s29;
	s10 =	sand.u32 $0x3, s16;
	s12 =	sor.u32 $0x4, s17;
	v12 =	vsel vm1, v3, v8;
	v11 =	vsel vm1, v6, v2;
	v4 =	vadd.f32 v10, v4  }
0x236: {  	s19 =	sshll.u32 s10, $0xA;
	s7 =	sshll.u32 s12, $0x7;
	s11 =	sshll.u32 s12, $0xA;
	v10 =	vsel vm2, v12, v11;
	v11 =	vld [tilespmem:s18+$0x0]  }
0x237: {  	s10 =	sshll.u32 s10, $0x8;
	s12 =	sadd.s32 s19, s7;
	s16 =	sadd.s32 s24, s11;
	v12 =	vld.idx.msk [tilespmem:v0+s26+$0x6050 ss:$0x1], $0xffff;
	v4 =	vsub.f32 v4, v10;
	vm0 =	veq.s32 v15, $0x0  }
0x238: {  	v19 =	vld.idx.msk [tilespmem:v0+s12+$0x3000 ss:$0x1], $0xffff;
	s10 =	sor.u32 s10, s16;
	v13 =	vsel vm0, v5, v16;
	v14 =	vsel vm0, v1, v17  }
0x239: {  	v20 =	vld [tilespmem:s10+$0x9000];
	v9 =	vor.u32 v9, v7;
	v4 =	vmul.f32 $8.000000110e-01, v4;
	v13 =	vmax.f32 v13, v14  }
0x23a: {  	v62 =	vld [tilespmem:s10+$0x9080];
	vm4 =	veq.s32 v9, $0x0;
	v9 =	vsel vm0, v5, v1;
	v18 =	vmul.f32 $8.000000110e-01, v13  }
0x23b: {  	v14 =	vld [tilespmem:s10+$0xF080];
	vm3 =	vne.s32 v11, $0x0;
	v4 =	vadd.f32 v4, v10;
	v10 =	vsel vm0, v16, v17  }
0x23c: {  	v13 =	vld [tilespmem:s10+$0xF000];
	v12 =	vadd.f32 v18, v12;
	v10 =	vsel vm3, v10, v9  }
0x23d: {  	v6 =	vsel vm4, v4, v6;
	vm4 =	vmor vm2, vm1;
	vm1 =	vmand vm2, vm1  }
0x23e: {  	[tilespmem:s28+$0x9020] =	vst v6;
	v2 =	vsel vm4, v2, v4;
	vm4 =	vne.s32 v7, $0x0;
	v7 =	vsub.f32 v12, v10  }
0x23f: {  	v6 =	vld.idx.msk [tilespmem:v0+s12+$0x0 ss:$0x1], $0xffff;
	[tilespmem:s28+$0x90A0] =	vst v2;
	v2 =	vsel vm1, v4, v3;
	vm2 =	vmand vm2, vm4  }
0x240: {  	v3 =	vld.idx.msk [tilespmem:v0+s12+$0x6000 ss:$0x1], $0xffff;
	vm1 =	veq.s32 v19, $0x0;
	[tilespmem:s28+$0xF020] =	vst v2;
	v2 =	vsel vm2, v4, v8;
	v4 =	vmul.f32 $8.000000110e-01, v7  }
0x241: {  	v8 =	vld [tilespmem:s28+$0x9030];
	v7 =	vsel vm1, v20, v13;
	v9 =	vsel vm1, v62, v14  }
0x242: {  	[tilespmem:s28+$0xF0A0] =	vst v2;
	v2 =	vmax.f32 v7, v9;
	v9 =	vld [tilespmem:s28+$0x90B0];
	v7 =	vor.u32 v11, v15;
	v4 =	vadd.f32 v4, v10  }
0x243: {  	v11 =	vld [tilespmem:s28+$0xF030];
	v2 =	vmul.f32 $8.000000110e-01, v2;
	vm4 =	veq.s32 v7, $0x0;
	v7 =	vsel vm1, v20, v62  }
0x244: {  	v12 =	vld.idx.msk [tilespmem:v0+s30+$0x3030 ss:$0x1], $0xffff;
	v10 =	vsel vm1, v13, v14;
	vm2 =	vne.s32 v6, $0x0;
	v5 =	vsel vm4, v4, v5  }
0x245: {  	s17 =	sor.u32 $0x30, s9;
	v7 =	vsel vm2, v10, v7;
	v2 =	vadd.f32 v2, v3;
	v10 =	vld [tilespmem:s28+$0xF0B0];
	vm4 =	vmor vm3, vm0  }
0x246: {  	vm5 =	vne.s32 v15, $0x0;
	v15 =	vld [tilespmem:s17+$0x0];
	vm0 =	vmand vm3, vm0;
	[tilespmem:s25+$0x9050] =	vst v5;
	v3 =	vsel vm4, v1, v4  }
0x247: {  	v1 =	vld [tilespmem:s25+$0x9060];
	v2 =	vsub.f32 v2, v7;
	[tilespmem:s25+$0x90D0] =	vst v3;
	v3 =	vsel vm0, v4, v16;
	vm0 =	vmand vm3, vm5  }
0x248: {  	v16 =	vld.idx.msk [tilespmem:v0+s30+$0x6030 ss:$0x1], $0xffff;
	[tilespmem:s25+$0xF050] =	vst v3;
	v3 =	vsel vm0, v4, v17  }
0x249: {  	vm0 =	veq.s32 v12, $0x0;
	v2 =	vmul.f32 $8.000000110e-01, v2;
	[tilespmem:s25+$0xF0D0] =	vst v3;
	v3 =	vld [tilespmem:s25+$0x90E0]  }
0x24a: {  	vm4 =	vne.s32 v19, $0x0;
	v4 =	vsel vm0, v8, v11;
	v17 =	vsel vm0, v9, v10;
	v5 =	vld.idx.msk [tilespmem:v0+s26+$0x3060 ss:$0x1], $0xffff  }
0x24b: {  	v18 =	vadd.f32 v2, v7;
	v2 =	vor.u32 v6, v19;
	v6 =	vmax.f32 v4, v17;
	v4 =	vld [tilespmem:s25+$0xF060]  }
0x24c: {  	vm5 =	vmor vm2, vm1;
	vm3 =	veq.s32 v2, $0x0;
	v6 =	vmul.f32 $8.000000110e-01, v6;
	v2 =	vld [tilespmem:s25+$0xF0E0]  }
0x24d: {  	s19 =	sor.u32 $0x60, s29;
	v63 =	vsel vm0, v11, v10;
	v7 =	vsel vm3, v18, v20;
	vm3 =	vmand vm2, vm1  }
0x24e: {  	s16 =	simm.s32 $0x3;
	s18 =	sshrl.u32 s20, $0x2;
	vm1 =	vne.s32 v15, $0x0;
	v20 =	vsel vm0, v8, v9;
	v17 =	vadd.f32 v6, v16;
	v6 =	vld [tilespmem:s19+$0x0]  }
0x24f: {  	s13 =	sadd.s32 $0xF000, s24;
	s14 =	sadd.s32 $0x9000, s24;
	s15 =	sadd.s32 s8, s18;
	v19 =	vsel vm5, v62, v18;
	vm2 =	vmand vm2, vm4;
	[tilespmem:s10+$0x9000] =	vst v7;
	v16 =	vsel vm1, v63, v20;
	v7 =	vld.idx.msk [tilespmem:v0+s26+$0x6060 ss:$0x1], $0xffff  }
.LBB2_5:
0x250: {  	p0 =	sne.s32 s16, $0xF;
	[tilespmem:s10+$0x9080] =	vst v19;
	v13 =	vsel vm3, v18, v13;
	v17 =	vsub.f32 v17, v16;
	vm3 =	veq.s32 v5, $0x0  }
0x251: {  	[tilespmem:s10+$0xF000] =	vst v13;
	v13 =	vsel vm2, v18, v14;
	v14 =	vld [tilespmem:s10+$0x9010];
	v18 =	vsel vm3, v1, v4;
	v19 =	vsel vm3, v3, v2  }
0x252: {  	[tilespmem:s10+$0xF080] =	vst v13;
	v13 =	vld [tilespmem:s10+$0x9090];
	v17 =	vmul.f32 $8.000000110e-01, v17;
	v18 =	vmax.f32 v18, v19  }
0x253: {  	s18 =	sadd.s32 s21, s12;
	vm2 =	vne.s32 v12, $0x0;
	v12 =	vor.u32 v15, v12;
	v19 =	vld.idx.msk [tilespmem:v0+s12+$0x3010 ss:$0x1], $0xffff;
	v15 =	vmul.f32 $8.000000110e-01, v18  }
0x254: {  	s17 =	sor.u32 $0x10, s18;
	vm5 =	veq.s32 v12, $0x0;
	vm4 =	vne.s32 v6, $0x0;
	v18 =	vld [tilespmem:s10+$0xF010];
	v16 =	vadd.f32 v17, v16  }
0x255: {  	v20 =	vsel vm3, v4, v2;
	v17 =	vsel vm3, v1, v3;
	v12 =	vld [tilespmem:s17+$0x0];
	v7 =	vadd.f32 v15, v7  }
0x256: {  	v17 =	vsel vm4, v20, v17;
	v15 =	vld [tilespmem:s10+$0xF090];
	v8 =	vsel vm5, v16, v8;
	vm5 =	vmor vm1, vm0  }
0x257: {  	vm0 =	vmand vm1, vm0;
	[tilespmem:s28+$0x9030] =	vst v8;
	v8 =	vsel vm5, v9, v16;
	v9 =	vsub.f32 v7, v17  }
0x258: {  	[tilespmem:s28+$0x90B0] =	vst v8;
	v8 =	vsel vm0, v16, v11;
	vm0 =	vmand vm1, vm2;
	v7 =	vld [tilespmem:s28+$0x9040]  }
0x259: {  	vm1 =	veq.s32 v19, $0x0;
	v11 =	vld.idx.msk [tilespmem:v0+s12+$0x6010 ss:$0x1], $0xffff;
	[tilespmem:s28+$0xF030] =	vst v8;
	v8 =	vsel vm0, v16, v10;
	v9 =	vmul.f32 $8.000000110e-01, v9  }
0x25a: {  	v10 =	vsel vm1, v14, v18;
	v16 =	vsel vm1, v14, v13;
	vm2 =	vne.s32 v12, $0x0;
	[tilespmem:s28+$0xF0B0] =	vst v8;
	v8 =	vld [tilespmem:s28+$0x90C0]  }
0x25b: {  	v6 =	vor.u32 v6, v5;
	v20 =	vsel vm1, v13, v15;
	v21 =	vld.idx.msk [tilespmem:v0+s30+$0x3040 ss:$0x1], $0xffff;
	v9 =	vadd.f32 v9, v17  }
0x25c: {  	vm0 =	veq.s32 v6, $0x0;
	v17 =	vsel vm1, v18, v15;
	v10 =	vmax.f32 v10, v20;
	v20 =	vld [tilespmem:s28+$0xF040]  }
0x25d: {  	v6 =	vmul.f32 $8.000000110e-01, v10;
	v10 =	vld [tilespmem:s28+$0xF0C0];
	v1 =	vsel vm0, v9, v1;
	vm0 =	vmor vm4, vm3  }
0x25e: {  	s17 =	sor.u32 $0x40, s9;
	vm5 =	vne.s32 v5, $0x0;
	[tilespmem:s25+$0x9060] =	vst v1;
	v3 =	vsel vm0, v3, v9;
	vm0 =	vmand vm4, vm3;
	v1 =	vld [tilespmem:s25+$0x9070]  }
0x25f: {  	v5 =	vadd.f32 v6, v11;
	v6 =	vld [tilespmem:s17+$0x0];
	[tilespmem:s25+$0x90E0] =	vst v3;
	v3 =	vsel vm0, v9, v4;
	vm0 =	vmand vm4, vm5  }
0x260: {  	v4 =	vsel vm2, v17, v16;
	v11 =	vld.idx.msk [tilespmem:v0+s30+$0x6040 ss:$0x1], $0xffff;
	[tilespmem:s25+$0xF060] =	vst v3;
	v2 =	vsel vm0, v9, v2  }
0x261: {  	vm0 =	veq.s32 v21, $0x0;
	v3 =	vsub.f32 v5, v4;
	[tilespmem:s25+$0xF0E0] =	vst v2;
	v5 =	vld [tilespmem:s25+$0x90F0]  }
0x262: {  	v2 =	vsel vm0, v7, v20;
	v9 =	vsel vm0, v8, v10;
	v16 =	vld.idx.msk [tilespmem:v0+s26+$0x3070 ss:$0x1], $0xffff  }
0x263: {  	v12 =	vor.u32 v12, v19;
	v3 =	vmul.f32 $8.000000110e-01, v3;
	v2 =	vmax.f32 v2, v9;
	v9 =	vld [tilespmem:s25+$0xF070]  }
0x264: {  	s17 =	sshrl.u32 s16, $0x2;
	vm4 =	vne.s32 v19, $0x0;
	vm5 =	veq.s32 v12, $0x0;
	v2 =	vmul.f32 $8.000000110e-01, v2;
	v12 =	vld [tilespmem:s25+$0xF0F0]  }
0x265: {  	s29 =	sor.u32 $0x70, s29;
	vm6 =	vmor vm2, vm1;
	s19 =	sor.u32 $0x4, s17;
	s17 =	sand.u32 $0x3, s16;
	vm3 =	vne.s32 v6, $0x0;
	v3 =	vadd.f32 v3, v4  }
0x266: {  	s11 =	sshll.u32 s17, $0xA;
	s7 =	sshll.u32 s19, $0x7;
	v17 =	vsel vm0, v20, v10;
	v4 =	vsel vm0, v7, v8;
	v11 =	vadd.f32 v2, v11;
	v19 =	vld [tilespmem:s29+$0x0];
	s29 =	smov.u32 s9  }
0x267: {  	vm7 =	vmand vm2, vm1;
	vm2 =	vmand vm2, vm4;
	s7 =	sadd.s32 s11, s7;
	v17 =	vsel vm3, v17, v4;
	s9 =	smov.u32 s18;
	v22 =	vld.idx.msk [tilespmem:v0+s26+$0x6070 ss:$0x1], $0xffff;
	s26 =	smov.u32 s30  }
0x268: {  	v4 =	vsel vm5, v3, v14;
	vm1 =	veq.s32 v16, $0x0;
	s30 =	smov.u32 s12;
	s12 =	smov.u32 s7;
	v2 =	vld.idx.msk [tilespmem:v0+s7+$0x0 ss:$0x1], $0xffff;
	v11 =	vsub.f32 v11, v17  }
0x269: {  	v13 =	vsel vm6, v13, v3;
	v14 =	vsel vm1, v1, v9;
	[tilespmem:s10+$0x9010] =	vst v4;
	v23 =	vsel vm1, v5, v12  }
0x26a: {  	v4 =	vld.idx.msk [tilespmem:v0+s12+$0x3000 ss:$0x1], $0xffff;
	[tilespmem:s10+$0x9090] =	vst v13;
	v13 =	vsel vm7, v3, v18;
	v11 =	vmul.f32 $8.000000110e-01, v11;
	v14 =	vmax.f32 v14, v23  }
0x26b: {  	v3 =	vsel vm2, v3, v15;
	[tilespmem:s10+$0xF010] =	vst v13;
	v15 =	vld [tilespmem:s10+$0x9020];
	v13 =	vmul.f32 $8.000000110e-01, v14;
	v14 =	vor.u32 v19, v16  }
0x26c: {  	v6 =	vor.u32 v6, v21;
	vm2 =	vne.s32 v19, $0x0;
	[tilespmem:s10+$0xF090] =	vst v3;
	v3 =	vld [tilespmem:s10+$0x90A0];
	v11 =	vadd.f32 v11, v17  }
0x26d: {  	v18 =	vsel vm1, v1, v5;
	v19 =	vsel vm1, v9, v12;
	v17 =	vld.idx.msk [tilespmem:v0+s30+$0x3020 ss:$0x1], $0xffff;
	v13 =	vadd.f32 v13, v22  }
0x26e: {  	vm5 =	veq.s32 v6, $0x0;
	v6 =	vsel vm2, v19, v18;
	vm4 =	veq.s32 v14, $0x0;
	v22 =	vld [tilespmem:s10+$0xF020]  }
0x26f: {  	v7 =	vsel vm5, v11, v7;
	vm5 =	vmor vm3, vm0;
	v18 =	vld [tilespmem:s10+$0xF0A0];
	v13 =	vsub.f32 v13, v6  }
0x270: {  	vm6 =	vne.s32 v21, $0x0;
	s7 =	sor.u32 $0x20, s9;
	vm0 =	vmand vm3, vm0;
	[tilespmem:s28+$0x9040] =	vst v7;
	v7 =	vsel vm5, v8, v11;
	v19 =	vld [tilespmem:s28+$0x9050]  }
0x271: {  	v8 =	vld [tilespmem:s7+$0x0];
	[tilespmem:s28+$0x90C0] =	vst v7;
	v7 =	vsel vm0, v11, v20;
	vm0 =	vmand vm3, vm6;
	v13 =	vmul.f32 $8.000000110e-01, v13  }
0x272: {  	vm3 =	vmor vm2, vm1;
	vm1 =	vmand vm2, vm1;
	v14 =	vld.idx.msk [tilespmem:v0+s30+$0x6020 ss:$0x1], $0xffff;
	[tilespmem:s28+$0xF040] =	vst v7;
	v7 =	vsel vm0, v11, v10  }
0x273: {  	vm5 =	vne.s32 v16, $0x0;
	vm0 =	veq.s32 v17, $0x0;
	[tilespmem:s28+$0xF0C0] =	vst v7;
	v7 =	vld [tilespmem:s28+$0x90D0];
	v6 =	vadd.f32 v13, v6  }
0x274: {  	vm2 =	vmand vm2, vm5;
	v10 =	vsel vm0, v15, v22;
	v11 =	vsel vm0, v3, v18;
	v16 =	vld.idx.msk [tilespmem:v0+s26+$0x3050 ss:$0x1], $0xffff  }
0x275: {  	v10 =	vmax.f32 v10, v11;
	v20 =	vld [tilespmem:s28+$0xF050];
	v1 =	vsel vm4, v6, v1;
	v11 =	vsel vm2, v6, v12  }
0x276: {  	v5 =	vsel vm3, v5, v6;
	v6 =	vsel vm1, v6, v9;
	v10 =	vmul.f32 $8.000000110e-01, v10;
	v21 =	vld [tilespmem:s28+$0xF0D0];
	[tilespmem:s25+$0xF0F0] =	vst v11  }
0x277: {  	s7 =	sor.u32 $0x50, s29;
	vm4 =	vne.s32 v8, $0x0;
	[tilespmem:s25+$0x9070] =	vst v1  }
0x278: {  	s11 =	sshll.u32 s19, $0xA;
	v9 =	vsel vm0, v22, v18;
	v1 =	vsel vm0, v15, v3;
	v10 =	vadd.f32 v10, v14;
	v11 =	vld [tilespmem:s7+$0x0];
	[tilespmem:s25+$0x90F0] =	vst v5  }
0x279: {  	s11 =	sadd.s32 s24, s11;
	s7 =	sshll.u32 s17, $0x8;
	v1 =	vsel vm4, v9, v1;
	v5 =	vld.idx.msk [tilespmem:v0+s26+$0x6050 ss:$0x1], $0xffff;
	[tilespmem:s25+$0xF070] =	vst v6;
	s25 =	smov.u32 s28  }
0x27a: {  	vm3 =	veq.s32 v16, $0x0;
	s28 =	smov.u32 s10;
	s10 =	sor.u32 s7, s11;
	v6 =	vsub.f32 v10, v1  }
0x27b: {  	vm2 =	vne.s32 v2, $0x0;
	v9 =	vsel vm3, v19, v20;
	v23 =	vld [tilespmem:s10+$0x9000];
	v10 =	vsel vm3, v7, v21  }
0x27c: {  	vm1 =	veq.s32 v4, $0x0;
	v24 =	vld [tilespmem:s10+$0x9080];
	v6 =	vmul.f32 $8.000000110e-01, v6;
	v9 =	vmax.f32 v9, v10  }
0x27d: {  	vm6 =	vne.s32 v17, $0x0;
	v8 =	vor.u32 v8, v17;
	v13 =	vld [tilespmem:s10+$0xF000];
	v9 =	vmul.f32 $8.000000110e-01, v9  }
0x27e: {  	vm7 =	veq.s32 v8, $0x0;
	vm5 =	vne.s32 v11, $0x0;
	v14 =	vld [tilespmem:s10+$0xF080];
	v1 =	vadd.f32 v6, v1  }
0x27f: {  	v8 =	vsel vm3, v20, v21;
	v6 =	vsel vm3, v19, v7;
	v5 =	vadd.f32 v9, v5  }
0x280: {  	v6 =	vsel vm5, v8, v6;
	v9 =	vsel vm7, v1, v15;
	vm7 =	vmor vm4, vm0  }
0x281: {  	vm0 =	vmand vm4, vm0;
	v10 =	vld.idx.msk [tilespmem:v0+s12+$0x6000 ss:$0x1], $0xffff;
	[tilespmem:s28+$0x9020] =	vst v9;
	v3 =	vsel vm7, v3, v1;
	v5 =	vsub.f32 v5, v6  }
0x282: {  	v9 =	vsel vm1, v23, v13;
	[tilespmem:s28+$0x90A0] =	vst v3;
	v3 =	vsel vm0, v1, v22;
	vm0 =	vmand vm4, vm6  }
0x283: {  	v12 =	vsel vm1, v24, v14;
	[tilespmem:s28+$0xF020] =	vst v3;
	v1 =	vsel vm0, v1, v18;
	v8 =	vld [tilespmem:s28+$0x9030];
	v3 =	vmul.f32 $8.000000110e-01, v5  }
0x284: {  	v15 =	vsel vm1, v23, v24;
	v17 =	vsel vm1, v13, v14;
	v5 =	vmax.f32 v9, v12;
	[tilespmem:s28+$0xF0A0] =	vst v1;
	v9 =	vld [tilespmem:s28+$0x90B0]  }
0x285: {  	v1 =	vmul.f32 $8.000000110e-01, v5;
	v12 =	vld.idx.msk [tilespmem:v0+s30+$0x3030 ss:$0x1], $0xffff;
	v3 =	vadd.f32 v3, v6;
	v5 =	vor.u32 v11, v16  }
0x286: {  	v6 =	vsel vm2, v17, v15;
	v11 =	vld [tilespmem:s28+$0xF030];
	vm0 =	veq.s32 v5, $0x0  }
0x287: {  	v5 =	vadd.f32 v1, v10;
	v10 =	vld [tilespmem:s28+$0xF0B0];
	v1 =	vsel vm0, v3, v19;
	vm0 =	vmor vm5, vm3  }
0x288: {  	s7 =	sor.u32 $0x30, s9;
	vm4 =	vne.s32 v16, $0x0;
	[tilespmem:s25+$0x9050] =	vst v1;
	v7 =	vsel vm0, v7, v3;
	vm0 =	vmand vm5, vm3;
	v1 =	vld [tilespmem:s25+$0x9060]  }
0x289: {  	v5 =	vsub.f32 v5, v6;
	v15 =	vld [tilespmem:s7+$0x0];
	[tilespmem:s25+$0x90D0] =	vst v7;
	v7 =	vsel vm0, v3, v20;
	vm0 =	vmand vm5, vm4  }
0x28a: {  	v16 =	vld.idx.msk [tilespmem:v0+s30+$0x6030 ss:$0x1], $0xffff;
	[tilespmem:s25+$0xF050] =	vst v7;
	v3 =	vsel vm0, v3, v21  }
0x28b: {  	vm0 =	veq.s32 v12, $0x0;
	v7 =	vmul.f32 $8.000000110e-01, v5;
	[tilespmem:s25+$0xF0D0] =	vst v3;
	v3 =	vld [tilespmem:s25+$0x90E0]  }
0x28c: {  	vm4 =	vne.s32 v4, $0x0;
	v17 =	vsel vm0, v8, v11;
	v19 =	vsel vm0, v9, v10;
	v5 =	vld.idx.msk [tilespmem:v0+s26+$0x3060 ss:$0x1], $0xffff  }
.Ltmp1:
0x28d: {  	v2 =	vor.u32 v2, v4;
	v18 =	vadd.f32 v7, v6;
	v6 =	vmax.f32 v17, v19;
	v4 =	vld [tilespmem:s25+$0xF060];
	(pc) =	sbr.rel @p0 .LBB2_5-.Ltmp1, $4  }
0x28e: {  	vm3 =	veq.s32 v2, $0x0;
	vm5 =	vmor vm2, vm1;
	v6 =	vmul.f32 $8.000000110e-01, v6;
	v2 =	vld [tilespmem:s25+$0xF0E0]  }
0x28f: {  	s7 =	sor.u32 $0x60, s29;
	v7 =	vsel vm3, v18, v23;
	vm3 =	vmand vm2, vm1;
	vm1 =	vne.s32 v15, $0x0  }
0x290: {  	v20 =	vsel vm0, v8, v9;
	v21 =	vsel vm0, v11, v10;
	v17 =	vadd.f32 v6, v16;
	v6 =	vld [tilespmem:s7+$0x0]  }
0x291: {  	s16 =	sadd.s32 $0x1, s16;
	v19 =	vsel vm5, v24, v18;
	vm2 =	vmand vm2, vm4;
	v16 =	vsel vm1, v21, v20;
	[tilespmem:s10+$0x9000] =	vst v7;
	v7 =	vld.idx.msk [tilespmem:v0+s26+$0x6060 ss:$0x1], $0xffff  }
0x292: {  	_ = 	snop  }
0x293: {  	[tilespmem:s10+$0x9080] =	vst v19;
	v13 =	vsel vm3, v18, v13;
	v32 =	vld [tilespmem:s10+$0x9010]  }
0x294: {  	v31 =	vsel vm2, v18, v14;
	v33 =	vld [tilespmem:s10+$0x9090];
	[tilespmem:s10+$0xF000] =	vst v13  }
0x295: {  	v35 =	vld [tilespmem:s10+$0xF010];
	[tilespmem:s10+$0xF080] =	vst v31  }
0x296: {  	v34 =	vld.idx.msk [tilespmem:v0+s12+$0x3010 ss:$0x1], $0xffff  }
0x297: {  	v20 =	vld [tilespmem:s10+$0xF090]  }
0x298: {  	s21 =	sadd.s32 s21, s12  }
0x299: {  	s7 =	sor.u32 $0x10, s21  }
0x29a: {  	v21 =	vld [tilespmem:s7+$0x0]  }
0x29b: {  	v22 =	vld.idx.msk [tilespmem:v0+s12+$0x6010 ss:$0x1], $0xffff;
	vm13 =	veq.s32 v34, $0x0  }
0x29c: {  	v23 =	vsel vm13, v32, v35;
	v24 =	vsel vm13, v33, v20  }
0x29d: {  	v23 =	vmax.f32 v23, v24  }
0x29e: {  	v23 =	vmul.f32 $8.000000110e-01, v23  }
0x29f: {  	vm14 =	vne.s32 v21, $0x0  }
0x2a0: {  	v36 =	vsel vm13, v32, v33;
	v37 =	vsel vm13, v35, v20;
	v22 =	vadd.f32 v23, v22  }
0x2a1: {  	v23 =	vsel vm14, v37, v36  }
0x2a2: {  	v22 =	vsub.f32 v22, v23;
	_ =	sdelay $0x1  }
0x2a3: {  	v22 =	vmul.f32 $8.000000110e-01, v22;
	_ =	sdelay $0x1  }
0x2a4: {  	v21 =	vor.u32 v21, v34;
	v22 =	vadd.f32 v22, v23  }
0x2a5: {  	vm4 =	veq.s32 v21, $0x0  }
0x2a6: {  	vm5 =	vmor vm14, vm13;
	v14 =	vsel vm4, v22, v32  }
0x2a7: {  	vm15 =	vne.s32 v34, $0x0;
	vm2 =	vmand vm14, vm13;
	v13 =	vsel vm5, v33, v22;
	[tilespmem:s10+$0x9010] =	vst v14  }
0x2a8: {  	v40 =	vld [tilespmem:s10+$0x9020];
	vm8 =	vmand vm14, vm15;
	v38 =	vsel vm2, v22, v35;
	[tilespmem:s10+$0x9090] =	vst v13  }
0x2a9: {  	v41 =	vld [tilespmem:s10+$0x90A0];
	v39 =	vsel vm8, v22, v20;
	[tilespmem:s10+$0xF010] =	vst v38  }
0x2aa: {  	v43 =	vld [tilespmem:s10+$0xF020];
	[tilespmem:s10+$0xF090] =	vst v39  }
0x2ab: {  	v42 =	vld.idx.msk [tilespmem:v0+s12+$0x3020 ss:$0x1], $0xffff  }
0x2ac: {  	v44 =	vld [tilespmem:s10+$0xF0A0];
	_ =	sdelay $0x1  }
0x2ad: {  	s17 =	sor.u32 $0x20, s21  }
0x2ae: {  	v45 =	vld [tilespmem:s17+$0x0]  }
0x2af: {  	v46 =	vld.idx.msk [tilespmem:v0+s12+$0x6020 ss:$0x1], $0xffff;
	vm9 =	veq.s32 v42, $0x0  }
0x2b0: {  	v47 =	vsel vm9, v40, v43;
	v48 =	vsel vm9, v41, v44  }
0x2b1: {  	v23 =	vmax.f32 v47, v48  }
0x2b2: {  	v23 =	vmul.f32 $8.000000110e-01, v23  }
0x2b3: {  	vm10 =	vne.s32 v45, $0x0  }
0x2b4: {  	v49 =	vsel vm9, v40, v41;
	v50 =	vsel vm9, v43, v44;
	v22 =	vadd.f32 v23, v46  }
0x2b5: {  	v23 =	vsel vm10, v50, v49  }
0x2b6: {  	v22 =	vsub.f32 v22, v23;
	_ =	sdelay $0x1  }
0x2b7: {  	v22 =	vmul.f32 $8.000000110e-01, v22;
	_ =	sdelay $0x1  }
0x2b8: {  	v21 =	vor.u32 v45, v42;
	v22 =	vadd.f32 v22, v23  }
0x2b9: {  	vm11 =	veq.s32 v21, $0x0  }
0x2ba: {  	vm12 =	vmor vm10, vm9;
	v14 =	vsel vm11, v22, v40  }
0x2bb: {  	vm13 =	vne.s32 v42, $0x0;
	vm2 =	vmand vm10, vm9;
	v13 =	vsel vm12, v41, v22;
	[tilespmem:s10+$0x9020] =	vst v14  }
0x2bc: {  	v53 =	vld [tilespmem:s10+$0x9030];
	vm14 =	vmand vm10, vm13;
	v51 =	vsel vm2, v22, v43;
	[tilespmem:s10+$0x90A0] =	vst v13  }
0x2bd: {  	v54 =	vld [tilespmem:s10+$0x90B0];
	v52 =	vsel vm14, v22, v44;
	[tilespmem:s10+$0xF020] =	vst v51  }
0x2be: {  	v56 =	vld [tilespmem:s10+$0xF030];
	[tilespmem:s10+$0xF0A0] =	vst v52  }
0x2bf: {  	v55 =	vld.idx.msk [tilespmem:v0+s12+$0x3030 ss:$0x1], $0xffff  }
0x2c0: {  	v57 =	vld [tilespmem:s10+$0xF0B0];
	_ =	sdelay $0x1  }
0x2c1: {  	v17 =	vsub.f32 v17, v16;
	s18 =	sor.u32 $0x30, s21  }
0x2c2: {  	v58 =	vld [tilespmem:s18+$0x0]  }
0x2c3: {  	v17 =	vmul.f32 $8.000000110e-01, v17;
	v61 =	vld.idx.msk [tilespmem:v0+s12+$0x6030 ss:$0x1], $0xffff;
	vm2 =	veq.s32 v55, $0x0  }
0x2c4: {  	v59 =	vor.u32 v15, v12;
	v62 =	vsel vm2, v53, v56;
	v63 =	vsel vm2, v54, v57  }
0x2c5: {  	v60 =	vadd.f32 v17, v16;
	vm15 =	vne.s32 v12, $0x0;
	v12 =	vmax.f32 v62, v63  }
0x2c6: {  	vm8 =	veq.s32 v59, $0x0;
	vm9 =	vmor vm1, vm0;
	v22 =	vmul.f32 $8.000000110e-01, v12  }
0x2c7: {  	v8 =	vsel vm8, v60, v8;
	v17 =	vsel vm9, v9, v60;
	vm12 =	vne.s32 v58, $0x0  }
0x2c8: {  	v25 =	vsel vm2, v53, v54;
	v26 =	vsel vm2, v56, v57;
	v9 =	vadd.f32 v22, v61  }
0x2c9: {  	[tilespmem:s28+$0x9030] =	vst v8;
	vm10 =	vmand vm1, vm0;
	v28 =	vsel vm12, v26, v25  }
0x2ca: {  	v30 =	vld [tilespmem:s28+$0x90C0];
	[tilespmem:s28+$0x90B0] =	vst v17;
	v23 =	vsel vm10, v60, v11;
	vm11 =	vmand vm1, vm15;
	v29 =	vsub.f32 v9, v28  }
0x2cb: {  	v24 =	vld [tilespmem:s28+$0x9040];
	[tilespmem:s28+$0xF030] =	vst v23;
	v27 =	vsel vm11, v60, v10  }
0x2cc: {  	v32 =	vld [tilespmem:s28+$0xF040];
	[tilespmem:s28+$0xF0B0] =	vst v27;
	v8 =	vmul.f32 $8.000000110e-01, v29  }
0x2cd: {  	v31 =	vld.idx.msk [tilespmem:v0+s30+$0x3040 ss:$0x1], $0xffff  }
0x2ce: {  	v33 =	vld [tilespmem:s28+$0xF0C0];
	v34 =	vor.u32 v58, v55;
	v8 =	vadd.f32 v8, v28  }
0x2cf: {  	vm13 =	veq.s32 v34, $0x0  }
0x2d0: {  	s19 =	sor.u32 $0x40, s9;
	v42 =	vld [tilespmem:s10+$0x90C0];
	vm14 =	vmor vm12, vm2;
	v10 =	vsel vm13, v8, v53  }
0x2d1: {  	v35 =	vld [tilespmem:s19+$0x0];
	vm8 =	vne.s32 v55, $0x0;
	vm2 =	vmand vm12, vm2;
	v36 =	vsel vm14, v54, v8;
	[tilespmem:s10+$0x9030] =	vst v10  }
0x2d2: {  	v37 =	vld.idx.msk [tilespmem:v0+s30+$0x6040 ss:$0x1], $0xffff;
	vm15 =	veq.s32 v31, $0x0;
	vm1 =	vmand vm12, vm8;
	v40 =	vsel vm2, v8, v56;
	[tilespmem:s10+$0x90B0] =	vst v36  }
0x2d3: {  	v47 =	vld [tilespmem:s10+$0xF0C0];
	v38 =	vsel vm15, v24, v32;
	v39 =	vsel vm15, v30, v33;
	v8 =	vsel vm1, v8, v57;
	[tilespmem:s10+$0xF030] =	vst v40  }
0x2d4: {  	v46 =	vld [tilespmem:s10+$0xF040];
	v10 =	vmax.f32 v38, v39;
	[tilespmem:s10+$0xF0B0] =	vst v8  }
0x2d5: {  	v10 =	vmul.f32 $8.000000110e-01, v10;
	v45 =	vld.idx.msk [tilespmem:v0+s12+$0x3040 ss:$0x1], $0xffff  }
0x2d6: {  	v41 =	vld [tilespmem:s10+$0x9040];
	vm9 =	vne.s32 v35, $0x0  }
0x2d7: {  	v43 =	vsel vm15, v24, v30;
	v44 =	vsel vm15, v32, v33;
	v10 =	vadd.f32 v10, v37  }
0x2d8: {  	s24 =	sor.u32 $0x40, s21;
	v17 =	vsel vm9, v44, v43  }
0x2d9: {  	v48 =	vld [tilespmem:s24+$0x0];
	v10 =	vsub.f32 v10, v17  }
0x2da: {  	v49 =	vld.idx.msk [tilespmem:v0+s12+$0x6040 ss:$0x1], $0xffff;
	vm10 =	veq.s32 v45, $0x0  }
0x2db: {  	v10 =	vmul.f32 $8.000000110e-01, v10;
	v50 =	vsel vm10, v41, v46;
	v51 =	vsel vm10, v42, v47  }
0x2dc: {  	v14 =	vor.u32 v35, v31;
	v52 =	vmax.f32 v50, v51  }
0x2dd: {  	vm11 =	veq.s32 v14, $0x0;
	v10 =	vadd.f32 v10, v17;
	v14 =	vmul.f32 $8.000000110e-01, v52  }
0x2de: {  	vm14 =	vne.s32 v48, $0x0;
	v53 =	vsel vm10, v41, v42  }
0x2df: {  	v54 =	vsel vm10, v46, v47;
	v11 =	vsel vm11, v10, v24;
	v14 =	vadd.f32 v14, v49  }
0x2e0: {  	[tilespmem:s28+$0x9040] =	vst v11;
	v11 =	vsel vm14, v54, v53  }
0x2e1: {  	v12 =	vsub.f32 v14, v11  }
0x2e2: {  	v59 =	vld [tilespmem:s28+$0x90D0];
	vm12 =	vmor vm9, vm15;
	vm0 =	vmand vm9, vm15  }
0x2e3: {  	v55 =	vld [tilespmem:s28+$0x9050];
	vm13 =	vne.s32 v31, $0x0;
	v9 =	vsel vm12, v30, v10;
	v58 =	vmul.f32 $8.000000110e-01, v12  }
0x2e4: {  	v62 =	vld [tilespmem:s28+$0xF050];
	vm15 =	vmand vm9, vm13;
	v56 =	vsel vm0, v10, v32;
	[tilespmem:s28+$0x90C0] =	vst v9  }
0x2e5: {  	v63 =	vld [tilespmem:s28+$0xF0D0];
	v61 =	vor.u32 v48, v45;
	v57 =	vsel vm15, v10, v33;
	[tilespmem:s28+$0xF040] =	vst v56;
	v9 =	vadd.f32 v58, v11  }
0x2e6: {  	v29 =	vld [tilespmem:s10+$0x9050];
	vm4 =	veq.s32 v61, $0x0;
	[tilespmem:s28+$0xF0C0] =	vst v57  }
0x2e7: {  	vm5 =	vmor vm14, vm10;
	v60 =	vld.idx.msk [tilespmem:v0+s30+$0x3050 ss:$0x1], $0xffff;
	v28 =	vsel vm4, v9, v41  }
0x2e8: {  	v39 =	vld [tilespmem:s10+$0xF050];
	vm6 =	vne.s32 v45, $0x0;
	vm7 =	vmand vm14, vm10;
	v8 =	vsel vm5, v42, v9;
	[tilespmem:s10+$0x9040] =	vst v28  }
0x2e9: {  	s11 =	sor.u32 $0x50, s9;
	v37 =	vld [tilespmem:s10+$0x90D0];
	vm8 =	vmand vm14, vm6;
	v31 =	vsel vm7, v9, v46;
	[tilespmem:s10+$0x90C0] =	vst v8  }
0x2ea: {  	v30 =	vld [tilespmem:s11+$0x0];
	v33 =	vsel vm8, v9, v47;
	[tilespmem:s10+$0xF040] =	vst v31  }
0x2eb: {  	v32 =	vld.idx.msk [tilespmem:v0+s30+$0x6050 ss:$0x1], $0xffff;
	[tilespmem:s10+$0xF0C0] =	vst v33  }
0x2ec: {  	vm9 =	veq.s32 v60, $0x0;
	v38 =	vld.idx.msk [tilespmem:v0+s12+$0x3050 ss:$0x1], $0xffff  }
0x2ed: {  	v34 =	vsel vm9, v55, v62;
	v35 =	vsel vm9, v59, v63;
	v42 =	vld [tilespmem:s10+$0xF0D0]  }
0x2ee: {  	v36 =	vmax.f32 v34, v35  }
0x2ef: {  	s16 =	sor.u32 $0x50, s21;
	v8 =	vmul.f32 $8.000000110e-01, v36  }
0x2f0: {  	vm10 =	vne.s32 v30, $0x0;
	v40 =	vsel vm9, v55, v59;
	v43 =	vld [tilespmem:s16+$0x0]  }
0x2f1: {  	v41 =	vsel vm9, v62, v63;
	v44 =	vld.idx.msk [tilespmem:v0+s12+$0x6050 ss:$0x1], $0xffff;
	v8 =	vadd.f32 v8, v32;
	vm11 =	veq.s32 v38, $0x0  }
0x2f2: {  	v20 =	vsel vm10, v41, v40;
	v45 =	vsel vm11, v29, v39;
	v46 =	vsel vm11, v37, v42  }
0x2f3: {  	v8 =	vsub.f32 v8, v20;
	v47 =	vmax.f32 v45, v46  }
0x2f4: {  	v15 =	vor.u32 v30, v60;
	v48 =	vmul.f32 $8.000000110e-01, v47  }
0x2f5: {  	vm12 =	veq.s32 v15, $0x0;
	vm13 =	vne.s32 v43, $0x0;
	v8 =	vmul.f32 $8.000000110e-01, v8  }
0x2f6: {  	v49 =	vsel vm11, v29, v37;
	v50 =	vsel vm11, v39, v42;
	v15 =	vadd.f32 v48, v44  }
0x2f7: {  	v51 =	vsel vm13, v50, v49;
	v8 =	vadd.f32 v8, v20  }
0x2f8: {  	vm15 =	vne.s32 v60, $0x0;
	v15 =	vsub.f32 v15, v51  }
0x2f9: {  	v27 =	vld [tilespmem:s28+$0xF0E0];
	vm14 =	vmor vm10, vm9;
	vm0 =	vmand vm10, vm9;
	v17 =	vsel vm12, v8, v55  }
0x2fa: {  	v61 =	vld [tilespmem:s28+$0xF060];
	vm1 =	vmand vm10, vm15;
	v10 =	vsel vm14, v59, v8;
	[tilespmem:s28+$0x9050] =	vst v17;
	v53 =	vmul.f32 $8.000000110e-01, v15  }
0x2fb: {  	v57 =	vld [tilespmem:s28+$0x90E0];
	vm15 =	vne.s32 v5, $0x0;
	v32 =	vor.u32 v6, v5;
	v52 =	vsel vm0, v8, v62;
	[tilespmem:s28+$0x90D0] =	vst v10  }
0x2fc: {  	v28 =	vld [tilespmem:s10+$0x9060];
	v58 =	vor.u32 v43, v38;
	v8 =	vsel vm1, v8, v63;
	[tilespmem:s28+$0xF050] =	vst v52;
	v10 =	vadd.f32 v53, v51  }
0x2fd: {  	v34 =	vld [tilespmem:s10+$0xF060];
	vm10 =	vne.s32 v38, $0x0;
	vm8 =	veq.s32 v58, $0x0;
	vm9 =	vmor vm13, vm11;
	[tilespmem:s28+$0xF0D0] =	vst v8  }
0x2fe: {  	vm2 =	vmand vm13, vm11;
	vm0 =	veq.s32 v5, $0x0;
	v59 =	vld.idx.msk [tilespmem:v0+s30+$0x3060 ss:$0x1], $0xffff;
	v13 =	vsel vm8, v10, v29  }
0x2ff: {  	s17 =	sor.u32 $0x60, s9;
	v17 =	vld [tilespmem:s28+$0x9060];
	v54 =	vsel vm0, v1, v4;
	v55 =	vsel vm0, v3, v2;
	v9 =	vsel vm9, v37, v10;
	[tilespmem:s10+$0x9050] =	vst v13  }
0x300: {  	vm11 =	vmand vm13, vm10;
	v56 =	vmax.f32 v54, v55;
	v63 =	vld [tilespmem:s17+$0x0];
	v62 =	vsel vm2, v10, v39;
	[tilespmem:s10+$0x90D0] =	vst v9  }
0x301: {  	v36 =	vld [tilespmem:s10+$0xF0E0];
	vm1 =	vne.s32 v6, $0x0;
	v8 =	vmul.f32 $8.000000110e-01, v56;
	v24 =	vsel vm11, v10, v42;
	[tilespmem:s10+$0xF050] =	vst v62  }
0x302: {  	vm12 =	veq.s32 v32, $0x0;
	v60 =	vsel vm0, v1, v3;
	v26 =	vsel vm0, v4, v2;
	v25 =	vld.idx.msk [tilespmem:v0+s30+$0x6060 ss:$0x1], $0xffff;
	[tilespmem:s10+$0xF0D0] =	vst v24  }
0x303: {  	vm13 =	vmor vm1, vm0;
	v7 =	vadd.f32 v8, v7;
	vm2 =	veq.s32 v59, $0x0;
	v31 =	vld.idx.msk [tilespmem:v0+s12+$0x3060 ss:$0x1], $0xffff  }
0x304: {  	v12 =	vsel vm1, v26, v60;
	v26 =	vld [tilespmem:s10+$0x90E0];
	v29 =	vsel vm2, v17, v61;
	v30 =	vsel vm2, v57, v27  }
0x305: {  	v7 =	vsub.f32 v7, v12;
	vm14 =	vne.s32 v63, $0x0;
	v33 =	vmax.f32 v29, v30  }
0x306: {  	s18 =	sor.u32 $0x60, s21;
	v50 =	vor.u32 v63, v59;
	vm8 =	vmand vm1, vm0;
	v35 =	vmul.f32 $8.000000110e-01, v33  }
0x307: {  	v7 =	vmul.f32 $8.000000110e-01, v7;
	v38 =	vsel vm2, v17, v57;
	v39 =	vsel vm2, v61, v27;
	v42 =	vld [tilespmem:s18+$0x0]  }
0x308: {  	v41 =	vsel vm14, v39, v38;
	v44 =	vld.idx.msk [tilespmem:v0+s12+$0x6060 ss:$0x1], $0xffff;
	v6 =	vadd.f32 v35, v25;
	vm0 =	veq.s32 v31, $0x0  }
0x309: {  	v19 =	vld [tilespmem:s25+$0x9070];
	v7 =	vadd.f32 v7, v12;
	v46 =	vsel vm0, v28, v34;
	v47 =	vsel vm0, v26, v36  }
0x30a: {  	v11 =	vld [tilespmem:s28+$0x9070];
	vm1 =	vmand vm1, vm15;
	v43 =	vsub.f32 v6, v41;
	v48 =	vmax.f32 v46, v47  }
0x30b: {  	v5 =	vld [tilespmem:s25+$0xF070];
	v37 =	vsel vm12, v7, v1;
	v40 =	vsel vm13, v3, v7;
	v3 =	vmul.f32 $8.000000110e-01, v48  }
0x30c: {  	v56 =	vld [tilespmem:s25+$0xF0F0];
	v45 =	vsel vm8, v7, v4;
	[tilespmem:s25+$0x9060] =	vst v37;
	vm4 =	vne.s32 v42, $0x0;
	v1 =	vmul.f32 $8.000000110e-01, v43  }
0x30d: {  	v62 =	vld [tilespmem:s28+$0x90F0];
	[tilespmem:s25+$0x90E0] =	vst v40;
	v51 =	vsel vm0, v28, v26;
	v52 =	vsel vm0, v34, v36;
	v3 =	vadd.f32 v3, v44  }
0x30e: {  	v29 =	vld [tilespmem:s28+$0xF070];
	v49 =	vsel vm1, v7, v2;
	[tilespmem:s25+$0xF060] =	vst v45;
	v4 =	vsel vm4, v52, v51;
	v1 =	vadd.f32 v1, v41  }
0x30f: {  	vm9 =	veq.s32 v50, $0x0;
	v38 =	vld [tilespmem:s10+$0x90F0];
	[tilespmem:s25+$0xF0E0] =	vst v49;
	v3 =	vsub.f32 v3, v4  }
0x310: {  	s19 =	sor.u32 $0x70, s29;
	vm11 =	vne.s32 v59, $0x0;
	vm10 =	vmor vm14, vm2;
	v53 =	vld.idx.msk [tilespmem:v0+s26+$0x3070 ss:$0x1], $0xffff;
	v54 =	vsel vm9, v1, v17  }
0x311: {  	vm12 =	vmand vm14, vm2;
	v58 =	vld [tilespmem:s19+$0x0];
	v55 =	vsel vm10, v57, v1;
	[tilespmem:s28+$0x9060] =	vst v54;
	v3 =	vmul.f32 $8.000000110e-01, v3  }
0x312: {  	v2 =	vld [tilespmem:s25+$0x90F0];
	vm13 =	vmand vm14, vm11;
	v57 =	vsel vm12, v1, v61;
	[tilespmem:s28+$0x90E0] =	vst v55  }
0x313: {  	v33 =	vld [tilespmem:s28+$0xF0F0];
	v1 =	vsel vm13, v1, v27;
	v61 =	vor.u32 v42, v31;
	[tilespmem:s28+$0xF060] =	vst v57;
	v60 =	vadd.f32 v3, v4  }
0x314: {  	v59 =	vld.idx.msk [tilespmem:v0+s26+$0x6070 ss:$0x1], $0xffff;
	vm8 =	vmor vm4, vm0;
	[tilespmem:s28+$0xF0E0] =	vst v1;
	vm14 =	veq.s32 v61, $0x0  }
0x315: {  	vm0 =	vmand vm4, vm0;
	vm15 =	veq.s32 v53, $0x0;
	v63 =	vld.idx.msk [tilespmem:v0+s30+$0x3070 ss:$0x1], $0xffff;
	v27 =	vsel vm14, v60, v28  }
0x316: {  	v43 =	vld [tilespmem:s10+$0xF0F0];
	v15 =	vor.u32 v58, v53;
	vm9 =	vne.s32 v31, $0x0;
	v30 =	vsel vm8, v26, v60;
	[tilespmem:s10+$0x9060] =	vst v27  }
0x317: {  	s24 =	sor.u32 $0x70, s9;
	v31 =	vld [tilespmem:s10+$0x9070];
	v32 =	vsel vm15, v2, v56;
	vm10 =	vmand vm4, vm9;
	v34 =	vsel vm0, v60, v34;
	[tilespmem:s10+$0x90E0] =	vst v30  }
0x318: {  	v39 =	vsel vm15, v19, v2;
	v35 =	vld [tilespmem:s24+$0x0];
	v28 =	vsel vm15, v19, v5;
	v1 =	vsel vm10, v60, v36;
	[tilespmem:s10+$0xF060] =	vst v34  }
0x319: {  	vm11 =	vne.s32 v58, $0x0;
	v40 =	vsel vm15, v5, v56;
	v37 =	vld.idx.msk [tilespmem:v0+s30+$0x6070 ss:$0x1], $0xffff;
	v10 =	vmax.f32 v28, v32;
	[tilespmem:s10+$0xF0E0] =	vst v1  }
0x31a: {  	vm12 =	vne.s32 v53, $0x0;
	vm2 =	veq.s32 v63, $0x0;
	v36 =	vmul.f32 $8.000000110e-01, v10;
	v41 =	vld.idx.msk [tilespmem:v0+s12+$0x3070 ss:$0x1], $0xffff  }
0x31b: {  	v42 =	vld [tilespmem:s10+$0xF070];
	vm6 =	vmor vm11, vm15;
	v44 =	vsel vm2, v11, v29;
	v45 =	vsel vm2, v62, v33  }
0x31c: {  	vm7 =	vmand vm11, vm15;
	v21 =	vmax.f32 v44, v45;
	v7 =	vadd.f32 v36, v59  }
0x31d: {  	s26 =	sor.u32 $0x70, s21;
	v12 =	vsel vm11, v40, v39;
	vm13 =	vne.s32 v35, $0x0;
	v46 =	vmul.f32 $8.000000110e-01, v21  }
0x31e: {  	vm14 =	vmand vm11, vm12;
	v47 =	vsel vm2, v11, v62;
	v49 =	vld [tilespmem:s26+$0x0];
	v7 =	vsub.f32 v7, v12  }
0x31f: {  	v48 =	vsel vm2, v29, v33;
	v50 =	vld.idx.msk [tilespmem:v0+s12+$0x6070 ss:$0x1], $0xffff;
	v6 =	vadd.f32 v46, v37;
	vm0 =	veq.s32 v41, $0x0  }
0x320: {  	v7 =	vmul.f32 $8.000000110e-01, v7;
	v51 =	vsel vm0, v31, v42;
	v52 =	vsel vm0, v38, v43  }
0x321: {  	vm15 =	veq.s32 v15, $0x0;
	v53 =	vsel vm13, v48, v47;
	v10 =	vmax.f32 v51, v52  }
0x322: {  	v6 =	vsub.f32 v6, v53;
	v7 =	vadd.f32 v7, v12;
	v10 =	vmul.f32 $8.000000110e-01, v10  }
0x323: {  	vm8 =	vne.s32 v49, $0x0;
	v54 =	vsel vm0, v31, v38;
	v55 =	vsel vm0, v42, v43  }
0x324: {  	v6 =	vmul.f32 $8.000000110e-01, v6;
	v14 =	vsel vm14, v7, v56;
	v0 =	vadd.f32 v10, v50  }
0x325: {  	vm9 =	vne.s32 v63, $0x0;
	v19 =	vsel vm15, v7, v19;
	v10 =	vsel vm8, v55, v54;
	[tilespmem:s25+$0xF0F0] =	vst v14  }
0x326: {  	v6 =	vadd.f32 v6, v53;
	v2 =	vsel vm6, v2, v7;
	[tilespmem:s25+$0x9070] =	vst v19;
	v0 =	vsub.f32 v0, v10  }
0x327: {  	vm4 =	vmand vm13, vm9;
	vm11 =	vmor vm13, vm2;
	v5 =	vsel vm7, v7, v5;
	[tilespmem:s25+$0x90F0] =	vst v2  }
0x328: {  	vm2 =	vmand vm13, vm2;
	[tilespmem:s25+$0xF070] =	vst v5;
	v57 =	vsel vm4, v6, v33;
	v0 =	vmul.f32 $8.000000110e-01, v0  }
0x329: {  	vm12 =	vne.s32 v41, $0x0;
	v56 =	vor.u32 v35, v63;
	v59 =	vsel vm11, v62, v6;
	[tilespmem:s28+$0xF0F0] =	vst v57  }
0x32a: {  	vm10 =	veq.s32 v56, $0x0;
	v60 =	vsel vm2, v6, v29;
	[tilespmem:s28+$0x90F0] =	vst v59;
	v0 =	vadd.f32 v0, v10  }
0x32b: {  	v61 =	vor.u32 v49, v41;
	vm13 =	vmand vm8, vm12;
	v58 =	vsel vm10, v6, v11;
	[tilespmem:s28+$0xF070] =	vst v60  }
0x32c: {  	s29 =	sshll.u32 s20, $0xA;
	vm14 =	veq.s32 v61, $0x0;
	[tilespmem:s28+$0x9070] =	vst v58;
	v62 =	vsel vm13, v0, v43  }
0x32d: {  	s20 =	sadd.s32 $0x1, s20;
	s7 =	sand.u32 $0xC00, s29;
	s30 =	sshll.u32 s15, $0xF;
	vm15 =	vmor vm8, vm0;
	v63 =	vsel vm14, v0, v31;
	[tilespmem:s10+$0xF0F0] =	vst v62  }
0x32e: {  	p0 =	sne.s32 s20, $0x20;
	s7 =	sor.u32 s7, s30;
	vm0 =	vmand vm8, vm0;
	v1 =	vsel vm15, v38, v0;
	[tilespmem:s10+$0x9070] =	vst v63  }
.Ltmp2:
0x32f: {  	s7 =	sshrl.u32 s7, $0x3;
	v0 =	vsel vm0, v0, v42;
	[tilespmem:s10+$0x90F0] =	vst v1;
	(pc) =	sbr.rel @p0 .LBB2_2-.Ltmp2, $4  }
0x330: {  	s7 =	sadd.s32 s6, s7;
	[tilespmem:s10+$0xF070] =	vst v0  }
0x331: {  	[hbm4b:s7+s22] =	stream.strided.scatter [tilespmem:s14], [sflag:$0x2], $0x2000, s23, s22, $0x38;
	[tilespmem:$0x15000] =	vst v63  }
0x332: {  	s7 =	sadd.s32 $0x100000, s7  }
0x333: {  	[hbm4b:s7+s22] =	stream.strided.scatter [tilespmem:s13], [sflag:$0x2], $0x2000, s23, s22, $0x38;
	[tilespmem:$0x15000] =	vst v63  }
0x334: {  	_ =	swait.ge [sflag:s0], $0x2000  }
0x335: {  	[sflag:s0] =	ssyncset.done $0x0  }
0x336: {  	[sflag:s0] =	ssyncadd.s32 $0xFFFFE000  }
0x337: {  	_ =	swait.ge [sflag:s0], $0x2000  }
0x338: {  	[sflag:s0] =	ssyncset.done $0x0  }
0x339: {  	[sflag:s0] =	ssyncadd.s32 $0xFFFFE000  }
0x33a: {  	_ =	swait.ge [sflag:s0], $0x2000  }
0x33b: {  	[sflag:s0] =	ssyncset.done $0x0  }
0x33c: {  	[sflag:s0] =	ssyncadd.s32 $0xFFFFE000  }
0x33d: {  	_ =	swait.ge [sflag:s0], $0x2000  }
0x33e: {  	[sflag:s0] =	ssyncset.done $0x0  }
0x33f: {  	[sflag:s0] =	ssyncadd.s32 $0xFFFFE000  }
0x340: {  	_ =	swait.ge [sflag:s0], $0x2000  }
0x341: {  	[sflag:s0] =	ssyncset.done $0x0  }
0x342: {  	[sflag:s0] =	ssyncadd.s32 $0xFFFFE000  }
0x343: {  	_ =	swait.ge [sflag:s0], $0x2000  }
0x344: {  	s4 =	sadd.s32 $0x1, s4;
	s7 =	rddreg [dreg:$0x10]  }
0x345: {  	p0 =	sne.s32 s4, s7  }
.Ltmp3:
0x346: {  	_ = 	snop;
	(pc) =	sbr.rel @p0 .LBB2_1-.Ltmp3, $3  }
0x347: {  	_ =	sdelay $0x1  }
0x348: {  	[sflag:s0] =	ssyncset.done $0x0  }
0x349: {  	[sflag:s0] =	ssyncadd.s32 $0xFFFFE000  }
0x34a: {  	_ =	sfence.sel $0x180000  }
0x34b: {  	[bflag:$0x0] =	sbarrier.arrive $0xFFFF  }
0x34c: {  	_ =	strace $0x90000047  }
0x34d: {  	s0 =	stileid.u32;
	[bflag:$0x2] =	sbarrier.arrive $0xFFFF  }
0x34e: {  	p0 =	sne.s32 s0, $0x0;
	s0 =	rddreg [dreg:$0x5]  }
0x34f: {  	s0 =	sadd.s32 @!p0 $0x100000, s0  }
0x350: {  	[sflag:s0] =	ssyncadd.tile.s32 @!p0 $0x1;
	_ =	shalt  }
.Lfunc_end2:
_tile_overlayer_lowered:
.L_overlay_start_2:
0x351: {  	(tag) =	ssettag $0x2  }
0x352: {  	s0 =	rddreg [dreg:$0x0];
	s2 =	stileid.u32  }
0x353: {  	s1 =	rddreg [dreg:$0x1];
	p0 =	sne.s32 s2, $0x0  }
0x354: {  	s3 =	rddreg [dreg:$0x2];
	[bflag:$0x3] =	sbarrier.arrive $0xFFFF;
	s2 =	simm.s32 @!p0 $0x1C03  }
0x355: {  	[timem:s3], [sflag:s2] =	dma.local @!p0 [hbm:s0], s1  }
0x356: {  	s0 =	simm.s32 @!p0 $0x3  }
0x357: {  	_ =	swait.ge @!p0 [sflag:s0], s1  }
0x358: {  	s1 =	ssub.s32 @!p0 $0x0, s1;
	[sflag:s0] =	ssyncset.done @!p0 $0x0  }
0x359: {  	[sflag:s0] =	ssyncadd.s32 @!p0 s1  }
0x35a: {  	[bflag:$0x3] =	sbarrier.arrive $0xFFFF  }
0x35b: {  	_ =	shalt  }

</sc_bundles>
